<compile_context>
chip_gen: v7x
topology: tpu7x:2x2x1
jax: 0.10.2.dev20260603
libtpu: 0.0.44.dev20260713+nightly
codegen_flags: <defaults>
</compile_context>

<pallas_src>
import functools

import jax
import jax.numpy as jnp
from jax import lax
from jax.experimental import pallas as pl
from jax.experimental.pallas import tpu as pltpu
from jax.experimental.pallas import tpu_sc as plsc

N_NODES = 100000
N_EDGES = 6400000
NUM_GRAPHS = N_NODES // 8

_NC = 2
_NS = 16
_NW = _NC * _NS

NP = 100096
EPW = N_EDGES // _NW
BLK = 128
K = 10
KE = K * BLK
NBLK = N_EDGES // BLK
NCH = NBLK // K
RPT = NP // _NS
ZR = 1564
CHD = 2000
NCHD = EPW // CHD

_f32 = jnp.float32
_i32 = jnp.int32



def _deg_body(c_hbm, w_hbm, out_hbm, cbuf, wbuf, degp):
    cid = lax.axis_index("c")
    sid = lax.axis_index("s")
    wid = sid * _NC + cid

    def zero(i, _):
        degp[pl.ds(i * 16, 16)] = jnp.zeros((16,), _f32)
        return 0
    lax.fori_loop(0, NP // 16, zero, 0)

    base = pl.multiple_of(wid * EPW, 8)

    def chunk(k, _):
        off = pl.multiple_of(base + k * CHD, 8)
        pltpu.sync_copy(c_hbm.at[pl.ds(off, CHD)], cbuf)
        pltpu.sync_copy(w_hbm.at[pl.ds(off, CHD)], wbuf)

        def inner(i, _):
            idx = cbuf[pl.ds(i * 16, 16)]
            val = wbuf[pl.ds(i * 16, 16)]
            plsc.addupdate_scatter(degp, [idx], val)
            return 0
        lax.fori_loop(0, CHD // 16, inner, 0)
        return 0
    lax.fori_loop(0, NCHD, chunk, 0)

    pltpu.sync_copy(degp, out_hbm.at[pl.ds(pl.multiple_of(wid * NP, 128), NP)])


def _deg_call(c, w):
    mesh = plsc.VectorSubcoreMesh(core_axis_name="c", subcore_axis_name="s")
    return pl.kernel(
        _deg_body,
        out_type=jax.ShapeDtypeStruct((_NW * NP,), _f32),
        mesh=mesh,
        compiler_params=pltpu.CompilerParams(
            needs_layout_passes=False, use_tc_tiling_on_sc=False),
        scratch_types=[
            pltpu.VMEM((CHD,), _i32),
            pltpu.VMEM((CHD,), _f32),
            pltpu.VMEM((NP,), _f32),
        ],
    )(c, w)


def _agg_body(feat_split, r_hbm, c2d, w_hbm, p_hbm, out_hbm,
              ridx0, ridx1, cidx0, cidx1, wbuf0, wbuf1, rows0, rows1,
              zbuf, acc, gsem0, gsem1, ssem0, ssem1, stsem0, stsem1):
    cid = lax.axis_index("c")
    sid = lax.axis_index("s")

    iota = lax.iota(_i32, 16)
    rowpat = (iota >= 8).astype(_i32)
    colpat = iota - 8 * rowpat
    zero16 = jnp.zeros((16,), _f32)

    def zzero(i, _):
        plsc.store_scatter(zbuf, [rowpat + 2 * i, colpat], zero16)
        return 0
    lax.fori_loop(0, ZR // 2, zzero, 0)

    def zcopy(t, _):
        pltpu.sync_copy(zbuf, acc.at[pl.ds(sid * RPT + t * ZR, ZR)])
        return 0
    lax.fori_loop(0, RPT // ZR, zcopy, 0)
    plsc.subcore_barrier()

    if feat_split:
        t = sid
        chbase = jnp.where(t < 4, t * 314, 4 * 314 + (t - 4) * 312)
        nchh = jnp.where(t < 4, 157, 156)
        idx_off = cid * N_NODES
    else:
        wid = cid * _NS + sid
        chbase = jnp.where(wid < 4, wid * 158, 4 * 158 + (wid - 4) * 156)
        nchh = jnp.where(wid < 4, 79, 78)
        idx_off = 0

    bufs = [(ridx0, cidx0, wbuf0, rows0, gsem0, ssem0, stsem0),
            (ridx1, cidx1, wbuf1, rows1, gsem1, ssem1, stsem1)]

    def fire_stage_r(c, par):
        ridx, _, _, _, _, _, stsem = bufs[par]
        eoff = pl.multiple_of((chbase + c) * KE, 8)
        pltpu.async_copy(r_hbm.at[pl.ds(eoff, KE)], ridx, stsem)

    def fire_stage_cw(c, par):
        _, cidx, wbuf, _, _, _, stsem = bufs[par]
        ch = chbase + c
        eoff = pl.multiple_of(ch * KE, 8)
        pltpu.async_copy(c2d.at[pl.ds(ch * K, K)], cidx, stsem)
        pltpu.async_copy(w_hbm.at[pl.ds(eoff, KE)], wbuf, stsem)

    def drain_stage(c, par):
        ridx, cidx, wbuf, _, _, _, stsem = bufs[par]
        ch = chbase + c
        eoff = pl.multiple_of(ch * KE, 8)
        pltpu.make_async_copy(r_hbm.at[pl.ds(eoff, KE)], ridx, stsem).wait()
        pltpu.make_async_copy(c2d.at[pl.ds(ch * K, K)], cidx, stsem).wait()
        pltpu.make_async_copy(w_hbm.at[pl.ds(eoff, KE)], wbuf, stsem).wait()

    def shift_fire_gathers(par):
        ridx, _, _, rows, gsem, _, _ = bufs[par]
        if feat_split:
            @plsc.parallel_loop(0, KE // 16, unroll=4)
            def _shift(i):
                ridx[pl.ds(i * 16, 16)] = ridx[pl.ds(i * 16, 16)] + idx_off

        def fire(j, _):
            pltpu.async_copy(
                p_hbm.at[ridx.at[pl.ds(j * BLK, BLK)]], rows.at[j], gsem)
            return 0
        lax.fori_loop(0, K, fire, 0)

    def drain_gathers(par):
        ridx, _, _, rows, gsem, _, _ = bufs[par]

        def drain(j, _):
            pltpu.make_async_copy(
                p_hbm.at[ridx.at[pl.ds(j * BLK, BLK)]], rows.at[j],
                gsem).wait()
            return 0
        lax.fori_loop(0, K, drain, 0)

    def scale_scatter(par):
        _, cidx, wbuf, rows, _, ssem, _ = bufs[par]

        def scale_blk(j, _):
            jj = jnp.zeros((16,), _i32) + j
            wbase = j * BLK

            @plsc.parallel_loop(0, BLK // 2, unroll=4)
            def _scale(l2):
                ir = rowpat + 2 * l2
                v = plsc.load_gather(rows, [jj, ir, colpat])
                wv = plsc.load_gather(wbuf, [wbase + ir])
                plsc.store_scatter(rows, [jj, ir, colpat], v * wv)

            pltpu.async_copy(rows.at[j], acc.at[cidx.at[j]], ssem, add=True)
            return 0
        lax.fori_loop(0, K, scale_blk, 0)

        def sdrain(j, _):
            pltpu.make_async_copy(rows.at[j], acc.at[cidx.at[j]], ssem).wait()
            return 0
        lax.fori_loop(0, K, sdrain, 0)

    fire_stage_r(0, 0)
    fire_stage_cw(0, 0)
    fire_stage_r(1, 1)
    fire_stage_cw(1, 1)
    drain_stage(0, 0)
    shift_fire_gathers(0)

    def pair(b2, _):
        drain_gathers(0)
        drain_stage(2 * b2 + 1, 1)
        shift_fire_gathers(1)

        @pl.when(b2 + 1 < nchh)
        def _():
            fire_stage_r(2 * b2 + 2, 0)
        scale_scatter(0)

        @pl.when(b2 + 1 < nchh)
        def _():
            fire_stage_cw(2 * b2 + 2, 0)

        drain_gathers(1)

        @pl.when(b2 + 1 < nchh)
        def _():
            drain_stage(2 * b2 + 2, 0)
            shift_fire_gathers(0)
            fire_stage_r(2 * b2 + 3, 1)
        scale_scatter(1)

        @pl.when(b2 + 1 < nchh)
        def _():
            fire_stage_cw(2 * b2 + 3, 1)
        return 0
    lax.fori_loop(0, nchh, pair, 0)

    plsc.subcore_barrier()
    pltpu.sync_copy(acc.at[pl.ds(sid * RPT, RPT)],
                    out_hbm.at[cid, pl.ds(sid * RPT, RPT)])


def _agg_call(feat_split, r, c2d, w, p):
    mesh = plsc.VectorSubcoreMesh(core_axis_name="c", subcore_axis_name="s")
    return pl.kernel(
        functools.partial(_agg_body, feat_split),
        out_type=jax.ShapeDtypeStruct((_NC, NP, 8), _f32),
        mesh=mesh,
        compiler_params=pltpu.CompilerParams(
            needs_layout_passes=False, use_tc_tiling_on_sc=False),
        scratch_types=[
            pltpu.VMEM((KE,), _i32),
            pltpu.VMEM((KE,), _i32),
            pltpu.VMEM((K, BLK), _i32),
            pltpu.VMEM((K, BLK), _i32),
            pltpu.VMEM((KE,), _f32),
            pltpu.VMEM((KE,), _f32),
            pltpu.VMEM((K, BLK, 8), _f32),
            pltpu.VMEM((K, BLK, 8), _f32),
            pltpu.VMEM((ZR, 8), _f32),
            pltpu.VMEM_SHARED((NP, 8), _f32),
            pltpu.SemaphoreType.DMA,
            pltpu.SemaphoreType.DMA,
            pltpu.SemaphoreType.DMA,
            pltpu.SemaphoreType.DMA,
            pltpu.SemaphoreType.DMA,
            pltpu.SemaphoreType.DMA,
        ],
    )(r, c2d, w, p)



_BN = 2048


def _dense1_body(degp_ref, x_ref, dinv_ref, p1_ref):
    deg = jnp.sum(degp_ref[...], axis=0) + 1.0
    dinv = lax.rsqrt(deg)
    dinv_ref[...] = dinv
    p1_ref[...] = x_ref[...] * dinv[:, None]


def _dense1_call(degp, x):
    grid = pl.cdiv(N_NODES, _BN)
    return pl.pallas_call(
        _dense1_body,
        grid=(grid,),
        in_specs=[
            pl.BlockSpec((_NW, _BN), lambda i: (0, i)),
            pl.BlockSpec((_BN, 8), lambda i: (i, 0)),
        ],
        out_specs=[
            pl.BlockSpec((_BN,), lambda i: (i,)),
            pl.BlockSpec((_BN, 8), lambda i: (i, 0)),
        ],
        out_shape=[
            jax.ShapeDtypeStruct((N_NODES,), _f32),
            jax.ShapeDtypeStruct((N_NODES, 8), _f32),
        ],
    )(degp, x)


def _dense2_body(a0_ref, a1_ref, p1_ref, dinv_ref, w_ref, b_ref,
                 p2lo_ref, p2hi_ref):
    dv = dinv_ref[...][:, None]
    t = dv * (a0_ref[...] + a1_ref[...] + p1_ref[...])
    z = jnp.dot(t, w_ref[...], preferred_element_type=_f32) + b_ref[...][None, :]
    p2 = dv * jnp.maximum(z, 0.0)
    p2lo_ref[...] = p2[:, :8]
    p2hi_ref[...] = p2[:, 8:]


def _dense2_call(a0, a1, p1, dinv, w, b):
    grid = pl.cdiv(N_NODES, _BN)
    return pl.pallas_call(
        _dense2_body,
        grid=(grid,),
        in_specs=[
            pl.BlockSpec((_BN, 8), lambda i: (i, 0)),
            pl.BlockSpec((_BN, 8), lambda i: (i, 0)),
            pl.BlockSpec((_BN, 8), lambda i: (i, 0)),
            pl.BlockSpec((_BN,), lambda i: (i,)),
            pl.BlockSpec((8, 16), lambda i: (0, 0)),
            pl.BlockSpec((16,), lambda i: (0,)),
        ],
        out_specs=[
            pl.BlockSpec((_BN, 8), lambda i: (i, 0)),
            pl.BlockSpec((_BN, 8), lambda i: (i, 0)),
        ],
        out_shape=[
            jax.ShapeDtypeStruct((N_NODES, 8), _f32),
            jax.ShapeDtypeStruct((N_NODES, 8), _f32),
        ],
    )(a0, a1, p1, dinv, w, b)


def _dense3_body(alo_ref, ahi_ref, plo_ref, phi_ref, dinv_ref, w_ref, b_ref,
                 h_ref):
    dv = dinv_ref[...][:, None]
    t = dv * jnp.concatenate(
        [alo_ref[...] + plo_ref[...], ahi_ref[...] + phi_ref[...]], axis=1)
    z = jnp.dot(t, w_ref[...], preferred_element_type=_f32) + b_ref[...][None, :]
    h_ref[...] = jnp.maximum(z, 0.0)


def _dense3_call(alo, ahi, plo, phi, dinv, w, b):
    grid = pl.cdiv(N_NODES, _BN)
    return pl.pallas_call(
        _dense3_body,
        grid=(grid,),
        in_specs=[
            pl.BlockSpec((_BN, 8), lambda i: (i, 0)),
            pl.BlockSpec((_BN, 8), lambda i: (i, 0)),
            pl.BlockSpec((_BN, 8), lambda i: (i, 0)),
            pl.BlockSpec((_BN, 8), lambda i: (i, 0)),
            pl.BlockSpec((_BN,), lambda i: (i,)),
            pl.BlockSpec((16, 32), lambda i: (0, 0)),
            pl.BlockSpec((32,), lambda i: (0,)),
        ],
        out_specs=pl.BlockSpec((_BN, 32), lambda i: (i, 0)),
        out_shape=jax.ShapeDtypeStruct((N_NODES, 32), _f32),
    )(alo, ahi, plo, phi, dinv, w, b)


_BG = 512


def _fc_body(hr_ref, w_ref, b_ref, out_ref):
    logits = jnp.dot(hr_ref[...], w_ref[...], preferred_element_type=_f32)
    logits = logits + b_ref[...][None, :]
    lane = lax.broadcasted_iota(_i32, logits.shape, 1)
    neg = jnp.where(lane < 5, logits, -1e30)
    m = jnp.max(neg, axis=1, keepdims=True)
    lse = jnp.log(jnp.sum(jnp.exp(neg - m), axis=1, keepdims=True)) + m
    out_ref[...] = logits - lse


def _fc_call(hr, wf, bf):
    grid = pl.cdiv(NUM_GRAPHS, _BG)
    return pl.pallas_call(
        _fc_body,
        grid=(grid,),
        in_specs=[
            pl.BlockSpec((_BG, 256), lambda i: (i, 0)),
            pl.BlockSpec((256, 128), lambda i: (0, 0)),
            pl.BlockSpec((128,), lambda i: (0,)),
        ],
        out_specs=pl.BlockSpec((_BG, 128), lambda i: (i, 0)),
        out_shape=jax.ShapeDtypeStruct((NUM_GRAPHS, 128), _f32),
    )(hr, wf, bf)



def kernel(x, edge_index, edge_weight, W1, b1, W2, b2, Wfc, bfc):
    r = edge_index[0].astype(_i32)
    c = edge_index[1].astype(_i32)
    w = edge_weight.astype(_f32)
    c2d = c.reshape(NBLK, BLK)

    degp = _deg_call(c, w).reshape(_NW, NP)
    dinv, p1 = _dense1_call(degp, x)

    agg1 = _agg_call(False, r, c2d, w, p1)
    p2lo, p2hi = _dense2_call(agg1[0], agg1[1], p1, dinv, W1, b1)

    p2s = jnp.concatenate([p2lo, p2hi], axis=0)
    agg2 = _agg_call(True, r, c2d, w, p2s)
    h2 = _dense3_call(agg2[0], agg2[1], p2lo, p2hi, dinv, W2, b2)

    hr = h2.reshape(NUM_GRAPHS, 256)
    wf = jnp.pad(Wfc, ((0, 0), (0, 128 - Wfc.shape[1])))
    bf = jnp.pad(bfc, ((0, 128 - bfc.shape[0]),))
    out = _fc_call(hr, wf, bf)
    return out[:, :5]

# --- scband reference (transcript-rebuilt; emitter-appended) ---
"""Pipeline reference for scband-net-71279277245055 (READ-ONLY COPY).

The authoritative reference and input builder live on the scoring server;
editing this copy changes nothing except your own understanding.
"""

import jax, jax.numpy as jnp
import numpy as np

N_NODES = 100000
N_EDGES = 6400000
NUM_GRAPHS = N_NODES // 8


def setup_inputs(seed: int = 0) -> dict:
    key = jax.random.key(seed)
    ks = jax.random.split(key, 10)
    x = jax.random.normal(ks[0], (N_NODES, 8), dtype=jnp.float32)
    edge_index = jax.random.randint(ks[1], (2, N_EDGES), 0, N_NODES, dtype=jnp.int64)
    edge_weight = jax.random.uniform(ks[2], (N_EDGES,), dtype=jnp.float32)
    # GCNConv(8, 16) params (weight stored [in, out])
    W1 = jax.random.normal(ks[3], (8, 16), dtype=jnp.float32) * (1.0 / np.sqrt(8))
    b1 = jnp.zeros((16,), dtype=jnp.float32)
    # GCNConv(16, 32) params
    W2 = jax.random.normal(ks[4], (16, 32), dtype=jnp.float32) * (1.0 / np.sqrt(16))
    b2 = jnp.zeros((32,), dtype=jnp.float32)
    # Linear(256, 5)
    Wfc = jax.random.normal(ks[5], (256, 5), dtype=jnp.float32) * (1.0 / np.sqrt(256))
    bfc = jnp.zeros((5,), dtype=jnp.float32)
    return {"x": x, "edge_index": edge_index, "edge_weight": edge_weight,
            "W1": W1, "b1": b1, "W2": W2, "b2": b2, "Wfc": Wfc, "bfc": bfc}


def _gcn_conv(x, row, col, ew, num_nodes, W, b):
    # PyG GCNConv with edge_weight: add self-loops (weight 1), symmetric norm
    loop = jnp.arange(num_nodes, dtype=row.dtype)
    r = jnp.concatenate([row, loop])
    c = jnp.concatenate([col, loop])
    w = jnp.concatenate([ew, jnp.ones((num_nodes,), dtype=ew.dtype)])
    deg = jnp.zeros((num_nodes,), dtype=jnp.float32).at[c].add(w)
    dinv = jnp.where(deg > 0, deg ** -0.5, 0.0)
    norm = dinv[r] * w * dinv[c]
    h = x @ W
    out = jnp.zeros((num_nodes, W.shape[1]), dtype=jnp.float32).at[c].add(norm[:, None] * h[r])
    return out + b


def reference(x, edge_index, edge_weight, W1, b1, W2, b2, Wfc, bfc):
    row, col = edge_index[0], edge_index[1]
    h = jax.nn.relu(_gcn_conv(x, row, col, edge_weight, N_NODES, W1, b1))
    h = jax.nn.relu(_gcn_conv(h, row, col, edge_weight, N_NODES, W2, b2))
    h = jnp.reshape(h, (NUM_GRAPHS, 256))
    logits = h @ Wfc + bfc
    return jax.nn.log_softmax(logits, axis=1)

if __name__ == "__main__":
    import jax
    _d = setup_inputs()
    print(jax.jit(kernel)(*tuple(_d.values())))

</pallas_src>

<mosaic_0001>
#map = affine_map<(d0, d1) -> (0)>
#map1 = affine_map<(d0, d1) -> (0, 0)>
#map2 = affine_map<(d0, d1) -> (0, 0, 0)>
module attributes {stable_mosaic.version = 14 : i64} {
  func.func @_agg_body(%arg0: i32, %arg1: i32, %arg2: memref<6400000xi32, #tpu.memory_space<hbm>>, %arg3: memref<50000x128xi32, #tpu.memory_space<hbm>>, %arg4: memref<6400000xf32, #tpu.memory_space<hbm>>, %arg5: memref<100000x8xf32, #tpu.memory_space<hbm>>, %arg6: memref<2x100096x8xf32, #tpu.memory_space<hbm>>, %arg7: memref<1280xi32, #tpu.memory_space<vmem>>, %arg8: memref<1280xi32, #tpu.memory_space<vmem>>, %arg9: memref<10x128xi32, #tpu.memory_space<vmem>>, %arg10: memref<10x128xi32, #tpu.memory_space<vmem>>, %arg11: memref<1280xf32, #tpu.memory_space<vmem>>, %arg12: memref<1280xf32, #tpu.memory_space<vmem>>, %arg13: memref<10x128x8xf32, #tpu.memory_space<vmem>>, %arg14: memref<10x128x8xf32, #tpu.memory_space<vmem>>, %arg15: memref<1564x8xf32, #tpu.memory_space<vmem>>, %arg16: memref<100096x8xf32, #tpu.memory_space<vmem_shared>>, %arg17: memref<!tpu.dma_semaphore, #tpu.memory_space<semaphore_mem>>, %arg18: memref<!tpu.dma_semaphore, #tpu.memory_space<semaphore_mem>>, %arg19: memref<!tpu.dma_semaphore, #tpu.memory_space<semaphore_mem>>, %arg20: memref<!tpu.dma_semaphore, #tpu.memory_space<semaphore_mem>>, %arg21: memref<!tpu.dma_semaphore, #tpu.memory_space<semaphore_mem>>, %arg22: memref<!tpu.dma_semaphore, #tpu.memory_space<semaphore_mem>>) attributes {dimension_semantics = [#tpu.dimension_semantics<core_parallel>, #tpu.dimension_semantics<subcore_parallel>], iteration_bounds = array<i64: 2, 16>, scalar_prefetch = 0 : i64, scratch_operands = 16 : i64, tpu.core_type = #tpu.core_type<sc_vector_subcore>, window_params = [{transform_indices = #map}, {transform_indices = #map1}, {transform_indices = #map}, {transform_indices = #map1}, {transform_indices = #map2}]} {
    %iota3A = tpu.iota {dimensions = array<i32: 0>} : vector<16xi32>
    %ge3A = arith.constant 8 : i32
    %ge3A_0 = vector.broadcast %ge3A : i32 to vector<16xi32>
    %ge3A_1 = arith.cmpi sge, %iota3A, %ge3A_0 : vector<16xi32>
    %convert_element_type3A = arith.extui %ge3A_1 : vector<16xi1> to vector<16xi32>
    %mul3A = arith.constant 8 : i32
    %mul3A_2 = vector.broadcast %mul3A : i32 to vector<16xi32>
    %mul3A_3 = arith.muli %mul3A_2, %convert_element_type3A : vector<16xi32>
    %sub3A = arith.subi %iota3A, %mul3A_3 : vector<16xi32>
    %broadcast_in_dim3A = arith.constant 0.000000e+00 : f32
    %broadcast_in_dim3A_4 = vector.broadcast %broadcast_in_dim3A : f32 to vector<16xf32>
    %scan3A = arith.constant 0 : i32
    %scan3A_5 = arith.constant 0 : i32
    %scan3A_6 = arith.constant 782 : i32
    %scan3A_7 = arith.addi %scan3A_5, %scan3A_6 : i32
    %scan3A_8 = arith.constant 1 : i32
    %scan3A_9 = scf.for %scan3A_108 = %scan3A_5 to %scan3A_7 step %scan3A_8 iter_args(%scan3A_109 = %scan3A) -> (i32)  : i32 {
      %mul3A_110 = arith.constant 2 : i32
      %mul3A_111 = arith.muli %mul3A_110, %scan3A_108 : i32
      %add3A_112 = vector.broadcast %mul3A_111 : i32 to vector<16xi32>
      %add3A_113 = arith.addi %convert_element_type3A, %add3A_112 : vector<16xi32>
      tpu.vector_store_idx %arg15[%add3A_113, %sub3A], %broadcast_in_dim3A_4 : memref<1564x8xf32, #tpu.memory_space<vmem>>[vector<16xi32>, vector<16xi32>], vector<16xf32>,
      %scan3A_114 = arith.constant 0 : i32
      scf.yield %scan3A_114 : i32
    }
    %scan3A_10 = arith.constant 782 : i32
    %scan3A_11 = arith.constant 0 : i32
    %scan3A_12 = arith.constant 0 : i32
    %scan3A_13 = arith.constant 4 : i32
    %scan3A_14 = arith.addi %scan3A_12, %scan3A_13 : i32
    %scan3A_15 = arith.constant 1 : i32
    %scan3A_16 = scf.for %scan3A_108 = %scan3A_12 to %scan3A_14 step %scan3A_15 iter_args(%scan3A_109 = %scan3A_11) -> (i32)  : i32 {
      %mul3A_110 = arith.constant 6256 : i32
      %mul3A_111 = arith.muli %arg1, %mul3A_110 : i32
      %mul3A_112 = arith.constant 1564 : i32
      %mul3A_113 = arith.muli %scan3A_108, %mul3A_112 : i32
      %add3A_114 = arith.addi %mul3A_111, %mul3A_113 : i32
      "tpu.region"() ({
        %run_scoped3A = tpu.sem_alloc : memref<!tpu.dma_semaphore, #tpu.memory_space<semaphore_mem>>
        %dma_start3A_116 = arith.constant 0 : i32
        %dma_start3A_117 = tpu.memref_slice %arg16[%add3A_114, %dma_start3A_116] : memref<100096x8xf32, #tpu.memory_space<vmem_shared>> -> memref<1564x8xf32, #tpu.memory_space<vmem_shared>>
        %dma_start3A_118 = arith.constant 0 : i32
        %dma_start3A_119 = tpu.memref_slice %arg16[%add3A_114, %dma_start3A_118] : memref<100096x8xf32, #tpu.memory_space<vmem_shared>> -> memref<1564x8xf32, #tpu.memory_space<vmem_shared>>
        tpu.enqueue_dma source(%arg15 : memref<1564x8xf32, #tpu.memory_space<vmem>>) target(%dma_start3A_119 : memref<1564x8xf32, #tpu.memory_space<vmem_shared>>) target_semaphore(%run_scoped3A : memref<!tpu.dma_semaphore, #tpu.memory_space<semaphore_mem>>)
        %dma_wait3A_120 = arith.constant 0 : i32
        %dma_wait3A_121 = tpu.memref_slice %arg16[%add3A_114, %dma_wait3A_120] : memref<100096x8xf32, #tpu.memory_space<vmem_shared>> -> memref<1564x8xf32, #tpu.memory_space<vmem_shared>>
        %dma_wait3A_122 = arith.constant 0 : i32
        %dma_wait3A_123 = tpu.memref_slice %arg16[%add3A_114, %dma_wait3A_122] : memref<100096x8xf32, #tpu.memory_space<vmem_shared>> -> memref<1564x8xf32, #tpu.memory_space<vmem_shared>>
        tpu.wait_dma2 semaphore(%run_scoped3A : memref<!tpu.dma_semaphore, #tpu.memory_space<semaphore_mem>>) src(%arg15 : memref<1564x8xf32, #tpu.memory_space<vmem>>) dst(%dma_wait3A_123 : memref<1564x8xf32, #tpu.memory_space<vmem_shared>>)
        tpu.yield
      }) : () -> ()
      %scan3A_115 = arith.constant 0 : i32
      scf.yield %scan3A_115 : i32
    }
    %scan3A_17 = arith.constant 4 : i32
    %barrier3A = arith.constant 0 : index
    tpu.barrier barrier_id(%barrier3A)
    %mul3A_18 = arith.constant 16 : i32
    %mul3A_19 = arith.muli %arg0, %mul3A_18 : i32
    %add3A = arith.addi %mul3A_19, %arg1 : i32
    %lt3A = arith.constant 4 : i32
    %lt3A_20 = arith.cmpi slt, %add3A, %lt3A : i32
    %mul3A_21 = arith.constant 158 : i32
    %mul3A_22 = arith.muli %add3A, %mul3A_21 : i32
    %sub3A_23 = arith.constant 4 : i32
    %sub3A_24 = arith.subi %add3A, %sub3A_23 : i32
    %mul3A_25 = arith.constant 156 : i32
    %mul3A_26 = arith.muli %sub3A_24, %mul3A_25 : i32
    %add3A_27 = arith.constant 632 : i32
    %add3A_28 = arith.addi %add3A_27, %mul3A_26 : i32
    %select_n3A = arith.select %lt3A_20, %mul3A_22, %add3A_28 : i32
    %lt3A_29 = arith.constant 4 : i32
    %lt3A_30 = arith.cmpi slt, %add3A, %lt3A_29 : i32
    %jit3A = arith.constant 79 : i32
    %jit3A_31 = arith.constant 78 : i32
    %select_n3A_32 = arith.select %lt3A_30, %jit3A, %jit3A_31 : i32
    %add3A_33 = arith.constant 0 : i32
    %add3A_34 = arith.addi %select_n3A, %add3A_33 : i32
    %mul3A_35 = arith.constant 1280 : i32
    %mul3A_36 = arith.muli %add3A_34, %mul3A_35 : i32
    %multiple_of3A = tpu.assume_multiple %mul3A_36, 8 : i32
    %dma_start3A = tpu.memref_slice %arg2[%multiple_of3A] : memref<6400000xi32, #tpu.memory_space<hbm>> -> memref<1280xi32, #tpu.memory_space<hbm>>
    %dma_start3A_37 = tpu.memref_slice %arg2[%multiple_of3A] : memref<6400000xi32, #tpu.memory_space<hbm>> -> memref<1280xi32, #tpu.memory_space<hbm>>
    tpu.enqueue_dma source(%dma_start3A_37 : memref<1280xi32, #tpu.memory_space<hbm>>) target(%arg7 : memref<1280xi32, #tpu.memory_space<vmem>>) target_semaphore(%arg21 : memref<!tpu.dma_semaphore, #tpu.memory_space<semaphore_mem>>)
    %add3A_38 = arith.constant 0 : i32
    %add3A_39 = arith.addi %select_n3A, %add3A_38 : i32
    %mul3A_40 = arith.constant 1280 : i32
    %mul3A_41 = arith.muli %add3A_39, %mul3A_40 : i32
    %multiple_of3A_42 = tpu.assume_multiple %mul3A_41, 8 : i32
    %mul3A_43 = arith.constant 10 : i32
    %mul3A_44 = arith.muli %add3A_39, %mul3A_43 : i32
    %dma_start3A_45 = arith.constant 0 : i32
    %dma_start3A_46 = tpu.memref_slice %arg3[%mul3A_44, %dma_start3A_45] : memref<50000x128xi32, #tpu.memory_space<hbm>> -> memref<10x128xi32, #tpu.memory_space<hbm>>
    %dma_start3A_47 = arith.constant 0 : i32
    %dma_start3A_48 = tpu.memref_slice %arg3[%mul3A_44, %dma_start3A_47] : memref<50000x128xi32, #tpu.memory_space<hbm>> -> memref<10x128xi32, #tpu.memory_space<hbm>>
    tpu.enqueue_dma source(%dma_start3A_48 : memref<10x128xi32, #tpu.memory_space<hbm>>) target(%arg9 : memref<10x128xi32, #tpu.memory_space<vmem>>) target_semaphore(%arg21 : memref<!tpu.dma_semaphore, #tpu.memory_space<semaphore_mem>>)
    %dma_start3A_49 = tpu.memref_slice %arg4[%multiple_of3A_42] : memref<6400000xf32, #tpu.memory_space<hbm>> -> memref<1280xf32, #tpu.memory_space<hbm>>
    %dma_start3A_50 = tpu.memref_slice %arg4[%multiple_of3A_42] : memref<6400000xf32, #tpu.memory_space<hbm>> -> memref<1280xf32, #tpu.memory_space<hbm>>
    tpu.enqueue_dma source(%dma_start3A_50 : memref<1280xf32, #tpu.memory_space<hbm>>) target(%arg11 : memref<1280xf32, #tpu.memory_space<vmem>>) target_semaphore(%arg21 : memref<!tpu.dma_semaphore, #tpu.memory_space<semaphore_mem>>)
    %add3A_51 = arith.constant 1 : i32
    %add3A_52 = arith.addi %select_n3A, %add3A_51 : i32
    %mul3A_53 = arith.constant 1280 : i32
    %mul3A_54 = arith.muli %add3A_52, %mul3A_53 : i32
    %multiple_of3A_55 = tpu.assume_multiple %mul3A_54, 8 : i32
    %dma_start3A_56 = tpu.memref_slice %arg2[%multiple_of3A_55] : memref<6400000xi32, #tpu.memory_space<hbm>> -> memref<1280xi32, #tpu.memory_space<hbm>>
    %dma_start3A_57 = tpu.memref_slice %arg2[%multiple_of3A_55] : memref<6400000xi32, #tpu.memory_space<hbm>> -> memref<1280xi32, #tpu.memory_space<hbm>>
    tpu.enqueue_dma source(%dma_start3A_57 : memref<1280xi32, #tpu.memory_space<hbm>>) target(%arg8 : memref<1280xi32, #tpu.memory_space<vmem>>) target_semaphore(%arg22 : memref<!tpu.dma_semaphore, #tpu.memory_space<semaphore_mem>>)
    %add3A_58 = arith.constant 1 : i32
    %add3A_59 = arith.addi %select_n3A, %add3A_58 : i32
    %mul3A_60 = arith.constant 1280 : i32
    %mul3A_61 = arith.muli %add3A_59, %mul3A_60 : i32
    %multiple_of3A_62 = tpu.assume_multiple %mul3A_61, 8 : i32
    %mul3A_63 = arith.constant 10 : i32
    %mul3A_64 = arith.muli %add3A_59, %mul3A_63 : i32
    %dma_start3A_65 = arith.constant 0 : i32
    %dma_start3A_66 = tpu.memref_slice %arg3[%mul3A_64, %dma_start3A_65] : memref<50000x128xi32, #tpu.memory_space<hbm>> -> memref<10x128xi32, #tpu.memory_space<hbm>>
    %dma_start3A_67 = arith.constant 0 : i32
    %dma_start3A_68 = tpu.memref_slice %arg3[%mul3A_64, %dma_start3A_67] : memref<50000x128xi32, #tpu.memory_space<hbm>> -> memref<10x128xi32, #tpu.memory_space<hbm>>
    tpu.enqueue_dma source(%dma_start3A_68 : memref<10x128xi32, #tpu.memory_space<hbm>>) target(%arg10 : memref<10x128xi32, #tpu.memory_space<vmem>>) target_semaphore(%arg22 : memref<!tpu.dma_semaphore, #tpu.memory_space<semaphore_mem>>)
    %dma_start3A_69 = tpu.memref_slice %arg4[%multiple_of3A_62] : memref<6400000xf32, #tpu.memory_space<hbm>> -> memref<1280xf32, #tpu.memory_space<hbm>>
    %dma_start3A_70 = tpu.memref_slice %arg4[%multiple_of3A_62] : memref<6400000xf32, #tpu.memory_space<hbm>> -> memref<1280xf32, #tpu.memory_space<hbm>>
    tpu.enqueue_dma source(%dma_start3A_70 : memref<1280xf32, #tpu.memory_space<hbm>>) target(%arg12 : memref<1280xf32, #tpu.memory_space<vmem>>) target_semaphore(%arg22 : memref<!tpu.dma_semaphore, #tpu.memory_space<semaphore_mem>>)
    %add3A_71 = arith.constant 0 : i32
    %add3A_72 = arith.addi %select_n3A, %add3A_71 : i32
    %mul3A_73 = arith.constant 1280 : i32
    %mul3A_74 = arith.muli %add3A_72, %mul3A_73 : i32
    %multiple_of3A_75 = tpu.assume_multiple %mul3A_74, 8 : i32
    %dma_wait3A = tpu.memref_slice %arg2[%multiple_of3A_75] : memref<6400000xi32, #tpu.memory_space<hbm>> -> memref<1280xi32, #tpu.memory_space<hbm>>
    %dma_wait3A_76 = tpu.memref_slice %arg2[%multiple_of3A_75] : memref<6400000xi32, #tpu.memory_space<hbm>> -> memref<1280xi32, #tpu.memory_space<hbm>>
    tpu.wait_dma2 semaphore(%arg21 : memref<!tpu.dma_semaphore, #tpu.memory_space<semaphore_mem>>) src(%dma_wait3A_76 : memref<1280xi32, #tpu.memory_space<hbm>>) dst(%arg7 : memref<1280xi32, #tpu.memory_space<vmem>>)
    %mul3A_77 = arith.constant 10 : i32
    %mul3A_78 = arith.muli %add3A_72, %mul3A_77 : i32
    %dma_wait3A_79 = arith.constant 0 : i32
    %dma_wait3A_80 = tpu.memref_slice %arg3[%mul3A_78, %dma_wait3A_79] : memref<50000x128xi32, #tpu.memory_space<hbm>> -> memref<10x128xi32, #tpu.memory_space<hbm>>
    %dma_wait3A_81 = arith.constant 0 : i32
    %dma_wait3A_82 = tpu.memref_slice %arg3[%mul3A_78, %dma_wait3A_81] : memref<50000x128xi32, #tpu.memory_space<hbm>> -> memref<10x128xi32, #tpu.memory_space<hbm>>
    tpu.wait_dma2 semaphore(%arg21 : memref<!tpu.dma_semaphore, #tpu.memory_space<semaphore_mem>>) src(%dma_wait3A_82 : memref<10x128xi32, #tpu.memory_space<hbm>>) dst(%arg9 : memref<10x128xi32, #tpu.memory_space<vmem>>)
    %dma_wait3A_83 = tpu.memref_slice %arg4[%multiple_of3A_75] : memref<6400000xf32, #tpu.memory_space<hbm>> -> memref<1280xf32, #tpu.memory_space<hbm>>
    %dma_wait3A_84 = tpu.memref_slice %arg4[%multiple_of3A_75] : memref<6400000xf32, #tpu.memory_space<hbm>> -> memref<1280xf32, #tpu.memory_space<hbm>>
    tpu.wait_dma2 semaphore(%arg21 : memref<!tpu.dma_semaphore, #tpu.memory_space<semaphore_mem>>) src(%dma_wait3A_84 : memref<1280xf32, #tpu.memory_space<hbm>>) dst(%arg11 : memref<1280xf32, #tpu.memory_space<vmem>>)
    %scan3A_85 = arith.constant 0 : i32
    %scan3A_86 = arith.constant 0 : i32
    %scan3A_87 = arith.constant 10 : i32
    %scan3A_88 = arith.addi %scan3A_86, %scan3A_87 : i32
    %scan3A_89 = arith.constant 1 : i32
    %scan3A_90 = scf.for %scan3A_108 = %scan3A_86 to %scan3A_88 step %scan3A_89 iter_args(%scan3A_109 = %scan3A_85) -> (i32)  : i32 {
      %mul3A_110 = arith.constant 128 : i32
      %mul3A_111 = arith.muli %scan3A_108, %mul3A_110 : i32
      %dma_start3A_112 = arith.constant 0 : i32
      %dma_start3A_113 = arith.constant 0 : i32
      %dma_start3A_114 = tpu.memref_slice %arg13[%scan3A_108, %dma_start3A_112, %dma_start3A_113] : memref<10x128x8xf32, #tpu.memory_space<vmem>> -> memref<1x128x8xf32, #tpu.memory_space<vmem>>
      %dma_start3A_115 = tpu.memref_squeeze %dma_start3A_114 : memref<1x128x8xf32, #tpu.memory_space<vmem>> -> memref<128x8xf32, #tpu.memory_space<vmem>>
      %dma_start3A_116 = tpu.memref_slice %arg7[%mul3A_111] : memref<1280xi32, #tpu.memory_space<vmem>> -> memref<128xi32, #tpu.memory_space<vmem>>
      %dma_start3A_117 = arith.constant 0 : i32
      %dma_start3A_118 = arith.constant 0 : i32
      %dma_start3A_119 = tpu.memref_slice %arg5[%dma_start3A_117, %dma_start3A_118] : memref<100000x8xf32, #tpu.memory_space<hbm>> -> memref<100000x8xf32, #tpu.memory_space<hbm>>
      tpu.enqueue_indirect_dma source(%dma_start3A_119 : memref<100000x8xf32, #tpu.memory_space<hbm>>) target(%dma_start3A_115 : memref<128x8xf32, #tpu.memory_space<vmem>>) offsets(%dma_start3A_116 : memref<128xi32, #tpu.memory_space<vmem>>) semaphore(%arg17 : memref<!tpu.dma_semaphore, #tpu.memory_space<semaphore_mem>>)
      %scan3A_120 = arith.constant 0 : i32
      scf.yield %scan3A_120 : i32
    }
    %scan3A_91 = arith.constant 10 : i32
    %while3A = arith.constant 0 : i32
    %while3A_92 = arith.constant 0 : i32
    %while3A_93 = arith.subi %select_n3A_32, %while3A : i32
    %while3A_94 = arith.addi %while3A, %while3A_93 : i32
    %while3A_95 = arith.constant 1 : i32
    %while3A_96 = arith.divsi %while3A_93, %while3A_95 : i32
    %while3A_97 = arith.muli %while3A_96, %while3A_95 : i32
    %while3A_98 = arith.addi %while3A, %while3A_97 : i32
    %while3A_99 = arith.constant 1 : i32
    %while3A_100 = scf.for %while3A_108 = %while3A to %while3A_98 step %while3A_99 iter_args(%while3A_109 = %while3A_92) -> (i32)  : i32 {
      %scan3A_110 = arith.constant 0 : i32
      %scan3A_111 = arith.constant 0 : i32
      %scan3A_112 = arith.constant 10 : i32
      %scan3A_113 = arith.addi %scan3A_111, %scan3A_112 : i32
      %scan3A_114 = arith.constant 1 : i32
      %scan3A_115 = scf.for %scan3A_201 = %scan3A_111 to %scan3A_113 step %scan3A_114 iter_args(%scan3A_202 = %scan3A_110) -> (i32)  : i32 {
        %mul3A_203 = arith.constant 128 : i32
        %mul3A_204 = arith.muli %scan3A_201, %mul3A_203 : i32
        %dma_wait3A_205 = arith.constant 0 : i32
        %dma_wait3A_206 = arith.constant 0 : i32
        %dma_wait3A_207 = tpu.memref_slice %arg13[%scan3A_201, %dma_wait3A_205, %dma_wait3A_206] : memref<10x128x8xf32, #tpu.memory_space<vmem>> -> memref<1x128x8xf32, #tpu.memory_space<vmem>>
        %dma_wait3A_208 = tpu.memref_squeeze %dma_wait3A_207 : memref<1x128x8xf32, #tpu.memory_space<vmem>> -> memref<128x8xf32, #tpu.memory_space<vmem>>
        %dma_wait3A_209 = tpu.memref_slice %arg7[%mul3A_204] : memref<1280xi32, #tpu.memory_space<vmem>> -> memref<128xi32, #tpu.memory_space<vmem>>
        %dma_wait3A_210 = arith.constant 0 : i32
        %dma_wait3A_211 = arith.constant 0 : i32
        %dma_wait3A_212 = tpu.memref_slice %arg5[%dma_wait3A_210, %dma_wait3A_211] : memref<100000x8xf32, #tpu.memory_space<hbm>> -> memref<100000x8xf32, #tpu.memory_space<hbm>>
        tpu.wait_indirect_dma semaphore(%arg17 : memref<!tpu.dma_semaphore, #tpu.memory_space<semaphore_mem>>) src(%dma_wait3A_212 : memref<100000x8xf32, #tpu.memory_space<hbm>>) dst(%dma_wait3A_208 : memref<128x8xf32, #tpu.memory_space<vmem>>)
        %scan3A_213 = arith.constant 0 : i32
        scf.yield %scan3A_213 : i32
      }
      %scan3A_116 = arith.constant 10 : i32
      %mul3A_117 = arith.constant 2 : i32
      %mul3A_118 = arith.muli %mul3A_117, %while3A_108 : i32
      %add3A_119 = arith.constant 1 : i32
      %add3A_120 = arith.addi %mul3A_118, %add3A_119 : i32
      %add3A_121 = arith.addi %select_n3A, %add3A_120 : i32
      %mul3A_122 = arith.constant 1280 : i32
      %mul3A_123 = arith.muli %add3A_121, %mul3A_122 : i32
      %multiple_of3A_124 = tpu.assume_multiple %mul3A_123, 8 : i32
      %dma_wait3A_125 = tpu.memref_slice %arg2[%multiple_of3A_124] : memref<6400000xi32, #tpu.memory_space<hbm>> -> memref<1280xi32, #tpu.memory_space<hbm>>
      %dma_wait3A_126 = tpu.memref_slice %arg2[%multiple_of3A_124] : memref<6400000xi32, #tpu.memory_space<hbm>> -> memref<1280xi32, #tpu.memory_space<hbm>>
      tpu.wait_dma2 semaphore(%arg22 : memref<!tpu.dma_semaphore, #tpu.memory_space<semaphore_mem>>) src(%dma_wait3A_126 : memref<1280xi32, #tpu.memory_space<hbm>>) dst(%arg8 : memref<1280xi32, #tpu.memory_space<vmem>>)
      %mul3A_127 = arith.constant 10 : i32
      %mul3A_128 = arith.muli %add3A_121, %mul3A_127 : i32
      %dma_wait3A_129 = arith.constant 0 : i32
      %dma_wait3A_130 = tpu.memref_slice %arg3[%mul3A_128, %dma_wait3A_129] : memref<50000x128xi32, #tpu.memory_space<hbm>> -> memref<10x128xi32, #tpu.memory_space<hbm>>
      %dma_wait3A_131 = arith.constant 0 : i32
      %dma_wait3A_132 = tpu.memref_slice %arg3[%mul3A_128, %dma_wait3A_131] : memref<50000x128xi32, #tpu.memory_space<hbm>> -> memref<10x128xi32, #tpu.memory_space<hbm>>
      tpu.wait_dma2 semaphore(%arg22 : memref<!tpu.dma_semaphore, #tpu.memory_space<semaphore_mem>>) src(%dma_wait3A_132 : memref<10x128xi32, #tpu.memory_space<hbm>>) dst(%arg10 : memref<10x128xi32, #tpu.memory_space<vmem>>)
      %dma_wait3A_133 = tpu.memref_slice %arg4[%multiple_of3A_124] : memref<6400000xf32, #tpu.memory_space<hbm>> -> memref<1280xf32, #tpu.memory_space<hbm>>
      %dma_wait3A_134 = tpu.memref_slice %arg4[%multiple_of3A_124] : memref<6400000xf32, #tpu.memory_space<hbm>> -> memref<1280xf32, #tpu.memory_space<hbm>>
      tpu.wait_dma2 semaphore(%arg22 : memref<!tpu.dma_semaphore, #tpu.memory_space<semaphore_mem>>) src(%dma_wait3A_134 : memref<1280xf32, #tpu.memory_space<hbm>>) dst(%arg12 : memref<1280xf32, #tpu.memory_space<vmem>>)
      %scan3A_135 = arith.constant 0 : i32
      %scan3A_136 = arith.constant 0 : i32
      %scan3A_137 = arith.constant 10 : i32
      %scan3A_138 = arith.addi %scan3A_136, %scan3A_137 : i32
      %scan3A_139 = arith.constant 1 : i32
      %scan3A_140 = scf.for %scan3A_201 = %scan3A_136 to %scan3A_138 step %scan3A_139 iter_args(%scan3A_202 = %scan3A_135) -> (i32)  : i32 {
        %mul3A_203 = arith.constant 128 : i32
        %mul3A_204 = arith.muli %scan3A_201, %mul3A_203 : i32
        %dma_start3A_205 = arith.constant 0 : i32
        %dma_start3A_206 = arith.constant 0 : i32
        %dma_start3A_207 = tpu.memref_slice %arg14[%scan3A_201, %dma_start3A_205, %dma_start3A_206] : memref<10x128x8xf32, #tpu.memory_space<vmem>> -> memref<1x128x8xf32, #tpu.memory_space<vmem>>
        %dma_start3A_208 = tpu.memref_squeeze %dma_start3A_207 : memref<1x128x8xf32, #tpu.memory_space<vmem>> -> memref<128x8xf32, #tpu.memory_space<vmem>>
        %dma_start3A_209 = tpu.memref_slice %arg8[%mul3A_204] : memref<1280xi32, #tpu.memory_space<vmem>> -> memref<128xi32, #tpu.memory_space<vmem>>
        %dma_start3A_210 = arith.constant 0 : i32
        %dma_start3A_211 = arith.constant 0 : i32
        %dma_start3A_212 = tpu.memref_slice %arg5[%dma_start3A_210, %dma_start3A_211] : memref<100000x8xf32, #tpu.memory_space<hbm>> -> memref<100000x8xf32, #tpu.memory_space<hbm>>
        tpu.enqueue_indirect_dma source(%dma_start3A_212 : memref<100000x8xf32, #tpu.memory_space<hbm>>) target(%dma_start3A_208 : memref<128x8xf32, #tpu.memory_space<vmem>>) offsets(%dma_start3A_209 : memref<128xi32, #tpu.memory_space<vmem>>) semaphore(%arg18 : memref<!tpu.dma_semaphore, #tpu.memory_space<semaphore_mem>>)
        %scan3A_213 = arith.constant 0 : i32
        scf.yield %scan3A_213 : i32
      }
      %scan3A_141 = arith.constant 10 : i32
      %add3A_142 = arith.constant 1 : i32
      %add3A_143 = arith.addi %while3A_108, %add3A_142 : i32
      %lt3A_144 = arith.cmpi slt, %add3A_143, %select_n3A_32 : i32
      %convert_element_type3A_145 = arith.extui %lt3A_144 : i1 to i32
      %cond3A = arith.constant 0 : i32
      %cond3A_146 = arith.cmpi ne, %convert_element_type3A_145, %cond3A : i32
      scf.if %cond3A_146 {
        %mul3A_201 = arith.constant 2 : i32
        %mul3A_202 = arith.muli %mul3A_201, %while3A_108 : i32
        %add3A_203 = arith.constant 2 : i32
        %add3A_204 = arith.addi %mul3A_202, %add3A_203 : i32
        %add3A_205 = arith.addi %select_n3A, %add3A_204 : i32
        %mul3A_206 = arith.constant 1280 : i32
        %mul3A_207 = arith.muli %add3A_205, %mul3A_206 : i32
        %multiple_of3A_208 = tpu.assume_multiple %mul3A_207, 8 : i32
        %dma_start3A_209 = tpu.memref_slice %arg2[%multiple_of3A_208] : memref<6400000xi32, #tpu.memory_space<hbm>> -> memref<1280xi32, #tpu.memory_space<hbm>>
        %dma_start3A_210 = tpu.memref_slice %arg2[%multiple_of3A_208] : memref<6400000xi32, #tpu.memory_space<hbm>> -> memref<1280xi32, #tpu.memory_space<hbm>>
        tpu.enqueue_dma source(%dma_start3A_210 : memref<1280xi32, #tpu.memory_space<hbm>>) target(%arg7 : memref<1280xi32, #tpu.memory_space<vmem>>) target_semaphore(%arg21 : memref<!tpu.dma_semaphore, #tpu.memory_space<semaphore_mem>>)
      } else {
      }
      %scan3A_147 = arith.constant 0 : i32
      %scan3A_148 = arith.constant 0 : i32
      %scan3A_149 = arith.constant 10 : i32
      %scan3A_150 = arith.addi %scan3A_148, %scan3A_149 : i32
      %scan3A_151 = arith.constant 1 : i32
      %scan3A_152 = scf.for %scan3A_201 = %scan3A_148 to %scan3A_150 step %scan3A_151 iter_args(%scan3A_202 = %scan3A_147) -> (i32)  : i32 {
        %broadcast_in_dim3A_203 = arith.constant 0 : i32
        %broadcast_in_dim3A_204 = vector.broadcast %broadcast_in_dim3A_203 : i32 to vector<16xi32>
        %add3A_205 = vector.broadcast %scan3A_201 : i32 to vector<16xi32>
        %add3A_206 = arith.addi %broadcast_in_dim3A_204, %add3A_205 : vector<16xi32>
        %mul3A_207 = arith.constant 128 : i32
        %mul3A_208 = arith.muli %scan3A_201, %mul3A_207 : i32
        %parallel_loop3A = arith.constant 0 : i32
        %parallel_loop3A_209 = arith.constant 64 : i32
        %parallel_loop3A_210 = arith.constant 1 : i32
        scf.for %parallel_loop3A_222 = %parallel_loop3A to %parallel_loop3A_209 step %parallel_loop3A_210  : i32 {
          %parallel_loop3A_223 = arith.constant 2 : i32
          %parallel_loop3A_224 = arith.muli %parallel_loop3A_223, %parallel_loop3A_222 : i32
          %parallel_loop3A_225 = vector.broadcast %parallel_loop3A_224 : i32 to vector<16xi32>
          %parallel_loop3A_226 = arith.addi %convert_element_type3A, %parallel_loop3A_225 : vector<16xi32>
          %parallel_loop3A_227 = tpu.vector_load_idx %arg13[%add3A_206, %parallel_loop3A_226, %sub3A] : memref<10x128x8xf32, #tpu.memory_space<vmem>>[vector<16xi32>, vector<16xi32>, vector<16xi32>], vector<16xf32>,
          %parallel_loop3A_228 = vector.broadcast %mul3A_208 : i32 to vector<16xi32>
          %parallel_loop3A_229 = arith.addi %parallel_loop3A_228, %parallel_loop3A_226 : vector<16xi32>
          %parallel_loop3A_230 = tpu.vector_load_idx %arg11[%parallel_loop3A_229] : memref<1280xf32, #tpu.memory_space<vmem>>[vector<16xi32>], vector<16xf32>,
          %parallel_loop3A_231 = arith.mulf %parallel_loop3A_227, %parallel_loop3A_230 : vector<16xf32>
          tpu.vector_store_idx %arg13[%add3A_206, %parallel_loop3A_226, %sub3A], %parallel_loop3A_231 : memref<10x128x8xf32, #tpu.memory_space<vmem>>[vector<16xi32>, vector<16xi32>, vector<16xi32>], vector<16xf32>,
        } {sc.loop_unroll_factor = 4 : i64, sc.parallel_access}
        %dma_start3A_211 = arith.constant 0 : i32
        %dma_start3A_212 = arith.constant 0 : i32
        %dma_start3A_213 = tpu.memref_slice %arg13[%scan3A_201, %dma_start3A_211, %dma_start3A_212] : memref<10x128x8xf32, #tpu.memory_space<vmem>> -> memref<1x128x8xf32, #tpu.memory_space<vmem>>
        %dma_start3A_214 = tpu.memref_squeeze %dma_start3A_213 : memref<1x128x8xf32, #tpu.memory_space<vmem>> -> memref<128x8xf32, #tpu.memory_space<vmem>>
        %dma_start3A_215 = arith.constant 0 : i32
        %dma_start3A_216 = tpu.memref_slice %arg9[%scan3A_201, %dma_start3A_215] : memref<10x128xi32, #tpu.memory_space<vmem>> -> memref<1x128xi32, #tpu.memory_space<vmem>>
        %dma_start3A_217 = tpu.memref_squeeze %dma_start3A_216 : memref<1x128xi32, #tpu.memory_space<vmem>> -> memref<128xi32, #tpu.memory_space<vmem>>
        %dma_start3A_218 = arith.constant 0 : i32
        %dma_start3A_219 = arith.constant 0 : i32
        %dma_start3A_220 = tpu.memref_slice %arg16[%dma_start3A_218, %dma_start3A_219] : memref<100096x8xf32, #tpu.memory_space<vmem_shared>> -> memref<100096x8xf32, #tpu.memory_space<vmem_shared>>
        tpu.enqueue_indirect_dma source(%dma_start3A_214 : memref<128x8xf32, #tpu.memory_space<vmem>>) target(%dma_start3A_220 : memref<100096x8xf32, #tpu.memory_space<vmem_shared>>) offsets(%dma_start3A_217 : memref<128xi32, #tpu.memory_space<vmem>>) semaphore(%arg19 : memref<!tpu.dma_semaphore, #tpu.memory_space<semaphore_mem>>) {add = true}
        %scan3A_221 = arith.constant 0 : i32
        scf.yield %scan3A_221 : i32
      }
      %scan3A_153 = arith.constant 10 : i32
      %scan3A_154 = arith.constant 0 : i32
      %scan3A_155 = arith.constant 0 : i32
      %scan3A_156 = arith.constant 10 : i32
      %scan3A_157 = arith.addi %scan3A_155, %scan3A_156 : i32
      %scan3A_158 = arith.constant 1 : i32
      %scan3A_159 = scf.for %scan3A_201 = %scan3A_155 to %scan3A_157 step %scan3A_158 iter_args(%scan3A_202 = %scan3A_154) -> (i32)  : i32 {
        %dma_wait3A_203 = arith.constant 0 : i32
        %dma_wait3A_204 = arith.constant 0 : i32
        %dma_wait3A_205 = tpu.memref_slice %arg13[%scan3A_201, %dma_wait3A_203, %dma_wait3A_204] : memref<10x128x8xf32, #tpu.memory_space<vmem>> -> memref<1x128x8xf32, #tpu.memory_space<vmem>>
        %dma_wait3A_206 = tpu.memref_squeeze %dma_wait3A_205 : memref<1x128x8xf32, #tpu.memory_space<vmem>> -> memref<128x8xf32, #tpu.memory_space<vmem>>
        %dma_wait3A_207 = arith.constant 0 : i32
        %dma_wait3A_208 = tpu.memref_slice %arg9[%scan3A_201, %dma_wait3A_207] : memref<10x128xi32, #tpu.memory_space<vmem>> -> memref<1x128xi32, #tpu.memory_space<vmem>>
        %dma_wait3A_209 = tpu.memref_squeeze %dma_wait3A_208 : memref<1x128xi32, #tpu.memory_space<vmem>> -> memref<128xi32, #tpu.memory_space<vmem>>
        %dma_wait3A_210 = arith.constant 0 : i32
        %dma_wait3A_211 = arith.constant 0 : i32
        %dma_wait3A_212 = tpu.memref_slice %arg16[%dma_wait3A_210, %dma_wait3A_211] : memref<100096x8xf32, #tpu.memory_space<vmem_shared>> -> memref<100096x8xf32, #tpu.memory_space<vmem_shared>>
        tpu.wait_indirect_dma semaphore(%arg19 : memref<!tpu.dma_semaphore, #tpu.memory_space<semaphore_mem>>) src(%dma_wait3A_206 : memref<128x8xf32, #tpu.memory_space<vmem>>) dst(%dma_wait3A_212 : memref<100096x8xf32, #tpu.memory_space<vmem_shared>>)
        %scan3A_213 = arith.constant 0 : i32
        scf.yield %scan3A_213 : i32
      }
      %scan3A_160 = arith.constant 10 : i32
      %add3A_161 = arith.constant 1 : i32
      %add3A_162 = arith.addi %while3A_108, %add3A_161 : i32
      %lt3A_163 = arith.cmpi slt, %add3A_162, %select_n3A_32 : i32
      %convert_element_type3A_164 = arith.extui %lt3A_163 : i1 to i32
      %cond3A_165 = arith.constant 0 : i32
      %cond3A_166 = arith.cmpi ne, %convert_element_type3A_164, %cond3A_165 : i32
      scf.if %cond3A_166 {
        %mul3A_201 = arith.constant 2 : i32
        %mul3A_202 = arith.muli %mul3A_201, %while3A_108 : i32
        %add3A_203 = arith.constant 2 : i32
        %add3A_204 = arith.addi %mul3A_202, %add3A_203 : i32
        %add3A_205 = arith.addi %select_n3A, %add3A_204 : i32
        %mul3A_206 = arith.constant 1280 : i32
        %mul3A_207 = arith.muli %add3A_205, %mul3A_206 : i32
        %multiple_of3A_208 = tpu.assume_multiple %mul3A_207, 8 : i32
        %mul3A_209 = arith.constant 10 : i32
        %mul3A_210 = arith.muli %add3A_205, %mul3A_209 : i32
        %dma_start3A_211 = arith.constant 0 : i32
        %dma_start3A_212 = tpu.memref_slice %arg3[%mul3A_210, %dma_start3A_211] : memref<50000x128xi32, #tpu.memory_space<hbm>> -> memref<10x128xi32, #tpu.memory_space<hbm>>
        %dma_start3A_213 = arith.constant 0 : i32
        %dma_start3A_214 = tpu.memref_slice %arg3[%mul3A_210, %dma_start3A_213] : memref<50000x128xi32, #tpu.memory_space<hbm>> -> memref<10x128xi32, #tpu.memory_space<hbm>>
        tpu.enqueue_dma source(%dma_start3A_214 : memref<10x128xi32, #tpu.memory_space<hbm>>) target(%arg9 : memref<10x128xi32, #tpu.memory_space<vmem>>) target_semaphore(%arg21 : memref<!tpu.dma_semaphore, #tpu.memory_space<semaphore_mem>>)
        %dma_start3A_215 = tpu.memref_slice %arg4[%multiple_of3A_208] : memref<6400000xf32, #tpu.memory_space<hbm>> -> memref<1280xf32, #tpu.memory_space<hbm>>
        %dma_start3A_216 = tpu.memref_slice %arg4[%multiple_of3A_208] : memref<6400000xf32, #tpu.memory_space<hbm>> -> memref<1280xf32, #tpu.memory_space<hbm>>
        tpu.enqueue_dma source(%dma_start3A_216 : memref<1280xf32, #tpu.memory_space<hbm>>) target(%arg11 : memref<1280xf32, #tpu.memory_space<vmem>>) target_semaphore(%arg21 : memref<!tpu.dma_semaphore, #tpu.memory_space<semaphore_mem>>)
      } else {
      }
      %scan3A_167 = arith.constant 0 : i32
      %scan3A_168 = arith.constant 0 : i32
      %scan3A_169 = arith.constant 10 : i32
      %scan3A_170 = arith.addi %scan3A_168, %scan3A_169 : i32
      %scan3A_171 = arith.constant 1 : i32
      %scan3A_172 = scf.for %scan3A_201 = %scan3A_168 to %scan3A_170 step %scan3A_171 iter_args(%scan3A_202 = %scan3A_167) -> (i32)  : i32 {
        %mul3A_203 = arith.constant 128 : i32
        %mul3A_204 = arith.muli %scan3A_201, %mul3A_203 : i32
        %dma_wait3A_205 = arith.constant 0 : i32
        %dma_wait3A_206 = arith.constant 0 : i32
        %dma_wait3A_207 = tpu.memref_slice %arg14[%scan3A_201, %dma_wait3A_205, %dma_wait3A_206] : memref<10x128x8xf32, #tpu.memory_space<vmem>> -> memref<1x128x8xf32, #tpu.memory_space<vmem>>
        %dma_wait3A_208 = tpu.memref_squeeze %dma_wait3A_207 : memref<1x128x8xf32, #tpu.memory_space<vmem>> -> memref<128x8xf32, #tpu.memory_space<vmem>>
        %dma_wait3A_209 = tpu.memref_slice %arg8[%mul3A_204] : memref<1280xi32, #tpu.memory_space<vmem>> -> memref<128xi32, #tpu.memory_space<vmem>>
        %dma_wait3A_210 = arith.constant 0 : i32
        %dma_wait3A_211 = arith.constant 0 : i32
        %dma_wait3A_212 = tpu.memref_slice %arg5[%dma_wait3A_210, %dma_wait3A_211] : memref<100000x8xf32, #tpu.memory_space<hbm>> -> memref<100000x8xf32, #tpu.memory_space<hbm>>
        tpu.wait_indirect_dma semaphore(%arg18 : memref<!tpu.dma_semaphore, #tpu.memory_space<semaphore_mem>>) src(%dma_wait3A_212 : memref<100000x8xf32, #tpu.memory_space<hbm>>) dst(%dma_wait3A_208 : memref<128x8xf32, #tpu.memory_space<vmem>>)
        %scan3A_213 = arith.constant 0 : i32
        scf.yield %scan3A_213 : i32
      }
      %scan3A_173 = arith.constant 10 : i32
      %add3A_174 = arith.constant 1 : i32
      %add3A_175 = arith.addi %while3A_108, %add3A_174 : i32
      %lt3A_176 = arith.cmpi slt, %add3A_175, %select_n3A_32 : i32
      %convert_element_type3A_177 = arith.extui %lt3A_176 : i1 to i32
      %cond3A_178 = arith.constant 0 : i32
      %cond3A_179 = arith.cmpi ne, %convert_element_type3A_177, %cond3A_178 : i32
      scf.if %cond3A_179 {
        %mul3A_201 = arith.constant 2 : i32
        %mul3A_202 = arith.muli %mul3A_201, %while3A_108 : i32
        %add3A_203 = arith.constant 2 : i32
        %add3A_204 = arith.addi %mul3A_202, %add3A_203 : i32
        %add3A_205 = arith.addi %select_n3A, %add3A_204 : i32
        %mul3A_206 = arith.constant 1280 : i32
        %mul3A_207 = arith.muli %add3A_205, %mul3A_206 : i32
        %multiple_of3A_208 = tpu.assume_multiple %mul3A_207, 8 : i32
        %dma_wait3A_209 = tpu.memref_slice %arg2[%multiple_of3A_208] : memref<6400000xi32, #tpu.memory_space<hbm>> -> memref<1280xi32, #tpu.memory_space<hbm>>
        %dma_wait3A_210 = tpu.memref_slice %arg2[%multiple_of3A_208] : memref<6400000xi32, #tpu.memory_space<hbm>> -> memref<1280xi32, #tpu.memory_space<hbm>>
        tpu.wait_dma2 semaphore(%arg21 : memref<!tpu.dma_semaphore, #tpu.memory_space<semaphore_mem>>) src(%dma_wait3A_210 : memref<1280xi32, #tpu.memory_space<hbm>>) dst(%arg7 : memref<1280xi32, #tpu.memory_space<vmem>>)
        %mul3A_211 = arith.constant 10 : i32
        %mul3A_212 = arith.muli %add3A_205, %mul3A_211 : i32
        %dma_wait3A_213 = arith.constant 0 : i32
        %dma_wait3A_214 = tpu.memref_slice %arg3[%mul3A_212, %dma_wait3A_213] : memref<50000x128xi32, #tpu.memory_space<hbm>> -> memref<10x128xi32, #tpu.memory_space<hbm>>
        %dma_wait3A_215 = arith.constant 0 : i32
        %dma_wait3A_216 = tpu.memref_slice %arg3[%mul3A_212, %dma_wait3A_215] : memref<50000x128xi32, #tpu.memory_space<hbm>> -> memref<10x128xi32, #tpu.memory_space<hbm>>
        tpu.wait_dma2 semaphore(%arg21 : memref<!tpu.dma_semaphore, #tpu.memory_space<semaphore_mem>>) src(%dma_wait3A_216 : memref<10x128xi32, #tpu.memory_space<hbm>>) dst(%arg9 : memref<10x128xi32, #tpu.memory_space<vmem>>)
        %dma_wait3A_217 = tpu.memref_slice %arg4[%multiple_of3A_208] : memref<6400000xf32, #tpu.memory_space<hbm>> -> memref<1280xf32, #tpu.memory_space<hbm>>
        %dma_wait3A_218 = tpu.memref_slice %arg4[%multiple_of3A_208] : memref<6400000xf32, #tpu.memory_space<hbm>> -> memref<1280xf32, #tpu.memory_space<hbm>>
        tpu.wait_dma2 semaphore(%arg21 : memref<!tpu.dma_semaphore, #tpu.memory_space<semaphore_mem>>) src(%dma_wait3A_218 : memref<1280xf32, #tpu.memory_space<hbm>>) dst(%arg11 : memref<1280xf32, #tpu.memory_space<vmem>>)
        %scan3A_219 = arith.constant 0 : i32
        %scan3A_220 = arith.constant 0 : i32
        %scan3A_221 = arith.constant 10 : i32
        %scan3A_222 = arith.addi %scan3A_220, %scan3A_221 : i32
        %scan3A_223 = arith.constant 1 : i32
        %scan3A_224 = scf.for %scan3A_236 = %scan3A_220 to %scan3A_222 step %scan3A_223 iter_args(%scan3A_237 = %scan3A_219) -> (i32)  : i32 {
          %mul3A_238 = arith.constant 128 : i32
          %mul3A_239 = arith.muli %scan3A_236, %mul3A_238 : i32
          %dma_start3A_240 = arith.constant 0 : i32
          %dma_start3A_241 = arith.constant 0 : i32
          %dma_start3A_242 = tpu.memref_slice %arg13[%scan3A_236, %dma_start3A_240, %dma_start3A_241] : memref<10x128x8xf32, #tpu.memory_space<vmem>> -> memref<1x128x8xf32, #tpu.memory_space<vmem>>
          %dma_start3A_243 = tpu.memref_squeeze %dma_start3A_242 : memref<1x128x8xf32, #tpu.memory_space<vmem>> -> memref<128x8xf32, #tpu.memory_space<vmem>>
          %dma_start3A_244 = tpu.memref_slice %arg7[%mul3A_239] : memref<1280xi32, #tpu.memory_space<vmem>> -> memref<128xi32, #tpu.memory_space<vmem>>
          %dma_start3A_245 = arith.constant 0 : i32
          %dma_start3A_246 = arith.constant 0 : i32
          %dma_start3A_247 = tpu.memref_slice %arg5[%dma_start3A_245, %dma_start3A_246] : memref<100000x8xf32, #tpu.memory_space<hbm>> -> memref<100000x8xf32, #tpu.memory_space<hbm>>
          tpu.enqueue_indirect_dma source(%dma_start3A_247 : memref<100000x8xf32, #tpu.memory_space<hbm>>) target(%dma_start3A_243 : memref<128x8xf32, #tpu.memory_space<vmem>>) offsets(%dma_start3A_244 : memref<128xi32, #tpu.memory_space<vmem>>) semaphore(%arg17 : memref<!tpu.dma_semaphore, #tpu.memory_space<semaphore_mem>>)
          %scan3A_248 = arith.constant 0 : i32
          scf.yield %scan3A_248 : i32
        }
        %scan3A_225 = arith.constant 10 : i32
        %mul3A_226 = arith.constant 2 : i32
        %mul3A_227 = arith.muli %mul3A_226, %while3A_108 : i32
        %add3A_228 = arith.constant 3 : i32
        %add3A_229 = arith.addi %mul3A_227, %add3A_228 : i32
        %add3A_230 = arith.addi %select_n3A, %add3A_229 : i32
        %mul3A_231 = arith.constant 1280 : i32
        %mul3A_232 = arith.muli %add3A_230, %mul3A_231 : i32
        %multiple_of3A_233 = tpu.assume_multiple %mul3A_232, 8 : i32
        %dma_start3A_234 = tpu.memref_slice %arg2[%multiple_of3A_233] : memref<6400000xi32, #tpu.memory_space<hbm>> -> memref<1280xi32, #tpu.memory_space<hbm>>
        %dma_start3A_235 = tpu.memref_slice %arg2[%multiple_of3A_233] : memref<6400000xi32, #tpu.memory_space<hbm>> -> memref<1280xi32, #tpu.memory_space<hbm>>
        tpu.enqueue_dma source(%dma_start3A_235 : memref<1280xi32, #tpu.memory_space<hbm>>) target(%arg8 : memref<1280xi32, #tpu.memory_space<vmem>>) target_semaphore(%arg22 : memref<!tpu.dma_semaphore, #tpu.memory_space<semaphore_mem>>)
      } else {
      }
      %scan3A_180 = arith.constant 0 : i32
      %scan3A_181 = arith.constant 0 : i32
      %scan3A_182 = arith.constant 10 : i32
      %scan3A_183 = arith.addi %scan3A_181, %scan3A_182 : i32
      %scan3A_184 = arith.constant 1 : i32
      %scan3A_185 = scf.for %scan3A_201 = %scan3A_181 to %scan3A_183 step %scan3A_184 iter_args(%scan3A_202 = %scan3A_180) -> (i32)  : i32 {
        %broadcast_in_dim3A_203 = arith.constant 0 : i32
        %broadcast_in_dim3A_204 = vector.broadcast %broadcast_in_dim3A_203 : i32 to vector<16xi32>
        %add3A_205 = vector.broadcast %scan3A_201 : i32 to vector<16xi32>
        %add3A_206 = arith.addi %broadcast_in_dim3A_204, %add3A_205 : vector<16xi32>
        %mul3A_207 = arith.constant 128 : i32
        %mul3A_208 = arith.muli %scan3A_201, %mul3A_207 : i32
        %parallel_loop3A = arith.constant 0 : i32
        %parallel_loop3A_209 = arith.constant 64 : i32
        %parallel_loop3A_210 = arith.constant 1 : i32
        scf.for %parallel_loop3A_222 = %parallel_loop3A to %parallel_loop3A_209 step %parallel_loop3A_210  : i32 {
          %parallel_loop3A_223 = arith.constant 2 : i32
          %parallel_loop3A_224 = arith.muli %parallel_loop3A_223, %parallel_loop3A_222 : i32
          %parallel_loop3A_225 = vector.broadcast %parallel_loop3A_224 : i32 to vector<16xi32>
          %parallel_loop3A_226 = arith.addi %convert_element_type3A, %parallel_loop3A_225 : vector<16xi32>
          %parallel_loop3A_227 = tpu.vector_load_idx %arg14[%add3A_206, %parallel_loop3A_226, %sub3A] : memref<10x128x8xf32, #tpu.memory_space<vmem>>[vector<16xi32>, vector<16xi32>, vector<16xi32>], vector<16xf32>,
          %parallel_loop3A_228 = vector.broadcast %mul3A_208 : i32 to vector<16xi32>
          %parallel_loop3A_229 = arith.addi %parallel_loop3A_228, %parallel_loop3A_226 : vector<16xi32>
          %parallel_loop3A_230 = tpu.vector_load_idx %arg12[%parallel_loop3A_229] : memref<1280xf32, #tpu.memory_space<vmem>>[vector<16xi32>], vector<16xf32>,
          %parallel_loop3A_231 = arith.mulf %parallel_loop3A_227, %parallel_loop3A_230 : vector<16xf32>
          tpu.vector_store_idx %arg14[%add3A_206, %parallel_loop3A_226, %sub3A], %parallel_loop3A_231 : memref<10x128x8xf32, #tpu.memory_space<vmem>>[vector<16xi32>, vector<16xi32>, vector<16xi32>], vector<16xf32>,
        } {sc.loop_unroll_factor = 4 : i64, sc.parallel_access}
        %dma_start3A_211 = arith.constant 0 : i32
        %dma_start3A_212 = arith.constant 0 : i32
        %dma_start3A_213 = tpu.memref_slice %arg14[%scan3A_201, %dma_start3A_211, %dma_start3A_212] : memref<10x128x8xf32, #tpu.memory_space<vmem>> -> memref<1x128x8xf32, #tpu.memory_space<vmem>>
        %dma_start3A_214 = tpu.memref_squeeze %dma_start3A_213 : memref<1x128x8xf32, #tpu.memory_space<vmem>> -> memref<128x8xf32, #tpu.memory_space<vmem>>
        %dma_start3A_215 = arith.constant 0 : i32
        %dma_start3A_216 = tpu.memref_slice %arg10[%scan3A_201, %dma_start3A_215] : memref<10x128xi32, #tpu.memory_space<vmem>> -> memref<1x128xi32, #tpu.memory_space<vmem>>
        %dma_start3A_217 = tpu.memref_squeeze %dma_start3A_216 : memref<1x128xi32, #tpu.memory_space<vmem>> -> memref<128xi32, #tpu.memory_space<vmem>>
        %dma_start3A_218 = arith.constant 0 : i32
        %dma_start3A_219 = arith.constant 0 : i32
        %dma_start3A_220 = tpu.memref_slice %arg16[%dma_start3A_218, %dma_start3A_219] : memref<100096x8xf32, #tpu.memory_space<vmem_shared>> -> memref<100096x8xf32, #tpu.memory_space<vmem_shared>>
        tpu.enqueue_indirect_dma source(%dma_start3A_214 : memref<128x8xf32, #tpu.memory_space<vmem>>) target(%dma_start3A_220 : memref<100096x8xf32, #tpu.memory_space<vmem_shared>>) offsets(%dma_start3A_217 : memref<128xi32, #tpu.memory_space<vmem>>) semaphore(%arg20 : memref<!tpu.dma_semaphore, #tpu.memory_space<semaphore_mem>>) {add = true}
        %scan3A_221 = arith.constant 0 : i32
        scf.yield %scan3A_221 : i32
      }
      %scan3A_186 = arith.constant 10 : i32
      %scan3A_187 = arith.constant 0 : i32
      %scan3A_188 = arith.constant 0 : i32
      %scan3A_189 = arith.constant 10 : i32
      %scan3A_190 = arith.addi %scan3A_188, %scan3A_189 : i32
      %scan3A_191 = arith.constant 1 : i32
      %scan3A_192 = scf.for %scan3A_201 = %scan3A_188 to %scan3A_190 step %scan3A_191 iter_args(%scan3A_202 = %scan3A_187) -> (i32)  : i32 {
        %dma_wait3A_203 = arith.constant 0 : i32
        %dma_wait3A_204 = arith.constant 0 : i32
        %dma_wait3A_205 = tpu.memref_slice %arg14[%scan3A_201, %dma_wait3A_203, %dma_wait3A_204] : memref<10x128x8xf32, #tpu.memory_space<vmem>> -> memref<1x128x8xf32, #tpu.memory_space<vmem>>
        %dma_wait3A_206 = tpu.memref_squeeze %dma_wait3A_205 : memref<1x128x8xf32, #tpu.memory_space<vmem>> -> memref<128x8xf32, #tpu.memory_space<vmem>>
        %dma_wait3A_207 = arith.constant 0 : i32
        %dma_wait3A_208 = tpu.memref_slice %arg10[%scan3A_201, %dma_wait3A_207] : memref<10x128xi32, #tpu.memory_space<vmem>> -> memref<1x128xi32, #tpu.memory_space<vmem>>
        %dma_wait3A_209 = tpu.memref_squeeze %dma_wait3A_208 : memref<1x128xi32, #tpu.memory_space<vmem>> -> memref<128xi32, #tpu.memory_space<vmem>>
        %dma_wait3A_210 = arith.constant 0 : i32
        %dma_wait3A_211 = arith.constant 0 : i32
        %dma_wait3A_212 = tpu.memref_slice %arg16[%dma_wait3A_210, %dma_wait3A_211] : memref<100096x8xf32, #tpu.memory_space<vmem_shared>> -> memref<100096x8xf32, #tpu.memory_space<vmem_shared>>
        tpu.wait_indirect_dma semaphore(%arg20 : memref<!tpu.dma_semaphore, #tpu.memory_space<semaphore_mem>>) src(%dma_wait3A_206 : memref<128x8xf32, #tpu.memory_space<vmem>>) dst(%dma_wait3A_212 : memref<100096x8xf32, #tpu.memory_space<vmem_shared>>)
        %scan3A_213 = arith.constant 0 : i32
        scf.yield %scan3A_213 : i32
      }
      %scan3A_193 = arith.constant 10 : i32
      %add3A_194 = arith.constant 1 : i32
      %add3A_195 = arith.addi %while3A_108, %add3A_194 : i32
      %lt3A_196 = arith.cmpi slt, %add3A_195, %select_n3A_32 : i32
      %convert_element_type3A_197 = arith.extui %lt3A_196 : i1 to i32
      %cond3A_198 = arith.constant 0 : i32
      %cond3A_199 = arith.cmpi ne, %convert_element_type3A_197, %cond3A_198 : i32
      scf.if %cond3A_199 {
        %mul3A_201 = arith.constant 2 : i32
        %mul3A_202 = arith.muli %mul3A_201, %while3A_108 : i32
        %add3A_203 = arith.constant 3 : i32
        %add3A_204 = arith.addi %mul3A_202, %add3A_203 : i32
        %add3A_205 = arith.addi %select_n3A, %add3A_204 : i32
        %mul3A_206 = arith.constant 1280 : i32
        %mul3A_207 = arith.muli %add3A_205, %mul3A_206 : i32
        %multiple_of3A_208 = tpu.assume_multiple %mul3A_207, 8 : i32
        %mul3A_209 = arith.constant 10 : i32
        %mul3A_210 = arith.muli %add3A_205, %mul3A_209 : i32
        %dma_start3A_211 = arith.constant 0 : i32
        %dma_start3A_212 = tpu.memref_slice %arg3[%mul3A_210, %dma_start3A_211] : memref<50000x128xi32, #tpu.memory_space<hbm>> -> memref<10x128xi32, #tpu.memory_space<hbm>>
        %dma_start3A_213 = arith.constant 0 : i32
        %dma_start3A_214 = tpu.memref_slice %arg3[%mul3A_210, %dma_start3A_213] : memref<50000x128xi32, #tpu.memory_space<hbm>> -> memref<10x128xi32, #tpu.memory_space<hbm>>
        tpu.enqueue_dma source(%dma_start3A_214 : memref<10x128xi32, #tpu.memory_space<hbm>>) target(%arg10 : memref<10x128xi32, #tpu.memory_space<vmem>>) target_semaphore(%arg22 : memref<!tpu.dma_semaphore, #tpu.memory_space<semaphore_mem>>)
        %dma_start3A_215 = tpu.memref_slice %arg4[%multiple_of3A_208] : memref<6400000xf32, #tpu.memory_space<hbm>> -> memref<1280xf32, #tpu.memory_space<hbm>>
        %dma_start3A_216 = tpu.memref_slice %arg4[%multiple_of3A_208] : memref<6400000xf32, #tpu.memory_space<hbm>> -> memref<1280xf32, #tpu.memory_space<hbm>>
        tpu.enqueue_dma source(%dma_start3A_216 : memref<1280xf32, #tpu.memory_space<hbm>>) target(%arg12 : memref<1280xf32, #tpu.memory_space<vmem>>) target_semaphore(%arg22 : memref<!tpu.dma_semaphore, #tpu.memory_space<semaphore_mem>>)
      } else {
      }
      %while3A_200 = arith.constant 0 : i32
      scf.yield %while3A_200 : i32
    }
    %while3A_101 = arith.constant 1 : i32
    %while3A_102 = scf.for %while3A_108 = %while3A_98 to %while3A_94 step %while3A_101 iter_args(%while3A_109 = %while3A_100) -> (i32)  : i32 {
      %scan3A_110 = arith.constant 0 : i32
      %scan3A_111 = arith.constant 0 : i32
      %scan3A_112 = arith.constant 10 : i32
      %scan3A_113 = arith.addi %scan3A_111, %scan3A_112 : i32
      %scan3A_114 = arith.constant 1 : i32
      %scan3A_115 = scf.for %scan3A_201 = %scan3A_111 to %scan3A_113 step %scan3A_114 iter_args(%scan3A_202 = %scan3A_110) -> (i32)  : i32 {
        %mul3A_203 = arith.constant 128 : i32
        %mul3A_204 = arith.muli %scan3A_201, %mul3A_203 : i32
        %dma_wait3A_205 = arith.constant 0 : i32
        %dma_wait3A_206 = arith.constant 0 : i32
        %dma_wait3A_207 = tpu.memref_slice %arg13[%scan3A_201, %dma_wait3A_205, %dma_wait3A_206] : memref<10x128x8xf32, #tpu.memory_space<vmem>> -> memref<1x128x8xf32, #tpu.memory_space<vmem>>
        %dma_wait3A_208 = tpu.memref_squeeze %dma_wait3A_207 : memref<1x128x8xf32, #tpu.memory_space<vmem>> -> memref<128x8xf32, #tpu.memory_space<vmem>>
        %dma_wait3A_209 = tpu.memref_slice %arg7[%mul3A_204] : memref<1280xi32, #tpu.memory_space<vmem>> -> memref<128xi32, #tpu.memory_space<vmem>>
        %dma_wait3A_210 = arith.constant 0 : i32
        %dma_wait3A_211 = arith.constant 0 : i32
        %dma_wait3A_212 = tpu.memref_slice %arg5[%dma_wait3A_210, %dma_wait3A_211] : memref<100000x8xf32, #tpu.memory_space<hbm>> -> memref<100000x8xf32, #tpu.memory_space<hbm>>
        tpu.wait_indirect_dma semaphore(%arg17 : memref<!tpu.dma_semaphore, #tpu.memory_space<semaphore_mem>>) src(%dma_wait3A_212 : memref<100000x8xf32, #tpu.memory_space<hbm>>) dst(%dma_wait3A_208 : memref<128x8xf32, #tpu.memory_space<vmem>>)
        %scan3A_213 = arith.constant 0 : i32
        scf.yield %scan3A_213 : i32
      }
      %scan3A_116 = arith.constant 10 : i32
      %mul3A_117 = arith.constant 2 : i32
      %mul3A_118 = arith.muli %mul3A_117, %while3A_108 : i32
      %add3A_119 = arith.constant 1 : i32
      %add3A_120 = arith.addi %mul3A_118, %add3A_119 : i32
      %add3A_121 = arith.addi %select_n3A, %add3A_120 : i32
      %mul3A_122 = arith.constant 1280 : i32
      %mul3A_123 = arith.muli %add3A_121, %mul3A_122 : i32
      %multiple_of3A_124 = tpu.assume_multiple %mul3A_123, 8 : i32
      %dma_wait3A_125 = tpu.memref_slice %arg2[%multiple_of3A_124] : memref<6400000xi32, #tpu.memory_space<hbm>> -> memref<1280xi32, #tpu.memory_space<hbm>>
      %dma_wait3A_126 = tpu.memref_slice %arg2[%multiple_of3A_124] : memref<6400000xi32, #tpu.memory_space<hbm>> -> memref<1280xi32, #tpu.memory_space<hbm>>
      tpu.wait_dma2 semaphore(%arg22 : memref<!tpu.dma_semaphore, #tpu.memory_space<semaphore_mem>>) src(%dma_wait3A_126 : memref<1280xi32, #tpu.memory_space<hbm>>) dst(%arg8 : memref<1280xi32, #tpu.memory_space<vmem>>)
      %mul3A_127 = arith.constant 10 : i32
      %mul3A_128 = arith.muli %add3A_121, %mul3A_127 : i32
      %dma_wait3A_129 = arith.constant 0 : i32
      %dma_wait3A_130 = tpu.memref_slice %arg3[%mul3A_128, %dma_wait3A_129] : memref<50000x128xi32, #tpu.memory_space<hbm>> -> memref<10x128xi32, #tpu.memory_space<hbm>>
      %dma_wait3A_131 = arith.constant 0 : i32
      %dma_wait3A_132 = tpu.memref_slice %arg3[%mul3A_128, %dma_wait3A_131] : memref<50000x128xi32, #tpu.memory_space<hbm>> -> memref<10x128xi32, #tpu.memory_space<hbm>>
      tpu.wait_dma2 semaphore(%arg22 : memref<!tpu.dma_semaphore, #tpu.memory_space<semaphore_mem>>) src(%dma_wait3A_132 : memref<10x128xi32, #tpu.memory_space<hbm>>) dst(%arg10 : memref<10x128xi32, #tpu.memory_space<vmem>>)
      %dma_wait3A_133 = tpu.memref_slice %arg4[%multiple_of3A_124] : memref<6400000xf32, #tpu.memory_space<hbm>> -> memref<1280xf32, #tpu.memory_space<hbm>>
      %dma_wait3A_134 = tpu.memref_slice %arg4[%multiple_of3A_124] : memref<6400000xf32, #tpu.memory_space<hbm>> -> memref<1280xf32, #tpu.memory_space<hbm>>
      tpu.wait_dma2 semaphore(%arg22 : memref<!tpu.dma_semaphore, #tpu.memory_space<semaphore_mem>>) src(%dma_wait3A_134 : memref<1280xf32, #tpu.memory_space<hbm>>) dst(%arg12 : memref<1280xf32, #tpu.memory_space<vmem>>)
      %scan3A_135 = arith.constant 0 : i32
      %scan3A_136 = arith.constant 0 : i32
      %scan3A_137 = arith.constant 10 : i32
      %scan3A_138 = arith.addi %scan3A_136, %scan3A_137 : i32
      %scan3A_139 = arith.constant 1 : i32
      %scan3A_140 = scf.for %scan3A_201 = %scan3A_136 to %scan3A_138 step %scan3A_139 iter_args(%scan3A_202 = %scan3A_135) -> (i32)  : i32 {
        %mul3A_203 = arith.constant 128 : i32
        %mul3A_204 = arith.muli %scan3A_201, %mul3A_203 : i32
        %dma_start3A_205 = arith.constant 0 : i32
        %dma_start3A_206 = arith.constant 0 : i32
        %dma_start3A_207 = tpu.memref_slice %arg14[%scan3A_201, %dma_start3A_205, %dma_start3A_206] : memref<10x128x8xf32, #tpu.memory_space<vmem>> -> memref<1x128x8xf32, #tpu.memory_space<vmem>>
        %dma_start3A_208 = tpu.memref_squeeze %dma_start3A_207 : memref<1x128x8xf32, #tpu.memory_space<vmem>> -> memref<128x8xf32, #tpu.memory_space<vmem>>
        %dma_start3A_209 = tpu.memref_slice %arg8[%mul3A_204] : memref<1280xi32, #tpu.memory_space<vmem>> -> memref<128xi32, #tpu.memory_space<vmem>>
        %dma_start3A_210 = arith.constant 0 : i32
        %dma_start3A_211 = arith.constant 0 : i32
        %dma_start3A_212 = tpu.memref_slice %arg5[%dma_start3A_210, %dma_start3A_211] : memref<100000x8xf32, #tpu.memory_space<hbm>> -> memref<100000x8xf32, #tpu.memory_space<hbm>>
        tpu.enqueue_indirect_dma source(%dma_start3A_212 : memref<100000x8xf32, #tpu.memory_space<hbm>>) target(%dma_start3A_208 : memref<128x8xf32, #tpu.memory_space<vmem>>) offsets(%dma_start3A_209 : memref<128xi32, #tpu.memory_space<vmem>>) semaphore(%arg18 : memref<!tpu.dma_semaphore, #tpu.memory_space<semaphore_mem>>)
        %scan3A_213 = arith.constant 0 : i32
        scf.yield %scan3A_213 : i32
      }
      %scan3A_141 = arith.constant 10 : i32
      %add3A_142 = arith.constant 1 : i32
      %add3A_143 = arith.addi %while3A_108, %add3A_142 : i32
      %lt3A_144 = arith.cmpi slt, %add3A_143, %select_n3A_32 : i32
      %convert_element_type3A_145 = arith.extui %lt3A_144 : i1 to i32
      %cond3A = arith.constant 0 : i32
      %cond3A_146 = arith.cmpi ne, %convert_element_type3A_145, %cond3A : i32
      scf.if %cond3A_146 {
        %mul3A_201 = arith.constant 2 : i32
        %mul3A_202 = arith.muli %mul3A_201, %while3A_108 : i32
        %add3A_203 = arith.constant 2 : i32
        %add3A_204 = arith.addi %mul3A_202, %add3A_203 : i32
        %add3A_205 = arith.addi %select_n3A, %add3A_204 : i32
        %mul3A_206 = arith.constant 1280 : i32
        %mul3A_207 = arith.muli %add3A_205, %mul3A_206 : i32
        %multiple_of3A_208 = tpu.assume_multiple %mul3A_207, 8 : i32
        %dma_start3A_209 = tpu.memref_slice %arg2[%multiple_of3A_208] : memref<6400000xi32, #tpu.memory_space<hbm>> -> memref<1280xi32, #tpu.memory_space<hbm>>
        %dma_start3A_210 = tpu.memref_slice %arg2[%multiple_of3A_208] : memref<6400000xi32, #tpu.memory_space<hbm>> -> memref<1280xi32, #tpu.memory_space<hbm>>
        tpu.enqueue_dma source(%dma_start3A_210 : memref<1280xi32, #tpu.memory_space<hbm>>) target(%arg7 : memref<1280xi32, #tpu.memory_space<vmem>>) target_semaphore(%arg21 : memref<!tpu.dma_semaphore, #tpu.memory_space<semaphore_mem>>)
      } else {
      }
      %scan3A_147 = arith.constant 0 : i32
      %scan3A_148 = arith.constant 0 : i32
      %scan3A_149 = arith.constant 10 : i32
      %scan3A_150 = arith.addi %scan3A_148, %scan3A_149 : i32
      %scan3A_151 = arith.constant 1 : i32
      %scan3A_152 = scf.for %scan3A_201 = %scan3A_148 to %scan3A_150 step %scan3A_151 iter_args(%scan3A_202 = %scan3A_147) -> (i32)  : i32 {
        %broadcast_in_dim3A_203 = arith.constant 0 : i32
        %broadcast_in_dim3A_204 = vector.broadcast %broadcast_in_dim3A_203 : i32 to vector<16xi32>
        %add3A_205 = vector.broadcast %scan3A_201 : i32 to vector<16xi32>
        %add3A_206 = arith.addi %broadcast_in_dim3A_204, %add3A_205 : vector<16xi32>
        %mul3A_207 = arith.constant 128 : i32
        %mul3A_208 = arith.muli %scan3A_201, %mul3A_207 : i32
        %parallel_loop3A = arith.constant 0 : i32
        %parallel_loop3A_209 = arith.constant 64 : i32
        %parallel_loop3A_210 = arith.constant 1 : i32
        scf.for %parallel_loop3A_222 = %parallel_loop3A to %parallel_loop3A_209 step %parallel_loop3A_210  : i32 {
          %parallel_loop3A_223 = arith.constant 2 : i32
          %parallel_loop3A_224 = arith.muli %parallel_loop3A_223, %parallel_loop3A_222 : i32
          %parallel_loop3A_225 = vector.broadcast %parallel_loop3A_224 : i32 to vector<16xi32>
          %parallel_loop3A_226 = arith.addi %convert_element_type3A, %parallel_loop3A_225 : vector<16xi32>
          %parallel_loop3A_227 = tpu.vector_load_idx %arg13[%add3A_206, %parallel_loop3A_226, %sub3A] : memref<10x128x8xf32, #tpu.memory_space<vmem>>[vector<16xi32>, vector<16xi32>, vector<16xi32>], vector<16xf32>,
          %parallel_loop3A_228 = vector.broadcast %mul3A_208 : i32 to vector<16xi32>
          %parallel_loop3A_229 = arith.addi %parallel_loop3A_228, %parallel_loop3A_226 : vector<16xi32>
          %parallel_loop3A_230 = tpu.vector_load_idx %arg11[%parallel_loop3A_229] : memref<1280xf32, #tpu.memory_space<vmem>>[vector<16xi32>], vector<16xf32>,
          %parallel_loop3A_231 = arith.mulf %parallel_loop3A_227, %parallel_loop3A_230 : vector<16xf32>
          tpu.vector_store_idx %arg13[%add3A_206, %parallel_loop3A_226, %sub3A], %parallel_loop3A_231 : memref<10x128x8xf32, #tpu.memory_space<vmem>>[vector<16xi32>, vector<16xi32>, vector<16xi32>], vector<16xf32>,
        } {sc.loop_unroll_factor = 4 : i64, sc.parallel_access}
        %dma_start3A_211 = arith.constant 0 : i32
        %dma_start3A_212 = arith.constant 0 : i32
        %dma_start3A_213 = tpu.memref_slice %arg13[%scan3A_201, %dma_start3A_211, %dma_start3A_212] : memref<10x128x8xf32, #tpu.memory_space<vmem>> -> memref<1x128x8xf32, #tpu.memory_space<vmem>>
        %dma_start3A_214 = tpu.memref_squeeze %dma_start3A_213 : memref<1x128x8xf32, #tpu.memory_space<vmem>> -> memref<128x8xf32, #tpu.memory_space<vmem>>
        %dma_start3A_215 = arith.constant 0 : i32
        %dma_start3A_216 = tpu.memref_slice %arg9[%scan3A_201, %dma_start3A_215] : memref<10x128xi32, #tpu.memory_space<vmem>> -> memref<1x128xi32, #tpu.memory_space<vmem>>
        %dma_start3A_217 = tpu.memref_squeeze %dma_start3A_216 : memref<1x128xi32, #tpu.memory_space<vmem>> -> memref<128xi32, #tpu.memory_space<vmem>>
        %dma_start3A_218 = arith.constant 0 : i32
        %dma_start3A_219 = arith.constant 0 : i32
        %dma_start3A_220 = tpu.memref_slice %arg16[%dma_start3A_218, %dma_start3A_219] : memref<100096x8xf32, #tpu.memory_space<vmem_shared>> -> memref<100096x8xf32, #tpu.memory_space<vmem_shared>>
        tpu.enqueue_indirect_dma source(%dma_start3A_214 : memref<128x8xf32, #tpu.memory_space<vmem>>) target(%dma_start3A_220 : memref<100096x8xf32, #tpu.memory_space<vmem_shared>>) offsets(%dma_start3A_217 : memref<128xi32, #tpu.memory_space<vmem>>) semaphore(%arg19 : memref<!tpu.dma_semaphore, #tpu.memory_space<semaphore_mem>>) {add = true}
        %scan3A_221 = arith.constant 0 : i32
        scf.yield %scan3A_221 : i32
      }
      %scan3A_153 = arith.constant 10 : i32
      %scan3A_154 = arith.constant 0 : i32
      %scan3A_155 = arith.constant 0 : i32
      %scan3A_156 = arith.constant 10 : i32
      %scan3A_157 = arith.addi %scan3A_155, %scan3A_156 : i32
      %scan3A_158 = arith.constant 1 : i32
      %scan3A_159 = scf.for %scan3A_201 = %scan3A_155 to %scan3A_157 step %scan3A_158 iter_args(%scan3A_202 = %scan3A_154) -> (i32)  : i32 {
        %dma_wait3A_203 = arith.constant 0 : i32
        %dma_wait3A_204 = arith.constant 0 : i32
        %dma_wait3A_205 = tpu.memref_slice %arg13[%scan3A_201, %dma_wait3A_203, %dma_wait3A_204] : memref<10x128x8xf32, #tpu.memory_space<vmem>> -> memref<1x128x8xf32, #tpu.memory_space<vmem>>
        %dma_wait3A_206 = tpu.memref_squeeze %dma_wait3A_205 : memref<1x128x8xf32, #tpu.memory_space<vmem>> -> memref<128x8xf32, #tpu.memory_space<vmem>>
        %dma_wait3A_207 = arith.constant 0 : i32
        %dma_wait3A_208 = tpu.memref_slice %arg9[%scan3A_201, %dma_wait3A_207] : memref<10x128xi32, #tpu.memory_space<vmem>> -> memref<1x128xi32, #tpu.memory_space<vmem>>
        %dma_wait3A_209 = tpu.memref_squeeze %dma_wait3A_208 : memref<1x128xi32, #tpu.memory_space<vmem>> -> memref<128xi32, #tpu.memory_space<vmem>>
        %dma_wait3A_210 = arith.constant 0 : i32
        %dma_wait3A_211 = arith.constant 0 : i32
        %dma_wait3A_212 = tpu.memref_slice %arg16[%dma_wait3A_210, %dma_wait3A_211] : memref<100096x8xf32, #tpu.memory_space<vmem_shared>> -> memref<100096x8xf32, #tpu.memory_space<vmem_shared>>
        tpu.wait_indirect_dma semaphore(%arg19 : memref<!tpu.dma_semaphore, #tpu.memory_space<semaphore_mem>>) src(%dma_wait3A_206 : memref<128x8xf32, #tpu.memory_space<vmem>>) dst(%dma_wait3A_212 : memref<100096x8xf32, #tpu.memory_space<vmem_shared>>)
        %scan3A_213 = arith.constant 0 : i32
        scf.yield %scan3A_213 : i32
      }
      %scan3A_160 = arith.constant 10 : i32
      %add3A_161 = arith.constant 1 : i32
      %add3A_162 = arith.addi %while3A_108, %add3A_161 : i32
      %lt3A_163 = arith.cmpi slt, %add3A_162, %select_n3A_32 : i32
      %convert_element_type3A_164 = arith.extui %lt3A_163 : i1 to i32
      %cond3A_165 = arith.constant 0 : i32
      %cond3A_166 = arith.cmpi ne, %convert_element_type3A_164, %cond3A_165 : i32
      scf.if %cond3A_166 {
        %mul3A_201 = arith.constant 2 : i32
        %mul3A_202 = arith.muli %mul3A_201, %while3A_108 : i32
        %add3A_203 = arith.constant 2 : i32
        %add3A_204 = arith.addi %mul3A_202, %add3A_203 : i32
        %add3A_205 = arith.addi %select_n3A, %add3A_204 : i32
        %mul3A_206 = arith.constant 1280 : i32
        %mul3A_207 = arith.muli %add3A_205, %mul3A_206 : i32
        %multiple_of3A_208 = tpu.assume_multiple %mul3A_207, 8 : i32
        %mul3A_209 = arith.constant 10 : i32
        %mul3A_210 = arith.muli %add3A_205, %mul3A_209 : i32
        %dma_start3A_211 = arith.constant 0 : i32
        %dma_start3A_212 = tpu.memref_slice %arg3[%mul3A_210, %dma_start3A_211] : memref<50000x128xi32, #tpu.memory_space<hbm>> -> memref<10x128xi32, #tpu.memory_space<hbm>>
        %dma_start3A_213 = arith.constant 0 : i32
        %dma_start3A_214 = tpu.memref_slice %arg3[%mul3A_210, %dma_start3A_213] : memref<50000x128xi32, #tpu.memory_space<hbm>> -> memref<10x128xi32, #tpu.memory_space<hbm>>
        tpu.enqueue_dma source(%dma_start3A_214 : memref<10x128xi32, #tpu.memory_space<hbm>>) target(%arg9 : memref<10x128xi32, #tpu.memory_space<vmem>>) target_semaphore(%arg21 : memref<!tpu.dma_semaphore, #tpu.memory_space<semaphore_mem>>)
        %dma_start3A_215 = tpu.memref_slice %arg4[%multiple_of3A_208] : memref<6400000xf32, #tpu.memory_space<hbm>> -> memref<1280xf32, #tpu.memory_space<hbm>>
        %dma_start3A_216 = tpu.memref_slice %arg4[%multiple_of3A_208] : memref<6400000xf32, #tpu.memory_space<hbm>> -> memref<1280xf32, #tpu.memory_space<hbm>>
        tpu.enqueue_dma source(%dma_start3A_216 : memref<1280xf32, #tpu.memory_space<hbm>>) target(%arg11 : memref<1280xf32, #tpu.memory_space<vmem>>) target_semaphore(%arg21 : memref<!tpu.dma_semaphore, #tpu.memory_space<semaphore_mem>>)
      } else {
      }
      %scan3A_167 = arith.constant 0 : i32
      %scan3A_168 = arith.constant 0 : i32
      %scan3A_169 = arith.constant 10 : i32
      %scan3A_170 = arith.addi %scan3A_168, %scan3A_169 : i32
      %scan3A_171 = arith.constant 1 : i32
      %scan3A_172 = scf.for %scan3A_201 = %scan3A_168 to %scan3A_170 step %scan3A_171 iter_args(%scan3A_202 = %scan3A_167) -> (i32)  : i32 {
        %mul3A_203 = arith.constant 128 : i32
        %mul3A_204 = arith.muli %scan3A_201, %mul3A_203 : i32
        %dma_wait3A_205 = arith.constant 0 : i32
        %dma_wait3A_206 = arith.constant 0 : i32
        %dma_wait3A_207 = tpu.memref_slice %arg14[%scan3A_201, %dma_wait3A_205, %dma_wait3A_206] : memref<10x128x8xf32, #tpu.memory_space<vmem>> -> memref<1x128x8xf32, #tpu.memory_space<vmem>>
        %dma_wait3A_208 = tpu.memref_squeeze %dma_wait3A_207 : memref<1x128x8xf32, #tpu.memory_space<vmem>> -> memref<128x8xf32, #tpu.memory_space<vmem>>
        %dma_wait3A_209 = tpu.memref_slice %arg8[%mul3A_204] : memref<1280xi32, #tpu.memory_space<vmem>> -> memref<128xi32, #tpu.memory_space<vmem>>
        %dma_wait3A_210 = arith.constant 0 : i32
        %dma_wait3A_211 = arith.constant 0 : i32
        %dma_wait3A_212 = tpu.memref_slice %arg5[%dma_wait3A_210, %dma_wait3A_211] : memref<100000x8xf32, #tpu.memory_space<hbm>> -> memref<100000x8xf32, #tpu.memory_space<hbm>>
        tpu.wait_indirect_dma semaphore(%arg18 : memref<!tpu.dma_semaphore, #tpu.memory_space<semaphore_mem>>) src(%dma_wait3A_212 : memref<100000x8xf32, #tpu.memory_space<hbm>>) dst(%dma_wait3A_208 : memref<128x8xf32, #tpu.memory_space<vmem>>)
        %scan3A_213 = arith.constant 0 : i32
        scf.yield %scan3A_213 : i32
      }
      %scan3A_173 = arith.constant 10 : i32
      %add3A_174 = arith.constant 1 : i32
      %add3A_175 = arith.addi %while3A_108, %add3A_174 : i32
      %lt3A_176 = arith.cmpi slt, %add3A_175, %select_n3A_32 : i32
      %convert_element_type3A_177 = arith.extui %lt3A_176 : i1 to i32
      %cond3A_178 = arith.constant 0 : i32
      %cond3A_179 = arith.cmpi ne, %convert_element_type3A_177, %cond3A_178 : i32
      scf.if %cond3A_179 {
        %mul3A_201 = arith.constant 2 : i32
        %mul3A_202 = arith.muli %mul3A_201, %while3A_108 : i32
        %add3A_203 = arith.constant 2 : i32
        %add3A_204 = arith.addi %mul3A_202, %add3A_203 : i32
        %add3A_205 = arith.addi %select_n3A, %add3A_204 : i32
        %mul3A_206 = arith.constant 1280 : i32
        %mul3A_207 = arith.muli %add3A_205, %mul3A_206 : i32
        %multiple_of3A_208 = tpu.assume_multiple %mul3A_207, 8 : i32
        %dma_wait3A_209 = tpu.memref_slice %arg2[%multiple_of3A_208] : memref<6400000xi32, #tpu.memory_space<hbm>> -> memref<1280xi32, #tpu.memory_space<hbm>>
        %dma_wait3A_210 = tpu.memref_slice %arg2[%multiple_of3A_208] : memref<6400000xi32, #tpu.memory_space<hbm>> -> memref<1280xi32, #tpu.memory_space<hbm>>
        tpu.wait_dma2 semaphore(%arg21 : memref<!tpu.dma_semaphore, #tpu.memory_space<semaphore_mem>>) src(%dma_wait3A_210 : memref<1280xi32, #tpu.memory_space<hbm>>) dst(%arg7 : memref<1280xi32, #tpu.memory_space<vmem>>)
        %mul3A_211 = arith.constant 10 : i32
        %mul3A_212 = arith.muli %add3A_205, %mul3A_211 : i32
        %dma_wait3A_213 = arith.constant 0 : i32
        %dma_wait3A_214 = tpu.memref_slice %arg3[%mul3A_212, %dma_wait3A_213] : memref<50000x128xi32, #tpu.memory_space<hbm>> -> memref<10x128xi32, #tpu.memory_space<hbm>>
        %dma_wait3A_215 = arith.constant 0 : i32
        %dma_wait3A_216 = tpu.memref_slice %arg3[%mul3A_212, %dma_wait3A_215] : memref<50000x128xi32, #tpu.memory_space<hbm>> -> memref<10x128xi32, #tpu.memory_space<hbm>>
        tpu.wait_dma2 semaphore(%arg21 : memref<!tpu.dma_semaphore, #tpu.memory_space<semaphore_mem>>) src(%dma_wait3A_216 : memref<10x128xi32, #tpu.memory_space<hbm>>) dst(%arg9 : memref<10x128xi32, #tpu.memory_space<vmem>>)
        %dma_wait3A_217 = tpu.memref_slice %arg4[%multiple_of3A_208] : memref<6400000xf32, #tpu.memory_space<hbm>> -> memref<1280xf32, #tpu.memory_space<hbm>>
        %dma_wait3A_218 = tpu.memref_slice %arg4[%multiple_of3A_208] : memref<6400000xf32, #tpu.memory_space<hbm>> -> memref<1280xf32, #tpu.memory_space<hbm>>
        tpu.wait_dma2 semaphore(%arg21 : memref<!tpu.dma_semaphore, #tpu.memory_space<semaphore_mem>>) src(%dma_wait3A_218 : memref<1280xf32, #tpu.memory_space<hbm>>) dst(%arg11 : memref<1280xf32, #tpu.memory_space<vmem>>)
        %scan3A_219 = arith.constant 0 : i32
        %scan3A_220 = arith.constant 0 : i32
        %scan3A_221 = arith.constant 10 : i32
        %scan3A_222 = arith.addi %scan3A_220, %scan3A_221 : i32
        %scan3A_223 = arith.constant 1 : i32
        %scan3A_224 = scf.for %scan3A_236 = %scan3A_220 to %scan3A_222 step %scan3A_223 iter_args(%scan3A_237 = %scan3A_219) -> (i32)  : i32 {
          %mul3A_238 = arith.constant 128 : i32
          %mul3A_239 = arith.muli %scan3A_236, %mul3A_238 : i32
          %dma_start3A_240 = arith.constant 0 : i32
          %dma_start3A_241 = arith.constant 0 : i32
          %dma_start3A_242 = tpu.memref_slice %arg13[%scan3A_236, %dma_start3A_240, %dma_start3A_241] : memref<10x128x8xf32, #tpu.memory_space<vmem>> -> memref<1x128x8xf32, #tpu.memory_space<vmem>>
          %dma_start3A_243 = tpu.memref_squeeze %dma_start3A_242 : memref<1x128x8xf32, #tpu.memory_space<vmem>> -> memref<128x8xf32, #tpu.memory_space<vmem>>
          %dma_start3A_244 = tpu.memref_slice %arg7[%mul3A_239] : memref<1280xi32, #tpu.memory_space<vmem>> -> memref<128xi32, #tpu.memory_space<vmem>>
          %dma_start3A_245 = arith.constant 0 : i32
          %dma_start3A_246 = arith.constant 0 : i32
          %dma_start3A_247 = tpu.memref_slice %arg5[%dma_start3A_245, %dma_start3A_246] : memref<100000x8xf32, #tpu.memory_space<hbm>> -> memref<100000x8xf32, #tpu.memory_space<hbm>>
          tpu.enqueue_indirect_dma source(%dma_start3A_247 : memref<100000x8xf32, #tpu.memory_space<hbm>>) target(%dma_start3A_243 : memref<128x8xf32, #tpu.memory_space<vmem>>) offsets(%dma_start3A_244 : memref<128xi32, #tpu.memory_space<vmem>>) semaphore(%arg17 : memref<!tpu.dma_semaphore, #tpu.memory_space<semaphore_mem>>)
          %scan3A_248 = arith.constant 0 : i32
          scf.yield %scan3A_248 : i32
        }
        %scan3A_225 = arith.constant 10 : i32
        %mul3A_226 = arith.constant 2 : i32
        %mul3A_227 = arith.muli %mul3A_226, %while3A_108 : i32
        %add3A_228 = arith.constant 3 : i32
        %add3A_229 = arith.addi %mul3A_227, %add3A_228 : i32
        %add3A_230 = arith.addi %select_n3A, %add3A_229 : i32
        %mul3A_231 = arith.constant 1280 : i32
        %mul3A_232 = arith.muli %add3A_230, %mul3A_231 : i32
        %multiple_of3A_233 = tpu.assume_multiple %mul3A_232, 8 : i32
        %dma_start3A_234 = tpu.memref_slice %arg2[%multiple_of3A_233] : memref<6400000xi32, #tpu.memory_space<hbm>> -> memref<1280xi32, #tpu.memory_space<hbm>>
        %dma_start3A_235 = tpu.memref_slice %arg2[%multiple_of3A_233] : memref<6400000xi32, #tpu.memory_space<hbm>> -> memref<1280xi32, #tpu.memory_space<hbm>>
        tpu.enqueue_dma source(%dma_start3A_235 : memref<1280xi32, #tpu.memory_space<hbm>>) target(%arg8 : memref<1280xi32, #tpu.memory_space<vmem>>) target_semaphore(%arg22 : memref<!tpu.dma_semaphore, #tpu.memory_space<semaphore_mem>>)
      } else {
      }
      %scan3A_180 = arith.constant 0 : i32
      %scan3A_181 = arith.constant 0 : i32
      %scan3A_182 = arith.constant 10 : i32
      %scan3A_183 = arith.addi %scan3A_181, %scan3A_182 : i32
      %scan3A_184 = arith.constant 1 : i32
      %scan3A_185 = scf.for %scan3A_201 = %scan3A_181 to %scan3A_183 step %scan3A_184 iter_args(%scan3A_202 = %scan3A_180) -> (i32)  : i32 {
        %broadcast_in_dim3A_203 = arith.constant 0 : i32
        %broadcast_in_dim3A_204 = vector.broadcast %broadcast_in_dim3A_203 : i32 to vector<16xi32>
        %add3A_205 = vector.broadcast %scan3A_201 : i32 to vector<16xi32>
        %add3A_206 = arith.addi %broadcast_in_dim3A_204, %add3A_205 : vector<16xi32>
        %mul3A_207 = arith.constant 128 : i32
        %mul3A_208 = arith.muli %scan3A_201, %mul3A_207 : i32
        %parallel_loop3A = arith.constant 0 : i32
        %parallel_loop3A_209 = arith.constant 64 : i32
        %parallel_loop3A_210 = arith.constant 1 : i32
        scf.for %parallel_loop3A_222 = %parallel_loop3A to %parallel_loop3A_209 step %parallel_loop3A_210  : i32 {
          %parallel_loop3A_223 = arith.constant 2 : i32
          %parallel_loop3A_224 = arith.muli %parallel_loop3A_223, %parallel_loop3A_222 : i32
          %parallel_loop3A_225 = vector.broadcast %parallel_loop3A_224 : i32 to vector<16xi32>
          %parallel_loop3A_226 = arith.addi %convert_element_type3A, %parallel_loop3A_225 : vector<16xi32>
          %parallel_loop3A_227 = tpu.vector_load_idx %arg14[%add3A_206, %parallel_loop3A_226, %sub3A] : memref<10x128x8xf32, #tpu.memory_space<vmem>>[vector<16xi32>, vector<16xi32>, vector<16xi32>], vector<16xf32>,
          %parallel_loop3A_228 = vector.broadcast %mul3A_208 : i32 to vector<16xi32>
          %parallel_loop3A_229 = arith.addi %parallel_loop3A_228, %parallel_loop3A_226 : vector<16xi32>
          %parallel_loop3A_230 = tpu.vector_load_idx %arg12[%parallel_loop3A_229] : memref<1280xf32, #tpu.memory_space<vmem>>[vector<16xi32>], vector<16xf32>,
          %parallel_loop3A_231 = arith.mulf %parallel_loop3A_227, %parallel_loop3A_230 : vector<16xf32>
          tpu.vector_store_idx %arg14[%add3A_206, %parallel_loop3A_226, %sub3A], %parallel_loop3A_231 : memref<10x128x8xf32, #tpu.memory_space<vmem>>[vector<16xi32>, vector<16xi32>, vector<16xi32>], vector<16xf32>,
        } {sc.loop_unroll_factor = 4 : i64, sc.parallel_access}
        %dma_start3A_211 = arith.constant 0 : i32
        %dma_start3A_212 = arith.constant 0 : i32
        %dma_start3A_213 = tpu.memref_slice %arg14[%scan3A_201, %dma_start3A_211, %dma_start3A_212] : memref<10x128x8xf32, #tpu.memory_space<vmem>> -> memref<1x128x8xf32, #tpu.memory_space<vmem>>
        %dma_start3A_214 = tpu.memref_squeeze %dma_start3A_213 : memref<1x128x8xf32, #tpu.memory_space<vmem>> -> memref<128x8xf32, #tpu.memory_space<vmem>>
        %dma_start3A_215 = arith.constant 0 : i32
        %dma_start3A_216 = tpu.memref_slice %arg10[%scan3A_201, %dma_start3A_215] : memref<10x128xi32, #tpu.memory_space<vmem>> -> memref<1x128xi32, #tpu.memory_space<vmem>>
        %dma_start3A_217 = tpu.memref_squeeze %dma_start3A_216 : memref<1x128xi32, #tpu.memory_space<vmem>> -> memref<128xi32, #tpu.memory_space<vmem>>
        %dma_start3A_218 = arith.constant 0 : i32
        %dma_start3A_219 = arith.constant 0 : i32
        %dma_start3A_220 = tpu.memref_slice %arg16[%dma_start3A_218, %dma_start3A_219] : memref<100096x8xf32, #tpu.memory_space<vmem_shared>> -> memref<100096x8xf32, #tpu.memory_space<vmem_shared>>
        tpu.enqueue_indirect_dma source(%dma_start3A_214 : memref<128x8xf32, #tpu.memory_space<vmem>>) target(%dma_start3A_220 : memref<100096x8xf32, #tpu.memory_space<vmem_shared>>) offsets(%dma_start3A_217 : memref<128xi32, #tpu.memory_space<vmem>>) semaphore(%arg20 : memref<!tpu.dma_semaphore, #tpu.memory_space<semaphore_mem>>) {add = true}
        %scan3A_221 = arith.constant 0 : i32
        scf.yield %scan3A_221 : i32
      }
      %scan3A_186 = arith.constant 10 : i32
      %scan3A_187 = arith.constant 0 : i32
      %scan3A_188 = arith.constant 0 : i32
      %scan3A_189 = arith.constant 10 : i32
      %scan3A_190 = arith.addi %scan3A_188, %scan3A_189 : i32
      %scan3A_191 = arith.constant 1 : i32
      %scan3A_192 = scf.for %scan3A_201 = %scan3A_188 to %scan3A_190 step %scan3A_191 iter_args(%scan3A_202 = %scan3A_187) -> (i32)  : i32 {
        %dma_wait3A_203 = arith.constant 0 : i32
        %dma_wait3A_204 = arith.constant 0 : i32
        %dma_wait3A_205 = tpu.memref_slice %arg14[%scan3A_201, %dma_wait3A_203, %dma_wait3A_204] : memref<10x128x8xf32, #tpu.memory_space<vmem>> -> memref<1x128x8xf32, #tpu.memory_space<vmem>>
        %dma_wait3A_206 = tpu.memref_squeeze %dma_wait3A_205 : memref<1x128x8xf32, #tpu.memory_space<vmem>> -> memref<128x8xf32, #tpu.memory_space<vmem>>
        %dma_wait3A_207 = arith.constant 0 : i32
        %dma_wait3A_208 = tpu.memref_slice %arg10[%scan3A_201, %dma_wait3A_207] : memref<10x128xi32, #tpu.memory_space<vmem>> -> memref<1x128xi32, #tpu.memory_space<vmem>>
        %dma_wait3A_209 = tpu.memref_squeeze %dma_wait3A_208 : memref<1x128xi32, #tpu.memory_space<vmem>> -> memref<128xi32, #tpu.memory_space<vmem>>
        %dma_wait3A_210 = arith.constant 0 : i32
        %dma_wait3A_211 = arith.constant 0 : i32
        %dma_wait3A_212 = tpu.memref_slice %arg16[%dma_wait3A_210, %dma_wait3A_211] : memref<100096x8xf32, #tpu.memory_space<vmem_shared>> -> memref<100096x8xf32, #tpu.memory_space<vmem_shared>>
        tpu.wait_indirect_dma semaphore(%arg20 : memref<!tpu.dma_semaphore, #tpu.memory_space<semaphore_mem>>) src(%dma_wait3A_206 : memref<128x8xf32, #tpu.memory_space<vmem>>) dst(%dma_wait3A_212 : memref<100096x8xf32, #tpu.memory_space<vmem_shared>>)
        %scan3A_213 = arith.constant 0 : i32
        scf.yield %scan3A_213 : i32
      }
      %scan3A_193 = arith.constant 10 : i32
      %add3A_194 = arith.constant 1 : i32
      %add3A_195 = arith.addi %while3A_108, %add3A_194 : i32
      %lt3A_196 = arith.cmpi slt, %add3A_195, %select_n3A_32 : i32
      %convert_element_type3A_197 = arith.extui %lt3A_196 : i1 to i32
      %cond3A_198 = arith.constant 0 : i32
      %cond3A_199 = arith.cmpi ne, %convert_element_type3A_197, %cond3A_198 : i32
      scf.if %cond3A_199 {
        %mul3A_201 = arith.constant 2 : i32
        %mul3A_202 = arith.muli %mul3A_201, %while3A_108 : i32
        %add3A_203 = arith.constant 3 : i32
        %add3A_204 = arith.addi %mul3A_202, %add3A_203 : i32
        %add3A_205 = arith.addi %select_n3A, %add3A_204 : i32
        %mul3A_206 = arith.constant 1280 : i32
        %mul3A_207 = arith.muli %add3A_205, %mul3A_206 : i32
        %multiple_of3A_208 = tpu.assume_multiple %mul3A_207, 8 : i32
        %mul3A_209 = arith.constant 10 : i32
        %mul3A_210 = arith.muli %add3A_205, %mul3A_209 : i32
        %dma_start3A_211 = arith.constant 0 : i32
        %dma_start3A_212 = tpu.memref_slice %arg3[%mul3A_210, %dma_start3A_211] : memref<50000x128xi32, #tpu.memory_space<hbm>> -> memref<10x128xi32, #tpu.memory_space<hbm>>
        %dma_start3A_213 = arith.constant 0 : i32
        %dma_start3A_214 = tpu.memref_slice %arg3[%mul3A_210, %dma_start3A_213] : memref<50000x128xi32, #tpu.memory_space<hbm>> -> memref<10x128xi32, #tpu.memory_space<hbm>>
        tpu.enqueue_dma source(%dma_start3A_214 : memref<10x128xi32, #tpu.memory_space<hbm>>) target(%arg10 : memref<10x128xi32, #tpu.memory_space<vmem>>) target_semaphore(%arg22 : memref<!tpu.dma_semaphore, #tpu.memory_space<semaphore_mem>>)
        %dma_start3A_215 = tpu.memref_slice %arg4[%multiple_of3A_208] : memref<6400000xf32, #tpu.memory_space<hbm>> -> memref<1280xf32, #tpu.memory_space<hbm>>
        %dma_start3A_216 = tpu.memref_slice %arg4[%multiple_of3A_208] : memref<6400000xf32, #tpu.memory_space<hbm>> -> memref<1280xf32, #tpu.memory_space<hbm>>
        tpu.enqueue_dma source(%dma_start3A_216 : memref<1280xf32, #tpu.memory_space<hbm>>) target(%arg12 : memref<1280xf32, #tpu.memory_space<vmem>>) target_semaphore(%arg22 : memref<!tpu.dma_semaphore, #tpu.memory_space<semaphore_mem>>)
      } else {
      }
      %while3A_200 = arith.constant 0 : i32
      scf.yield %while3A_200 : i32
    }
    %barrier3A_103 = arith.constant 0 : index
    tpu.barrier barrier_id(%barrier3A_103)
    %mul3A_104 = arith.constant 6256 : i32
    %mul3A_105 = arith.muli %arg1, %mul3A_104 : i32
    %mul3A_106 = arith.constant 6256 : i32
    %mul3A_107 = arith.muli %arg1, %mul3A_106 : i32
    "tpu.region"() ({
      %run_scoped3A = tpu.sem_alloc : memref<!tpu.dma_semaphore, #tpu.memory_space<semaphore_mem>>
      %dma_start3A_108 = arith.constant 0 : i32
      %dma_start3A_109 = tpu.memref_slice %arg6[%arg0, %mul3A_107, %dma_start3A_108] : memref<2x100096x8xf32, #tpu.memory_space<hbm>> -> memref<1x6256x8xf32, #tpu.memory_space<hbm>>
      %dma_start3A_110 = tpu.memref_squeeze %dma_start3A_109 : memref<1x6256x8xf32, #tpu.memory_space<hbm>> -> memref<6256x8xf32, #tpu.memory_space<hbm>>
      %dma_start3A_111 = arith.constant 0 : i32
      %dma_start3A_112 = tpu.memref_slice %arg16[%mul3A_105, %dma_start3A_111] : memref<100096x8xf32, #tpu.memory_space<vmem_shared>> -> memref<6256x8xf32, #tpu.memory_space<vmem_shared>>
      tpu.enqueue_dma source(%dma_start3A_112 : memref<6256x8xf32, #tpu.memory_space<vmem_shared>>) target(%dma_start3A_110 : memref<6256x8xf32, #tpu.memory_space<hbm>>) target_semaphore(%run_scoped3A : memref<!tpu.dma_semaphore, #tpu.memory_space<semaphore_mem>>)
      %dma_wait3A_113 = arith.constant 0 : i32
      %dma_wait3A_114 = tpu.memref_slice %arg6[%arg0, %mul3A_107, %dma_wait3A_113] : memref<2x100096x8xf32, #tpu.memory_space<hbm>> -> memref<1x6256x8xf32, #tpu.memory_space<hbm>>
      %dma_wait3A_115 = tpu.memref_squeeze %dma_wait3A_114 : memref<1x6256x8xf32, #tpu.memory_space<hbm>> -> memref<6256x8xf32, #tpu.memory_space<hbm>>
      %dma_wait3A_116 = arith.constant 0 : i32
      %dma_wait3A_117 = tpu.memref_slice %arg16[%mul3A_105, %dma_wait3A_116] : memref<100096x8xf32, #tpu.memory_space<vmem_shared>> -> memref<6256x8xf32, #tpu.memory_space<vmem_shared>>
      tpu.wait_dma2 semaphore(%run_scoped3A : memref<!tpu.dma_semaphore, #tpu.memory_space<semaphore_mem>>) src(%dma_wait3A_117 : memref<6256x8xf32, #tpu.memory_space<vmem_shared>>) dst(%dma_wait3A_115 : memref<6256x8xf32, #tpu.memory_space<hbm>>)
      tpu.yield
    }) : () -> ()
    return
  }
}

#map = affine_map<(d0, d1) -> (0)>
#map1 = affine_map<(d0, d1) -> (0, 0)>
#map2 = affine_map<(d0, d1) -> (0, 0, 0)>
module attributes {stable_mosaic.version = 14 : i64} {
  func.func @_agg_body(%arg0: i32, %arg1: i32, %arg2: memref<6400000xi32, #tpu.memory_space<hbm>>, %arg3: memref<50000x128xi32, #tpu.memory_space<hbm>>, %arg4: memref<6400000xf32, #tpu.memory_space<hbm>>, %arg5: memref<200000x8xf32, #tpu.memory_space<hbm>>, %arg6: memref<2x100096x8xf32, #tpu.memory_space<hbm>>, %arg7: memref<1280xi32, #tpu.memory_space<vmem>>, %arg8: memref<1280xi32, #tpu.memory_space<vmem>>, %arg9: memref<10x128xi32, #tpu.memory_space<vmem>>, %arg10: memref<10x128xi32, #tpu.memory_space<vmem>>, %arg11: memref<1280xf32, #tpu.memory_space<vmem>>, %arg12: memref<1280xf32, #tpu.memory_space<vmem>>, %arg13: memref<10x128x8xf32, #tpu.memory_space<vmem>>, %arg14: memref<10x128x8xf32, #tpu.memory_space<vmem>>, %arg15: memref<1564x8xf32, #tpu.memory_space<vmem>>, %arg16: memref<100096x8xf32, #tpu.memory_space<vmem_shared>>, %arg17: memref<!tpu.dma_semaphore, #tpu.memory_space<semaphore_mem>>, %arg18: memref<!tpu.dma_semaphore, #tpu.memory_space<semaphore_mem>>, %arg19: memref<!tpu.dma_semaphore, #tpu.memory_space<semaphore_mem>>, %arg20: memref<!tpu.dma_semaphore, #tpu.memory_space<semaphore_mem>>, %arg21: memref<!tpu.dma_semaphore, #tpu.memory_space<semaphore_mem>>, %arg22: memref<!tpu.dma_semaphore, #tpu.memory_space<semaphore_mem>>) attributes {dimension_semantics = [#tpu.dimension_semantics<core_parallel>, #tpu.dimension_semantics<subcore_parallel>], iteration_bounds = array<i64: 2, 16>, scalar_prefetch = 0 : i64, scratch_operands = 16 : i64, tpu.core_type = #tpu.core_type<sc_vector_subcore>, window_params = [{transform_indices = #map}, {transform_indices = #map1}, {transform_indices = #map}, {transform_indices = #map1}, {transform_indices = #map2}]} {
    %iota3A = tpu.iota {dimensions = array<i32: 0>} : vector<16xi32>
    %ge3A = arith.constant 8 : i32
    %ge3A_0 = vector.broadcast %ge3A : i32 to vector<16xi32>
    %ge3A_1 = arith.cmpi sge, %iota3A, %ge3A_0 : vector<16xi32>
    %convert_element_type3A = arith.extui %ge3A_1 : vector<16xi1> to vector<16xi32>
    %mul3A = arith.constant 8 : i32
    %mul3A_2 = vector.broadcast %mul3A : i32 to vector<16xi32>
    %mul3A_3 = arith.muli %mul3A_2, %convert_element_type3A : vector<16xi32>
    %sub3A = arith.subi %iota3A, %mul3A_3 : vector<16xi32>
    %broadcast_in_dim3A = arith.constant 0.000000e+00 : f32
    %broadcast_in_dim3A_4 = vector.broadcast %broadcast_in_dim3A : f32 to vector<16xf32>
    %scan3A = arith.constant 0 : i32
    %scan3A_5 = arith.constant 0 : i32
    %scan3A_6 = arith.constant 782 : i32
    %scan3A_7 = arith.addi %scan3A_5, %scan3A_6 : i32
    %scan3A_8 = arith.constant 1 : i32
    %scan3A_9 = scf.for %scan3A_109 = %scan3A_5 to %scan3A_7 step %scan3A_8 iter_args(%scan3A_110 = %scan3A) -> (i32)  : i32 {
      %mul3A_111 = arith.constant 2 : i32
      %mul3A_112 = arith.muli %mul3A_111, %scan3A_109 : i32
      %add3A_113 = vector.broadcast %mul3A_112 : i32 to vector<16xi32>
      %add3A_114 = arith.addi %convert_element_type3A, %add3A_113 : vector<16xi32>
      tpu.vector_store_idx %arg15[%add3A_114, %sub3A], %broadcast_in_dim3A_4 : memref<1564x8xf32, #tpu.memory_space<vmem>>[vector<16xi32>, vector<16xi32>], vector<16xf32>,
      %scan3A_115 = arith.constant 0 : i32
      scf.yield %scan3A_115 : i32
    }
    %scan3A_10 = arith.constant 782 : i32
    %scan3A_11 = arith.constant 0 : i32
    %scan3A_12 = arith.constant 0 : i32
    %scan3A_13 = arith.constant 4 : i32
    %scan3A_14 = arith.addi %scan3A_12, %scan3A_13 : i32
    %scan3A_15 = arith.constant 1 : i32
    %scan3A_16 = scf.for %scan3A_109 = %scan3A_12 to %scan3A_14 step %scan3A_15 iter_args(%scan3A_110 = %scan3A_11) -> (i32)  : i32 {
      %mul3A_111 = arith.constant 6256 : i32
      %mul3A_112 = arith.muli %arg1, %mul3A_111 : i32
      %mul3A_113 = arith.constant 1564 : i32
      %mul3A_114 = arith.muli %scan3A_109, %mul3A_113 : i32
      %add3A_115 = arith.addi %mul3A_112, %mul3A_114 : i32
      "tpu.region"() ({
        %run_scoped3A = tpu.sem_alloc : memref<!tpu.dma_semaphore, #tpu.memory_space<semaphore_mem>>
        %dma_start3A_117 = arith.constant 0 : i32
        %dma_start3A_118 = tpu.memref_slice %arg16[%add3A_115, %dma_start3A_117] : memref<100096x8xf32, #tpu.memory_space<vmem_shared>> -> memref<1564x8xf32, #tpu.memory_space<vmem_shared>>
        %dma_start3A_119 = arith.constant 0 : i32
        %dma_start3A_120 = tpu.memref_slice %arg16[%add3A_115, %dma_start3A_119] : memref<100096x8xf32, #tpu.memory_space<vmem_shared>> -> memref<1564x8xf32, #tpu.memory_space<vmem_shared>>
        tpu.enqueue_dma source(%arg15 : memref<1564x8xf32, #tpu.memory_space<vmem>>) target(%dma_start3A_120 : memref<1564x8xf32, #tpu.memory_space<vmem_shared>>) target_semaphore(%run_scoped3A : memref<!tpu.dma_semaphore, #tpu.memory_space<semaphore_mem>>)
        %dma_wait3A_121 = arith.constant 0 : i32
        %dma_wait3A_122 = tpu.memref_slice %arg16[%add3A_115, %dma_wait3A_121] : memref<100096x8xf32, #tpu.memory_space<vmem_shared>> -> memref<1564x8xf32, #tpu.memory_space<vmem_shared>>
        %dma_wait3A_123 = arith.constant 0 : i32
        %dma_wait3A_124 = tpu.memref_slice %arg16[%add3A_115, %dma_wait3A_123] : memref<100096x8xf32, #tpu.memory_space<vmem_shared>> -> memref<1564x8xf32, #tpu.memory_space<vmem_shared>>
        tpu.wait_dma2 semaphore(%run_scoped3A : memref<!tpu.dma_semaphore, #tpu.memory_space<semaphore_mem>>) src(%arg15 : memref<1564x8xf32, #tpu.memory_space<vmem>>) dst(%dma_wait3A_124 : memref<1564x8xf32, #tpu.memory_space<vmem_shared>>)
        tpu.yield
      }) : () -> ()
      %scan3A_116 = arith.constant 0 : i32
      scf.yield %scan3A_116 : i32
    }
    %scan3A_17 = arith.constant 4 : i32
    %barrier3A = arith.constant 0 : index
    tpu.barrier barrier_id(%barrier3A)
    %lt3A = arith.constant 4 : i32
    %lt3A_18 = arith.cmpi slt, %arg1, %lt3A : i32
    %mul3A_19 = arith.constant 314 : i32
    %mul3A_20 = arith.muli %arg1, %mul3A_19 : i32
    %sub3A_21 = arith.constant 4 : i32
    %sub3A_22 = arith.subi %arg1, %sub3A_21 : i32
    %mul3A_23 = arith.constant 312 : i32
    %mul3A_24 = arith.muli %sub3A_22, %mul3A_23 : i32
    %add3A = arith.constant 1256 : i32
    %add3A_25 = arith.addi %add3A, %mul3A_24 : i32
    %select_n3A = arith.select %lt3A_18, %mul3A_20, %add3A_25 : i32
    %lt3A_26 = arith.constant 4 : i32
    %lt3A_27 = arith.cmpi slt, %arg1, %lt3A_26 : i32
    %jit3A = arith.constant 157 : i32
    %jit3A_28 = arith.constant 156 : i32
    %select_n3A_29 = arith.select %lt3A_27, %jit3A, %jit3A_28 : i32
    %mul3A_30 = arith.constant 100000 : i32
    %mul3A_31 = arith.muli %arg0, %mul3A_30 : i32
    %add3A_32 = arith.constant 0 : i32
    %add3A_33 = arith.addi %select_n3A, %add3A_32 : i32
    %mul3A_34 = arith.constant 1280 : i32
    %mul3A_35 = arith.muli %add3A_33, %mul3A_34 : i32
    %multiple_of3A = tpu.assume_multiple %mul3A_35, 8 : i32
    %dma_start3A = tpu.memref_slice %arg2[%multiple_of3A] : memref<6400000xi32, #tpu.memory_space<hbm>> -> memref<1280xi32, #tpu.memory_space<hbm>>
    %dma_start3A_36 = tpu.memref_slice %arg2[%multiple_of3A] : memref<6400000xi32, #tpu.memory_space<hbm>> -> memref<1280xi32, #tpu.memory_space<hbm>>
    tpu.enqueue_dma source(%dma_start3A_36 : memref<1280xi32, #tpu.memory_space<hbm>>) target(%arg7 : memref<1280xi32, #tpu.memory_space<vmem>>) target_semaphore(%arg21 : memref<!tpu.dma_semaphore, #tpu.memory_space<semaphore_mem>>)
    %add3A_37 = arith.constant 0 : i32
    %add3A_38 = arith.addi %select_n3A, %add3A_37 : i32
    %mul3A_39 = arith.constant 1280 : i32
    %mul3A_40 = arith.muli %add3A_38, %mul3A_39 : i32
    %multiple_of3A_41 = tpu.assume_multiple %mul3A_40, 8 : i32
    %mul3A_42 = arith.constant 10 : i32
    %mul3A_43 = arith.muli %add3A_38, %mul3A_42 : i32
    %dma_start3A_44 = arith.constant 0 : i32
    %dma_start3A_45 = tpu.memref_slice %arg3[%mul3A_43, %dma_start3A_44] : memref<50000x128xi32, #tpu.memory_space<hbm>> -> memref<10x128xi32, #tpu.memory_space<hbm>>
    %dma_start3A_46 = arith.constant 0 : i32
    %dma_start3A_47 = tpu.memref_slice %arg3[%mul3A_43, %dma_start3A_46] : memref<50000x128xi32, #tpu.memory_space<hbm>> -> memref<10x128xi32, #tpu.memory_space<hbm>>
    tpu.enqueue_dma source(%dma_start3A_47 : memref<10x128xi32, #tpu.memory_space<hbm>>) target(%arg9 : memref<10x128xi32, #tpu.memory_space<vmem>>) target_semaphore(%arg21 : memref<!tpu.dma_semaphore, #tpu.memory_space<semaphore_mem>>)
    %dma_start3A_48 = tpu.memref_slice %arg4[%multiple_of3A_41] : memref<6400000xf32, #tpu.memory_space<hbm>> -> memref<1280xf32, #tpu.memory_space<hbm>>
    %dma_start3A_49 = tpu.memref_slice %arg4[%multiple_of3A_41] : memref<6400000xf32, #tpu.memory_space<hbm>> -> memref<1280xf32, #tpu.memory_space<hbm>>
    tpu.enqueue_dma source(%dma_start3A_49 : memref<1280xf32, #tpu.memory_space<hbm>>) target(%arg11 : memref<1280xf32, #tpu.memory_space<vmem>>) target_semaphore(%arg21 : memref<!tpu.dma_semaphore, #tpu.memory_space<semaphore_mem>>)
    %add3A_50 = arith.constant 1 : i32
    %add3A_51 = arith.addi %select_n3A, %add3A_50 : i32
    %mul3A_52 = arith.constant 1280 : i32
    %mul3A_53 = arith.muli %add3A_51, %mul3A_52 : i32
    %multiple_of3A_54 = tpu.assume_multiple %mul3A_53, 8 : i32
    %dma_start3A_55 = tpu.memref_slice %arg2[%multiple_of3A_54] : memref<6400000xi32, #tpu.memory_space<hbm>> -> memref<1280xi32, #tpu.memory_space<hbm>>
    %dma_start3A_56 = tpu.memref_slice %arg2[%multiple_of3A_54] : memref<6400000xi32, #tpu.memory_space<hbm>> -> memref<1280xi32, #tpu.memory_space<hbm>>
    tpu.enqueue_dma source(%dma_start3A_56 : memref<1280xi32, #tpu.memory_space<hbm>>) target(%arg8 : memref<1280xi32, #tpu.memory_space<vmem>>) target_semaphore(%arg22 : memref<!tpu.dma_semaphore, #tpu.memory_space<semaphore_mem>>)
    %add3A_57 = arith.constant 1 : i32
    %add3A_58 = arith.addi %select_n3A, %add3A_57 : i32
    %mul3A_59 = arith.constant 1280 : i32
    %mul3A_60 = arith.muli %add3A_58, %mul3A_59 : i32
    %multiple_of3A_61 = tpu.assume_multiple %mul3A_60, 8 : i32
    %mul3A_62 = arith.constant 10 : i32
    %mul3A_63 = arith.muli %add3A_58, %mul3A_62 : i32
    %dma_start3A_64 = arith.constant 0 : i32
    %dma_start3A_65 = tpu.memref_slice %arg3[%mul3A_63, %dma_start3A_64] : memref<50000x128xi32, #tpu.memory_space<hbm>> -> memref<10x128xi32, #tpu.memory_space<hbm>>
    %dma_start3A_66 = arith.constant 0 : i32
    %dma_start3A_67 = tpu.memref_slice %arg3[%mul3A_63, %dma_start3A_66] : memref<50000x128xi32, #tpu.memory_space<hbm>> -> memref<10x128xi32, #tpu.memory_space<hbm>>
    tpu.enqueue_dma source(%dma_start3A_67 : memref<10x128xi32, #tpu.memory_space<hbm>>) target(%arg10 : memref<10x128xi32, #tpu.memory_space<vmem>>) target_semaphore(%arg22 : memref<!tpu.dma_semaphore, #tpu.memory_space<semaphore_mem>>)
    %dma_start3A_68 = tpu.memref_slice %arg4[%multiple_of3A_61] : memref<6400000xf32, #tpu.memory_space<hbm>> -> memref<1280xf32, #tpu.memory_space<hbm>>
    %dma_start3A_69 = tpu.memref_slice %arg4[%multiple_of3A_61] : memref<6400000xf32, #tpu.memory_space<hbm>> -> memref<1280xf32, #tpu.memory_space<hbm>>
    tpu.enqueue_dma source(%dma_start3A_69 : memref<1280xf32, #tpu.memory_space<hbm>>) target(%arg12 : memref<1280xf32, #tpu.memory_space<vmem>>) target_semaphore(%arg22 : memref<!tpu.dma_semaphore, #tpu.memory_space<semaphore_mem>>)
    %add3A_70 = arith.constant 0 : i32
    %add3A_71 = arith.addi %select_n3A, %add3A_70 : i32
    %mul3A_72 = arith.constant 1280 : i32
    %mul3A_73 = arith.muli %add3A_71, %mul3A_72 : i32
    %multiple_of3A_74 = tpu.assume_multiple %mul3A_73, 8 : i32
    %dma_wait3A = tpu.memref_slice %arg2[%multiple_of3A_74] : memref<6400000xi32, #tpu.memory_space<hbm>> -> memref<1280xi32, #tpu.memory_space<hbm>>
    %dma_wait3A_75 = tpu.memref_slice %arg2[%multiple_of3A_74] : memref<6400000xi32, #tpu.memory_space<hbm>> -> memref<1280xi32, #tpu.memory_space<hbm>>
    tpu.wait_dma2 semaphore(%arg21 : memref<!tpu.dma_semaphore, #tpu.memory_space<semaphore_mem>>) src(%dma_wait3A_75 : memref<1280xi32, #tpu.memory_space<hbm>>) dst(%arg7 : memref<1280xi32, #tpu.memory_space<vmem>>)
    %mul3A_76 = arith.constant 10 : i32
    %mul3A_77 = arith.muli %add3A_71, %mul3A_76 : i32
    %dma_wait3A_78 = arith.constant 0 : i32
    %dma_wait3A_79 = tpu.memref_slice %arg3[%mul3A_77, %dma_wait3A_78] : memref<50000x128xi32, #tpu.memory_space<hbm>> -> memref<10x128xi32, #tpu.memory_space<hbm>>
    %dma_wait3A_80 = arith.constant 0 : i32
    %dma_wait3A_81 = tpu.memref_slice %arg3[%mul3A_77, %dma_wait3A_80] : memref<50000x128xi32, #tpu.memory_space<hbm>> -> memref<10x128xi32, #tpu.memory_space<hbm>>
    tpu.wait_dma2 semaphore(%arg21 : memref<!tpu.dma_semaphore, #tpu.memory_space<semaphore_mem>>) src(%dma_wait3A_81 : memref<10x128xi32, #tpu.memory_space<hbm>>) dst(%arg9 : memref<10x128xi32, #tpu.memory_space<vmem>>)
    %dma_wait3A_82 = tpu.memref_slice %arg4[%multiple_of3A_74] : memref<6400000xf32, #tpu.memory_space<hbm>> -> memref<1280xf32, #tpu.memory_space<hbm>>
    %dma_wait3A_83 = tpu.memref_slice %arg4[%multiple_of3A_74] : memref<6400000xf32, #tpu.memory_space<hbm>> -> memref<1280xf32, #tpu.memory_space<hbm>>
    tpu.wait_dma2 semaphore(%arg21 : memref<!tpu.dma_semaphore, #tpu.memory_space<semaphore_mem>>) src(%dma_wait3A_83 : memref<1280xf32, #tpu.memory_space<hbm>>) dst(%arg11 : memref<1280xf32, #tpu.memory_space<vmem>>)
    %parallel_loop3A = arith.constant 0 : i32
    %parallel_loop3A_84 = arith.constant 80 : i32
    %parallel_loop3A_85 = arith.constant 1 : i32
    scf.for %parallel_loop3A_109 = %parallel_loop3A to %parallel_loop3A_84 step %parallel_loop3A_85  : i32 {
      %parallel_loop3A_110 = arith.constant 16 : i32
      %parallel_loop3A_111 = arith.muli %parallel_loop3A_109, %parallel_loop3A_110 : i32
      %parallel_loop3A_112 = arith.index_cast %parallel_loop3A_111 : i32 to index
      %parallel_loop3A_113 = tpu.vector_load %arg7[%parallel_loop3A_112] {strides = array<i32>} : memref<1280xi32, #tpu.memory_space<vmem>>, vector<16xi32>,
      %parallel_loop3A_114 = vector.broadcast %mul3A_31 : i32 to vector<16xi32>
      %parallel_loop3A_115 = arith.addi %parallel_loop3A_113, %parallel_loop3A_114 : vector<16xi32>
      %parallel_loop3A_116 = arith.constant 16 : i32
      %parallel_loop3A_117 = arith.muli %parallel_loop3A_109, %parallel_loop3A_116 : i32
      %parallel_loop3A_118 = arith.index_cast %parallel_loop3A_117 : i32 to index
      %parallel_loop3A_119 = tpu.vector_load %arg7[%parallel_loop3A_118] {strides = array<i32>} : memref<1280xi32, #tpu.memory_space<vmem>>, vector<16xi32>,
      tpu.vector_store %arg7[%parallel_loop3A_118], %parallel_loop3A_115 {strides = array<i32>} : memref<1280xi32, #tpu.memory_space<vmem>>, vector<16xi32>,
    } {sc.loop_unroll_factor = 4 : i64, sc.parallel_access}
    %scan3A_86 = arith.constant 0 : i32
    %scan3A_87 = arith.constant 0 : i32
    %scan3A_88 = arith.constant 10 : i32
    %scan3A_89 = arith.addi %scan3A_87, %scan3A_88 : i32
    %scan3A_90 = arith.constant 1 : i32
    %scan3A_91 = scf.for %scan3A_109 = %scan3A_87 to %scan3A_89 step %scan3A_90 iter_args(%scan3A_110 = %scan3A_86) -> (i32)  : i32 {
      %mul3A_111 = arith.constant 128 : i32
      %mul3A_112 = arith.muli %scan3A_109, %mul3A_111 : i32
      %dma_start3A_113 = arith.constant 0 : i32
      %dma_start3A_114 = arith.constant 0 : i32
      %dma_start3A_115 = tpu.memref_slice %arg13[%scan3A_109, %dma_start3A_113, %dma_start3A_114] : memref<10x128x8xf32, #tpu.memory_space<vmem>> -> memref<1x128x8xf32, #tpu.memory_space<vmem>>
      %dma_start3A_116 = tpu.memref_squeeze %dma_start3A_115 : memref<1x128x8xf32, #tpu.memory_space<vmem>> -> memref<128x8xf32, #tpu.memory_space<vmem>>
      %dma_start3A_117 = tpu.memref_slice %arg7[%mul3A_112] : memref<1280xi32, #tpu.memory_space<vmem>> -> memref<128xi32, #tpu.memory_space<vmem>>
      %dma_start3A_118 = arith.constant 0 : i32
      %dma_start3A_119 = arith.constant 0 : i32
      %dma_start3A_120 = tpu.memref_slice %arg5[%dma_start3A_118, %dma_start3A_119] : memref<200000x8xf32, #tpu.memory_space<hbm>> -> memref<200000x8xf32, #tpu.memory_space<hbm>>
      tpu.enqueue_indirect_dma source(%dma_start3A_120 : memref<200000x8xf32, #tpu.memory_space<hbm>>) target(%dma_start3A_116 : memref<128x8xf32, #tpu.memory_space<vmem>>) offsets(%dma_start3A_117 : memref<128xi32, #tpu.memory_space<vmem>>) semaphore(%arg17 : memref<!tpu.dma_semaphore, #tpu.memory_space<semaphore_mem>>)
      %scan3A_121 = arith.constant 0 : i32
      scf.yield %scan3A_121 : i32
    }
    %scan3A_92 = arith.constant 10 : i32
    %while3A = arith.constant 0 : i32
    %while3A_93 = arith.constant 0 : i32
    %while3A_94 = arith.subi %select_n3A_29, %while3A : i32
    %while3A_95 = arith.addi %while3A, %while3A_94 : i32
    %while3A_96 = arith.constant 1 : i32
    %while3A_97 = arith.divsi %while3A_94, %while3A_96 : i32
    %while3A_98 = arith.muli %while3A_97, %while3A_96 : i32
    %while3A_99 = arith.addi %while3A, %while3A_98 : i32
    %while3A_100 = arith.constant 1 : i32
    %while3A_101 = scf.for %while3A_109 = %while3A to %while3A_99 step %while3A_100 iter_args(%while3A_110 = %while3A_93) -> (i32)  : i32 {
      %scan3A_111 = arith.constant 0 : i32
      %scan3A_112 = arith.constant 0 : i32
      %scan3A_113 = arith.constant 10 : i32
      %scan3A_114 = arith.addi %scan3A_112, %scan3A_113 : i32
      %scan3A_115 = arith.constant 1 : i32
      %scan3A_116 = scf.for %scan3A_205 = %scan3A_112 to %scan3A_114 step %scan3A_115 iter_args(%scan3A_206 = %scan3A_111) -> (i32)  : i32 {
        %mul3A_207 = arith.constant 128 : i32
        %mul3A_208 = arith.muli %scan3A_205, %mul3A_207 : i32
        %dma_wait3A_209 = arith.constant 0 : i32
        %dma_wait3A_210 = arith.constant 0 : i32
        %dma_wait3A_211 = tpu.memref_slice %arg13[%scan3A_205, %dma_wait3A_209, %dma_wait3A_210] : memref<10x128x8xf32, #tpu.memory_space<vmem>> -> memref<1x128x8xf32, #tpu.memory_space<vmem>>
        %dma_wait3A_212 = tpu.memref_squeeze %dma_wait3A_211 : memref<1x128x8xf32, #tpu.memory_space<vmem>> -> memref<128x8xf32, #tpu.memory_space<vmem>>
        %dma_wait3A_213 = tpu.memref_slice %arg7[%mul3A_208] : memref<1280xi32, #tpu.memory_space<vmem>> -> memref<128xi32, #tpu.memory_space<vmem>>
        %dma_wait3A_214 = arith.constant 0 : i32
        %dma_wait3A_215 = arith.constant 0 : i32
        %dma_wait3A_216 = tpu.memref_slice %arg5[%dma_wait3A_214, %dma_wait3A_215] : memref<200000x8xf32, #tpu.memory_space<hbm>> -> memref<200000x8xf32, #tpu.memory_space<hbm>>
        tpu.wait_indirect_dma semaphore(%arg17 : memref<!tpu.dma_semaphore, #tpu.memory_space<semaphore_mem>>) src(%dma_wait3A_216 : memref<200000x8xf32, #tpu.memory_space<hbm>>) dst(%dma_wait3A_212 : memref<128x8xf32, #tpu.memory_space<vmem>>)
        %scan3A_217 = arith.constant 0 : i32
        scf.yield %scan3A_217 : i32
      }
      %scan3A_117 = arith.constant 10 : i32
      %mul3A_118 = arith.constant 2 : i32
      %mul3A_119 = arith.muli %mul3A_118, %while3A_109 : i32
      %add3A_120 = arith.constant 1 : i32
      %add3A_121 = arith.addi %mul3A_119, %add3A_120 : i32
      %add3A_122 = arith.addi %select_n3A, %add3A_121 : i32
      %mul3A_123 = arith.constant 1280 : i32
      %mul3A_124 = arith.muli %add3A_122, %mul3A_123 : i32
      %multiple_of3A_125 = tpu.assume_multiple %mul3A_124, 8 : i32
      %dma_wait3A_126 = tpu.memref_slice %arg2[%multiple_of3A_125] : memref<6400000xi32, #tpu.memory_space<hbm>> -> memref<1280xi32, #tpu.memory_space<hbm>>
      %dma_wait3A_127 = tpu.memref_slice %arg2[%multiple_of3A_125] : memref<6400000xi32, #tpu.memory_space<hbm>> -> memref<1280xi32, #tpu.memory_space<hbm>>
      tpu.wait_dma2 semaphore(%arg22 : memref<!tpu.dma_semaphore, #tpu.memory_space<semaphore_mem>>) src(%dma_wait3A_127 : memref<1280xi32, #tpu.memory_space<hbm>>) dst(%arg8 : memref<1280xi32, #tpu.memory_space<vmem>>)
      %mul3A_128 = arith.constant 10 : i32
      %mul3A_129 = arith.muli %add3A_122, %mul3A_128 : i32
      %dma_wait3A_130 = arith.constant 0 : i32
      %dma_wait3A_131 = tpu.memref_slice %arg3[%mul3A_129, %dma_wait3A_130] : memref<50000x128xi32, #tpu.memory_space<hbm>> -> memref<10x128xi32, #tpu.memory_space<hbm>>
      %dma_wait3A_132 = arith.constant 0 : i32
      %dma_wait3A_133 = tpu.memref_slice %arg3[%mul3A_129, %dma_wait3A_132] : memref<50000x128xi32, #tpu.memory_space<hbm>> -> memref<10x128xi32, #tpu.memory_space<hbm>>
      tpu.wait_dma2 semaphore(%arg22 : memref<!tpu.dma_semaphore, #tpu.memory_space<semaphore_mem>>) src(%dma_wait3A_133 : memref<10x128xi32, #tpu.memory_space<hbm>>) dst(%arg10 : memref<10x128xi32, #tpu.memory_space<vmem>>)
      %dma_wait3A_134 = tpu.memref_slice %arg4[%multiple_of3A_125] : memref<6400000xf32, #tpu.memory_space<hbm>> -> memref<1280xf32, #tpu.memory_space<hbm>>
      %dma_wait3A_135 = tpu.memref_slice %arg4[%multiple_of3A_125] : memref<6400000xf32, #tpu.memory_space<hbm>> -> memref<1280xf32, #tpu.memory_space<hbm>>
      tpu.wait_dma2 semaphore(%arg22 : memref<!tpu.dma_semaphore, #tpu.memory_space<semaphore_mem>>) src(%dma_wait3A_135 : memref<1280xf32, #tpu.memory_space<hbm>>) dst(%arg12 : memref<1280xf32, #tpu.memory_space<vmem>>)
      %parallel_loop3A_136 = arith.constant 0 : i32
      %parallel_loop3A_137 = arith.constant 80 : i32
      %parallel_loop3A_138 = arith.constant 1 : i32
      scf.for %parallel_loop3A_205 = %parallel_loop3A_136 to %parallel_loop3A_137 step %parallel_loop3A_138  : i32 {
        %parallel_loop3A_206 = arith.constant 16 : i32
        %parallel_loop3A_207 = arith.muli %parallel_loop3A_205, %parallel_loop3A_206 : i32
        %parallel_loop3A_208 = arith.index_cast %parallel_loop3A_207 : i32 to index
        %parallel_loop3A_209 = tpu.vector_load %arg8[%parallel_loop3A_208] {strides = array<i32>} : memref<1280xi32, #tpu.memory_space<vmem>>, vector<16xi32>,
        %parallel_loop3A_210 = vector.broadcast %mul3A_31 : i32 to vector<16xi32>
        %parallel_loop3A_211 = arith.addi %parallel_loop3A_209, %parallel_loop3A_210 : vector<16xi32>
        %parallel_loop3A_212 = arith.constant 16 : i32
        %parallel_loop3A_213 = arith.muli %parallel_loop3A_205, %parallel_loop3A_212 : i32
        %parallel_loop3A_214 = arith.index_cast %parallel_loop3A_213 : i32 to index
        %parallel_loop3A_215 = tpu.vector_load %arg8[%parallel_loop3A_214] {strides = array<i32>} : memref<1280xi32, #tpu.memory_space<vmem>>, vector<16xi32>,
        tpu.vector_store %arg8[%parallel_loop3A_214], %parallel_loop3A_211 {strides = array<i32>} : memref<1280xi32, #tpu.memory_space<vmem>>, vector<16xi32>,
      } {sc.loop_unroll_factor = 4 : i64, sc.parallel_access}
      %scan3A_139 = arith.constant 0 : i32
      %scan3A_140 = arith.constant 0 : i32
      %scan3A_141 = arith.constant 10 : i32
      %scan3A_142 = arith.addi %scan3A_140, %scan3A_141 : i32
      %scan3A_143 = arith.constant 1 : i32
      %scan3A_144 = scf.for %scan3A_205 = %scan3A_140 to %scan3A_142 step %scan3A_143 iter_args(%scan3A_206 = %scan3A_139) -> (i32)  : i32 {
        %mul3A_207 = arith.constant 128 : i32
        %mul3A_208 = arith.muli %scan3A_205, %mul3A_207 : i32
        %dma_start3A_209 = arith.constant 0 : i32
        %dma_start3A_210 = arith.constant 0 : i32
        %dma_start3A_211 = tpu.memref_slice %arg14[%scan3A_205, %dma_start3A_209, %dma_start3A_210] : memref<10x128x8xf32, #tpu.memory_space<vmem>> -> memref<1x128x8xf32, #tpu.memory_space<vmem>>
        %dma_start3A_212 = tpu.memref_squeeze %dma_start3A_211 : memref<1x128x8xf32, #tpu.memory_space<vmem>> -> memref<128x8xf32, #tpu.memory_space<vmem>>
        %dma_start3A_213 = tpu.memref_slice %arg8[%mul3A_208] : memref<1280xi32, #tpu.memory_space<vmem>> -> memref<128xi32, #tpu.memory_space<vmem>>
        %dma_start3A_214 = arith.constant 0 : i32
        %dma_start3A_215 = arith.constant 0 : i32
        %dma_start3A_216 = tpu.memref_slice %arg5[%dma_start3A_214, %dma_start3A_215] : memref<200000x8xf32, #tpu.memory_space<hbm>> -> memref<200000x8xf32, #tpu.memory_space<hbm>>
        tpu.enqueue_indirect_dma source(%dma_start3A_216 : memref<200000x8xf32, #tpu.memory_space<hbm>>) target(%dma_start3A_212 : memref<128x8xf32, #tpu.memory_space<vmem>>) offsets(%dma_start3A_213 : memref<128xi32, #tpu.memory_space<vmem>>) semaphore(%arg18 : memref<!tpu.dma_semaphore, #tpu.memory_space<semaphore_mem>>)
        %scan3A_217 = arith.constant 0 : i32
        scf.yield %scan3A_217 : i32
      }
      %scan3A_145 = arith.constant 10 : i32
      %add3A_146 = arith.constant 1 : i32
      %add3A_147 = arith.addi %while3A_109, %add3A_146 : i32
      %lt3A_148 = arith.cmpi slt, %add3A_147, %select_n3A_29 : i32
      %convert_element_type3A_149 = arith.extui %lt3A_148 : i1 to i32
      %cond3A = arith.constant 0 : i32
      %cond3A_150 = arith.cmpi ne, %convert_element_type3A_149, %cond3A : i32
      scf.if %cond3A_150 {
        %mul3A_205 = arith.constant 2 : i32
        %mul3A_206 = arith.muli %mul3A_205, %while3A_109 : i32
        %add3A_207 = arith.constant 2 : i32
        %add3A_208 = arith.addi %mul3A_206, %add3A_207 : i32
        %add3A_209 = arith.addi %select_n3A, %add3A_208 : i32
        %mul3A_210 = arith.constant 1280 : i32
        %mul3A_211 = arith.muli %add3A_209, %mul3A_210 : i32
        %multiple_of3A_212 = tpu.assume_multiple %mul3A_211, 8 : i32
        %dma_start3A_213 = tpu.memref_slice %arg2[%multiple_of3A_212] : memref<6400000xi32, #tpu.memory_space<hbm>> -> memref<1280xi32, #tpu.memory_space<hbm>>
        %dma_start3A_214 = tpu.memref_slice %arg2[%multiple_of3A_212] : memref<6400000xi32, #tpu.memory_space<hbm>> -> memref<1280xi32, #tpu.memory_space<hbm>>
        tpu.enqueue_dma source(%dma_start3A_214 : memref<1280xi32, #tpu.memory_space<hbm>>) target(%arg7 : memref<1280xi32, #tpu.memory_space<vmem>>) target_semaphore(%arg21 : memref<!tpu.dma_semaphore, #tpu.memory_space<semaphore_mem>>)
      } else {
      }
      %scan3A_151 = arith.constant 0 : i32
      %scan3A_152 = arith.constant 0 : i32
      %scan3A_153 = arith.constant 10 : i32
      %scan3A_154 = arith.addi %scan3A_152, %scan3A_153 : i32
      %scan3A_155 = arith.constant 1 : i32
      %scan3A_156 = scf.for %scan3A_205 = %scan3A_152 to %scan3A_154 step %scan3A_155 iter_args(%scan3A_206 = %scan3A_151) -> (i32)  : i32 {
        %broadcast_in_dim3A_207 = arith.constant 0 : i32
        %broadcast_in_dim3A_208 = vector.broadcast %broadcast_in_dim3A_207 : i32 to vector<16xi32>
        %add3A_209 = vector.broadcast %scan3A_205 : i32 to vector<16xi32>
        %add3A_210 = arith.addi %broadcast_in_dim3A_208, %add3A_209 : vector<16xi32>
        %mul3A_211 = arith.constant 128 : i32
        %mul3A_212 = arith.muli %scan3A_205, %mul3A_211 : i32
        %parallel_loop3A_213 = arith.constant 0 : i32
        %parallel_loop3A_214 = arith.constant 64 : i32
        %parallel_loop3A_215 = arith.constant 1 : i32
        scf.for %parallel_loop3A_227 = %parallel_loop3A_213 to %parallel_loop3A_214 step %parallel_loop3A_215  : i32 {
          %parallel_loop3A_228 = arith.constant 2 : i32
          %parallel_loop3A_229 = arith.muli %parallel_loop3A_228, %parallel_loop3A_227 : i32
          %parallel_loop3A_230 = vector.broadcast %parallel_loop3A_229 : i32 to vector<16xi32>
          %parallel_loop3A_231 = arith.addi %convert_element_type3A, %parallel_loop3A_230 : vector<16xi32>
          %parallel_loop3A_232 = tpu.vector_load_idx %arg13[%add3A_210, %parallel_loop3A_231, %sub3A] : memref<10x128x8xf32, #tpu.memory_space<vmem>>[vector<16xi32>, vector<16xi32>, vector<16xi32>], vector<16xf32>,
          %parallel_loop3A_233 = vector.broadcast %mul3A_212 : i32 to vector<16xi32>
          %parallel_loop3A_234 = arith.addi %parallel_loop3A_233, %parallel_loop3A_231 : vector<16xi32>
          %parallel_loop3A_235 = tpu.vector_load_idx %arg11[%parallel_loop3A_234] : memref<1280xf32, #tpu.memory_space<vmem>>[vector<16xi32>], vector<16xf32>,
          %parallel_loop3A_236 = arith.mulf %parallel_loop3A_232, %parallel_loop3A_235 : vector<16xf32>
          tpu.vector_store_idx %arg13[%add3A_210, %parallel_loop3A_231, %sub3A], %parallel_loop3A_236 : memref<10x128x8xf32, #tpu.memory_space<vmem>>[vector<16xi32>, vector<16xi32>, vector<16xi32>], vector<16xf32>,
        } {sc.loop_unroll_factor = 4 : i64, sc.parallel_access}
        %dma_start3A_216 = arith.constant 0 : i32
        %dma_start3A_217 = arith.constant 0 : i32
        %dma_start3A_218 = tpu.memref_slice %arg13[%scan3A_205, %dma_start3A_216, %dma_start3A_217] : memref<10x128x8xf32, #tpu.memory_space<vmem>> -> memref<1x128x8xf32, #tpu.memory_space<vmem>>
        %dma_start3A_219 = tpu.memref_squeeze %dma_start3A_218 : memref<1x128x8xf32, #tpu.memory_space<vmem>> -> memref<128x8xf32, #tpu.memory_space<vmem>>
        %dma_start3A_220 = arith.constant 0 : i32
        %dma_start3A_221 = tpu.memref_slice %arg9[%scan3A_205, %dma_start3A_220] : memref<10x128xi32, #tpu.memory_space<vmem>> -> memref<1x128xi32, #tpu.memory_space<vmem>>
        %dma_start3A_222 = tpu.memref_squeeze %dma_start3A_221 : memref<1x128xi32, #tpu.memory_space<vmem>> -> memref<128xi32, #tpu.memory_space<vmem>>
        %dma_start3A_223 = arith.constant 0 : i32
        %dma_start3A_224 = arith.constant 0 : i32
        %dma_start3A_225 = tpu.memref_slice %arg16[%dma_start3A_223, %dma_start3A_224] : memref<100096x8xf32, #tpu.memory_space<vmem_shared>> -> memref<100096x8xf32, #tpu.memory_space<vmem_shared>>
        tpu.enqueue_indirect_dma source(%dma_start3A_219 : memref<128x8xf32, #tpu.memory_space<vmem>>) target(%dma_start3A_225 : memref<100096x8xf32, #tpu.memory_space<vmem_shared>>) offsets(%dma_start3A_222 : memref<128xi32, #tpu.memory_space<vmem>>) semaphore(%arg19 : memref<!tpu.dma_semaphore, #tpu.memory_space<semaphore_mem>>) {add = true}
        %scan3A_226 = arith.constant 0 : i32
        scf.yield %scan3A_226 : i32
      }
      %scan3A_157 = arith.constant 10 : i32
      %scan3A_158 = arith.constant 0 : i32
      %scan3A_159 = arith.constant 0 : i32
      %scan3A_160 = arith.constant 10 : i32
      %scan3A_161 = arith.addi %scan3A_159, %scan3A_160 : i32
      %scan3A_162 = arith.constant 1 : i32
      %scan3A_163 = scf.for %scan3A_205 = %scan3A_159 to %scan3A_161 step %scan3A_162 iter_args(%scan3A_206 = %scan3A_158) -> (i32)  : i32 {
        %dma_wait3A_207 = arith.constant 0 : i32
        %dma_wait3A_208 = arith.constant 0 : i32
        %dma_wait3A_209 = tpu.memref_slice %arg13[%scan3A_205, %dma_wait3A_207, %dma_wait3A_208] : memref<10x128x8xf32, #tpu.memory_space<vmem>> -> memref<1x128x8xf32, #tpu.memory_space<vmem>>
        %dma_wait3A_210 = tpu.memref_squeeze %dma_wait3A_209 : memref<1x128x8xf32, #tpu.memory_space<vmem>> -> memref<128x8xf32, #tpu.memory_space<vmem>>
        %dma_wait3A_211 = arith.constant 0 : i32
        %dma_wait3A_212 = tpu.memref_slice %arg9[%scan3A_205, %dma_wait3A_211] : memref<10x128xi32, #tpu.memory_space<vmem>> -> memref<1x128xi32, #tpu.memory_space<vmem>>
        %dma_wait3A_213 = tpu.memref_squeeze %dma_wait3A_212 : memref<1x128xi32, #tpu.memory_space<vmem>> -> memref<128xi32, #tpu.memory_space<vmem>>
        %dma_wait3A_214 = arith.constant 0 : i32
        %dma_wait3A_215 = arith.constant 0 : i32
        %dma_wait3A_216 = tpu.memref_slice %arg16[%dma_wait3A_214, %dma_wait3A_215] : memref<100096x8xf32, #tpu.memory_space<vmem_shared>> -> memref<100096x8xf32, #tpu.memory_space<vmem_shared>>
        tpu.wait_indirect_dma semaphore(%arg19 : memref<!tpu.dma_semaphore, #tpu.memory_space<semaphore_mem>>) src(%dma_wait3A_210 : memref<128x8xf32, #tpu.memory_space<vmem>>) dst(%dma_wait3A_216 : memref<100096x8xf32, #tpu.memory_space<vmem_shared>>)
        %scan3A_217 = arith.constant 0 : i32
        scf.yield %scan3A_217 : i32
      }
      %scan3A_164 = arith.constant 10 : i32
      %add3A_165 = arith.constant 1 : i32
      %add3A_166 = arith.addi %while3A_109, %add3A_165 : i32
      %lt3A_167 = arith.cmpi slt, %add3A_166, %select_n3A_29 : i32
      %convert_element_type3A_168 = arith.extui %lt3A_167 : i1 to i32
      %cond3A_169 = arith.constant 0 : i32
      %cond3A_170 = arith.cmpi ne, %convert_element_type3A_168, %cond3A_169 : i32
      scf.if %cond3A_170 {
        %mul3A_205 = arith.constant 2 : i32
        %mul3A_206 = arith.muli %mul3A_205, %while3A_109 : i32
        %add3A_207 = arith.constant 2 : i32
        %add3A_208 = arith.addi %mul3A_206, %add3A_207 : i32
        %add3A_209 = arith.addi %select_n3A, %add3A_208 : i32
        %mul3A_210 = arith.constant 1280 : i32
        %mul3A_211 = arith.muli %add3A_209, %mul3A_210 : i32
        %multiple_of3A_212 = tpu.assume_multiple %mul3A_211, 8 : i32
        %mul3A_213 = arith.constant 10 : i32
        %mul3A_214 = arith.muli %add3A_209, %mul3A_213 : i32
        %dma_start3A_215 = arith.constant 0 : i32
        %dma_start3A_216 = tpu.memref_slice %arg3[%mul3A_214, %dma_start3A_215] : memref<50000x128xi32, #tpu.memory_space<hbm>> -> memref<10x128xi32, #tpu.memory_space<hbm>>
        %dma_start3A_217 = arith.constant 0 : i32
        %dma_start3A_218 = tpu.memref_slice %arg3[%mul3A_214, %dma_start3A_217] : memref<50000x128xi32, #tpu.memory_space<hbm>> -> memref<10x128xi32, #tpu.memory_space<hbm>>
        tpu.enqueue_dma source(%dma_start3A_218 : memref<10x128xi32, #tpu.memory_space<hbm>>) target(%arg9 : memref<10x128xi32, #tpu.memory_space<vmem>>) target_semaphore(%arg21 : memref<!tpu.dma_semaphore, #tpu.memory_space<semaphore_mem>>)
        %dma_start3A_219 = tpu.memref_slice %arg4[%multiple_of3A_212] : memref<6400000xf32, #tpu.memory_space<hbm>> -> memref<1280xf32, #tpu.memory_space<hbm>>
        %dma_start3A_220 = tpu.memref_slice %arg4[%multiple_of3A_212] : memref<6400000xf32, #tpu.memory_space<hbm>> -> memref<1280xf32, #tpu.memory_space<hbm>>
        tpu.enqueue_dma source(%dma_start3A_220 : memref<1280xf32, #tpu.memory_space<hbm>>) target(%arg11 : memref<1280xf32, #tpu.memory_space<vmem>>) target_semaphore(%arg21 : memref<!tpu.dma_semaphore, #tpu.memory_space<semaphore_mem>>)
      } else {
      }
      %scan3A_171 = arith.constant 0 : i32
      %scan3A_172 = arith.constant 0 : i32
      %scan3A_173 = arith.constant 10 : i32
      %scan3A_174 = arith.addi %scan3A_172, %scan3A_173 : i32
      %scan3A_175 = arith.constant 1 : i32
      %scan3A_176 = scf.for %scan3A_205 = %scan3A_172 to %scan3A_174 step %scan3A_175 iter_args(%scan3A_206 = %scan3A_171) -> (i32)  : i32 {
        %mul3A_207 = arith.constant 128 : i32
        %mul3A_208 = arith.muli %scan3A_205, %mul3A_207 : i32
        %dma_wait3A_209 = arith.constant 0 : i32
        %dma_wait3A_210 = arith.constant 0 : i32
        %dma_wait3A_211 = tpu.memref_slice %arg14[%scan3A_205, %dma_wait3A_209, %dma_wait3A_210] : memref<10x128x8xf32, #tpu.memory_space<vmem>> -> memref<1x128x8xf32, #tpu.memory_space<vmem>>
        %dma_wait3A_212 = tpu.memref_squeeze %dma_wait3A_211 : memref<1x128x8xf32, #tpu.memory_space<vmem>> -> memref<128x8xf32, #tpu.memory_space<vmem>>
        %dma_wait3A_213 = tpu.memref_slice %arg8[%mul3A_208] : memref<1280xi32, #tpu.memory_space<vmem>> -> memref<128xi32, #tpu.memory_space<vmem>>
        %dma_wait3A_214 = arith.constant 0 : i32
        %dma_wait3A_215 = arith.constant 0 : i32
        %dma_wait3A_216 = tpu.memref_slice %arg5[%dma_wait3A_214, %dma_wait3A_215] : memref<200000x8xf32, #tpu.memory_space<hbm>> -> memref<200000x8xf32, #tpu.memory_space<hbm>>
        tpu.wait_indirect_dma semaphore(%arg18 : memref<!tpu.dma_semaphore, #tpu.memory_space<semaphore_mem>>) src(%dma_wait3A_216 : memref<200000x8xf32, #tpu.memory_space<hbm>>) dst(%dma_wait3A_212 : memref<128x8xf32, #tpu.memory_space<vmem>>)
        %scan3A_217 = arith.constant 0 : i32
        scf.yield %scan3A_217 : i32
      }
      %scan3A_177 = arith.constant 10 : i32
      %add3A_178 = arith.constant 1 : i32
      %add3A_179 = arith.addi %while3A_109, %add3A_178 : i32
      %lt3A_180 = arith.cmpi slt, %add3A_179, %select_n3A_29 : i32
      %convert_element_type3A_181 = arith.extui %lt3A_180 : i1 to i32
      %cond3A_182 = arith.constant 0 : i32
      %cond3A_183 = arith.cmpi ne, %convert_element_type3A_181, %cond3A_182 : i32
      scf.if %cond3A_183 {
        %mul3A_205 = arith.constant 2 : i32
        %mul3A_206 = arith.muli %mul3A_205, %while3A_109 : i32
        %add3A_207 = arith.constant 2 : i32
        %add3A_208 = arith.addi %mul3A_206, %add3A_207 : i32
        %add3A_209 = arith.addi %select_n3A, %add3A_208 : i32
        %mul3A_210 = arith.constant 1280 : i32
        %mul3A_211 = arith.muli %add3A_209, %mul3A_210 : i32
        %multiple_of3A_212 = tpu.assume_multiple %mul3A_211, 8 : i32
        %dma_wait3A_213 = tpu.memref_slice %arg2[%multiple_of3A_212] : memref<6400000xi32, #tpu.memory_space<hbm>> -> memref<1280xi32, #tpu.memory_space<hbm>>
        %dma_wait3A_214 = tpu.memref_slice %arg2[%multiple_of3A_212] : memref<6400000xi32, #tpu.memory_space<hbm>> -> memref<1280xi32, #tpu.memory_space<hbm>>
        tpu.wait_dma2 semaphore(%arg21 : memref<!tpu.dma_semaphore, #tpu.memory_space<semaphore_mem>>) src(%dma_wait3A_214 : memref<1280xi32, #tpu.memory_space<hbm>>) dst(%arg7 : memref<1280xi32, #tpu.memory_space<vmem>>)
        %mul3A_215 = arith.constant 10 : i32
        %mul3A_216 = arith.muli %add3A_209, %mul3A_215 : i32
        %dma_wait3A_217 = arith.constant 0 : i32
        %dma_wait3A_218 = tpu.memref_slice %arg3[%mul3A_216, %dma_wait3A_217] : memref<50000x128xi32, #tpu.memory_space<hbm>> -> memref<10x128xi32, #tpu.memory_space<hbm>>
        %dma_wait3A_219 = arith.constant 0 : i32
        %dma_wait3A_220 = tpu.memref_slice %arg3[%mul3A_216, %dma_wait3A_219] : memref<50000x128xi32, #tpu.memory_space<hbm>> -> memref<10x128xi32, #tpu.memory_space<hbm>>
        tpu.wait_dma2 semaphore(%arg21 : memref<!tpu.dma_semaphore, #tpu.memory_space<semaphore_mem>>) src(%dma_wait3A_220 : memref<10x128xi32, #tpu.memory_space<hbm>>) dst(%arg9 : memref<10x128xi32, #tpu.memory_space<vmem>>)
        %dma_wait3A_221 = tpu.memref_slice %arg4[%multiple_of3A_212] : memref<6400000xf32, #tpu.memory_space<hbm>> -> memref<1280xf32, #tpu.memory_space<hbm>>
        %dma_wait3A_222 = tpu.memref_slice %arg4[%multiple_of3A_212] : memref<6400000xf32, #tpu.memory_space<hbm>> -> memref<1280xf32, #tpu.memory_space<hbm>>
        tpu.wait_dma2 semaphore(%arg21 : memref<!tpu.dma_semaphore, #tpu.memory_space<semaphore_mem>>) src(%dma_wait3A_222 : memref<1280xf32, #tpu.memory_space<hbm>>) dst(%arg11 : memref<1280xf32, #tpu.memory_space<vmem>>)
        %parallel_loop3A_223 = arith.constant 0 : i32
        %parallel_loop3A_224 = arith.constant 80 : i32
        %parallel_loop3A_225 = arith.constant 1 : i32
        scf.for %parallel_loop3A_243 = %parallel_loop3A_223 to %parallel_loop3A_224 step %parallel_loop3A_225  : i32 {
          %parallel_loop3A_244 = arith.constant 16 : i32
          %parallel_loop3A_245 = arith.muli %parallel_loop3A_243, %parallel_loop3A_244 : i32
          %parallel_loop3A_246 = arith.index_cast %parallel_loop3A_245 : i32 to index
          %parallel_loop3A_247 = tpu.vector_load %arg7[%parallel_loop3A_246] {strides = array<i32>} : memref<1280xi32, #tpu.memory_space<vmem>>, vector<16xi32>,
          %parallel_loop3A_248 = vector.broadcast %mul3A_31 : i32 to vector<16xi32>
          %parallel_loop3A_249 = arith.addi %parallel_loop3A_247, %parallel_loop3A_248 : vector<16xi32>
          %parallel_loop3A_250 = arith.constant 16 : i32
          %parallel_loop3A_251 = arith.muli %parallel_loop3A_243, %parallel_loop3A_250 : i32
          %parallel_loop3A_252 = arith.index_cast %parallel_loop3A_251 : i32 to index
          %parallel_loop3A_253 = tpu.vector_load %arg7[%parallel_loop3A_252] {strides = array<i32>} : memref<1280xi32, #tpu.memory_space<vmem>>, vector<16xi32>,
          tpu.vector_store %arg7[%parallel_loop3A_252], %parallel_loop3A_249 {strides = array<i32>} : memref<1280xi32, #tpu.memory_space<vmem>>, vector<16xi32>,
        } {sc.loop_unroll_factor = 4 : i64, sc.parallel_access}
        %scan3A_226 = arith.constant 0 : i32
        %scan3A_227 = arith.constant 0 : i32
        %scan3A_228 = arith.constant 10 : i32
        %scan3A_229 = arith.addi %scan3A_227, %scan3A_228 : i32
        %scan3A_230 = arith.constant 1 : i32
        %scan3A_231 = scf.for %scan3A_243 = %scan3A_227 to %scan3A_229 step %scan3A_230 iter_args(%scan3A_244 = %scan3A_226) -> (i32)  : i32 {
          %mul3A_245 = arith.constant 128 : i32
          %mul3A_246 = arith.muli %scan3A_243, %mul3A_245 : i32
          %dma_start3A_247 = arith.constant 0 : i32
          %dma_start3A_248 = arith.constant 0 : i32
          %dma_start3A_249 = tpu.memref_slice %arg13[%scan3A_243, %dma_start3A_247, %dma_start3A_248] : memref<10x128x8xf32, #tpu.memory_space<vmem>> -> memref<1x128x8xf32, #tpu.memory_space<vmem>>
          %dma_start3A_250 = tpu.memref_squeeze %dma_start3A_249 : memref<1x128x8xf32, #tpu.memory_space<vmem>> -> memref<128x8xf32, #tpu.memory_space<vmem>>
          %dma_start3A_251 = tpu.memref_slice %arg7[%mul3A_246] : memref<1280xi32, #tpu.memory_space<vmem>> -> memref<128xi32, #tpu.memory_space<vmem>>
          %dma_start3A_252 = arith.constant 0 : i32
          %dma_start3A_253 = arith.constant 0 : i32
          %dma_start3A_254 = tpu.memref_slice %arg5[%dma_start3A_252, %dma_start3A_253] : memref<200000x8xf32, #tpu.memory_space<hbm>> -> memref<200000x8xf32, #tpu.memory_space<hbm>>
          tpu.enqueue_indirect_dma source(%dma_start3A_254 : memref<200000x8xf32, #tpu.memory_space<hbm>>) target(%dma_start3A_250 : memref<128x8xf32, #tpu.memory_space<vmem>>) offsets(%dma_start3A_251 : memref<128xi32, #tpu.memory_space<vmem>>) semaphore(%arg17 : memref<!tpu.dma_semaphore, #tpu.memory_space<semaphore_mem>>)
          %scan3A_255 = arith.constant 0 : i32
          scf.yield %scan3A_255 : i32
        }
        %scan3A_232 = arith.constant 10 : i32
        %mul3A_233 = arith.constant 2 : i32
        %mul3A_234 = arith.muli %mul3A_233, %while3A_109 : i32
        %add3A_235 = arith.constant 3 : i32
        %add3A_236 = arith.addi %mul3A_234, %add3A_235 : i32
        %add3A_237 = arith.addi %select_n3A, %add3A_236 : i32
        %mul3A_238 = arith.constant 1280 : i32
        %mul3A_239 = arith.muli %add3A_237, %mul3A_238 : i32
        %multiple_of3A_240 = tpu.assume_multiple %mul3A_239, 8 : i32
        %dma_start3A_241 = tpu.memref_slice %arg2[%multiple_of3A_240] : memref<6400000xi32, #tpu.memory_space<hbm>> -> memref<1280xi32, #tpu.memory_space<hbm>>
        %dma_start3A_242 = tpu.memref_slice %arg2[%multiple_of3A_240] : memref<6400000xi32, #tpu.memory_space<hbm>> -> memref<1280xi32, #tpu.memory_space<hbm>>
        tpu.enqueue_dma source(%dma_start3A_242 : memref<1280xi32, #tpu.memory_space<hbm>>) target(%arg8 : memref<1280xi32, #tpu.memory_space<vmem>>) target_semaphore(%arg22 : memref<!tpu.dma_semaphore, #tpu.memory_space<semaphore_mem>>)
      } else {
      }
      %scan3A_184 = arith.constant 0 : i32
      %scan3A_185 = arith.constant 0 : i32
      %scan3A_186 = arith.constant 10 : i32
      %scan3A_187 = arith.addi %scan3A_185, %scan3A_186 : i32
      %scan3A_188 = arith.constant 1 : i32
      %scan3A_189 = scf.for %scan3A_205 = %scan3A_185 to %scan3A_187 step %scan3A_188 iter_args(%scan3A_206 = %scan3A_184) -> (i32)  : i32 {
        %broadcast_in_dim3A_207 = arith.constant 0 : i32
        %broadcast_in_dim3A_208 = vector.broadcast %broadcast_in_dim3A_207 : i32 to vector<16xi32>
        %add3A_209 = vector.broadcast %scan3A_205 : i32 to vector<16xi32>
        %add3A_210 = arith.addi %broadcast_in_dim3A_208, %add3A_209 : vector<16xi32>
        %mul3A_211 = arith.constant 128 : i32
        %mul3A_212 = arith.muli %scan3A_205, %mul3A_211 : i32
        %parallel_loop3A_213 = arith.constant 0 : i32
        %parallel_loop3A_214 = arith.constant 64 : i32
        %parallel_loop3A_215 = arith.constant 1 : i32
        scf.for %parallel_loop3A_227 = %parallel_loop3A_213 to %parallel_loop3A_214 step %parallel_loop3A_215  : i32 {
          %parallel_loop3A_228 = arith.constant 2 : i32
          %parallel_loop3A_229 = arith.muli %parallel_loop3A_228, %parallel_loop3A_227 : i32
          %parallel_loop3A_230 = vector.broadcast %parallel_loop3A_229 : i32 to vector<16xi32>
          %parallel_loop3A_231 = arith.addi %convert_element_type3A, %parallel_loop3A_230 : vector<16xi32>
          %parallel_loop3A_232 = tpu.vector_load_idx %arg14[%add3A_210, %parallel_loop3A_231, %sub3A] : memref<10x128x8xf32, #tpu.memory_space<vmem>>[vector<16xi32>, vector<16xi32>, vector<16xi32>], vector<16xf32>,
          %parallel_loop3A_233 = vector.broadcast %mul3A_212 : i32 to vector<16xi32>
          %parallel_loop3A_234 = arith.addi %parallel_loop3A_233, %parallel_loop3A_231 : vector<16xi32>
          %parallel_loop3A_235 = tpu.vector_load_idx %arg12[%parallel_loop3A_234] : memref<1280xf32, #tpu.memory_space<vmem>>[vector<16xi32>], vector<16xf32>,
          %parallel_loop3A_236 = arith.mulf %parallel_loop3A_232, %parallel_loop3A_235 : vector<16xf32>
          tpu.vector_store_idx %arg14[%add3A_210, %parallel_loop3A_231, %sub3A], %parallel_loop3A_236 : memref<10x128x8xf32, #tpu.memory_space<vmem>>[vector<16xi32>, vector<16xi32>, vector<16xi32>], vector<16xf32>,
        } {sc.loop_unroll_factor = 4 : i64, sc.parallel_access}
        %dma_start3A_216 = arith.constant 0 : i32
        %dma_start3A_217 = arith.constant 0 : i32
        %dma_start3A_218 = tpu.memref_slice %arg14[%scan3A_205, %dma_start3A_216, %dma_start3A_217] : memref<10x128x8xf32, #tpu.memory_space<vmem>> -> memref<1x128x8xf32, #tpu.memory_space<vmem>>
        %dma_start3A_219 = tpu.memref_squeeze %dma_start3A_218 : memref<1x128x8xf32, #tpu.memory_space<vmem>> -> memref<128x8xf32, #tpu.memory_space<vmem>>
        %dma_start3A_220 = arith.constant 0 : i32
        %dma_start3A_221 = tpu.memref_slice %arg10[%scan3A_205, %dma_start3A_220] : memref<10x128xi32, #tpu.memory_space<vmem>> -> memref<1x128xi32, #tpu.memory_space<vmem>>
        %dma_start3A_222 = tpu.memref_squeeze %dma_start3A_221 : memref<1x128xi32, #tpu.memory_space<vmem>> -> memref<128xi32, #tpu.memory_space<vmem>>
        %dma_start3A_223 = arith.constant 0 : i32
        %dma_start3A_224 = arith.constant 0 : i32
        %dma_start3A_225 = tpu.memref_slice %arg16[%dma_start3A_223, %dma_start3A_224] : memref<100096x8xf32, #tpu.memory_space<vmem_shared>> -> memref<100096x8xf32, #tpu.memory_space<vmem_shared>>
        tpu.enqueue_indirect_dma source(%dma_start3A_219 : memref<128x8xf32, #tpu.memory_space<vmem>>) target(%dma_start3A_225 : memref<100096x8xf32, #tpu.memory_space<vmem_shared>>) offsets(%dma_start3A_222 : memref<128xi32, #tpu.memory_space<vmem>>) semaphore(%arg20 : memref<!tpu.dma_semaphore, #tpu.memory_space<semaphore_mem>>) {add = true}
        %scan3A_226 = arith.constant 0 : i32
        scf.yield %scan3A_226 : i32
      }
      %scan3A_190 = arith.constant 10 : i32
      %scan3A_191 = arith.constant 0 : i32
      %scan3A_192 = arith.constant 0 : i32
      %scan3A_193 = arith.constant 10 : i32
      %scan3A_194 = arith.addi %scan3A_192, %scan3A_193 : i32
      %scan3A_195 = arith.constant 1 : i32
      %scan3A_196 = scf.for %scan3A_205 = %scan3A_192 to %scan3A_194 step %scan3A_195 iter_args(%scan3A_206 = %scan3A_191) -> (i32)  : i32 {
        %dma_wait3A_207 = arith.constant 0 : i32
        %dma_wait3A_208 = arith.constant 0 : i32
        %dma_wait3A_209 = tpu.memref_slice %arg14[%scan3A_205, %dma_wait3A_207, %dma_wait3A_208] : memref<10x128x8xf32, #tpu.memory_space<vmem>> -> memref<1x128x8xf32, #tpu.memory_space<vmem>>
        %dma_wait3A_210 = tpu.memref_squeeze %dma_wait3A_209 : memref<1x128x8xf32, #tpu.memory_space<vmem>> -> memref<128x8xf32, #tpu.memory_space<vmem>>
        %dma_wait3A_211 = arith.constant 0 : i32
        %dma_wait3A_212 = tpu.memref_slice %arg10[%scan3A_205, %dma_wait3A_211] : memref<10x128xi32, #tpu.memory_space<vmem>> -> memref<1x128xi32, #tpu.memory_space<vmem>>
        %dma_wait3A_213 = tpu.memref_squeeze %dma_wait3A_212 : memref<1x128xi32, #tpu.memory_space<vmem>> -> memref<128xi32, #tpu.memory_space<vmem>>
        %dma_wait3A_214 = arith.constant 0 : i32
        %dma_wait3A_215 = arith.constant 0 : i32
        %dma_wait3A_216 = tpu.memref_slice %arg16[%dma_wait3A_214, %dma_wait3A_215] : memref<100096x8xf32, #tpu.memory_space<vmem_shared>> -> memref<100096x8xf32, #tpu.memory_space<vmem_shared>>
        tpu.wait_indirect_dma semaphore(%arg20 : memref<!tpu.dma_semaphore, #tpu.memory_space<semaphore_mem>>) src(%dma_wait3A_210 : memref<128x8xf32, #tpu.memory_space<vmem>>) dst(%dma_wait3A_216 : memref<100096x8xf32, #tpu.memory_space<vmem_shared>>)
        %scan3A_217 = arith.constant 0 : i32
        scf.yield %scan3A_217 : i32
      }
      %scan3A_197 = arith.constant 10 : i32
      %add3A_198 = arith.constant 1 : i32
      %add3A_199 = arith.addi %while3A_109, %add3A_198 : i32
      %lt3A_200 = arith.cmpi slt, %add3A_199, %select_n3A_29 : i32
      %convert_element_type3A_201 = arith.extui %lt3A_200 : i1 to i32
      %cond3A_202 = arith.constant 0 : i32
      %cond3A_203 = arith.cmpi ne, %convert_element_type3A_201, %cond3A_202 : i32
      scf.if %cond3A_203 {
        %mul3A_205 = arith.constant 2 : i32
        %mul3A_206 = arith.muli %mul3A_205, %while3A_109 : i32
        %add3A_207 = arith.constant 3 : i32
        %add3A_208 = arith.addi %mul3A_206, %add3A_207 : i32
        %add3A_209 = arith.addi %select_n3A, %add3A_208 : i32
        %mul3A_210 = arith.constant 1280 : i32
        %mul3A_211 = arith.muli %add3A_209, %mul3A_210 : i32
        %multiple_of3A_212 = tpu.assume_multiple %mul3A_211, 8 : i32
        %mul3A_213 = arith.constant 10 : i32
        %mul3A_214 = arith.muli %add3A_209, %mul3A_213 : i32
        %dma_start3A_215 = arith.constant 0 : i32
        %dma_start3A_216 = tpu.memref_slice %arg3[%mul3A_214, %dma_start3A_215] : memref<50000x128xi32, #tpu.memory_space<hbm>> -> memref<10x128xi32, #tpu.memory_space<hbm>>
        %dma_start3A_217 = arith.constant 0 : i32
        %dma_start3A_218 = tpu.memref_slice %arg3[%mul3A_214, %dma_start3A_217] : memref<50000x128xi32, #tpu.memory_space<hbm>> -> memref<10x128xi32, #tpu.memory_space<hbm>>
        tpu.enqueue_dma source(%dma_start3A_218 : memref<10x128xi32, #tpu.memory_space<hbm>>) target(%arg10 : memref<10x128xi32, #tpu.memory_space<vmem>>) target_semaphore(%arg22 : memref<!tpu.dma_semaphore, #tpu.memory_space<semaphore_mem>>)
        %dma_start3A_219 = tpu.memref_slice %arg4[%multiple_of3A_212] : memref<6400000xf32, #tpu.memory_space<hbm>> -> memref<1280xf32, #tpu.memory_space<hbm>>
        %dma_start3A_220 = tpu.memref_slice %arg4[%multiple_of3A_212] : memref<6400000xf32, #tpu.memory_space<hbm>> -> memref<1280xf32, #tpu.memory_space<hbm>>
        tpu.enqueue_dma source(%dma_start3A_220 : memref<1280xf32, #tpu.memory_space<hbm>>) target(%arg12 : memref<1280xf32, #tpu.memory_space<vmem>>) target_semaphore(%arg22 : memref<!tpu.dma_semaphore, #tpu.memory_space<semaphore_mem>>)
      } else {
      }
      %while3A_204 = arith.constant 0 : i32
      scf.yield %while3A_204 : i32
    }
    %while3A_102 = arith.constant 1 : i32
    %while3A_103 = scf.for %while3A_109 = %while3A_99 to %while3A_95 step %while3A_102 iter_args(%while3A_110 = %while3A_101) -> (i32)  : i32 {
      %scan3A_111 = arith.constant 0 : i32
      %scan3A_112 = arith.constant 0 : i32
      %scan3A_113 = arith.constant 10 : i32
      %scan3A_114 = arith.addi %scan3A_112, %scan3A_113 : i32
      %scan3A_115 = arith.constant 1 : i32
      %scan3A_116 = scf.for %scan3A_205 = %scan3A_112 to %scan3A_114 step %scan3A_115 iter_args(%scan3A_206 = %scan3A_111) -> (i32)  : i32 {
        %mul3A_207 = arith.constant 128 : i32
        %mul3A_208 = arith.muli %scan3A_205, %mul3A_207 : i32
        %dma_wait3A_209 = arith.constant 0 : i32
        %dma_wait3A_210 = arith.constant 0 : i32
        %dma_wait3A_211 = tpu.memref_slice %arg13[%scan3A_205, %dma_wait3A_209, %dma_wait3A_210] : memref<10x128x8xf32, #tpu.memory_space<vmem>> -> memref<1x128x8xf32, #tpu.memory_space<vmem>>
        %dma_wait3A_212 = tpu.memref_squeeze %dma_wait3A_211 : memref<1x128x8xf32, #tpu.memory_space<vmem>> -> memref<128x8xf32, #tpu.memory_space<vmem>>
        %dma_wait3A_213 = tpu.memref_slice %arg7[%mul3A_208] : memref<1280xi32, #tpu.memory_space<vmem>> -> memref<128xi32, #tpu.memory_space<vmem>>
        %dma_wait3A_214 = arith.constant 0 : i32
        %dma_wait3A_215 = arith.constant 0 : i32
        %dma_wait3A_216 = tpu.memref_slice %arg5[%dma_wait3A_214, %dma_wait3A_215] : memref<200000x8xf32, #tpu.memory_space<hbm>> -> memref<200000x8xf32, #tpu.memory_space<hbm>>
        tpu.wait_indirect_dma semaphore(%arg17 : memref<!tpu.dma_semaphore, #tpu.memory_space<semaphore_mem>>) src(%dma_wait3A_216 : memref<200000x8xf32, #tpu.memory_space<hbm>>) dst(%dma_wait3A_212 : memref<128x8xf32, #tpu.memory_space<vmem>>)
        %scan3A_217 = arith.constant 0 : i32
        scf.yield %scan3A_217 : i32
      }
      %scan3A_117 = arith.constant 10 : i32
      %mul3A_118 = arith.constant 2 : i32
      %mul3A_119 = arith.muli %mul3A_118, %while3A_109 : i32
      %add3A_120 = arith.constant 1 : i32
      %add3A_121 = arith.addi %mul3A_119, %add3A_120 : i32
      %add3A_122 = arith.addi %select_n3A, %add3A_121 : i32
      %mul3A_123 = arith.constant 1280 : i32
      %mul3A_124 = arith.muli %add3A_122, %mul3A_123 : i32
      %multiple_of3A_125 = tpu.assume_multiple %mul3A_124, 8 : i32
      %dma_wait3A_126 = tpu.memref_slice %arg2[%multiple_of3A_125] : memref<6400000xi32, #tpu.memory_space<hbm>> -> memref<1280xi32, #tpu.memory_space<hbm>>
      %dma_wait3A_127 = tpu.memref_slice %arg2[%multiple_of3A_125] : memref<6400000xi32, #tpu.memory_space<hbm>> -> memref<1280xi32, #tpu.memory_space<hbm>>
      tpu.wait_dma2 semaphore(%arg22 : memref<!tpu.dma_semaphore, #tpu.memory_space<semaphore_mem>>) src(%dma_wait3A_127 : memref<1280xi32, #tpu.memory_space<hbm>>) dst(%arg8 : memref<1280xi32, #tpu.memory_space<vmem>>)
      %mul3A_128 = arith.constant 10 : i32
      %mul3A_129 = arith.muli %add3A_122, %mul3A_128 : i32
      %dma_wait3A_130 = arith.constant 0 : i32
      %dma_wait3A_131 = tpu.memref_slice %arg3[%mul3A_129, %dma_wait3A_130] : memref<50000x128xi32, #tpu.memory_space<hbm>> -> memref<10x128xi32, #tpu.memory_space<hbm>>
      %dma_wait3A_132 = arith.constant 0 : i32
      %dma_wait3A_133 = tpu.memref_slice %arg3[%mul3A_129, %dma_wait3A_132] : memref<50000x128xi32, #tpu.memory_space<hbm>> -> memref<10x128xi32, #tpu.memory_space<hbm>>
      tpu.wait_dma2 semaphore(%arg22 : memref<!tpu.dma_semaphore, #tpu.memory_space<semaphore_mem>>) src(%dma_wait3A_133 : memref<10x128xi32, #tpu.memory_space<hbm>>) dst(%arg10 : memref<10x128xi32, #tpu.memory_space<vmem>>)
      %dma_wait3A_134 = tpu.memref_slice %arg4[%multiple_of3A_125] : memref<6400000xf32, #tpu.memory_space<hbm>> -> memref<1280xf32, #tpu.memory_space<hbm>>
      %dma_wait3A_135 = tpu.memref_slice %arg4[%multiple_of3A_125] : memref<6400000xf32, #tpu.memory_space<hbm>> -> memref<1280xf32, #tpu.memory_space<hbm>>
      tpu.wait_dma2 semaphore(%arg22 : memref<!tpu.dma_semaphore, #tpu.memory_space<semaphore_mem>>) src(%dma_wait3A_135 : memref<1280xf32, #tpu.memory_space<hbm>>) dst(%arg12 : memref<1280xf32, #tpu.memory_space<vmem>>)
      %parallel_loop3A_136 = arith.constant 0 : i32
      %parallel_loop3A_137 = arith.constant 80 : i32
      %parallel_loop3A_138 = arith.constant 1 : i32
      scf.for %parallel_loop3A_205 = %parallel_loop3A_136 to %parallel_loop3A_137 step %parallel_loop3A_138  : i32 {
        %parallel_loop3A_206 = arith.constant 16 : i32
        %parallel_loop3A_207 = arith.muli %parallel_loop3A_205, %parallel_loop3A_206 : i32
        %parallel_loop3A_208 = arith.index_cast %parallel_loop3A_207 : i32 to index
        %parallel_loop3A_209 = tpu.vector_load %arg8[%parallel_loop3A_208] {strides = array<i32>} : memref<1280xi32, #tpu.memory_space<vmem>>, vector<16xi32>,
        %parallel_loop3A_210 = vector.broadcast %mul3A_31 : i32 to vector<16xi32>
        %parallel_loop3A_211 = arith.addi %parallel_loop3A_209, %parallel_loop3A_210 : vector<16xi32>
        %parallel_loop3A_212 = arith.constant 16 : i32
        %parallel_loop3A_213 = arith.muli %parallel_loop3A_205, %parallel_loop3A_212 : i32
        %parallel_loop3A_214 = arith.index_cast %parallel_loop3A_213 : i32 to index
        %parallel_loop3A_215 = tpu.vector_load %arg8[%parallel_loop3A_214] {strides = array<i32>} : memref<1280xi32, #tpu.memory_space<vmem>>, vector<16xi32>,
        tpu.vector_store %arg8[%parallel_loop3A_214], %parallel_loop3A_211 {strides = array<i32>} : memref<1280xi32, #tpu.memory_space<vmem>>, vector<16xi32>,
      } {sc.loop_unroll_factor = 4 : i64, sc.parallel_access}
      %scan3A_139 = arith.constant 0 : i32
      %scan3A_140 = arith.constant 0 : i32
      %scan3A_141 = arith.constant 10 : i32
      %scan3A_142 = arith.addi %scan3A_140, %scan3A_141 : i32
      %scan3A_143 = arith.constant 1 : i32
      %scan3A_144 = scf.for %scan3A_205 = %scan3A_140 to %scan3A_142 step %scan3A_143 iter_args(%scan3A_206 = %scan3A_139) -> (i32)  : i32 {
        %mul3A_207 = arith.constant 128 : i32
        %mul3A_208 = arith.muli %scan3A_205, %mul3A_207 : i32
        %dma_start3A_209 = arith.constant 0 : i32
        %dma_start3A_210 = arith.constant 0 : i32
        %dma_start3A_211 = tpu.memref_slice %arg14[%scan3A_205, %dma_start3A_209, %dma_start3A_210] : memref<10x128x8xf32, #tpu.memory_space<vmem>> -> memref<1x128x8xf32, #tpu.memory_space<vmem>>
        %dma_start3A_212 = tpu.memref_squeeze %dma_start3A_211 : memref<1x128x8xf32, #tpu.memory_space<vmem>> -> memref<128x8xf32, #tpu.memory_space<vmem>>
        %dma_start3A_213 = tpu.memref_slice %arg8[%mul3A_208] : memref<1280xi32, #tpu.memory_space<vmem>> -> memref<128xi32, #tpu.memory_space<vmem>>
        %dma_start3A_214 = arith.constant 0 : i32
        %dma_start3A_215 = arith.constant 0 : i32
        %dma_start3A_216 = tpu.memref_slice %arg5[%dma_start3A_214, %dma_start3A_215] : memref<200000x8xf32, #tpu.memory_space<hbm>> -> memref<200000x8xf32, #tpu.memory_space<hbm>>
        tpu.enqueue_indirect_dma source(%dma_start3A_216 : memref<200000x8xf32, #tpu.memory_space<hbm>>) target(%dma_start3A_212 : memref<128x8xf32, #tpu.memory_space<vmem>>) offsets(%dma_start3A_213 : memref<128xi32, #tpu.memory_space<vmem>>) semaphore(%arg18 : memref<!tpu.dma_semaphore, #tpu.memory_space<semaphore_mem>>)
        %scan3A_217 = arith.constant 0 : i32
        scf.yield %scan3A_217 : i32
      }
      %scan3A_145 = arith.constant 10 : i32
      %add3A_146 = arith.constant 1 : i32
      %add3A_147 = arith.addi %while3A_109, %add3A_146 : i32
      %lt3A_148 = arith.cmpi slt, %add3A_147, %select_n3A_29 : i32
      %convert_element_type3A_149 = arith.extui %lt3A_148 : i1 to i32
      %cond3A = arith.constant 0 : i32
      %cond3A_150 = arith.cmpi ne, %convert_element_type3A_149, %cond3A : i32
      scf.if %cond3A_150 {
        %mul3A_205 = arith.constant 2 : i32
        %mul3A_206 = arith.muli %mul3A_205, %while3A_109 : i32
        %add3A_207 = arith.constant 2 : i32
        %add3A_208 = arith.addi %mul3A_206, %add3A_207 : i32
        %add3A_209 = arith.addi %select_n3A, %add3A_208 : i32
        %mul3A_210 = arith.constant 1280 : i32
        %mul3A_211 = arith.muli %add3A_209, %mul3A_210 : i32
        %multiple_of3A_212 = tpu.assume_multiple %mul3A_211, 8 : i32
        %dma_start3A_213 = tpu.memref_slice %arg2[%multiple_of3A_212] : memref<6400000xi32, #tpu.memory_space<hbm>> -> memref<1280xi32, #tpu.memory_space<hbm>>
        %dma_start3A_214 = tpu.memref_slice %arg2[%multiple_of3A_212] : memref<6400000xi32, #tpu.memory_space<hbm>> -> memref<1280xi32, #tpu.memory_space<hbm>>
        tpu.enqueue_dma source(%dma_start3A_214 : memref<1280xi32, #tpu.memory_space<hbm>>) target(%arg7 : memref<1280xi32, #tpu.memory_space<vmem>>) target_semaphore(%arg21 : memref<!tpu.dma_semaphore, #tpu.memory_space<semaphore_mem>>)
      } else {
      }
      %scan3A_151 = arith.constant 0 : i32
      %scan3A_152 = arith.constant 0 : i32
      %scan3A_153 = arith.constant 10 : i32
      %scan3A_154 = arith.addi %scan3A_152, %scan3A_153 : i32
      %scan3A_155 = arith.constant 1 : i32
      %scan3A_156 = scf.for %scan3A_205 = %scan3A_152 to %scan3A_154 step %scan3A_155 iter_args(%scan3A_206 = %scan3A_151) -> (i32)  : i32 {
        %broadcast_in_dim3A_207 = arith.constant 0 : i32
        %broadcast_in_dim3A_208 = vector.broadcast %broadcast_in_dim3A_207 : i32 to vector<16xi32>
        %add3A_209 = vector.broadcast %scan3A_205 : i32 to vector<16xi32>
        %add3A_210 = arith.addi %broadcast_in_dim3A_208, %add3A_209 : vector<16xi32>
        %mul3A_211 = arith.constant 128 : i32
        %mul3A_212 = arith.muli %scan3A_205, %mul3A_211 : i32
        %parallel_loop3A_213 = arith.constant 0 : i32
        %parallel_loop3A_214 = arith.constant 64 : i32
        %parallel_loop3A_215 = arith.constant 1 : i32
        scf.for %parallel_loop3A_227 = %parallel_loop3A_213 to %parallel_loop3A_214 step %parallel_loop3A_215  : i32 {
          %parallel_loop3A_228 = arith.constant 2 : i32
          %parallel_loop3A_229 = arith.muli %parallel_loop3A_228, %parallel_loop3A_227 : i32
          %parallel_loop3A_230 = vector.broadcast %parallel_loop3A_229 : i32 to vector<16xi32>
          %parallel_loop3A_231 = arith.addi %convert_element_type3A, %parallel_loop3A_230 : vector<16xi32>
          %parallel_loop3A_232 = tpu.vector_load_idx %arg13[%add3A_210, %parallel_loop3A_231, %sub3A] : memref<10x128x8xf32, #tpu.memory_space<vmem>>[vector<16xi32>, vector<16xi32>, vector<16xi32>], vector<16xf32>,
          %parallel_loop3A_233 = vector.broadcast %mul3A_212 : i32 to vector<16xi32>
          %parallel_loop3A_234 = arith.addi %parallel_loop3A_233, %parallel_loop3A_231 : vector<16xi32>
          %parallel_loop3A_235 = tpu.vector_load_idx %arg11[%parallel_loop3A_234] : memref<1280xf32, #tpu.memory_space<vmem>>[vector<16xi32>], vector<16xf32>,
          %parallel_loop3A_236 = arith.mulf %parallel_loop3A_232, %parallel_loop3A_235 : vector<16xf32>
          tpu.vector_store_idx %arg13[%add3A_210, %parallel_loop3A_231, %sub3A], %parallel_loop3A_236 : memref<10x128x8xf32, #tpu.memory_space<vmem>>[vector<16xi32>, vector<16xi32>, vector<16xi32>], vector<16xf32>,
        } {sc.loop_unroll_factor = 4 : i64, sc.parallel_access}
        %dma_start3A_216 = arith.constant 0 : i32
        %dma_start3A_217 = arith.constant 0 : i32
        %dma_start3A_218 = tpu.memref_slice %arg13[%scan3A_205, %dma_start3A_216, %dma_start3A_217] : memref<10x128x8xf32, #tpu.memory_space<vmem>> -> memref<1x128x8xf32, #tpu.memory_space<vmem>>
        %dma_start3A_219 = tpu.memref_squeeze %dma_start3A_218 : memref<1x128x8xf32, #tpu.memory_space<vmem>> -> memref<128x8xf32, #tpu.memory_space<vmem>>
        %dma_start3A_220 = arith.constant 0 : i32
        %dma_start3A_221 = tpu.memref_slice %arg9[%scan3A_205, %dma_start3A_220] : memref<10x128xi32, #tpu.memory_space<vmem>> -> memref<1x128xi32, #tpu.memory_space<vmem>>
        %dma_start3A_222 = tpu.memref_squeeze %dma_start3A_221 : memref<1x128xi32, #tpu.memory_space<vmem>> -> memref<128xi32, #tpu.memory_space<vmem>>
        %dma_start3A_223 = arith.constant 0 : i32
        %dma_start3A_224 = arith.constant 0 : i32
        %dma_start3A_225 = tpu.memref_slice %arg16[%dma_start3A_223, %dma_start3A_224] : memref<100096x8xf32, #tpu.memory_space<vmem_shared>> -> memref<100096x8xf32, #tpu.memory_space<vmem_shared>>
        tpu.enqueue_indirect_dma source(%dma_start3A_219 : memref<128x8xf32, #tpu.memory_space<vmem>>) target(%dma_start3A_225 : memref<100096x8xf32, #tpu.memory_space<vmem_shared>>) offsets(%dma_start3A_222 : memref<128xi32, #tpu.memory_space<vmem>>) semaphore(%arg19 : memref<!tpu.dma_semaphore, #tpu.memory_space<semaphore_mem>>) {add = true}
        %scan3A_226 = arith.constant 0 : i32
        scf.yield %scan3A_226 : i32
      }
      %scan3A_157 = arith.constant 10 : i32
      %scan3A_158 = arith.constant 0 : i32
      %scan3A_159 = arith.constant 0 : i32
      %scan3A_160 = arith.constant 10 : i32
      %scan3A_161 = arith.addi %scan3A_159, %scan3A_160 : i32
      %scan3A_162 = arith.constant 1 : i32
      %scan3A_163 = scf.for %scan3A_205 = %scan3A_159 to %scan3A_161 step %scan3A_162 iter_args(%scan3A_206 = %scan3A_158) -> (i32)  : i32 {
        %dma_wait3A_207 = arith.constant 0 : i32
        %dma_wait3A_208 = arith.constant 0 : i32
        %dma_wait3A_209 = tpu.memref_slice %arg13[%scan3A_205, %dma_wait3A_207, %dma_wait3A_208] : memref<10x128x8xf32, #tpu.memory_space<vmem>> -> memref<1x128x8xf32, #tpu.memory_space<vmem>>
        %dma_wait3A_210 = tpu.memref_squeeze %dma_wait3A_209 : memref<1x128x8xf32, #tpu.memory_space<vmem>> -> memref<128x8xf32, #tpu.memory_space<vmem>>
        %dma_wait3A_211 = arith.constant 0 : i32
        %dma_wait3A_212 = tpu.memref_slice %arg9[%scan3A_205, %dma_wait3A_211] : memref<10x128xi32, #tpu.memory_space<vmem>> -> memref<1x128xi32, #tpu.memory_space<vmem>>
        %dma_wait3A_213 = tpu.memref_squeeze %dma_wait3A_212 : memref<1x128xi32, #tpu.memory_space<vmem>> -> memref<128xi32, #tpu.memory_space<vmem>>
        %dma_wait3A_214 = arith.constant 0 : i32
        %dma_wait3A_215 = arith.constant 0 : i32
        %dma_wait3A_216 = tpu.memref_slice %arg16[%dma_wait3A_214, %dma_wait3A_215] : memref<100096x8xf32, #tpu.memory_space<vmem_shared>> -> memref<100096x8xf32, #tpu.memory_space<vmem_shared>>
        tpu.wait_indirect_dma semaphore(%arg19 : memref<!tpu.dma_semaphore, #tpu.memory_space<semaphore_mem>>) src(%dma_wait3A_210 : memref<128x8xf32, #tpu.memory_space<vmem>>) dst(%dma_wait3A_216 : memref<100096x8xf32, #tpu.memory_space<vmem_shared>>)
        %scan3A_217 = arith.constant 0 : i32
        scf.yield %scan3A_217 : i32
      }
      %scan3A_164 = arith.constant 10 : i32
      %add3A_165 = arith.constant 1 : i32
      %add3A_166 = arith.addi %while3A_109, %add3A_165 : i32
      %lt3A_167 = arith.cmpi slt, %add3A_166, %select_n3A_29 : i32
      %convert_element_type3A_168 = arith.extui %lt3A_167 : i1 to i32
      %cond3A_169 = arith.constant 0 : i32
      %cond3A_170 = arith.cmpi ne, %convert_element_type3A_168, %cond3A_169 : i32
      scf.if %cond3A_170 {
        %mul3A_205 = arith.constant 2 : i32
        %mul3A_206 = arith.muli %mul3A_205, %while3A_109 : i32
        %add3A_207 = arith.constant 2 : i32
        %add3A_208 = arith.addi %mul3A_206, %add3A_207 : i32
        %add3A_209 = arith.addi %select_n3A, %add3A_208 : i32
        %mul3A_210 = arith.constant 1280 : i32
        %mul3A_211 = arith.muli %add3A_209, %mul3A_210 : i32
        %multiple_of3A_212 = tpu.assume_multiple %mul3A_211, 8 : i32
        %mul3A_213 = arith.constant 10 : i32
        %mul3A_214 = arith.muli %add3A_209, %mul3A_213 : i32
        %dma_start3A_215 = arith.constant 0 : i32
        %dma_start3A_216 = tpu.memref_slice %arg3[%mul3A_214, %dma_start3A_215] : memref<50000x128xi32, #tpu.memory_space<hbm>> -> memref<10x128xi32, #tpu.memory_space<hbm>>
        %dma_start3A_217 = arith.constant 0 : i32
        %dma_start3A_218 = tpu.memref_slice %arg3[%mul3A_214, %dma_start3A_217] : memref<50000x128xi32, #tpu.memory_space<hbm>> -> memref<10x128xi32, #tpu.memory_space<hbm>>
        tpu.enqueue_dma source(%dma_start3A_218 : memref<10x128xi32, #tpu.memory_space<hbm>>) target(%arg9 : memref<10x128xi32, #tpu.memory_space<vmem>>) target_semaphore(%arg21 : memref<!tpu.dma_semaphore, #tpu.memory_space<semaphore_mem>>)
        %dma_start3A_219 = tpu.memref_slice %arg4[%multiple_of3A_212] : memref<6400000xf32, #tpu.memory_space<hbm>> -> memref<1280xf32, #tpu.memory_space<hbm>>
        %dma_start3A_220 = tpu.memref_slice %arg4[%multiple_of3A_212] : memref<6400000xf32, #tpu.memory_space<hbm>> -> memref<1280xf32, #tpu.memory_space<hbm>>
        tpu.enqueue_dma source(%dma_start3A_220 : memref<1280xf32, #tpu.memory_space<hbm>>) target(%arg11 : memref<1280xf32, #tpu.memory_space<vmem>>) target_semaphore(%arg21 : memref<!tpu.dma_semaphore, #tpu.memory_space<semaphore_mem>>)
      } else {
      }
      %scan3A_171 = arith.constant 0 : i32
      %scan3A_172 = arith.constant 0 : i32
      %scan3A_173 = arith.constant 10 : i32
      %scan3A_174 = arith.addi %scan3A_172, %scan3A_173 : i32
      %scan3A_175 = arith.constant 1 : i32
      %scan3A_176 = scf.for %scan3A_205 = %scan3A_172 to %scan3A_174 step %scan3A_175 iter_args(%scan3A_206 = %scan3A_171) -> (i32)  : i32 {
        %mul3A_207 = arith.constant 128 : i32
        %mul3A_208 = arith.muli %scan3A_205, %mul3A_207 : i32
        %dma_wait3A_209 = arith.constant 0 : i32
        %dma_wait3A_210 = arith.constant 0 : i32
        %dma_wait3A_211 = tpu.memref_slice %arg14[%scan3A_205, %dma_wait3A_209, %dma_wait3A_210] : memref<10x128x8xf32, #tpu.memory_space<vmem>> -> memref<1x128x8xf32, #tpu.memory_space<vmem>>
        %dma_wait3A_212 = tpu.memref_squeeze %dma_wait3A_211 : memref<1x128x8xf32, #tpu.memory_space<vmem>> -> memref<128x8xf32, #tpu.memory_space<vmem>>
        %dma_wait3A_213 = tpu.memref_slice %arg8[%mul3A_208] : memref<1280xi32, #tpu.memory_space<vmem>> -> memref<128xi32, #tpu.memory_space<vmem>>
        %dma_wait3A_214 = arith.constant 0 : i32
        %dma_wait3A_215 = arith.constant 0 : i32
        %dma_wait3A_216 = tpu.memref_slice %arg5[%dma_wait3A_214, %dma_wait3A_215] : memref<200000x8xf32, #tpu.memory_space<hbm>> -> memref<200000x8xf32, #tpu.memory_space<hbm>>
        tpu.wait_indirect_dma semaphore(%arg18 : memref<!tpu.dma_semaphore, #tpu.memory_space<semaphore_mem>>) src(%dma_wait3A_216 : memref<200000x8xf32, #tpu.memory_space<hbm>>) dst(%dma_wait3A_212 : memref<128x8xf32, #tpu.memory_space<vmem>>)
        %scan3A_217 = arith.constant 0 : i32
        scf.yield %scan3A_217 : i32
      }
      %scan3A_177 = arith.constant 10 : i32
      %add3A_178 = arith.constant 1 : i32
      %add3A_179 = arith.addi %while3A_109, %add3A_178 : i32
      %lt3A_180 = arith.cmpi slt, %add3A_179, %select_n3A_29 : i32
      %convert_element_type3A_181 = arith.extui %lt3A_180 : i1 to i32
      %cond3A_182 = arith.constant 0 : i32
      %cond3A_183 = arith.cmpi ne, %convert_element_type3A_181, %cond3A_182 : i32
      scf.if %cond3A_183 {
        %mul3A_205 = arith.constant 2 : i32
        %mul3A_206 = arith.muli %mul3A_205, %while3A_109 : i32
        %add3A_207 = arith.constant 2 : i32
        %add3A_208 = arith.addi %mul3A_206, %add3A_207 : i32
        %add3A_209 = arith.addi %select_n3A, %add3A_208 : i32
        %mul3A_210 = arith.constant 1280 : i32
        %mul3A_211 = arith.muli %add3A_209, %mul3A_210 : i32
        %multiple_of3A_212 = tpu.assume_multiple %mul3A_211, 8 : i32
        %dma_wait3A_213 = tpu.memref_slice %arg2[%multiple_of3A_212] : memref<6400000xi32, #tpu.memory_space<hbm>> -> memref<1280xi32, #tpu.memory_space<hbm>>
        %dma_wait3A_214 = tpu.memref_slice %arg2[%multiple_of3A_212] : memref<6400000xi32, #tpu.memory_space<hbm>> -> memref<1280xi32, #tpu.memory_space<hbm>>
        tpu.wait_dma2 semaphore(%arg21 : memref<!tpu.dma_semaphore, #tpu.memory_space<semaphore_mem>>) src(%dma_wait3A_214 : memref<1280xi32, #tpu.memory_space<hbm>>) dst(%arg7 : memref<1280xi32, #tpu.memory_space<vmem>>)
        %mul3A_215 = arith.constant 10 : i32
        %mul3A_216 = arith.muli %add3A_209, %mul3A_215 : i32
        %dma_wait3A_217 = arith.constant 0 : i32
        %dma_wait3A_218 = tpu.memref_slice %arg3[%mul3A_216, %dma_wait3A_217] : memref<50000x128xi32, #tpu.memory_space<hbm>> -> memref<10x128xi32, #tpu.memory_space<hbm>>
        %dma_wait3A_219 = arith.constant 0 : i32
        %dma_wait3A_220 = tpu.memref_slice %arg3[%mul3A_216, %dma_wait3A_219] : memref<50000x128xi32, #tpu.memory_space<hbm>> -> memref<10x128xi32, #tpu.memory_space<hbm>>
        tpu.wait_dma2 semaphore(%arg21 : memref<!tpu.dma_semaphore, #tpu.memory_space<semaphore_mem>>) src(%dma_wait3A_220 : memref<10x128xi32, #tpu.memory_space<hbm>>) dst(%arg9 : memref<10x128xi32, #tpu.memory_space<vmem>>)
        %dma_wait3A_221 = tpu.memref_slice %arg4[%multiple_of3A_212] : memref<6400000xf32, #tpu.memory_space<hbm>> -> memref<1280xf32, #tpu.memory_space<hbm>>
        %dma_wait3A_222 = tpu.memref_slice %arg4[%multiple_of3A_212] : memref<6400000xf32, #tpu.memory_space<hbm>> -> memref<1280xf32, #tpu.memory_space<hbm>>
        tpu.wait_dma2 semaphore(%arg21 : memref<!tpu.dma_semaphore, #tpu.memory_space<semaphore_mem>>) src(%dma_wait3A_222 : memref<1280xf32, #tpu.memory_space<hbm>>) dst(%arg11 : memref<1280xf32, #tpu.memory_space<vmem>>)
        %parallel_loop3A_223 = arith.constant 0 : i32
        %parallel_loop3A_224 = arith.constant 80 : i32
        %parallel_loop3A_225 = arith.constant 1 : i32
        scf.for %parallel_loop3A_243 = %parallel_loop3A_223 to %parallel_loop3A_224 step %parallel_loop3A_225  : i32 {
          %parallel_loop3A_244 = arith.constant 16 : i32
          %parallel_loop3A_245 = arith.muli %parallel_loop3A_243, %parallel_loop3A_244 : i32
          %parallel_loop3A_246 = arith.index_cast %parallel_loop3A_245 : i32 to index
          %parallel_loop3A_247 = tpu.vector_load %arg7[%parallel_loop3A_246] {strides = array<i32>} : memref<1280xi32, #tpu.memory_space<vmem>>, vector<16xi32>,
          %parallel_loop3A_248 = vector.broadcast %mul3A_31 : i32 to vector<16xi32>
          %parallel_loop3A_249 = arith.addi %parallel_loop3A_247, %parallel_loop3A_248 : vector<16xi32>
          %parallel_loop3A_250 = arith.constant 16 : i32
          %parallel_loop3A_251 = arith.muli %parallel_loop3A_243, %parallel_loop3A_250 : i32
          %parallel_loop3A_252 = arith.index_cast %parallel_loop3A_251 : i32 to index
          %parallel_loop3A_253 = tpu.vector_load %arg7[%parallel_loop3A_252] {strides = array<i32>} : memref<1280xi32, #tpu.memory_space<vmem>>, vector<16xi32>,
          tpu.vector_store %arg7[%parallel_loop3A_252], %parallel_loop3A_249 {strides = array<i32>} : memref<1280xi32, #tpu.memory_space<vmem>>, vector<16xi32>,
        } {sc.loop_unroll_factor = 4 : i64, sc.parallel_access}
        %scan3A_226 = arith.constant 0 : i32
        %scan3A_227 = arith.constant 0 : i32
        %scan3A_228 = arith.constant 10 : i32
        %scan3A_229 = arith.addi %scan3A_227, %scan3A_228 : i32
        %scan3A_230 = arith.constant 1 : i32
        %scan3A_231 = scf.for %scan3A_243 = %scan3A_227 to %scan3A_229 step %scan3A_230 iter_args(%scan3A_244 = %scan3A_226) -> (i32)  : i32 {
          %mul3A_245 = arith.constant 128 : i32
          %mul3A_246 = arith.muli %scan3A_243, %mul3A_245 : i32
          %dma_start3A_247 = arith.constant 0 : i32
          %dma_start3A_248 = arith.constant 0 : i32
          %dma_start3A_249 = tpu.memref_slice %arg13[%scan3A_243, %dma_start3A_247, %dma_start3A_248] : memref<10x128x8xf32, #tpu.memory_space<vmem>> -> memref<1x128x8xf32, #tpu.memory_space<vmem>>
          %dma_start3A_250 = tpu.memref_squeeze %dma_start3A_249 : memref<1x128x8xf32, #tpu.memory_space<vmem>> -> memref<128x8xf32, #tpu.memory_space<vmem>>
          %dma_start3A_251 = tpu.memref_slice %arg7[%mul3A_246] : memref<1280xi32, #tpu.memory_space<vmem>> -> memref<128xi32, #tpu.memory_space<vmem>>
          %dma_start3A_252 = arith.constant 0 : i32
          %dma_start3A_253 = arith.constant 0 : i32
          %dma_start3A_254 = tpu.memref_slice %arg5[%dma_start3A_252, %dma_start3A_253] : memref<200000x8xf32, #tpu.memory_space<hbm>> -> memref<200000x8xf32, #tpu.memory_space<hbm>>
          tpu.enqueue_indirect_dma source(%dma_start3A_254 : memref<200000x8xf32, #tpu.memory_space<hbm>>) target(%dma_start3A_250 : memref<128x8xf32, #tpu.memory_space<vmem>>) offsets(%dma_start3A_251 : memref<128xi32, #tpu.memory_space<vmem>>) semaphore(%arg17 : memref<!tpu.dma_semaphore, #tpu.memory_space<semaphore_mem>>)
          %scan3A_255 = arith.constant 0 : i32
          scf.yield %scan3A_255 : i32
        }
        %scan3A_232 = arith.constant 10 : i32
        %mul3A_233 = arith.constant 2 : i32
        %mul3A_234 = arith.muli %mul3A_233, %while3A_109 : i32
        %add3A_235 = arith.constant 3 : i32
        %add3A_236 = arith.addi %mul3A_234, %add3A_235 : i32
        %add3A_237 = arith.addi %select_n3A, %add3A_236 : i32
        %mul3A_238 = arith.constant 1280 : i32
        %mul3A_239 = arith.muli %add3A_237, %mul3A_238 : i32
        %multiple_of3A_240 = tpu.assume_multiple %mul3A_239, 8 : i32
        %dma_start3A_241 = tpu.memref_slice %arg2[%multiple_of3A_240] : memref<6400000xi32, #tpu.memory_space<hbm>> -> memref<1280xi32, #tpu.memory_space<hbm>>
        %dma_start3A_242 = tpu.memref_slice %arg2[%multiple_of3A_240] : memref<6400000xi32, #tpu.memory_space<hbm>> -> memref<1280xi32, #tpu.memory_space<hbm>>
        tpu.enqueue_dma source(%dma_start3A_242 : memref<1280xi32, #tpu.memory_space<hbm>>) target(%arg8 : memref<1280xi32, #tpu.memory_space<vmem>>) target_semaphore(%arg22 : memref<!tpu.dma_semaphore, #tpu.memory_space<semaphore_mem>>)
      } else {
      }
      %scan3A_184 = arith.constant 0 : i32
      %scan3A_185 = arith.constant 0 : i32
      %scan3A_186 = arith.constant 10 : i32
      %scan3A_187 = arith.addi %scan3A_185, %scan3A_186 : i32
      %scan3A_188 = arith.constant 1 : i32
      %scan3A_189 = scf.for %scan3A_205 = %scan3A_185 to %scan3A_187 step %scan3A_188 iter_args(%scan3A_206 = %scan3A_184) -> (i32)  : i32 {
        %broadcast_in_dim3A_207 = arith.constant 0 : i32
        %broadcast_in_dim3A_208 = vector.broadcast %broadcast_in_dim3A_207 : i32 to vector<16xi32>
        %add3A_209 = vector.broadcast %scan3A_205 : i32 to vector<16xi32>
        %add3A_210 = arith.addi %broadcast_in_dim3A_208, %add3A_209 : vector<16xi32>
        %mul3A_211 = arith.constant 128 : i32
        %mul3A_212 = arith.muli %scan3A_205, %mul3A_211 : i32
        %parallel_loop3A_213 = arith.constant 0 : i32
        %parallel_loop3A_214 = arith.constant 64 : i32
        %parallel_loop3A_215 = arith.constant 1 : i32
        scf.for %parallel_loop3A_227 = %parallel_loop3A_213 to %parallel_loop3A_214 step %parallel_loop3A_215  : i32 {
          %parallel_loop3A_228 = arith.constant 2 : i32
          %parallel_loop3A_229 = arith.muli %parallel_loop3A_228, %parallel_loop3A_227 : i32
          %parallel_loop3A_230 = vector.broadcast %parallel_loop3A_229 : i32 to vector<16xi32>
          %parallel_loop3A_231 = arith.addi %convert_element_type3A, %parallel_loop3A_230 : vector<16xi32>
          %parallel_loop3A_232 = tpu.vector_load_idx %arg14[%add3A_210, %parallel_loop3A_231, %sub3A] : memref<10x128x8xf32, #tpu.memory_space<vmem>>[vector<16xi32>, vector<16xi32>, vector<16xi32>], vector<16xf32>,
          %parallel_loop3A_233 = vector.broadcast %mul3A_212 : i32 to vector<16xi32>
          %parallel_loop3A_234 = arith.addi %parallel_loop3A_233, %parallel_loop3A_231 : vector<16xi32>
          %parallel_loop3A_235 = tpu.vector_load_idx %arg12[%parallel_loop3A_234] : memref<1280xf32, #tpu.memory_space<vmem>>[vector<16xi32>], vector<16xf32>,
          %parallel_loop3A_236 = arith.mulf %parallel_loop3A_232, %parallel_loop3A_235 : vector<16xf32>
          tpu.vector_store_idx %arg14[%add3A_210, %parallel_loop3A_231, %sub3A], %parallel_loop3A_236 : memref<10x128x8xf32, #tpu.memory_space<vmem>>[vector<16xi32>, vector<16xi32>, vector<16xi32>], vector<16xf32>,
        } {sc.loop_unroll_factor = 4 : i64, sc.parallel_access}
        %dma_start3A_216 = arith.constant 0 : i32
        %dma_start3A_217 = arith.constant 0 : i32
        %dma_start3A_218 = tpu.memref_slice %arg14[%scan3A_205, %dma_start3A_216, %dma_start3A_217] : memref<10x128x8xf32, #tpu.memory_space<vmem>> -> memref<1x128x8xf32, #tpu.memory_space<vmem>>
        %dma_start3A_219 = tpu.memref_squeeze %dma_start3A_218 : memref<1x128x8xf32, #tpu.memory_space<vmem>> -> memref<128x8xf32, #tpu.memory_space<vmem>>
        %dma_start3A_220 = arith.constant 0 : i32
        %dma_start3A_221 = tpu.memref_slice %arg10[%scan3A_205, %dma_start3A_220] : memref<10x128xi32, #tpu.memory_space<vmem>> -> memref<1x128xi32, #tpu.memory_space<vmem>>
        %dma_start3A_222 = tpu.memref_squeeze %dma_start3A_221 : memref<1x128xi32, #tpu.memory_space<vmem>> -> memref<128xi32, #tpu.memory_space<vmem>>
        %dma_start3A_223 = arith.constant 0 : i32
        %dma_start3A_224 = arith.constant 0 : i32
        %dma_start3A_225 = tpu.memref_slice %arg16[%dma_start3A_223, %dma_start3A_224] : memref<100096x8xf32, #tpu.memory_space<vmem_shared>> -> memref<100096x8xf32, #tpu.memory_space<vmem_shared>>
        tpu.enqueue_indirect_dma source(%dma_start3A_219 : memref<128x8xf32, #tpu.memory_space<vmem>>) target(%dma_start3A_225 : memref<100096x8xf32, #tpu.memory_space<vmem_shared>>) offsets(%dma_start3A_222 : memref<128xi32, #tpu.memory_space<vmem>>) semaphore(%arg20 : memref<!tpu.dma_semaphore, #tpu.memory_space<semaphore_mem>>) {add = true}
        %scan3A_226 = arith.constant 0 : i32
        scf.yield %scan3A_226 : i32
      }
      %scan3A_190 = arith.constant 10 : i32
      %scan3A_191 = arith.constant 0 : i32
      %scan3A_192 = arith.constant 0 : i32
      %scan3A_193 = arith.constant 10 : i32
      %scan3A_194 = arith.addi %scan3A_192, %scan3A_193 : i32
      %scan3A_195 = arith.constant 1 : i32
      %scan3A_196 = scf.for %scan3A_205 = %scan3A_192 to %scan3A_194 step %scan3A_195 iter_args(%scan3A_206 = %scan3A_191) -> (i32)  : i32 {
        %dma_wait3A_207 = arith.constant 0 : i32
        %dma_wait3A_208 = arith.constant 0 : i32
        %dma_wait3A_209 = tpu.memref_slice %arg14[%scan3A_205, %dma_wait3A_207, %dma_wait3A_208] : memref<10x128x8xf32, #tpu.memory_space<vmem>> -> memref<1x128x8xf32, #tpu.memory_space<vmem>>
        %dma_wait3A_210 = tpu.memref_squeeze %dma_wait3A_209 : memref<1x128x8xf32, #tpu.memory_space<vmem>> -> memref<128x8xf32, #tpu.memory_space<vmem>>
        %dma_wait3A_211 = arith.constant 0 : i32
        %dma_wait3A_212 = tpu.memref_slice %arg10[%scan3A_205, %dma_wait3A_211] : memref<10x128xi32, #tpu.memory_space<vmem>> -> memref<1x128xi32, #tpu.memory_space<vmem>>
        %dma_wait3A_213 = tpu.memref_squeeze %dma_wait3A_212 : memref<1x128xi32, #tpu.memory_space<vmem>> -> memref<128xi32, #tpu.memory_space<vmem>>
        %dma_wait3A_214 = arith.constant 0 : i32
        %dma_wait3A_215 = arith.constant 0 : i32
        %dma_wait3A_216 = tpu.memref_slice %arg16[%dma_wait3A_214, %dma_wait3A_215] : memref<100096x8xf32, #tpu.memory_space<vmem_shared>> -> memref<100096x8xf32, #tpu.memory_space<vmem_shared>>
        tpu.wait_indirect_dma semaphore(%arg20 : memref<!tpu.dma_semaphore, #tpu.memory_space<semaphore_mem>>) src(%dma_wait3A_210 : memref<128x8xf32, #tpu.memory_space<vmem>>) dst(%dma_wait3A_216 : memref<100096x8xf32, #tpu.memory_space<vmem_shared>>)
        %scan3A_217 = arith.constant 0 : i32
        scf.yield %scan3A_217 : i32
      }
      %scan3A_197 = arith.constant 10 : i32
      %add3A_198 = arith.constant 1 : i32
      %add3A_199 = arith.addi %while3A_109, %add3A_198 : i32
      %lt3A_200 = arith.cmpi slt, %add3A_199, %select_n3A_29 : i32
      %convert_element_type3A_201 = arith.extui %lt3A_200 : i1 to i32
      %cond3A_202 = arith.constant 0 : i32
      %cond3A_203 = arith.cmpi ne, %convert_element_type3A_201, %cond3A_202 : i32
      scf.if %cond3A_203 {
        %mul3A_205 = arith.constant 2 : i32
        %mul3A_206 = arith.muli %mul3A_205, %while3A_109 : i32
        %add3A_207 = arith.constant 3 : i32
        %add3A_208 = arith.addi %mul3A_206, %add3A_207 : i32
        %add3A_209 = arith.addi %select_n3A, %add3A_208 : i32
        %mul3A_210 = arith.constant 1280 : i32
        %mul3A_211 = arith.muli %add3A_209, %mul3A_210 : i32
        %multiple_of3A_212 = tpu.assume_multiple %mul3A_211, 8 : i32
        %mul3A_213 = arith.constant 10 : i32
        %mul3A_214 = arith.muli %add3A_209, %mul3A_213 : i32
        %dma_start3A_215 = arith.constant 0 : i32
        %dma_start3A_216 = tpu.memref_slice %arg3[%mul3A_214, %dma_start3A_215] : memref<50000x128xi32, #tpu.memory_space<hbm>> -> memref<10x128xi32, #tpu.memory_space<hbm>>
        %dma_start3A_217 = arith.constant 0 : i32
        %dma_start3A_218 = tpu.memref_slice %arg3[%mul3A_214, %dma_start3A_217] : memref<50000x128xi32, #tpu.memory_space<hbm>> -> memref<10x128xi32, #tpu.memory_space<hbm>>
        tpu.enqueue_dma source(%dma_start3A_218 : memref<10x128xi32, #tpu.memory_space<hbm>>) target(%arg10 : memref<10x128xi32, #tpu.memory_space<vmem>>) target_semaphore(%arg22 : memref<!tpu.dma_semaphore, #tpu.memory_space<semaphore_mem>>)
        %dma_start3A_219 = tpu.memref_slice %arg4[%multiple_of3A_212] : memref<6400000xf32, #tpu.memory_space<hbm>> -> memref<1280xf32, #tpu.memory_space<hbm>>
        %dma_start3A_220 = tpu.memref_slice %arg4[%multiple_of3A_212] : memref<6400000xf32, #tpu.memory_space<hbm>> -> memref<1280xf32, #tpu.memory_space<hbm>>
        tpu.enqueue_dma source(%dma_start3A_220 : memref<1280xf32, #tpu.memory_space<hbm>>) target(%arg12 : memref<1280xf32, #tpu.memory_space<vmem>>) target_semaphore(%arg22 : memref<!tpu.dma_semaphore, #tpu.memory_space<semaphore_mem>>)
      } else {
      }
      %while3A_204 = arith.constant 0 : i32
      scf.yield %while3A_204 : i32
    }
    %barrier3A_104 = arith.constant 0 : index
    tpu.barrier barrier_id(%barrier3A_104)
    %mul3A_105 = arith.constant 6256 : i32
    %mul3A_106 = arith.muli %arg1, %mul3A_105 : i32
    %mul3A_107 = arith.constant 6256 : i32
    %mul3A_108 = arith.muli %arg1, %mul3A_107 : i32
    "tpu.region"() ({
      %run_scoped3A = tpu.sem_alloc : memref<!tpu.dma_semaphore, #tpu.memory_space<semaphore_mem>>
      %dma_start3A_109 = arith.constant 0 : i32
      %dma_start3A_110 = tpu.memref_slice %arg6[%arg0, %mul3A_108, %dma_start3A_109] : memref<2x100096x8xf32, #tpu.memory_space<hbm>> -> memref<1x6256x8xf32, #tpu.memory_space<hbm>>
      %dma_start3A_111 = tpu.memref_squeeze %dma_start3A_110 : memref<1x6256x8xf32, #tpu.memory_space<hbm>> -> memref<6256x8xf32, #tpu.memory_space<hbm>>
      %dma_start3A_112 = arith.constant 0 : i32
      %dma_start3A_113 = tpu.memref_slice %arg16[%mul3A_106, %dma_start3A_112] : memref<100096x8xf32, #tpu.memory_space<vmem_shared>> -> memref<6256x8xf32, #tpu.memory_space<vmem_shared>>
      tpu.enqueue_dma source(%dma_start3A_113 : memref<6256x8xf32, #tpu.memory_space<vmem_shared>>) target(%dma_start3A_111 : memref<6256x8xf32, #tpu.memory_space<hbm>>) target_semaphore(%run_scoped3A : memref<!tpu.dma_semaphore, #tpu.memory_space<semaphore_mem>>)
      %dma_wait3A_114 = arith.constant 0 : i32
      %dma_wait3A_115 = tpu.memref_slice %arg6[%arg0, %mul3A_108, %dma_wait3A_114] : memref<2x100096x8xf32, #tpu.memory_space<hbm>> -> memref<1x6256x8xf32, #tpu.memory_space<hbm>>
      %dma_wait3A_116 = tpu.memref_squeeze %dma_wait3A_115 : memref<1x6256x8xf32, #tpu.memory_space<hbm>> -> memref<6256x8xf32, #tpu.memory_space<hbm>>
      %dma_wait3A_117 = arith.constant 0 : i32
      %dma_wait3A_118 = tpu.memref_slice %arg16[%mul3A_106, %dma_wait3A_117] : memref<100096x8xf32, #tpu.memory_space<vmem_shared>> -> memref<6256x8xf32, #tpu.memory_space<vmem_shared>>
      tpu.wait_dma2 semaphore(%run_scoped3A : memref<!tpu.dma_semaphore, #tpu.memory_space<semaphore_mem>>) src(%dma_wait3A_118 : memref<6256x8xf32, #tpu.memory_space<vmem_shared>>) dst(%dma_wait3A_116 : memref<6256x8xf32, #tpu.memory_space<hbm>>)
      tpu.yield
    }) : () -> ()
    return
  }
}

#map = affine_map<(d0, d1) -> (0)>
module attributes {stable_mosaic.version = 14 : i64} {
  func.func @_deg_body(%arg0: i32, %arg1: i32, %arg2: memref<6400000xi32, #tpu.memory_space<hbm>>, %arg3: memref<6400000xf32, #tpu.memory_space<hbm>>, %arg4: memref<3203072xf32, #tpu.memory_space<hbm>>, %arg5: memref<2000xi32, #tpu.memory_space<vmem>>, %arg6: memref<2000xf32, #tpu.memory_space<vmem>>, %arg7: memref<100096xf32, #tpu.memory_space<vmem>>) attributes {dimension_semantics = [#tpu.dimension_semantics<core_parallel>, #tpu.dimension_semantics<subcore_parallel>], iteration_bounds = array<i64: 2, 16>, scalar_prefetch = 0 : i64, scratch_operands = 3 : i64, tpu.core_type = #tpu.core_type<sc_vector_subcore>, window_params = [{transform_indices = #map}, {transform_indices = #map}, {transform_indices = #map}]} {
    %mul3A = arith.constant 2 : i32
    %mul3A_0 = arith.muli %arg1, %mul3A : i32
    %add3A = arith.addi %mul3A_0, %arg0 : i32
    %scan3A = arith.constant 0 : i32
    %scan3A_1 = arith.constant 0 : i32
    %scan3A_2 = arith.constant 6256 : i32
    %scan3A_3 = arith.addi %scan3A_1, %scan3A_2 : i32
    %scan3A_4 = arith.constant 1 : i32
    %scan3A_5 = scf.for %scan3A_19 = %scan3A_1 to %scan3A_3 step %scan3A_4 iter_args(%scan3A_20 = %scan3A) -> (i32)  : i32 {
      %broadcast_in_dim3A = arith.constant 0.000000e+00 : f32
      %broadcast_in_dim3A_21 = vector.broadcast %broadcast_in_dim3A : f32 to vector<16xf32>
      %mul3A_22 = arith.constant 16 : i32
      %mul3A_23 = arith.muli %scan3A_19, %mul3A_22 : i32
      %swap3A = arith.index_cast %mul3A_23 : i32 to index
      %swap3A_24 = tpu.vector_load %arg7[%swap3A] {strides = array<i32>} : memref<100096xf32, #tpu.memory_space<vmem>>, vector<16xf32>,
      tpu.vector_store %arg7[%swap3A], %broadcast_in_dim3A_21 {strides = array<i32>} : memref<100096xf32, #tpu.memory_space<vmem>>, vector<16xf32>,
      %scan3A_25 = arith.constant 0 : i32
      scf.yield %scan3A_25 : i32
    }
    %scan3A_6 = arith.constant 6256 : i32
    %mul3A_7 = arith.constant 200000 : i32
    %mul3A_8 = arith.muli %add3A, %mul3A_7 : i32
    %multiple_of3A = tpu.assume_multiple %mul3A_8, 8 : i32
    %scan3A_9 = arith.constant 0 : i32
    %scan3A_10 = arith.constant 0 : i32
    %scan3A_11 = arith.constant 100 : i32
    %scan3A_12 = arith.addi %scan3A_10, %scan3A_11 : i32
    %scan3A_13 = arith.constant 1 : i32
    %scan3A_14 = scf.for %scan3A_19 = %scan3A_10 to %scan3A_12 step %scan3A_13 iter_args(%scan3A_20 = %scan3A_9) -> (i32)  : i32 {
      %mul3A_21 = arith.constant 2000 : i32
      %mul3A_22 = arith.muli %scan3A_19, %mul3A_21 : i32
      %add3A_23 = arith.addi %multiple_of3A, %mul3A_22 : i32
      %multiple_of3A_24 = tpu.assume_multiple %add3A_23, 8 : i32
      "tpu.region"() ({
        %run_scoped3A = tpu.sem_alloc : memref<!tpu.dma_semaphore, #tpu.memory_space<semaphore_mem>>
        %dma_start3A = tpu.memref_slice %arg2[%multiple_of3A_24] : memref<6400000xi32, #tpu.memory_space<hbm>> -> memref<2000xi32, #tpu.memory_space<hbm>>
        %dma_start3A_33 = tpu.memref_slice %arg2[%multiple_of3A_24] : memref<6400000xi32, #tpu.memory_space<hbm>> -> memref<2000xi32, #tpu.memory_space<hbm>>
        tpu.enqueue_dma source(%dma_start3A_33 : memref<2000xi32, #tpu.memory_space<hbm>>) target(%arg5 : memref<2000xi32, #tpu.memory_space<vmem>>) target_semaphore(%run_scoped3A : memref<!tpu.dma_semaphore, #tpu.memory_space<semaphore_mem>>)
        %dma_wait3A = tpu.memref_slice %arg2[%multiple_of3A_24] : memref<6400000xi32, #tpu.memory_space<hbm>> -> memref<2000xi32, #tpu.memory_space<hbm>>
        %dma_wait3A_34 = tpu.memref_slice %arg2[%multiple_of3A_24] : memref<6400000xi32, #tpu.memory_space<hbm>> -> memref<2000xi32, #tpu.memory_space<hbm>>
        tpu.wait_dma2 semaphore(%run_scoped3A : memref<!tpu.dma_semaphore, #tpu.memory_space<semaphore_mem>>) src(%dma_wait3A_34 : memref<2000xi32, #tpu.memory_space<hbm>>) dst(%arg5 : memref<2000xi32, #tpu.memory_space<vmem>>)
        tpu.yield
      }) : () -> ()
      "tpu.region"() ({
        %run_scoped3A = tpu.sem_alloc : memref<!tpu.dma_semaphore, #tpu.memory_space<semaphore_mem>>
        %dma_start3A = tpu.memref_slice %arg3[%multiple_of3A_24] : memref<6400000xf32, #tpu.memory_space<hbm>> -> memref<2000xf32, #tpu.memory_space<hbm>>
        %dma_start3A_33 = tpu.memref_slice %arg3[%multiple_of3A_24] : memref<6400000xf32, #tpu.memory_space<hbm>> -> memref<2000xf32, #tpu.memory_space<hbm>>
        tpu.enqueue_dma source(%dma_start3A_33 : memref<2000xf32, #tpu.memory_space<hbm>>) target(%arg6 : memref<2000xf32, #tpu.memory_space<vmem>>) target_semaphore(%run_scoped3A : memref<!tpu.dma_semaphore, #tpu.memory_space<semaphore_mem>>)
        %dma_wait3A = tpu.memref_slice %arg3[%multiple_of3A_24] : memref<6400000xf32, #tpu.memory_space<hbm>> -> memref<2000xf32, #tpu.memory_space<hbm>>
        %dma_wait3A_34 = tpu.memref_slice %arg3[%multiple_of3A_24] : memref<6400000xf32, #tpu.memory_space<hbm>> -> memref<2000xf32, #tpu.memory_space<hbm>>
        tpu.wait_dma2 semaphore(%run_scoped3A : memref<!tpu.dma_semaphore, #tpu.memory_space<semaphore_mem>>) src(%dma_wait3A_34 : memref<2000xf32, #tpu.memory_space<hbm>>) dst(%arg6 : memref<2000xf32, #tpu.memory_space<vmem>>)
        tpu.yield
      }) : () -> ()
      %scan3A_25 = arith.constant 0 : i32
      %scan3A_26 = arith.constant 0 : i32
      %scan3A_27 = arith.constant 125 : i32
      %scan3A_28 = arith.addi %scan3A_26, %scan3A_27 : i32
      %scan3A_29 = arith.constant 1 : i32
      %scan3A_30 = scf.for %scan3A_33 = %scan3A_26 to %scan3A_28 step %scan3A_29 iter_args(%scan3A_34 = %scan3A_25) -> (i32)  : i32 {
        %mul3A_35 = arith.constant 16 : i32
        %mul3A_36 = arith.muli %scan3A_33, %mul3A_35 : i32
        %get3A = arith.index_cast %mul3A_36 : i32 to index
        %get3A_37 = tpu.vector_load %arg5[%get3A] {strides = array<i32>} : memref<2000xi32, #tpu.memory_space<vmem>>, vector<16xi32>,
        %mul3A_38 = arith.constant 16 : i32
        %mul3A_39 = arith.muli %scan3A_33, %mul3A_38 : i32
        %get3A_40 = arith.index_cast %mul3A_39 : i32 to index
        %get3A_41 = tpu.vector_load %arg6[%get3A_40] {strides = array<i32>} : memref<2000xf32, #tpu.memory_space<vmem>>, vector<16xf32>,
        tpu.vector_store_idx %arg7[%get3A_37], %get3A_41 {add = true} : memref<100096xf32, #tpu.memory_space<vmem>>[vector<16xi32>], vector<16xf32>,
        %scan3A_42 = arith.constant 0 : i32
        scf.yield %scan3A_42 : i32
      }
      %scan3A_31 = arith.constant 125 : i32
      %scan3A_32 = arith.constant 0 : i32
      scf.yield %scan3A_32 : i32
    }
    %scan3A_15 = arith.constant 100 : i32
    %mul3A_16 = arith.constant 100096 : i32
    %mul3A_17 = arith.muli %add3A, %mul3A_16 : i32
    %multiple_of3A_18 = tpu.assume_multiple %mul3A_17, 128 : i32
    "tpu.region"() ({
      %run_scoped3A = tpu.sem_alloc : memref<!tpu.dma_semaphore, #tpu.memory_space<semaphore_mem>>
      %dma_start3A = tpu.memref_slice %arg4[%multiple_of3A_18] : memref<3203072xf32, #tpu.memory_space<hbm>> -> memref<100096xf32, #tpu.memory_space<hbm>>
      %dma_start3A_19 = tpu.memref_slice %arg4[%multiple_of3A_18] : memref<3203072xf32, #tpu.memory_space<hbm>> -> memref<100096xf32, #tpu.memory_space<hbm>>
      tpu.enqueue_dma source(%arg7 : memref<100096xf32, #tpu.memory_space<vmem>>) target(%dma_start3A_19 : memref<100096xf32, #tpu.memory_space<hbm>>) target_semaphore(%run_scoped3A : memref<!tpu.dma_semaphore, #tpu.memory_space<semaphore_mem>>)
      %dma_wait3A = tpu.memref_slice %arg4[%multiple_of3A_18] : memref<3203072xf32, #tpu.memory_space<hbm>> -> memref<100096xf32, #tpu.memory_space<hbm>>
      %dma_wait3A_20 = tpu.memref_slice %arg4[%multiple_of3A_18] : memref<3203072xf32, #tpu.memory_space<hbm>> -> memref<100096xf32, #tpu.memory_space<hbm>>
      tpu.wait_dma2 semaphore(%run_scoped3A : memref<!tpu.dma_semaphore, #tpu.memory_space<semaphore_mem>>) src(%arg7 : memref<100096xf32, #tpu.memory_space<vmem>>) dst(%dma_wait3A_20 : memref<100096xf32, #tpu.memory_space<hbm>>)
      tpu.yield
    }) : () -> ()
    return
  }
}

module attributes {stable_mosaic.version = 14 : i64} {
  func.func @_dense1_body(%arg0: i32, %arg1: memref<32x2048xf32, #tpu.memory_space<vmem>>, %arg2: memref<2048x8xf32, #tpu.memory_space<vmem>>, %arg3: memref<2048xf32, #tpu.memory_space<vmem>>, %arg4: memref<2048x8xf32, #tpu.memory_space<vmem>>) attributes {dimension_semantics = [#tpu.dimension_semantics<arbitrary>], iteration_bounds = array<i64: 49>, scalar_prefetch = 0 : i64, scratch_operands = 0 : i64, tpu.core_type = #tpu.core_type<tc>, window_params = [{transform_indices = @transform_0, window_bounds = array<i64: 32, 2048>}, {transform_indices = @transform_1, window_bounds = array<i64: 2048, 8>}, {transform_indices = @transform_2, window_bounds = array<i64: 2048>}, {transform_indices = @transform_3, window_bounds = array<i64: 2048, 8>}]} {
    %get3A = arith.constant 0 : index
    %get3A_0 = arith.constant 0 : index
    %get3A_1 = vector.load %arg1[%get3A, %get3A_0] : memref<32x2048xf32, #tpu.memory_space<vmem>>, vector<32x2048xf32>
    %reduce_sum3A = arith.constant dense<0.000000e+00> : vector<2048xf32>
    %reduce_sum3A_2 = vector.multi_reduction <add>, %get3A_1, %reduce_sum3A [0] : vector<32x2048xf32> to vector<2048xf32>
    %add3A = arith.constant 1.000000e+00 : f32
    %add3A_3 = vector.broadcast %add3A : f32 to vector<2048xf32>
    %add3A_4 = arith.addf %reduce_sum3A_2, %add3A_3 : vector<2048xf32>
    %rsqrt3A = math.rsqrt %add3A_4 : vector<2048xf32>
    %swap3A = arith.constant 0 : index
    %swap3A_5 = vector.load %arg3[%swap3A] : memref<2048xf32, #tpu.memory_space<vmem>>, vector<2048xf32>
    tpu.vector_store %arg3[%swap3A], %rsqrt3A {strides = array<i32>} : memref<2048xf32, #tpu.memory_space<vmem>>, vector<2048xf32>,
    %get3A_6 = arith.constant 0 : index
    %get3A_7 = arith.constant 0 : index
    %get3A_8 = vector.load %arg2[%get3A_6, %get3A_7] : memref<2048x8xf32, #tpu.memory_space<vmem>>, vector<2048x8xf32>
    %broadcast_in_dim3A = vector.shape_cast %rsqrt3A : vector<2048xf32> to vector<2048x1xf32>
    %mul3A = vector.broadcast %broadcast_in_dim3A : vector<2048x1xf32> to vector<2048x8xf32>
    %mul3A_9 = arith.mulf %get3A_8, %mul3A : vector<2048x8xf32>
    %swap3A_10 = arith.constant 0 : index
    %swap3A_11 = arith.constant 0 : index
    %swap3A_12 = vector.load %arg4[%swap3A_10, %swap3A_11] : memref<2048x8xf32, #tpu.memory_space<vmem>>, vector<2048x8xf32>
    tpu.vector_store %arg4[%swap3A_10, %swap3A_11], %mul3A_9 {strides = array<i32>} : memref<2048x8xf32, #tpu.memory_space<vmem>>, vector<2048x8xf32>,
    return
  }
  func.func @transform_0(%arg0: i32) -> (i32, i32) {
    %c0_i32 = arith.constant 0 : i32
    %c0_i32_0 = arith.constant 0 : i32
    return %c0_i32, %arg0 : i32, i32
  }
  func.func @transform_1(%arg0: i32) -> (i32, i32) {
    %c0_i32 = arith.constant 0 : i32
    %c0_i32_0 = arith.constant 0 : i32
    return %arg0, %c0_i32 : i32, i32
  }
  func.func @transform_2(%arg0: i32) -> i32 {
    %c0_i32 = arith.constant 0 : i32
    return %arg0 : i32
  }
  func.func @transform_3(%arg0: i32) -> (i32, i32) {
    %c0_i32 = arith.constant 0 : i32
    %c0_i32_0 = arith.constant 0 : i32
    return %arg0, %c0_i32 : i32, i32
  }
}

module attributes {stable_mosaic.version = 14 : i64} {
  func.func @_dense2_body(%arg0: i32, %arg1: memref<2048x8xf32, #tpu.memory_space<vmem>>, %arg2: memref<2048x8xf32, #tpu.memory_space<vmem>>, %arg3: memref<2048x8xf32, #tpu.memory_space<vmem>>, %arg4: memref<2048xf32, #tpu.memory_space<vmem>>, %arg5: memref<8x16xf32, #tpu.memory_space<vmem>>, %arg6: memref<16xf32, #tpu.memory_space<vmem>>, %arg7: memref<2048x8xf32, #tpu.memory_space<vmem>>, %arg8: memref<2048x8xf32, #tpu.memory_space<vmem>>) attributes {dimension_semantics = [#tpu.dimension_semantics<arbitrary>], iteration_bounds = array<i64: 49>, scalar_prefetch = 0 : i64, scratch_operands = 0 : i64, tpu.core_type = #tpu.core_type<tc>, window_params = [{transform_indices = @transform_0, window_bounds = array<i64: 2048, 8>}, {transform_indices = @transform_1, window_bounds = array<i64: 2048, 8>}, {transform_indices = @transform_2, window_bounds = array<i64: 2048, 8>}, {transform_indices = @transform_3, window_bounds = array<i64: 2048>}, {pipeline_mode = #tpu.pipeline_mode<synchronous>, transform_indices = @transform_4, window_bounds = array<i64: 8, 16>}, {pipeline_mode = #tpu.pipeline_mode<synchronous>, transform_indices = @transform_5, window_bounds = array<i64: 16>}, {transform_indices = @transform_6, window_bounds = array<i64: 2048, 8>}, {transform_indices = @transform_7, window_bounds = array<i64: 2048, 8>}]} {
    %get3A = arith.constant 0 : index
    %get3A_0 = vector.load %arg4[%get3A] : memref<2048xf32, #tpu.memory_space<vmem>>, vector<2048xf32>
    %broadcast_in_dim3A = vector.shape_cast %get3A_0 : vector<2048xf32> to vector<2048x1xf32>
    %get3A_1 = arith.constant 0 : index
    %get3A_2 = arith.constant 0 : index
    %get3A_3 = vector.load %arg1[%get3A_1, %get3A_2] : memref<2048x8xf32, #tpu.memory_space<vmem>>, vector<2048x8xf32>
    %get3A_4 = arith.constant 0 : index
    %get3A_5 = arith.constant 0 : index
    %get3A_6 = vector.load %arg2[%get3A_4, %get3A_5] : memref<2048x8xf32, #tpu.memory_space<vmem>>, vector<2048x8xf32>
    %add3A = arith.addf %get3A_3, %get3A_6 : vector<2048x8xf32>
    %get3A_7 = arith.constant 0 : index
    %get3A_8 = arith.constant 0 : index
    %get3A_9 = vector.load %arg3[%get3A_7, %get3A_8] : memref<2048x8xf32, #tpu.memory_space<vmem>>, vector<2048x8xf32>
    %add3A_10 = arith.addf %add3A, %get3A_9 : vector<2048x8xf32>
    %mul3A = vector.broadcast %broadcast_in_dim3A : vector<2048x1xf32> to vector<2048x8xf32>
    %mul3A_11 = arith.mulf %mul3A, %add3A_10 : vector<2048x8xf32>
    %get3A_12 = arith.constant 0 : index
    %get3A_13 = arith.constant 0 : index
    %get3A_14 = vector.load %arg5[%get3A_12, %get3A_13] : memref<8x16xf32, #tpu.memory_space<vmem>>, vector<8x16xf32>
    %dot_general3A = arith.constant dense<0.000000e+00> : vector<2048x16xf32>
    %dot_general3A_15 = tpu.matmul %mul3A_11, %get3A_14, %dot_general3A {dimension_numbers = #tpu.dot_dimension_numbers<[1], [0], [0], [1], [0, 0, 1, 1], [], []>, transpose_lhs_hint = false} : vector<2048x8xf32>, vector<8x16xf32>, vector<2048x16xf32> -> vector<2048x16xf32>
    %get3A_16 = arith.constant 0 : index
    %get3A_17 = vector.load %arg6[%get3A_16] : memref<16xf32, #tpu.memory_space<vmem>>, vector<16xf32>
    %broadcast_in_dim3A_18 = vector.shape_cast %get3A_17 : vector<16xf32> to vector<1x16xf32>
    %add3A_19 = vector.broadcast %broadcast_in_dim3A_18 : vector<1x16xf32> to vector<2048x16xf32>
    %add3A_20 = arith.addf %dot_general3A_15, %add3A_19 : vector<2048x16xf32>
    %max3A = arith.constant 0.000000e+00 : f32
    %max3A_21 = vector.broadcast %max3A : f32 to vector<2048x16xf32>
    %max3A_22 = arith.maximumf %add3A_20, %max3A_21 : vector<2048x16xf32>
    %mul3A_23 = vector.broadcast %broadcast_in_dim3A : vector<2048x1xf32> to vector<2048x16xf32>
    %mul3A_24 = arith.mulf %mul3A_23, %max3A_22 : vector<2048x16xf32>
    %slice3A = vector.extract_strided_slice %mul3A_24 {offsets = [0, 0], sizes = [2048, 8], strides = [1, 1]} : vector<2048x16xf32> to vector<2048x8xf32>
    %swap3A = arith.constant 0 : index
    %swap3A_25 = arith.constant 0 : index
    %swap3A_26 = vector.load %arg7[%swap3A, %swap3A_25] : memref<2048x8xf32, #tpu.memory_space<vmem>>, vector<2048x8xf32>
    tpu.vector_store %arg7[%swap3A, %swap3A_25], %slice3A {strides = array<i32>} : memref<2048x8xf32, #tpu.memory_space<vmem>>, vector<2048x8xf32>,
    %slice3A_27 = vector.extract_strided_slice %mul3A_24 {offsets = [0, 8], sizes = [2048, 8], strides = [1, 1]} : vector<2048x16xf32> to vector<2048x8xf32>
    %swap3A_28 = arith.constant 0 : index
    %swap3A_29 = arith.constant 0 : index
    %swap3A_30 = vector.load %arg8[%swap3A_28, %swap3A_29] : memref<2048x8xf32, #tpu.memory_space<vmem>>, vector<2048x8xf32>
    tpu.vector_store %arg8[%swap3A_28, %swap3A_29], %slice3A_27 {strides = array<i32>} : memref<2048x8xf32, #tpu.memory_space<vmem>>, vector<2048x8xf32>,
    return
  }
  func.func @transform_0(%arg0: i32) -> (i32, i32) {
    %c0_i32 = arith.constant 0 : i32
    %c0_i32_0 = arith.constant 0 : i32
    return %arg0, %c0_i32 : i32, i32
  }
  func.func @transform_1(%arg0: i32) -> (i32, i32) {
    %c0_i32 = arith.constant 0 : i32
    %c0_i32_0 = arith.constant 0 : i32
    return %arg0, %c0_i32 : i32, i32
  }
  func.func @transform_2(%arg0: i32) -> (i32, i32) {
    %c0_i32 = arith.constant 0 : i32
    %c0_i32_0 = arith.constant 0 : i32
    return %arg0, %c0_i32 : i32, i32
  }
  func.func @transform_3(%arg0: i32) -> i32 {
    %c0_i32 = arith.constant 0 : i32
    return %arg0 : i32
  }
  func.func @transform_4(%arg0: i32) -> (i32, i32) {
    %c0_i32 = arith.constant 0 : i32
    %c0_i32_0 = arith.constant 0 : i32
    %c0_i32_1 = arith.constant 0 : i32
    return %c0_i32, %c0_i32_0 : i32, i32
  }
  func.func @transform_5(%arg0: i32) -> i32 {
    %c0_i32 = arith.constant 0 : i32
    %c0_i32_0 = arith.constant 0 : i32
    return %c0_i32 : i32
  }
  func.func @transform_6(%arg0: i32) -> (i32, i32) {
    %c0_i32 = arith.constant 0 : i32
    %c0_i32_0 = arith.constant 0 : i32
    return %arg0, %c0_i32 : i32, i32
  }
  func.func @transform_7(%arg0: i32) -> (i32, i32) {
    %c0_i32 = arith.constant 0 : i32
    %c0_i32_0 = arith.constant 0 : i32
    return %arg0, %c0_i32 : i32, i32
  }
}

module attributes {stable_mosaic.version = 14 : i64} {
  func.func @_dense3_body(%arg0: i32, %arg1: memref<2048x8xf32, #tpu.memory_space<vmem>>, %arg2: memref<2048x8xf32, #tpu.memory_space<vmem>>, %arg3: memref<2048x8xf32, #tpu.memory_space<vmem>>, %arg4: memref<2048x8xf32, #tpu.memory_space<vmem>>, %arg5: memref<2048xf32, #tpu.memory_space<vmem>>, %arg6: memref<16x32xf32, #tpu.memory_space<vmem>>, %arg7: memref<32xf32, #tpu.memory_space<vmem>>, %arg8: memref<2048x32xf32, #tpu.memory_space<vmem>>) attributes {dimension_semantics = [#tpu.dimension_semantics<arbitrary>], iteration_bounds = array<i64: 49>, scalar_prefetch = 0 : i64, scratch_operands = 0 : i64, tpu.core_type = #tpu.core_type<tc>, window_params = [{transform_indices = @transform_0, window_bounds = array<i64: 2048, 8>}, {transform_indices = @transform_1, window_bounds = array<i64: 2048, 8>}, {transform_indices = @transform_2, window_bounds = array<i64: 2048, 8>}, {transform_indices = @transform_3, window_bounds = array<i64: 2048, 8>}, {transform_indices = @transform_4, window_bounds = array<i64: 2048>}, {pipeline_mode = #tpu.pipeline_mode<synchronous>, transform_indices = @transform_5, window_bounds = array<i64: 16, 32>}, {pipeline_mode = #tpu.pipeline_mode<synchronous>, transform_indices = @transform_6, window_bounds = array<i64: 32>}, {transform_indices = @transform_7, window_bounds = array<i64: 2048, 32>}]} {
    %get3A = arith.constant 0 : index
    %get3A_0 = vector.load %arg5[%get3A] : memref<2048xf32, #tpu.memory_space<vmem>>, vector<2048xf32>
    %broadcast_in_dim3A = vector.shape_cast %get3A_0 : vector<2048xf32> to vector<2048x1xf32>
    %get3A_1 = arith.constant 0 : index
    %get3A_2 = arith.constant 0 : index
    %get3A_3 = vector.load %arg1[%get3A_1, %get3A_2] : memref<2048x8xf32, #tpu.memory_space<vmem>>, vector<2048x8xf32>
    %get3A_4 = arith.constant 0 : index
    %get3A_5 = arith.constant 0 : index
    %get3A_6 = vector.load %arg3[%get3A_4, %get3A_5] : memref<2048x8xf32, #tpu.memory_space<vmem>>, vector<2048x8xf32>
    %add3A = arith.addf %get3A_3, %get3A_6 : vector<2048x8xf32>
    %get3A_7 = arith.constant 0 : index
    %get3A_8 = arith.constant 0 : index
    %get3A_9 = vector.load %arg2[%get3A_7, %get3A_8] : memref<2048x8xf32, #tpu.memory_space<vmem>>, vector<2048x8xf32>
    %get3A_10 = arith.constant 0 : index
    %get3A_11 = arith.constant 0 : index
    %get3A_12 = vector.load %arg4[%get3A_10, %get3A_11] : memref<2048x8xf32, #tpu.memory_space<vmem>>, vector<2048x8xf32>
    %add3A_13 = arith.addf %get3A_9, %get3A_12 : vector<2048x8xf32>
    %concatenate3A = tpu.concatenate %add3A, %add3A_13 in 1 : vector<2048x8xf32>, vector<2048x8xf32> -> vector<2048x16xf32>
    %mul3A = vector.broadcast %broadcast_in_dim3A : vector<2048x1xf32> to vector<2048x16xf32>
    %mul3A_14 = arith.mulf %mul3A, %concatenate3A : vector<2048x16xf32>
    %get3A_15 = arith.constant 0 : index
    %get3A_16 = arith.constant 0 : index
    %get3A_17 = vector.load %arg6[%get3A_15, %get3A_16] : memref<16x32xf32, #tpu.memory_space<vmem>>, vector<16x32xf32>
    %dot_general3A = arith.constant dense<0.000000e+00> : vector<2048x32xf32>
    %dot_general3A_18 = tpu.matmul %mul3A_14, %get3A_17, %dot_general3A {dimension_numbers = #tpu.dot_dimension_numbers<[1], [0], [0], [1], [0, 0, 1, 1], [], []>, transpose_lhs_hint = false} : vector<2048x16xf32>, vector<16x32xf32>, vector<2048x32xf32> -> vector<2048x32xf32>
    %get3A_19 = arith.constant 0 : index
    %get3A_20 = vector.load %arg7[%get3A_19] : memref<32xf32, #tpu.memory_space<vmem>>, vector<32xf32>
    %broadcast_in_dim3A_21 = vector.shape_cast %get3A_20 : vector<32xf32> to vector<1x32xf32>
    %add3A_22 = vector.broadcast %broadcast_in_dim3A_21 : vector<1x32xf32> to vector<2048x32xf32>
    %add3A_23 = arith.addf %dot_general3A_18, %add3A_22 : vector<2048x32xf32>
    %max3A = arith.constant 0.000000e+00 : f32
    %max3A_24 = vector.broadcast %max3A : f32 to vector<2048x32xf32>
    %max3A_25 = arith.maximumf %add3A_23, %max3A_24 : vector<2048x32xf32>
    %swap3A = arith.constant 0 : index
    %swap3A_26 = arith.constant 0 : index
    %swap3A_27 = vector.load %arg8[%swap3A, %swap3A_26] : memref<2048x32xf32, #tpu.memory_space<vmem>>, vector<2048x32xf32>
    tpu.vector_store %arg8[%swap3A, %swap3A_26], %max3A_25 {strides = array<i32>} : memref<2048x32xf32, #tpu.memory_space<vmem>>, vector<2048x32xf32>,
    return
  }
  func.func @transform_0(%arg0: i32) -> (i32, i32) {
    %c0_i32 = arith.constant 0 : i32
    %c0_i32_0 = arith.constant 0 : i32
    return %arg0, %c0_i32 : i32, i32
  }
  func.func @transform_1(%arg0: i32) -> (i32, i32) {
    %c0_i32 = arith.constant 0 : i32
    %c0_i32_0 = arith.constant 0 : i32
    return %arg0, %c0_i32 : i32, i32
  }
  func.func @transform_2(%arg0: i32) -> (i32, i32) {
    %c0_i32 = arith.constant 0 : i32
    %c0_i32_0 = arith.constant 0 : i32
    return %arg0, %c0_i32 : i32, i32
  }
  func.func @transform_3(%arg0: i32) -> (i32, i32) {
    %c0_i32 = arith.constant 0 : i32
    %c0_i32_0 = arith.constant 0 : i32
    return %arg0, %c0_i32 : i32, i32
  }
  func.func @transform_4(%arg0: i32) -> i32 {
    %c0_i32 = arith.constant 0 : i32
    return %arg0 : i32
  }
  func.func @transform_5(%arg0: i32) -> (i32, i32) {
    %c0_i32 = arith.constant 0 : i32
    %c0_i32_0 = arith.constant 0 : i32
    %c0_i32_1 = arith.constant 0 : i32
    return %c0_i32, %c0_i32_0 : i32, i32
  }
  func.func @transform_6(%arg0: i32) -> i32 {
    %c0_i32 = arith.constant 0 : i32
    %c0_i32_0 = arith.constant 0 : i32
    return %c0_i32 : i32
  }
  func.func @transform_7(%arg0: i32) -> (i32, i32) {
    %c0_i32 = arith.constant 0 : i32
    %c0_i32_0 = arith.constant 0 : i32
    return %arg0, %c0_i32 : i32, i32
  }
}

module attributes {stable_mosaic.version = 14 : i64} {
  func.func @_fc_body(%arg0: i32, %arg1: memref<512x256xf32, #tpu.memory_space<vmem>>, %arg2: memref<256x128xf32, #tpu.memory_space<vmem>>, %arg3: memref<128xf32, #tpu.memory_space<vmem>>, %arg4: memref<512x128xf32, #tpu.memory_space<vmem>>) attributes {dimension_semantics = [#tpu.dimension_semantics<arbitrary>], iteration_bounds = array<i64: 25>, scalar_prefetch = 0 : i64, scratch_operands = 0 : i64, tpu.core_type = #tpu.core_type<tc>, window_params = [{transform_indices = @transform_0, window_bounds = array<i64: 512, 256>}, {pipeline_mode = #tpu.pipeline_mode<synchronous>, transform_indices = @transform_1, window_bounds = array<i64: 256, 128>}, {pipeline_mode = #tpu.pipeline_mode<synchronous>, transform_indices = @transform_2, window_bounds = array<i64: 128>}, {transform_indices = @transform_3, window_bounds = array<i64: 512, 128>}]} {
    %get3A = arith.constant 0 : index
    %get3A_0 = arith.constant 0 : index
    %get3A_1 = vector.load %arg1[%get3A, %get3A_0] : memref<512x256xf32, #tpu.memory_space<vmem>>, vector<512x256xf32>
    %get3A_2 = arith.constant 0 : index
    %get3A_3 = arith.constant 0 : index
    %get3A_4 = vector.load %arg2[%get3A_2, %get3A_3] : memref<256x128xf32, #tpu.memory_space<vmem>>, vector<256x128xf32>
    %dot_general3A = arith.constant dense<0.000000e+00> : vector<512x128xf32>
    %dot_general3A_5 = tpu.matmul %get3A_1, %get3A_4, %dot_general3A {dimension_numbers = #tpu.dot_dimension_numbers<[1], [0], [0], [1], [0, 0, 1, 1], [], []>, transpose_lhs_hint = false} : vector<512x256xf32>, vector<256x128xf32>, vector<512x128xf32> -> vector<512x128xf32>
    %get3A_6 = arith.constant 0 : index
    %get3A_7 = vector.load %arg3[%get3A_6] : memref<128xf32, #tpu.memory_space<vmem>>, vector<128xf32>
    %broadcast_in_dim3A = vector.shape_cast %get3A_7 : vector<128xf32> to vector<1x128xf32>
    %add3A = vector.broadcast %broadcast_in_dim3A : vector<1x128xf32> to vector<512x128xf32>
    %add3A_8 = arith.addf %dot_general3A_5, %add3A : vector<512x128xf32>
    %iota3A = tpu.iota {dimensions = array<i32: 1>} : vector<512x128xi32>
    %lt3A = arith.constant 5 : i32
    %lt3A_9 = vector.broadcast %lt3A : i32 to vector<512x128xi32>
    %lt3A_10 = arith.cmpi slt, %iota3A, %lt3A_9 : vector<512x128xi32>
    %jit3A = arith.constant -1.000000e+30 : f32
    %broadcast_in_dim3A_11 = vector.broadcast %jit3A : f32 to vector<512x128xf32>
    %select_n3A = arith.select %lt3A_10, %add3A_8, %broadcast_in_dim3A_11 : vector<512x128xi1>, vector<512x128xf32>
    %reduce_max3A = arith.constant dense<0xFF800000> : vector<512xf32>
    %reduce_max3A_12 = vector.multi_reduction <maximumf>, %select_n3A, %reduce_max3A [1] : vector<512x128xf32> to vector<512xf32>
    %broadcast_in_dim3A_13 = vector.shape_cast %reduce_max3A_12 : vector<512xf32> to vector<512x1xf32>
    %sub3A = vector.broadcast %broadcast_in_dim3A_13 : vector<512x1xf32> to vector<512x128xf32>
    %sub3A_14 = arith.subf %select_n3A, %sub3A : vector<512x128xf32>
    %exp3A = math.exp %sub3A_14 : vector<512x128xf32>
    %reduce_sum3A = arith.constant dense<0.000000e+00> : vector<512xf32>
    %reduce_sum3A_15 = vector.multi_reduction <add>, %exp3A, %reduce_sum3A [1] : vector<512x128xf32> to vector<512xf32>
    %broadcast_in_dim3A_16 = vector.shape_cast %reduce_sum3A_15 : vector<512xf32> to vector<512x1xf32>
    %log3A = math.log %broadcast_in_dim3A_16 : vector<512x1xf32>
    %add3A_17 = arith.addf %log3A, %broadcast_in_dim3A_13 : vector<512x1xf32>
    %sub3A_18 = vector.broadcast %add3A_17 : vector<512x1xf32> to vector<512x128xf32>
    %sub3A_19 = arith.subf %add3A_8, %sub3A_18 : vector<512x128xf32>
    %swap3A = arith.constant 0 : index
    %swap3A_20 = arith.constant 0 : index
    %swap3A_21 = vector.load %arg4[%swap3A, %swap3A_20] : memref<512x128xf32, #tpu.memory_space<vmem>>, vector<512x128xf32>
    tpu.vector_store %arg4[%swap3A, %swap3A_20], %sub3A_19 {strides = array<i32>} : memref<512x128xf32, #tpu.memory_space<vmem>>, vector<512x128xf32>,
    return
  }
  func.func @transform_0(%arg0: i32) -> (i32, i32) {
    %c0_i32 = arith.constant 0 : i32
    %c0_i32_0 = arith.constant 0 : i32
    return %arg0, %c0_i32 : i32, i32
  }
  func.func @transform_1(%arg0: i32) -> (i32, i32) {
    %c0_i32 = arith.constant 0 : i32
    %c0_i32_0 = arith.constant 0 : i32
    %c0_i32_1 = arith.constant 0 : i32
    return %c0_i32, %c0_i32_0 : i32, i32
  }
  func.func @transform_2(%arg0: i32) -> i32 {
    %c0_i32 = arith.constant 0 : i32
    %c0_i32_0 = arith.constant 0 : i32
    return %c0_i32 : i32
  }
  func.func @transform_3(%arg0: i32) -> (i32, i32) {
    %c0_i32 = arith.constant 0 : i32
    %c0_i32_0 = arith.constant 0 : i32
    return %arg0, %c0_i32 : i32, i32
  }
}

</mosaic_0001>

<sc_bundles>
// kernel: kernel.12.cloned.1.call-start
scs
__scs_entry_jumppad:
0x0: {  	(pc) =	sbr.rel $0x88, $3  }
0x1: {  	(tag) =	ssettag $0x0;
	lr =	simm.s32 $0x1  }
0x2: {  	[smem:$0x3F98] =	sst lr;
	_ =	strace $0xD0000000  }
0x3: {  	_ = 	snop  }
0x4: {  	_ = 	snop  }
0x5: {  	_ = 	snop  }
0x6: {  	_ = 	snop  }
0x7: {  	_ = 	snop  }
__scs_overlays_trampoline_lowered:
0x8: {  	[smem:$0x3FA7] =	sst s0  }
0x9: {  	[smem:$0x3FA8] =	sst s1  }
0xa: {  	[smem:$0x3FA9] =	sst s2  }
0xb: {  	[smem:$0x3FAA] =	sst s3  }
0xc: {  	[smem:$0x3FAB] =	sst s4  }
0xd: {  	[smem:$0x3FAC] =	sst s5  }
0xe: {  	[smem:$0x3FAD] =	sst s6  }
0xf: {  	[smem:$0x3FAE] =	sst s7  }
0x10: {  	[smem:$0x3FAF] =	sst s8  }
0x11: {  	[smem:$0x3FB0] =	sst s9;
	s0 =	simm.s32 @!p0 $0x0  }
0x12: {  	s1 =	sld [smem:$0x3F96];
	s0 =	simm.s32 @p0 $0x1  }
0x13: {  	[smem:$0x3FB1] =	sst s0;
	s0 =	simm.s32 @!p1 $0x0  }
0x14: {  	s2 =	sld [smem:$0x3F95];
	s0 =	simm.s32 @p1 $0x1  }
0x15: {  	[smem:$0x3FB2] =	sst s0;
	s0 =	simm.s32 @!p2 $0x0  }
0x16: {  	s3 =	sld [smem:$0x3FDB];
	s0 =	simm.s32 @p2 $0x1  }
0x17: {  	s4 =	simm.s32 $0x1BF5;
	[smem:$0x3FB4] =	sst s0  }
0x18: {  	s0 =	sld [smem:$0x3F97];
	_ =	swait.ge [sflag:s4], $0x0  }
0x19: {  	s7 =	sld [smem:$0x3F98]  }
0x1a: {  	s8 =	sadd.s32 $0xFFFFE003, lr  }
0x1b: {  	s9 =	sadd.s32 $0xFFFFFEF7, lr;
	s5 =	simm.s32 $0xFFFFFFFF;
	p2 =	slt.u32 s8, $0xFFFFF086  }
0x1c: {  	p1 =	slt.u32 s9, $0xF7A;
	s5 =	simm.s32 @!p2 $0x0  }
0x1d: {  	s5 =	simm.s32 @p1 $0x1;
	p0 =	seq.s32 s7, s2  }
0x1e: {  	s7 =	smul.u32 @!p0 $0xF7A, s2;
	p2 =	seq.s32 @!p0 s5, $0x0  }
0x1f: {  	s9 =	smul.u32 $0xF7A, s1;
	s8 =	simm.s32 @!p0 $0x1BF5;
	p2 =	por !p2, p0  }
0x20: {  	[sflag:s8] =	ssyncset.s32 @!p0 $0xFFFFF086;
	s6 =	sadd.s32 @!p0 s3, s7;
	s7 =	simm.s32 @!p0 $0x108  }
0x21: {  	s3 =	sadd.s32 s3, s9;
	s6 =	sadd.s32 @!p0 $0x88, s6;
	s7 =	simm.s32 @p2 $0x1082  }
0x22: {  	[simem:s7], [sflag:s8] =	dma.local @!p0 [hbm:s6], $0xF7A  }
0x23: {  	s9 =	sor.u32 $0xD0000000, s2;
	s6 =	simm.s32 $0x108;
	_ =	swait.ge @!p0 [sflag:s8], $0x0  }
0x24: {  	s3 =	sadd.s32 $0x88, s3;
	s6 =	simm.s32 @!p1 $0x1082;
	[sflag:s4] =	ssyncset.s32 $0xFFFFF086  }
0x25: {  	[simem:s6], [sflag:s4] =	dma.local [hbm:s3], $0xF7A  }
0x26: {  	[smem:$0x3F98] =	sst s1;
	(tag) =	ssettag s2;
	_ =	strace s9  }
0x27: {  	s1 =	sld [smem:$0x3FA8]  }
0x28: {  	s2 =	sld [smem:$0x3FA9]  }
0x29: {  	s4 =	sld [smem:$0x3FAB]  }
0x2a: {  	p0 =	seq.s32 s5, $0x0;
	s5 =	sld [smem:$0x3FAC]  }
0x2b: {  	s6 =	sld [smem:$0x3FAD]  }
0x2c: {  	s7 =	sld [smem:$0x3FAE]  }
0x2d: {  	s3 =	simm.s32 $0x108;
	s8 =	sld [smem:$0x3FAF]  }
0x2e: {  	s3 =	simm.s32 @!p0 $0x1082;
	s9 =	sld [smem:$0x3FB0]  }
0x2f: {  	lr =	sadd.s32 s0, s3;
	s0 =	sld [smem:$0x3FA7]  }
0x30: {  	s3 =	sld [smem:$0x3FAA]  }
0x31: {  	[smem:$0x3FB3] =	sst s10  }
0x32: {  	s10 =	sld [smem:$0x3FB1];
	_ =	sdelay $0x3  }
0x33: {  	p0 =	seq.s32 s10, $0x1;
	s10 =	sld [smem:$0x3FB3];
	_ =	sdelay $0x3  }
0x34: {  	[smem:$0x3FB3] =	sst s10  }
0x35: {  	s10 =	sld [smem:$0x3FB2];
	_ =	sdelay $0x3  }
0x36: {  	p1 =	seq.s32 s10, $0x1;
	s10 =	sld [smem:$0x3FB3];
	_ =	sdelay $0x3  }
0x37: {  	[smem:$0x3FB3] =	sst s10  }
0x38: {  	s10 =	sld [smem:$0x3FB4]  }
0x39: {  	_ = 	snop;
	(pc) =	sbr.ind lr, $3  }
0x3a: {  	_ = 	snop  }
0x3b: {  	_ = 	snop  }
0x3c: {  	p2 =	seq.s32 s10, $0x1;
	s10 =	sld [smem:$0x3FB3]  }
0x3d: {  	_ =	shalt  }
0x3e: {  	_ =	shalt  }
0x3f: {  	_ =	shalt  }
0x40: {  	_ =	shalt  }
0x41: {  	_ =	shalt  }
0x42: {  	_ =	shalt  }
0x43: {  	_ =	shalt  }
0x44: {  	_ =	shalt  }
0x45: {  	_ =	shalt  }
0x46: {  	_ =	shalt  }
0x47: {  	_ =	shalt  }
0x48: {  	_ =	shalt  }
0x49: {  	_ =	shalt  }
0x4a: {  	_ =	shalt  }
0x4b: {  	_ =	shalt  }
0x4c: {  	_ =	shalt  }
0x4d: {  	_ =	shalt  }
0x4e: {  	_ =	shalt  }
0x4f: {  	_ =	shalt  }
0x50: {  	_ =	shalt  }
0x51: {  	_ =	shalt  }
0x52: {  	_ =	shalt  }
0x53: {  	_ =	shalt  }
0x54: {  	_ =	shalt  }
0x55: {  	_ =	shalt  }
0x56: {  	_ =	shalt  }
0x57: {  	_ =	shalt  }
0x58: {  	_ =	shalt  }
0x59: {  	_ =	shalt  }
0x5a: {  	_ =	shalt  }
0x5b: {  	_ =	shalt  }
0x5c: {  	_ =	shalt  }
0x5d: {  	_ =	shalt  }
0x5e: {  	_ =	shalt  }
0x5f: {  	_ =	shalt  }
0x60: {  	_ =	shalt  }
0x61: {  	_ =	shalt  }
0x62: {  	_ =	shalt  }
0x63: {  	_ =	shalt  }
0x64: {  	_ =	shalt  }
0x65: {  	_ =	shalt  }
0x66: {  	_ =	shalt  }
0x67: {  	_ =	shalt  }
0x68: {  	_ =	shalt  }
0x69: {  	_ =	shalt  }
0x6a: {  	_ =	shalt  }
0x6b: {  	_ =	shalt  }
0x6c: {  	_ =	shalt  }
0x6d: {  	_ =	shalt  }
0x6e: {  	_ =	shalt  }
0x6f: {  	_ =	shalt  }
0x70: {  	_ =	shalt  }
0x71: {  	_ =	shalt  }
0x72: {  	_ =	shalt  }
0x73: {  	_ =	shalt  }
0x74: {  	_ =	shalt  }
0x75: {  	_ =	shalt  }
0x76: {  	_ =	shalt  }
0x77: {  	_ =	shalt  }
0x78: {  	_ =	shalt  }
0x79: {  	_ =	shalt  }
0x7a: {  	_ =	shalt  }
0x7b: {  	_ =	shalt  }
0x7c: {  	_ =	shalt  }
0x7d: {  	_ =	shalt  }
0x7e: {  	_ =	shalt  }
0x7f: {  	_ =	shalt  }
0x80: {  	_ =	shalt  }
0x81: {  	_ =	shalt  }
0x82: {  	_ =	shalt  }
0x83: {  	_ =	shalt  }
0x84: {  	_ =	shalt  }
0x85: {  	_ =	shalt  }
0x86: {  	_ =	shalt  }
0x87: {  	_ =	shalt  }
.Lfunc_end0:
.L_simem_size_0:
called_computation.1_lowered:
.L_overlay_start_0:
0x88: {  	s2 =	sld [smem:$0x3FD9]  }
0x89: {  	s3 =	sld [smem:$0x3FFE];
	_ =	sdelay $0x1  }
0x8a: {  	s1 =	srdreg.scid  }
0x8b: {  	s0 =	sand.u32 $0x1, s1  }
0x8c: {  	s17 =	sshll.u32 s0, $0xA;
	s2 =	sadd.s32 s3, s2  }
0x8d: {  	s2 =	sadd.s32 s2, s17  }
0x8e: {  	[smem:$0x3FBF] =	sst s2  }
0x8f: {  	_ = 	snop  }
0x90: {  	s2 =	sld [smem:$0x3FC7];
	(tm) =	ssettm $0x1  }
0x91: {  	s18 =	sld [smem:$0x3FFB];
	_ =	sdelay $0x3  }
0x92: {  	_ =	strace s18  }
0x93: {  	s3 =	sld [smem:$0x3FFC];
	_ =	sdelay $0x3  }
0x94: {  	_ =	strace s3  }
0x95: {  	s3 =	sld [smem:$0x3FFD];
	_ =	sdelay $0x3  }
0x96: {  	_ =	strace s3  }
0x97: {  	_ =	strace $0x8FFFFFFF  }
0x98: {  	s19 =	sld [smem:$0x3FDB];
	_ =	sdelay $0x1  }
0x99: {  	s4 =	simm.s32 $_scs_section_size  }
0x9a: {  	s5 =	simm.s32 $_size__tile_overlayer_lowered;
	s6 =	simm.s32 $_tile_overlayer_lowered  }
0x9b: {  	s22 =	simm.s32 $0x1BFF;
	s21 =	sshll.u32 s6, $0x1;
	s3 =	sadd.s32 s4, s19  }
0x9c: {  	s7 =	simm.s32 $0x0;
	s20 =	sshll.u32 s5, $0x1;
	s5 =	sadd.s32 s21, s3  }
0x9d: {  	[timem:s7], [sflag:s22] =	dma.local [hbm:s5], s20  }
0x9e: {  	_ =	swait.ge [sflag:s22], s20  }
0x9f: {  	s4 =	ssub.s32 $0x0, s20;
	[sflag:s22] =	ssyncset.done $0x0  }
0xa0: {  	[sflag:s22] =	ssyncadd.s32 s4;
	_ =	sdelay $0x1  }
0xa1: {  	s23 =	simm.s32 $0x1B8B  }
0xa2: {  	_ =	swait.ge [sflag:s23], $0x1  }
0xa3: {  	[sflag:s23] =	ssyncset.done $0x0  }
0xa4: {  	s25 =	simm.s32 $0x1B8E;
	s24 =	sld [smem:$0x3FFE];
	[sflag:s23] =	ssyncadd.s32 $0xFFFFFFFF  }
0xa5: {  	s26 =	simm.s32 $execute0_lowered;
	[smem:$0x3FD2] =	sst s25  }
0xa6: {  	s5 =	sshll.u32 s26, $0x1;
	_ =	strace $0x80000049;
	[dreg:$0x1] =	wrdreg $0xFFFFFFFF  }
0xa7: {  	s28 =	simm.s32 $_size_execute0_lowered;
	s3 =	sadd.s32 s3, s5;
	[dreg:$0x0] =	wrdreg $0x0  }
0xa8: {  	s5 =	sshll.u32 s28, $0x1;
	[dreg:$0x2] =	wrdreg s3  }
0xa9: {  	[dreg:$0x3] =	wrdreg s5  }
0xaa: {  	[dreg:$0x4] =	wrdreg $0xC0  }
0xab: {  	_ =	task [dreg:s7], $0x5FFFF  }
0xac: {  	[dreg:$0x1] =	wrdreg $0xFFFFFFFF  }
0xad: {  	[dreg:$0x0] =	wrdreg $0x60  }
0xae: {  	[dreg:$0x2] =	wrdreg s24  }
0xaf: {  	[dreg:$0x3] =	wrdreg s2  }
0xb0: {  	[dreg:$0x4] =	wrdreg $0x9EE00  }
0xb1: {  	[dreg:$0x5] =	wrdreg $0x9  }
0xb2: {  	_ =	task.clear_ibuf [dreg:s7], $0x6FFFF;
	_ =	strace $0x90000049  }
0xb3: {  	s29 =	simm.s32 $0x9;
	_ =	strace $0x8000004B  }
0xb4: {  	_ =	swait.ge [sflag:s29], $0x1  }
0xb5: {  	[sflag:s29] =	ssyncadd.s32 $0xFFFFFFFF  }
0xb6: {  	_ =	strace $0x9000004B  }
0xb7: {  	_ =	sfence  }
0xb8: {  	s30 =	sld [smem:$0x0];
	_ =	sdelay $0x2  }
0xb9: {  	s31 =	sshll.u32 s1, $0xD;
	s1 =	sshrl.u32 s1, $0x2  }
0xba: {  	s3 =	sand.u32 $0x4000, s31;
	s1 =	sadd.s32 s1, s30  }
0xbb: {  	s0 =	sor.u32 s3, s0;
	s1 =	sshll.u32 s1, $0x11  }
0xbc: {  	s0 =	sor.u32 s1, s0  }
0xbd: {  	s0 =	sadd.s32 $0x8F2B, s0  }
0xbe: {  	[sflag:s0] =	ssyncadd.remote.s32 $0x1  }
0xbf: {  	_ =	sfence.sel $0xFFFF  }
0xc0: {  	[dreg:$0x0] =	wrdreg $0xFFFFFFFF;
	(pc) =	sbr.abs _section_cstart, $3  }
0xc1: {  	[dreg:$0x1] =	wrdreg $0xFFFFFFFF  }
0xc2: {  	_ =	task.clear_ibuf [dreg:s7], $0x2FFFF;
	_ =	strace $0x9FFFFFFF  }
0xc3: {  	(tm) =	ssettm $0x7FFFFFFF  }
tec
execute0_lowered:
.L_overlay_start_1:
0x0: {  	(tag) =	ssettag $0x1  }
0x1: {  	s0 =	rddreg [dreg:$0x0]  }
0x2: {  	s1 =	rddreg [dreg:$0x1]  }
0x3: {  	s2 =	rddreg [dreg:$0x2];
	s3 =	srdreg.scid  }
0x4: {  	s6 =	simm.s32 $0x0;
	s12 =	stileid.u32;
	s28 =	simm.s32 $0x1400  }
0x5: {  	s31 =	simm.s32 $0x1900;
	s30 =	simm.s32 $0x1;
	s13 =	simm.s32 $0x3  }
0x6: {  	s14 =	simm.s32 $0x2;
	s3 =	sand.u32 $0x1, s3;
	s9 =	smul.u32 $0xC380, s12  }
0x7: {  	[smem:$0x7FF] =	sst s6;
	s6 =	sadd.s32 $0x2E00, s0;
	s20 =	smul.u32 $0x30E00, s12  }
0x8: {  	s7 =	sadd.s32 $0x189A00, s0;
	s4 =	smul.u32 $0xC3800, s3;
	s5 =	sshll.u32 s3, $0x4  }
0x9: {  	_ =	strace $0x8000004A;
	s3 =	ssub.s32 $0x2, s3;
	s8 =	sor.u32 s12, s5  }
0xa: {  	s5 =	sadd.s32 $0xC6400, s0;
	s15 =	sshrl.u32 s3, $0x1;
	s23 =	sshrl.u32 s20, $0x2  }
0xb: {  	s24 =	sadd.s32 s9, s2;
	s12 =	simm.s32 $0x6A00;
	s10 =	smul.u32 $0x9C, s8  }
0xc: {  	s11 =	smul.u32 $0x9E, s8;
	p0 =	slt.u32 s8, $0x4;
	s4 =	sadd.s32 s9, s4  }
0xd: {  	s3 =	ssub.s32 s3, s15;
	s4 =	sshrl.u32 s4, $0x3;
	s10 =	sadd.s32 $0x8, s10  }
0xe: {  	s3 =	smax.u32 s3, $0x1;
	s0 =	sadd.s32 s4, s0;
	s10 =	smov.u32 @p0 s11  }
0xf: {  	[dreg:$0xc] =	wrdreg s3;
	s0 =	sadd.s32 $0x1A2200, s0;
	s11 =	smul.u32 $0xA0, s10  }
0x10: {  	s8 =	simm.s32 $0x4F;
	[dreg:$0xa] =	wrdreg s0;
	s0 =	sshrl.u32 s24, $0x3  }
0x11: {  	s9 =	simm.s32 $0x4600;
	[dreg:$0x10] =	wrdreg s0;
	s16 =	sadd.s32 s5, s11  }
0x12: {  	s8 =	simm.s32 @!p0 $0x4E;
	s17 =	sadd.s32 s6, s11;
	[dreg:$0x4] =	wrdreg s16  }
0x13: {  	s18 =	sadd.s32 s1, s11;
	s19 =	sadd.s32 $0xA0, s11;
	[dreg:$0x5] =	wrdreg s17  }
0x14: {  	s3 =	simm.s32 $0x6;
	[dreg:$0x6] =	wrdreg s18;
	s21 =	sadd.s32 s5, s19  }
0x15: {  	s15 =	sadd.s32 $0x2, s10;
	s22 =	sadd.s32 s6, s19;
	[dreg:$0x7] =	wrdreg s21  }
0x16: {  	s11 =	simm.s32 $0x0;
	s4 =	sadd.s32 s1, s19;
	[dreg:$0x8] =	wrdreg s22  }
0x17: {  	s16 =	sadd.s32 $0x3, s10;
	[dreg:$0x9] =	wrdreg s4;
	s4 =	sadd.s32 s23, s2  }
0x18: {  	s10 =	simm.s32 $0x7;
	s25 =	sadd.s32 $0x30E0, s4;
	[dreg:$0xb] =	wrdreg s4  }
0x19: {  	v2 =	vlaneseq.u32;
	s17 =	simm.s32 $0x4;
	s26 =	sadd.s32 $0x61C0, s4;
	[dreg:$0xd] =	wrdreg s25  }
0x1a: {  	v0 =	vshrl.u32 v2, $0x3;
	s23 =	simm.s32 $0x6E00;
	s29 =	sadd.s32 $0x92A0, s4;
	[dreg:$0xe] =	wrdreg s26  }
0x1b: {  	v3 =	vimm.f32 $0.0e+00;
	v2 =	vand.u32 $0x7, v2;
	v1 =	vmul.u32 $0x8, v0;
	s4 =	simm.s32 $0x80;
	[dreg:$0xf] =	wrdreg s29;
	s26 =	simm.s32 $0x1E00  }
.LBB2_1:
0x1c: {  	s0 =	simm.s32 $0x0  }
0x1d: {  	v4 =	vmov s0  }
0x1e: {  	v4 =	vshll.u32 v4, $0x3  }
0x1f: {  	v4 =	vor.u32 v1, v4  }
0x20: {  	s0 =	simm.s32 $0x2;
	v4 =	vor.u32 v2, v4  }
.LBB2_2:
0x21: {  	p0 =	seq.s32 s0, $0x61A  }
.Ltmp0:
0x22: {  	_ = 	snop;
	(pc) =	sbr.rel @!p0 .LBB2_2-.Ltmp0, $4  }
0x23: {  	v5 =	vmov s0  }
0x24: {  	v5 =	vshll.u32 v5, $0x3  }
0x25: {  	v5 =	vor.u32 v1, v5  }
0x26: {  	s0 =	sadd.s32 $0x2, s0;
	[tilespmem:v4+s23+$0x0] =	vst.idx.msk $0xffff, v3;
	v4 =	vor.u32 v2, v5  }
0x27: {  	_ =	sdelay $0x2  }
0x28: {  	[dreg:$0x11] =	wrdreg s11  }
0x29: {  	[tilespmem:v4+s23+$0x0] =	vst.idx.msk $0xffff, v3;
	s0 =	rddreg [dreg:$0xb]  }
0x2a: {  	[spmem:s0] =	stream.linear.scatter [tilespmem:s23], [sflag:$0x7], $0x30E0, $0x38;
	[tilespmem:$0x16260] =	vst v63  }
0x2b: {  	_ =	swait.ge [sflag:s10], $0x30E0  }
0x2c: {  	[sflag:s10] =	ssyncset.done $0x0  }
0x2d: {  	s22 =	rddreg [dreg:$0xd];
	[sflag:s10] =	ssyncadd.s32 $0xFFFFCF20  }
0x2e: {  	[spmem:s22] =	stream.linear.scatter [tilespmem:s23], [sflag:$0x7], $0x30E0, $0x38;
	[tilespmem:$0x16260] =	vst v63  }
0x2f: {  	_ =	swait.ge [sflag:s10], $0x30E0  }
0x30: {  	[sflag:s10] =	ssyncset.done $0x0  }
0x31: {  	s24 =	rddreg [dreg:$0xe];
	[sflag:s10] =	ssyncadd.s32 $0xFFFFCF20  }
0x32: {  	[spmem:s24] =	stream.linear.scatter [tilespmem:s23], [sflag:$0x7], $0x30E0, $0x38;
	[tilespmem:$0x16260] =	vst v63  }
0x33: {  	_ =	swait.ge [sflag:s10], $0x30E0  }
0x34: {  	[sflag:s10] =	ssyncset.done $0x0  }
0x35: {  	s25 =	rddreg [dreg:$0xf];
	[sflag:s10] =	ssyncadd.s32 $0xFFFFCF20  }
0x36: {  	[spmem:s25] =	stream.linear.scatter [tilespmem:s23], [sflag:$0x7], $0x30E0, $0x38;
	[tilespmem:$0x16260] =	vst v63  }
0x37: {  	_ =	swait.ge [sflag:s10], $0x30E0  }
0x38: {  	[sflag:s10] =	ssyncset.done $0x0  }
0x39: {  	[sflag:s10] =	ssyncadd.s32 $0xFFFFCF20  }
0x3a: {  	[bflag:$0x0] =	sbarrier.arrive $0xFFFF  }
0x3b: {  	s19 =	simm.s32 $0x0;
	s29 =	rddreg [dreg:$0x4]  }
0x3c: {  	[tilespmem:s19], [sflag:$0x5] =	stream.linear.gather [hbm4b:s29+s19], $0x500, $0x38;
	[tilespmem:$0x16260] =	vst v63  }
0x3d: {  	s11 =	simm.s32 $0xA00;
	s10 =	rddreg [dreg:$0x5]  }
0x3e: {  	[tilespmem:s11], [sflag:$0x5] =	stream.linear.gather [hbm4b:s10+s19], $0x500, $0x38;
	[tilespmem:$0x16260] =	vst v63  }
0x3f: {  	s18 =	rddreg [dreg:$0x6]  }
0x40: {  	[tilespmem:s28], [sflag:$0x5] =	stream.linear.gather [hbm4b:s18+s19], $0x500, $0x38;
	[tilespmem:$0x16260] =	vst v63  }
0x41: {  	s21 =	simm.s32 $0x500;
	s20 =	rddreg [dreg:$0x7]  }
0x42: {  	[tilespmem:s21], [sflag:$0x6] =	stream.linear.gather [hbm4b:s20+s19], $0x500, $0x38;
	[tilespmem:$0x16260] =	vst v63  }
0x43: {  	s24 =	simm.s32 $0xF00;
	s22 =	rddreg [dreg:$0x8]  }
0x44: {  	[tilespmem:s24], [sflag:$0x6] =	stream.linear.gather [hbm4b:s22+s19], $0x500, $0x38;
	[tilespmem:$0x16260] =	vst v63  }
0x45: {  	s25 =	rddreg [dreg:$0x9];
	s29 =	simm.s32 $0x5  }
0x46: {  	[tilespmem:s31], [sflag:$0x6] =	stream.linear.gather [hbm4b:s25+s19], $0x500, $0x38;
	[tilespmem:$0x16260] =	vst v63  }
0x47: {  	_ =	swait.ge [sflag:s29], $0x500  }
0x48: {  	[sflag:s29] =	ssyncset.done $0x0  }
0x49: {  	[sflag:s29] =	ssyncadd.s32 $0xFFFFFB00  }
0x4a: {  	_ =	swait.ge [sflag:s29], $0x500  }
0x4b: {  	[sflag:s29] =	ssyncset.done $0x0  }
0x4c: {  	[sflag:s29] =	ssyncadd.s32 $0xFFFFFB00  }
0x4d: {  	_ =	swait.ge [sflag:s29], $0x500  }
0x4e: {  	[sflag:s29] =	ssyncset.done $0x0  }
0x4f: {  	[sflag:s29] =	ssyncadd.s32 $0xFFFFFB00  }
0x50: {  	[tilespmem:s26], [sflag:$0x1] =	stream.indirect.gather [hbm4b:s7+s4], $0x8, s19, s4, $0xb8;
	[tilespmem:$0x16260] =	vst v63  }
0x51: {  	s10 =	simm.s32 $0x2200  }
0x52: {  	[tilespmem:s10], [sflag:$0x1] =	stream.indirect.gather [hbm4b:s7+s4], $0x8, s4, s4, $0xb8;
	[tilespmem:$0x16260] =	vst v63  }
0x53: {  	s11 =	simm.s32 $0x100;
	s18 =	simm.s32 $0x2600  }
0x54: {  	[tilespmem:s18], [sflag:$0x1] =	stream.indirect.gather [hbm4b:s7+s4], $0x8, s11, s4, $0xb8;
	[tilespmem:$0x16260] =	vst v63  }
0x55: {  	s20 =	simm.s32 $0x180;
	s21 =	simm.s32 $0x2A00  }
0x56: {  	[tilespmem:s21], [sflag:$0x1] =	stream.indirect.gather [hbm4b:s7+s4], $0x8, s20, s4, $0xb8;
	[tilespmem:$0x16260] =	vst v63  }
0x57: {  	s22 =	simm.s32 $0x200;
	s24 =	simm.s32 $0x2E00  }
0x58: {  	[tilespmem:s24], [sflag:$0x1] =	stream.indirect.gather [hbm4b:s7+s4], $0x8, s22, s4, $0xb8;
	[tilespmem:$0x16260] =	vst v63  }
0x59: {  	s25 =	simm.s32 $0x280;
	s29 =	simm.s32 $0x3200  }
0x5a: {  	[tilespmem:s29], [sflag:$0x1] =	stream.indirect.gather [hbm4b:s7+s4], $0x8, s25, s4, $0xb8;
	[tilespmem:$0x16260] =	vst v63  }
0x5b: {  	s11 =	simm.s32 $0x300;
	s18 =	simm.s32 $0x3600  }
0x5c: {  	[tilespmem:s18], [sflag:$0x1] =	stream.indirect.gather [hbm4b:s7+s4], $0x8, s11, s4, $0xb8;
	[tilespmem:$0x16260] =	vst v63  }
0x5d: {  	s20 =	simm.s32 $0x380;
	s21 =	simm.s32 $0x3A00  }
0x5e: {  	[tilespmem:s21], [sflag:$0x1] =	stream.indirect.gather [hbm4b:s7+s4], $0x8, s20, s4, $0xb8;
	[tilespmem:$0x16260] =	vst v63  }
0x5f: {  	s22 =	simm.s32 $0x400;
	s24 =	simm.s32 $0x3E00  }
0x60: {  	[tilespmem:s24], [sflag:$0x1] =	stream.indirect.gather [hbm4b:s7+s4], $0x8, s22, s4, $0xb8;
	[tilespmem:$0x16260] =	vst v63  }
0x61: {  	s25 =	simm.s32 $0x480;
	s29 =	simm.s32 $0x4200  }
0x62: {  	[tilespmem:s29], [sflag:$0x1] =	stream.indirect.gather [hbm4b:s7+s4], $0x8, s25, s4, $0xb8;
	[tilespmem:$0x16260] =	vst v63  }
.LBB2_4:
0x63: {  	_ =	swait.ge [sflag:s30], $0x400  }
0x64: {  	[sflag:s30] =	ssyncset.done $0x0  }
0x65: {  	[sflag:s30] =	ssyncadd.s32 $0xFFFFFC00  }
0x66: {  	_ =	swait.ge [sflag:s30], $0x400  }
0x67: {  	[sflag:s30] =	ssyncset.done $0x0  }
0x68: {  	[sflag:s30] =	ssyncadd.s32 $0xFFFFFC00  }
0x69: {  	_ =	swait.ge [sflag:s30], $0x400  }
0x6a: {  	[sflag:s30] =	ssyncset.done $0x0  }
0x6b: {  	[sflag:s30] =	ssyncadd.s32 $0xFFFFFC00  }
0x6c: {  	_ =	swait.ge [sflag:s30], $0x400  }
0x6d: {  	[sflag:s30] =	ssyncset.done $0x0  }
0x6e: {  	[sflag:s30] =	ssyncadd.s32 $0xFFFFFC00  }
0x6f: {  	_ =	swait.ge [sflag:s30], $0x400  }
0x70: {  	[sflag:s30] =	ssyncset.done $0x0  }
0x71: {  	[sflag:s30] =	ssyncadd.s32 $0xFFFFFC00  }
0x72: {  	_ =	swait.ge [sflag:s30], $0x400  }
0x73: {  	[sflag:s30] =	ssyncset.done $0x0  }
0x74: {  	[sflag:s30] =	ssyncadd.s32 $0xFFFFFC00  }
0x75: {  	_ =	swait.ge [sflag:s30], $0x400  }
0x76: {  	[sflag:s30] =	ssyncset.done $0x0  }
0x77: {  	[sflag:s30] =	ssyncadd.s32 $0xFFFFFC00  }
0x78: {  	_ =	swait.ge [sflag:s30], $0x400  }
0x79: {  	[sflag:s30] =	ssyncset.done $0x0  }
0x7a: {  	[sflag:s30] =	ssyncadd.s32 $0xFFFFFC00  }
0x7b: {  	_ =	swait.ge [sflag:s30], $0x400  }
0x7c: {  	[sflag:s30] =	ssyncset.done $0x0  }
0x7d: {  	[sflag:s30] =	ssyncadd.s32 $0xFFFFFC00  }
0x7e: {  	_ =	swait.ge [sflag:s30], $0x400  }
0x7f: {  	[sflag:s30] =	ssyncset.done $0x0  }
0x80: {  	[sflag:s30] =	ssyncadd.s32 $0xFFFFFC00  }
0x81: {  	_ =	swait.ge [sflag:s3], $0x500  }
0x82: {  	[sflag:s3] =	ssyncset.done $0x0  }
0x83: {  	[sflag:s3] =	ssyncadd.s32 $0xFFFFFB00  }
0x84: {  	_ =	swait.ge [sflag:s3], $0x500  }
0x85: {  	[sflag:s3] =	ssyncset.done $0x0  }
0x86: {  	[sflag:s3] =	ssyncadd.s32 $0xFFFFFB00  }
0x87: {  	_ =	swait.ge [sflag:s3], $0x500  }
0x88: {  	[sflag:s3] =	ssyncset.done $0x0  }
0x89: {  	s0 =	simm.s32 $0x500;
	[sflag:s3] =	ssyncadd.s32 $0xFFFFFB00  }
0x8a: {  	[tilespmem:s9], [sflag:$0x2] =	stream.indirect.gather [hbm4b:s7+s4], $0x8, s0, s4, $0xb8;
	[tilespmem:$0x16260] =	vst v63  }
0x8b: {  	s18 =	simm.s32 $0x580;
	s10 =	simm.s32 $0x4A00  }
0x8c: {  	[tilespmem:s10], [sflag:$0x2] =	stream.indirect.gather [hbm4b:s7+s4], $0x8, s18, s4, $0xb8;
	[tilespmem:$0x16260] =	vst v63  }
0x8d: {  	s20 =	simm.s32 $0x600;
	s21 =	simm.s32 $0x4E00  }
0x8e: {  	[tilespmem:s21], [sflag:$0x2] =	stream.indirect.gather [hbm4b:s7+s4], $0x8, s20, s4, $0xb8;
	[tilespmem:$0x16260] =	vst v63  }
0x8f: {  	s22 =	simm.s32 $0x680;
	s24 =	simm.s32 $0x5200  }
0x90: {  	[tilespmem:s24], [sflag:$0x2] =	stream.indirect.gather [hbm4b:s7+s4], $0x8, s22, s4, $0xb8;
	[tilespmem:$0x16260] =	vst v63  }
0x91: {  	s25 =	simm.s32 $0x700;
	s29 =	simm.s32 $0x5600  }
0x92: {  	[tilespmem:s29], [sflag:$0x2] =	stream.indirect.gather [hbm4b:s7+s4], $0x8, s25, s4, $0xb8;
	[tilespmem:$0x16260] =	vst v63  }
0x93: {  	s11 =	simm.s32 $0x5A00;
	s10 =	simm.s32 $0x780  }
0x94: {  	[tilespmem:s11], [sflag:$0x2] =	stream.indirect.gather [hbm4b:s7+s4], $0x8, s10, s4, $0xb8;
	[tilespmem:$0x16260] =	vst v63  }
0x95: {  	s18 =	simm.s32 $0x800;
	s20 =	simm.s32 $0x5E00  }
0x96: {  	[tilespmem:s20], [sflag:$0x2] =	stream.indirect.gather [hbm4b:s7+s4], $0x8, s18, s4, $0xb8;
	[tilespmem:$0x16260] =	vst v63  }
0x97: {  	s20 =	sshll.u32 s19, $0x1;
	s19 =	sadd.s32 $0x1, s19  }
0x98: {  	s21 =	simm.s32 $0x880;
	s22 =	simm.s32 $0x6200;
	p0 =	sge.u32 s19, s8  }
0x99: {  	[tilespmem:s22], [sflag:$0x2] =	stream.indirect.gather [hbm4b:s7+s4], $0x8, s21, s4, $0xb8;
	[tilespmem:$0x16260] =	vst v63  }
0x9a: {  	s24 =	simm.s32 $0x900;
	s25 =	simm.s32 $0x6600;
	s0 =	sadd.s32 @!p0 s20, s15  }
0x9b: {  	[tilespmem:s25], [sflag:$0x2] =	stream.indirect.gather [hbm4b:s7+s4], $0x8, s24, s4, $0xb8;
	[tilespmem:$0x16260] =	vst v63  }
0x9c: {  	s29 =	simm.s32 $0x980;
	s21 =	smul.u32 @!p0 $0xA0, s0  }
0x9d: {  	[tilespmem:s12], [sflag:$0x2] =	stream.indirect.gather [hbm4b:s7+s4], $0x8, s29, s4, $0xb8;
	[tilespmem:$0x16260] =	vst v63  }
0x9e: {  	s18 =	simm.s32 @!p0 $0x0;
	s22 =	simm.s32 $0x0;
	s0 =	sadd.s32 @!p0 s5, s21  }
0x9f: {  	[tilespmem:s18], [sflag:$0x5] =	stream.linear.gather @!p0 [hbm4b:s0+s18], $0x500, $0x38;
	[tilespmem:$0x16260] =	vst v63  }
.LBB2_5:
0xa0: {  	s18 =	sshll.u32 s22, $0xA  }
0xa1: {  	s25 =	sshll.u32 s22, $0x7;
	s0 =	simm.s32 $0x6;
	s24 =	simm.s32 $0x4;
	v4 =	vor.u32 s18, v2  }
0xa2: {  	s29 =	simm.s32 $0x2;
	s11 =	simm.s32 $0x0;
	v5 =	vor.u32 s25, v0;
	v6 =	vmov s0;
	v7 =	vmov s24  }
0xa3: {  	v9 =	vmov s29;
	v10 =	vmov s11;
	v8 =	vor.u32 s0, v5  }
0xa4: {  	v7 =	vshll.u32 v7, $0x3;
	v10 =	vshll.u32 v10, $0x3;
	v11 =	vor.u32 s24, v5  }
0xa5: {  	v9 =	vshll.u32 v9, $0x3;
	v16 =	vor.u32 s29, v5;
	v7 =	vor.u32 v1, v7  }
0xa6: {  	v13 =	vshll.u32 v6, $0x3;
	v10 =	vor.u32 v1, v10;
	v12 =	vadd.s32 v4, v7  }
0xa7: {  	v7 =	vor.u32 v1, v9;
	v6 =	vadd.s32 v4, v10;
	v9 =	vor.u32 v1, v13  }
0xa8: {  	s0 =	simm.s32 $0x8;
	v14 =	vadd.s32 v4, v9;
	v13 =	vld.idx.msk [tilespmem:v8+s28+$0x0], $0xffff  }
0xa9: {  	s10 =	simm.s32 $0xC;
	v17 =	vmov s0;
	v9 =	vor.u32 s11, v5;
	v11 =	vld.idx.msk [tilespmem:v11+s28+$0x0], $0xffff  }
0xaa: {  	v27 =	vor.u32 s0, v5;
	v7 =	vadd.s32 v4, v7;
	v8 =	vmov s10;
	v29 =	vld.idx.msk [tilespmem:v16+s28+$0x0], $0xffff  }
0xab: {  	v10 =	vor.u32 s10, v5;
	v17 =	vshll.u32 v17, $0x3;
	s11 =	simm.s32 $0xE;
	v8 =	vshll.u32 v8, $0x3;
	v15 =	vld.idx.msk [tilespmem:v12+s26+$0x0], $0xffff  }
0xac: {  	v17 =	vor.u32 v1, v17;
	v20 =	vor.u32 s11, v5;
	s10 =	simm.s32 $0xA;
	v8 =	vor.u32 v1, v8;
	v18 =	vld.idx.msk [tilespmem:v6+s26+$0x0], $0xffff  }
0xad: {  	v19 =	vmov s10;
	v28 =	vadd.s32 v4, v8;
	v8 =	vmov s11;
	v21 =	vld.idx.msk [tilespmem:v14+s26+$0x0], $0xffff  }
0xae: {  	v30 =	vor.u32 s10, v5;
	s10 =	simm.s32 $0x14;
	v26 =	vld.idx.msk [tilespmem:v9+s28+$0x0], $0xffff;
	v9 =	vadd.s32 v4, v17;
	v23 =	vshll.u32 v8, $0x3  }
0xaf: {  	v19 =	vshll.u32 v19, $0x3;
	v16 =	vmov s10;
	v22 =	vld.idx.msk [tilespmem:v7+s26+$0x0], $0xffff;
	v17 =	vor.u32 v1, v23  }
0xb0: {  	v33 =	vor.u32 s10, v5;
	s11 =	simm.s32 $0x16;
	v8 =	vor.u32 v1, v19;
	v19 =	vld.idx.msk [tilespmem:v10+s28+$0x0], $0xffff;
	v10 =	vadd.s32 v4, v17  }
0xb1: {  	s24 =	simm.s32 $0x12;
	v8 =	vadd.s32 v4, v8;
	v23 =	vld.idx.msk [tilespmem:v20+s28+$0x0], $0xffff;
	v20 =	vor.u32 s11, v5;
	v15 =	vmul.f32 v11, v15  }
0xb2: {  	v11 =	vmov s11;
	s11 =	simm.s32 $0x10;
	v17 =	vld.idx.msk [tilespmem:v28+s26+$0x0], $0xffff;
	v31 =	vmul.f32 v13, v21;
	v13 =	vmov s24  }
0xb3: {  	v32 =	vshll.u32 v11, $0x3;
	v11 =	vld.idx.msk [tilespmem:v9+s26+$0x0], $0xffff;
	v21 =	vmov s11;
	[tilespmem:v12+s26+$0x0] =	vst.idx.msk $0xffff, v15;
	v15 =	vshll.u32 v16, $0x3  }
0xb4: {  	v13 =	vshll.u32 v13, $0x3;
	v16 =	vshll.u32 v21, $0x3;
	v21 =	vld.idx.msk [tilespmem:v27+s28+$0x0], $0xffff;
	v15 =	vor.u32 v1, v15  }
0xb5: {  	v27 =	vmul.f32 v26, v18;
	v16 =	vor.u32 v1, v16;
	v24 =	vld.idx.msk [tilespmem:v10+s26+$0x0], $0xffff;
	v25 =	vadd.s32 v4, v15  }
0xb6: {  	v26 =	vmul.f32 v29, v22;
	v22 =	vld.idx.msk [tilespmem:v33+s28+$0x0], $0xffff;
	v13 =	vor.u32 v1, v13;
	v16 =	vadd.s32 v4, v16  }
0xb7: {  	v12 =	vld.idx.msk [tilespmem:v8+s26+$0x0], $0xffff;
	v13 =	vadd.s32 v4, v13;
	v15 =	vor.u32 v1, v32;
	v34 =	vmul.f32 v19, v17  }
0xb8: {  	[tilespmem:v14+s26+$0x0] =	vst.idx.msk $0xffff, v31;
	v15 =	vadd.s32 v4, v15;
	v17 =	vld.idx.msk [tilespmem:v30+s28+$0x0], $0xffff  }
0xb9: {  	s0 =	simm.s32 $0x8;
	v14 =	vld.idx.msk [tilespmem:v20+s28+$0x0], $0xffff;
	v20 =	vor.u32 s24, v5;
	s24 =	simm.s32 $0x1E;
	v18 =	vmov v25;
	v19 =	vor.u32 s11, v5;
	[tilespmem:v28+s26+$0x0] =	vst.idx.msk $0xffff, v34  }
.LBB2_6:
0xba: {  	s29 =	sadd.s32 $0xFFFFFFFC, s24;
	s10 =	sadd.s32 $0xFFFFFFFE, s24;
	v28 =	vmov s24;
	v29 =	vor.u32 s24, v5;
	s0 =	sadd.s32 $0x4, s0;
	v30 =	vld.idx.msk [tilespmem:v25+s26+$0x0], $0xffff;
	v23 =	vmul.f32 v23, v24;
	[tilespmem:v6+s26+$0x0] =	vst.idx.msk $0xffff, v27;
	v6 =	vmovc v9  }
0xbb: {  	s11 =	sadd.s32 $0xFFFFFFFA, s24;
	v9 =	vmovc v16;
	v24 =	vmov s29;
	v25 =	vmov s10;
	v27 =	vshll.u32 v28, $0x3;
	p1 =	slt.u32 s0, $0x3C;
	v28 =	vld.idx.msk [tilespmem:v16+s26+$0x0], $0xffff;
	[tilespmem:v7+s26+$0x0] =	vst.idx.msk $0xffff, v26;
	v26 =	vmovc v21  }
0xbc: {  	v16 =	vmov s11;
	v7 =	vmovc v8;
	v8 =	vmovc v13;
	v21 =	vshll.u32 v24, $0x3;
	v24 =	vshll.u32 v25, $0x3;
	v31 =	vld.idx.msk [tilespmem:v13+s26+$0x0], $0xffff;
	[tilespmem:v10+s26+$0x0] =	vst.idx.msk $0xffff, v23  }
0xbd: {  	v32 =	vor.u32 s10, v5;
	v33 =	vmovc v17;
	v13 =	vshll.u32 v16, $0x3;
	v10 =	vmovc v15;
	v16 =	vor.u32 v1, v24;
	v24 =	vld.idx.msk [tilespmem:v15+s26+$0x0], $0xffff  }
.Ltmp1:
0xbe: {  	v13 =	vor.u32 v1, v13;
	v15 =	vor.u32 v1, v21;
	v25 =	vadd.s32 v4, v16;
	v21 =	vld.idx.msk [tilespmem:v19+s28+$0x0], $0xffff;
	(pc) =	sbr.rel @p1 .LBB2_6-.Ltmp1, $4  }
0xbf: {  	v16 =	vadd.s32 v4, v13;
	v13 =	vadd.s32 v4, v15;
	v15 =	vor.u32 v1, v27;
	v17 =	vld.idx.msk [tilespmem:v20+s28+$0x0], $0xffff  }
0xc0: {  	v19 =	vor.u32 s11, v5;
	v23 =	vmovc v14;
	v15 =	vadd.s32 v4, v15;
	v30 =	vmul.f32 v22, v30;
	v14 =	vld.idx.msk [tilespmem:v29+s28+$0x0], $0xffff  }
0xc1: {  	v27 =	vmul.f32 v26, v11;
	v26 =	vmul.f32 v33, v12;
	v20 =	vor.u32 s29, v5;
	v11 =	vmovc v28  }
0xc2: {  	s24 =	sadd.s32 $0x8, s24;
	v12 =	vmov v31;
	v22 =	vld.idx.msk [tilespmem:v32+s28+$0x0], $0xffff;
	[tilespmem:v18+s26+$0x0] =	vst.idx.msk $0xffff, v30;
	v18 =	vmov v25  }
0xc3: {  	_ =	sdelay $0x3  }
0xc4: {  	v4 =	vld.idx.msk [tilespmem:v25+s26+$0x0], $0xffff  }
0xc5: {  	v5 =	vld.idx.msk [tilespmem:v16+s26+$0x0], $0xffff  }
0xc6: {  	v59 =	vld.idx.msk [tilespmem:v13+s26+$0x0], $0xffff  }
0xc7: {  	v28 =	vld.idx.msk [tilespmem:v15+s26+$0x0], $0xffff  }
0xc8: {  	[tilespmem:v6+s26+$0x0] =	vst.idx.msk $0xffff, v27;
	v60 =	vmul.f32 v23, v24;
	v19 =	vld.idx.msk [tilespmem:v19+s28+$0x0], $0xffff  }
0xc9: {  	[tilespmem:v7+s26+$0x0] =	vst.idx.msk $0xffff, v26;
	v61 =	vld.idx.msk [tilespmem:v20+s28+$0x0], $0xffff;
	v62 =	vmul.f32 v21, v11  }
0xca: {  	[tilespmem:v10+s26+$0x0] =	vst.idx.msk $0xffff, v60;
	v4 =	vmul.f32 v22, v4  }
0xcb: {  	s22 =	sadd.s32 $0x1, s22;
	v63 =	vmul.f32 v17, v12;
	[tilespmem:v9+s26+$0x0] =	vst.idx.msk $0xffff, v62  }
0xcc: {  	p1 =	sne.s32 s22, $0xA;
	[tilespmem:v18+s26+$0x0] =	vst.idx.msk $0xffff, v4;
	v4 =	vmul.f32 v14, v28  }
.Ltmp2:
0xcd: {  	[tilespmem:v8+s26+$0x0] =	vst.idx.msk $0xffff, v63;
	v5 =	vmul.f32 v19, v5;
	(pc) =	sbr.rel @p1 .LBB2_5-.Ltmp2, $4  }
0xce: {  	[tilespmem:v15+s26+$0x0] =	vst.idx.msk $0xffff, v4;
	v4 =	vmul.f32 v61, v59  }
0xcf: {  	s0 =	sand.u32 $0x3FFFFC00, s18;
	[tilespmem:v16+s26+$0x0] =	vst.idx.msk $0xffff, v5  }
0xd0: {  	s10 =	sadd.s32 $0xA00, s25;
	s0 =	sadd.s32 $0x1E00, s0;
	[tilespmem:v13+s26+$0x0] =	vst.idx.msk $0xffff, v4  }
0xd1: {  	[spmem:s2] =	stream.indirect.scatter.add.f32 [tilespmem:s0], [sflag:$0x3], $0x8, s10, s4, $0xb8;
	[tilespmem:$0x16260] =	vst v63  }
0xd2: {  	_ =	swait.ge [sflag:s13], $0x400  }
0xd3: {  	[sflag:s13] =	ssyncset.done $0x0  }
0xd4: {  	[sflag:s13] =	ssyncadd.s32 $0xFFFFFC00  }
0xd5: {  	_ =	swait.ge [sflag:s13], $0x400  }
0xd6: {  	[sflag:s13] =	ssyncset.done $0x0  }
0xd7: {  	[sflag:s13] =	ssyncadd.s32 $0xFFFFFC00  }
0xd8: {  	_ =	swait.ge [sflag:s13], $0x400  }
0xd9: {  	[sflag:s13] =	ssyncset.done $0x0  }
0xda: {  	[sflag:s13] =	ssyncadd.s32 $0xFFFFFC00  }
0xdb: {  	_ =	swait.ge [sflag:s13], $0x400  }
0xdc: {  	[sflag:s13] =	ssyncset.done $0x0  }
0xdd: {  	[sflag:s13] =	ssyncadd.s32 $0xFFFFFC00  }
0xde: {  	_ =	swait.ge [sflag:s13], $0x400  }
0xdf: {  	[sflag:s13] =	ssyncset.done $0x0  }
0xe0: {  	[sflag:s13] =	ssyncadd.s32 $0xFFFFFC00  }
0xe1: {  	_ =	swait.ge [sflag:s13], $0x400  }
0xe2: {  	[sflag:s13] =	ssyncset.done $0x0  }
0xe3: {  	[sflag:s13] =	ssyncadd.s32 $0xFFFFFC00  }
0xe4: {  	_ =	swait.ge [sflag:s13], $0x400  }
0xe5: {  	[sflag:s13] =	ssyncset.done $0x0  }
0xe6: {  	[sflag:s13] =	ssyncadd.s32 $0xFFFFFC00  }
0xe7: {  	_ =	swait.ge [sflag:s13], $0x400  }
0xe8: {  	[sflag:s13] =	ssyncset.done $0x0  }
0xe9: {  	[sflag:s13] =	ssyncadd.s32 $0xFFFFFC00  }
0xea: {  	_ =	swait.ge [sflag:s13], $0x400  }
0xeb: {  	[sflag:s13] =	ssyncset.done $0x0  }
0xec: {  	[sflag:s13] =	ssyncadd.s32 $0xFFFFFC00  }
0xed: {  	_ =	swait.ge [sflag:s13], $0x400  }
0xee: {  	s0 =	sadd.s32 @!p0 s6, s21;
	[sflag:s13] =	ssyncset.done $0x0  }
0xef: {  	s18 =	simm.s32 @!p0 $0x0;
	s10 =	simm.s32 @!p0 $0xA00;
	[sflag:s13] =	ssyncadd.s32 $0xFFFFFC00  }
0xf0: {  	[tilespmem:s10], [sflag:$0x5] =	stream.linear.gather @!p0 [hbm4b:s0+s18], $0x500, $0x38;
	[tilespmem:$0x16260] =	vst v63  }
0xf1: {  	s0 =	sadd.s32 @!p0 s1, s21;
	s10 =	simm.s32 @!p0 $0x1400  }
0xf2: {  	[tilespmem:s10], [sflag:$0x5] =	stream.linear.gather @!p0 [hbm4b:s0+s18], $0x500, $0x38;
	[tilespmem:$0x16260] =	vst v63  }
0xf3: {  	_ =	swait.ge [sflag:s14], $0x400  }
0xf4: {  	[sflag:s14] =	ssyncset.done $0x0  }
0xf5: {  	[sflag:s14] =	ssyncadd.s32 $0xFFFFFC00  }
0xf6: {  	_ =	swait.ge [sflag:s14], $0x400  }
0xf7: {  	[sflag:s14] =	ssyncset.done $0x0  }
0xf8: {  	[sflag:s14] =	ssyncadd.s32 $0xFFFFFC00  }
0xf9: {  	_ =	swait.ge [sflag:s14], $0x400  }
0xfa: {  	[sflag:s14] =	ssyncset.done $0x0  }
0xfb: {  	[sflag:s14] =	ssyncadd.s32 $0xFFFFFC00  }
0xfc: {  	_ =	swait.ge [sflag:s14], $0x400  }
0xfd: {  	[sflag:s14] =	ssyncset.done $0x0  }
0xfe: {  	[sflag:s14] =	ssyncadd.s32 $0xFFFFFC00  }
0xff: {  	_ =	swait.ge [sflag:s14], $0x400  }
0x100: {  	[sflag:s14] =	ssyncset.done $0x0  }
0x101: {  	[sflag:s14] =	ssyncadd.s32 $0xFFFFFC00  }
0x102: {  	_ =	swait.ge [sflag:s14], $0x400  }
0x103: {  	[sflag:s14] =	ssyncset.done $0x0  }
0x104: {  	[sflag:s14] =	ssyncadd.s32 $0xFFFFFC00  }
0x105: {  	_ =	swait.ge [sflag:s14], $0x400  }
0x106: {  	[sflag:s14] =	ssyncset.done $0x0  }
0x107: {  	[sflag:s14] =	ssyncadd.s32 $0xFFFFFC00  }
0x108: {  	_ =	swait.ge [sflag:s14], $0x400  }
0x109: {  	[sflag:s14] =	ssyncset.done $0x0  }
0x10a: {  	[sflag:s14] =	ssyncadd.s32 $0xFFFFFC00  }
0x10b: {  	_ =	swait.ge [sflag:s14], $0x400  }
0x10c: {  	[sflag:s14] =	ssyncset.done $0x0  }
0x10d: {  	[sflag:s14] =	ssyncadd.s32 $0xFFFFFC00  }
0x10e: {  	_ =	swait.ge [sflag:s14], $0x400  }
0x10f: {  	[sflag:s14] =	ssyncset.done $0x0  }
0x110: {  	s0 =	simm.s32 @!p0 $0x5;
	[sflag:s14] =	ssyncadd.s32 $0xFFFFFC00  }
0x111: {  	_ =	swait.ge @!p0 [sflag:s0], $0x500  }
0x112: {  	[sflag:s0] =	ssyncset.done @!p0 $0x0  }
0x113: {  	[sflag:s0] =	ssyncadd.s32 @!p0 $0xFFFFFB00  }
0x114: {  	_ =	swait.ge @!p0 [sflag:s0], $0x500  }
0x115: {  	[sflag:s0] =	ssyncset.done @!p0 $0x0  }
0x116: {  	[sflag:s0] =	ssyncadd.s32 @!p0 $0xFFFFFB00  }
0x117: {  	_ =	swait.ge @!p0 [sflag:s0], $0x500  }
0x118: {  	[sflag:s0] =	ssyncset.done @!p0 $0x0  }
0x119: {  	s10 =	simm.s32 @!p0 $0x1E00;
	[sflag:s0] =	ssyncadd.s32 @!p0 $0xFFFFFB00;
	s0 =	simm.s32 @!p0 $0x80  }
0x11a: {  	[tilespmem:s10], [sflag:$0x1] =	stream.indirect.gather @!p0 [hbm4b:s7+s0], $0x8, s18, s0, $0xb8;
	[tilespmem:$0x16260] =	vst v63  }
0x11b: {  	s10 =	simm.s32 @!p0 $0x2200  }
0x11c: {  	[tilespmem:s10], [sflag:$0x1] =	stream.indirect.gather @!p0 [hbm4b:s7+s0], $0x8, s0, s0, $0xb8;
	[tilespmem:$0x16260] =	vst v63  }
0x11d: {  	s11 =	simm.s32 @!p0 $0x2600;
	s10 =	simm.s32 @!p0 $0x100  }
0x11e: {  	[tilespmem:s11], [sflag:$0x1] =	stream.indirect.gather @!p0 [hbm4b:s7+s0], $0x8, s10, s0, $0xb8;
	[tilespmem:$0x16260] =	vst v63  }
0x11f: {  	s10 =	simm.s32 @!p0 $0x180;
	s11 =	simm.s32 @!p0 $0x2A00  }
0x120: {  	[tilespmem:s11], [sflag:$0x1] =	stream.indirect.gather @!p0 [hbm4b:s7+s0], $0x8, s10, s0, $0xb8;
	[tilespmem:$0x16260] =	vst v63  }
0x121: {  	s10 =	simm.s32 @!p0 $0x200;
	s11 =	simm.s32 @!p0 $0x2E00  }
0x122: {  	[tilespmem:s11], [sflag:$0x1] =	stream.indirect.gather @!p0 [hbm4b:s7+s0], $0x8, s10, s0, $0xb8;
	[tilespmem:$0x16260] =	vst v63  }
0x123: {  	s10 =	simm.s32 @!p0 $0x280;
	s11 =	simm.s32 @!p0 $0x3200  }
0x124: {  	[tilespmem:s11], [sflag:$0x1] =	stream.indirect.gather @!p0 [hbm4b:s7+s0], $0x8, s10, s0, $0xb8;
	[tilespmem:$0x16260] =	vst v63  }
0x125: {  	s10 =	simm.s32 @!p0 $0x300;
	s11 =	simm.s32 @!p0 $0x3600  }
0x126: {  	[tilespmem:s11], [sflag:$0x1] =	stream.indirect.gather @!p0 [hbm4b:s7+s0], $0x8, s10, s0, $0xb8;
	[tilespmem:$0x16260] =	vst v63  }
0x127: {  	s10 =	simm.s32 @!p0 $0x380;
	s11 =	simm.s32 @!p0 $0x3A00  }
0x128: {  	[tilespmem:s11], [sflag:$0x1] =	stream.indirect.gather @!p0 [hbm4b:s7+s0], $0x8, s10, s0, $0xb8;
	[tilespmem:$0x16260] =	vst v63  }
0x129: {  	s10 =	simm.s32 @!p0 $0x400;
	s11 =	simm.s32 @!p0 $0x3E00  }
0x12a: {  	[tilespmem:s11], [sflag:$0x1] =	stream.indirect.gather @!p0 [hbm4b:s7+s0], $0x8, s10, s0, $0xb8;
	[tilespmem:$0x16260] =	vst v63  }
0x12b: {  	s10 =	sadd.s32 @!p0 s20, s16  }
0x12c: {  	s21 =	simm.s32 @!p0 $0x4200;
	s11 =	simm.s32 @!p0 $0x480;
	s20 =	smul.u32 @!p0 $0xA0, s10  }
0x12d: {  	[tilespmem:s21], [sflag:$0x1] =	stream.indirect.gather @!p0 [hbm4b:s7+s0], $0x8, s11, s0, $0xb8;
	[tilespmem:$0x16260] =	vst v63  }
0x12e: {  	s10 =	simm.s32 @!p0 $0x500;
	s21 =	simm.s32 $0x0;
	s0 =	sadd.s32 @!p0 s5, s20  }
0x12f: {  	[tilespmem:s10], [sflag:$0x6] =	stream.linear.gather @!p0 [hbm4b:s0+s18], $0x500, $0x38;
	[tilespmem:$0x16260] =	vst v63  }
.LBB2_9:
0x130: {  	s18 =	sshll.u32 s21, $0xA  }
0x131: {  	s22 =	sshll.u32 s21, $0x7;
	s0 =	simm.s32 $0x6;
	s10 =	simm.s32 $0x4;
	v4 =	vor.u32 s18, v2  }
0x132: {  	s11 =	simm.s32 $0x2;
	s25 =	simm.s32 $0x0;
	v5 =	vor.u32 s22, v0;
	v6 =	vmov s0;
	v7 =	vmov s10  }
0x133: {  	v9 =	vmov s11;
	v10 =	vmov s25;
	v8 =	vor.u32 s0, v5  }
0x134: {  	v7 =	vshll.u32 v7, $0x3;
	v10 =	vshll.u32 v10, $0x3;
	v11 =	vor.u32 s10, v5  }
0x135: {  	v9 =	vshll.u32 v9, $0x3;
	v16 =	vor.u32 s11, v5;
	v7 =	vor.u32 v1, v7  }
0x136: {  	v13 =	vshll.u32 v6, $0x3;
	v10 =	vor.u32 v1, v10;
	v12 =	vadd.s32 v4, v7  }
0x137: {  	v7 =	vor.u32 v1, v9;
	v6 =	vadd.s32 v4, v10;
	v9 =	vor.u32 v1, v13  }
0x138: {  	s24 =	simm.s32 $0x8;
	v14 =	vadd.s32 v4, v9;
	v13 =	vld.idx.msk [tilespmem:v8+s31+$0x0], $0xffff  }
0x139: {  	s29 =	simm.s32 $0xC;
	v17 =	vmov s24;
	v9 =	vor.u32 s25, v5;
	v11 =	vld.idx.msk [tilespmem:v11+s31+$0x0], $0xffff  }
0x13a: {  	v17 =	vshll.u32 v17, $0x3;
	v7 =	vadd.s32 v4, v7;
	v8 =	vmov s29;
	v29 =	vld.idx.msk [tilespmem:v16+s31+$0x0], $0xffff  }
0x13b: {  	v27 =	vor.u32 s24, v5;
	v10 =	vor.u32 s29, v5;
	s25 =	simm.s32 $0xE;
	v8 =	vshll.u32 v8, $0x3;
	v15 =	vld.idx.msk [tilespmem:v12+s9+$0x0], $0xffff  }
0x13c: {  	v17 =	vor.u32 v1, v17;
	v20 =	vor.u32 s25, v5;
	s29 =	simm.s32 $0xA;
	v8 =	vor.u32 v1, v8;
	v18 =	vld.idx.msk [tilespmem:v6+s9+$0x0], $0xffff  }
0x13d: {  	v19 =	vmov s29;
	v28 =	vadd.s32 v4, v8;
	v8 =	vmov s25;
	v21 =	vld.idx.msk [tilespmem:v14+s9+$0x0], $0xffff  }
0x13e: {  	v19 =	vshll.u32 v19, $0x3;
	v26 =	vld.idx.msk [tilespmem:v9+s31+$0x0], $0xffff;
	v9 =	vadd.s32 v4, v17;
	v23 =	vshll.u32 v8, $0x3  }
0x13f: {  	v30 =	vor.u32 s29, v5;
	v22 =	vld.idx.msk [tilespmem:v7+s9+$0x0], $0xffff;
	s25 =	simm.s32 $0x14;
	v8 =	vor.u32 v1, v19;
	v17 =	vor.u32 v1, v23  }
0x140: {  	s10 =	simm.s32 $0x16;
	v19 =	vld.idx.msk [tilespmem:v10+s31+$0x0], $0xffff;
	v16 =	vmov s25;
	v33 =	vor.u32 s25, v5;
	v10 =	vadd.s32 v4, v17  }
0x141: {  	s24 =	simm.s32 $0x12;
	v8 =	vadd.s32 v4, v8;
	v23 =	vld.idx.msk [tilespmem:v20+s31+$0x0], $0xffff;
	v20 =	vor.u32 s10, v5;
	v15 =	vmul.f32 v11, v15  }
0x142: {  	s29 =	simm.s32 $0x10;
	v11 =	vmov s10;
	v17 =	vld.idx.msk [tilespmem:v28+s9+$0x0], $0xffff;
	v31 =	vmul.f32 v13, v21;
	v13 =	vmov s24  }
0x143: {  	v32 =	vshll.u32 v11, $0x3;
	v11 =	vld.idx.msk [tilespmem:v9+s9+$0x0], $0xffff;
	v21 =	vmov s29;
	[tilespmem:v12+s9+$0x0] =	vst.idx.msk $0xffff, v15;
	v15 =	vshll.u32 v16, $0x3  }
0x144: {  	v13 =	vshll.u32 v13, $0x3;
	v16 =	vshll.u32 v21, $0x3;
	v21 =	vld.idx.msk [tilespmem:v27+s31+$0x0], $0xffff;
	v15 =	vor.u32 v1, v15  }
0x145: {  	v27 =	vmul.f32 v26, v18;
	v16 =	vor.u32 v1, v16;
	v24 =	vld.idx.msk [tilespmem:v10+s9+$0x0], $0xffff;
	v25 =	vadd.s32 v4, v15  }
0x146: {  	v26 =	vmul.f32 v29, v22;
	v22 =	vld.idx.msk [tilespmem:v33+s31+$0x0], $0xffff;
	v13 =	vor.u32 v1, v13;
	v16 =	vadd.s32 v4, v16  }
0x147: {  	v12 =	vld.idx.msk [tilespmem:v8+s9+$0x0], $0xffff;
	v13 =	vadd.s32 v4, v13;
	v15 =	vor.u32 v1, v32;
	v34 =	vmul.f32 v19, v17  }
0x148: {  	[tilespmem:v14+s9+$0x0] =	vst.idx.msk $0xffff, v31;
	v15 =	vadd.s32 v4, v15;
	v17 =	vld.idx.msk [tilespmem:v30+s31+$0x0], $0xffff  }
0x149: {  	s0 =	simm.s32 $0x8;
	v14 =	vld.idx.msk [tilespmem:v20+s31+$0x0], $0xffff;
	v20 =	vor.u32 s24, v5;
	s24 =	simm.s32 $0x1E;
	v18 =	vmov v25;
	v19 =	vor.u32 s29, v5;
	[tilespmem:v28+s9+$0x0] =	vst.idx.msk $0xffff, v34  }
.LBB2_10:
0x14a: {  	s10 =	sadd.s32 $0xFFFFFFFC, s24;
	s11 =	sadd.s32 $0xFFFFFFFE, s24;
	v28 =	vmov s24;
	v29 =	vor.u32 s24, v5;
	s0 =	sadd.s32 $0x4, s0;
	v30 =	vld.idx.msk [tilespmem:v25+s9+$0x0], $0xffff;
	v23 =	vmul.f32 v23, v24;
	[tilespmem:v6+s9+$0x0] =	vst.idx.msk $0xffff, v27;
	v6 =	vmovc v9  }
0x14b: {  	s25 =	sadd.s32 $0xFFFFFFFA, s24;
	v9 =	vmovc v16;
	v24 =	vmov s10;
	v25 =	vmov s11;
	v27 =	vshll.u32 v28, $0x3;
	p1 =	slt.u32 s0, $0x3C;
	v28 =	vld.idx.msk [tilespmem:v16+s9+$0x0], $0xffff;
	[tilespmem:v7+s9+$0x0] =	vst.idx.msk $0xffff, v26;
	v26 =	vmovc v21  }
0x14c: {  	v16 =	vmov s25;
	v7 =	vmovc v8;
	v8 =	vmovc v13;
	v21 =	vshll.u32 v24, $0x3;
	v24 =	vshll.u32 v25, $0x3;
	v31 =	vld.idx.msk [tilespmem:v13+s9+$0x0], $0xffff;
	[tilespmem:v10+s9+$0x0] =	vst.idx.msk $0xffff, v23  }
0x14d: {  	v32 =	vor.u32 s11, v5;
	v33 =	vmovc v17;
	v13 =	vshll.u32 v16, $0x3;
	v10 =	vmovc v15;
	v16 =	vor.u32 v1, v24;
	v24 =	vld.idx.msk [tilespmem:v15+s9+$0x0], $0xffff  }
.Ltmp3:
0x14e: {  	v13 =	vor.u32 v1, v13;
	v15 =	vor.u32 v1, v21;
	v25 =	vadd.s32 v4, v16;
	v21 =	vld.idx.msk [tilespmem:v19+s31+$0x0], $0xffff;
	(pc) =	sbr.rel @p1 .LBB2_10-.Ltmp3, $4  }
0x14f: {  	v16 =	vadd.s32 v4, v13;
	v13 =	vadd.s32 v4, v15;
	v15 =	vor.u32 v1, v27;
	v17 =	vld.idx.msk [tilespmem:v20+s31+$0x0], $0xffff  }
0x150: {  	v19 =	vor.u32 s25, v5;
	v23 =	vmovc v14;
	v15 =	vadd.s32 v4, v15;
	v30 =	vmul.f32 v22, v30;
	v14 =	vld.idx.msk [tilespmem:v29+s31+$0x0], $0xffff  }
0x151: {  	v27 =	vmul.f32 v26, v11;
	v26 =	vmul.f32 v33, v12;
	v20 =	vor.u32 s10, v5;
	v11 =	vmovc v28  }
0x152: {  	s24 =	sadd.s32 $0x8, s24;
	v12 =	vmov v31;
	v22 =	vld.idx.msk [tilespmem:v32+s31+$0x0], $0xffff;
	[tilespmem:v18+s9+$0x0] =	vst.idx.msk $0xffff, v30;
	v18 =	vmov v25  }
0x153: {  	_ =	sdelay $0x3  }
0x154: {  	v4 =	vld.idx.msk [tilespmem:v25+s9+$0x0], $0xffff  }
0x155: {  	v5 =	vld.idx.msk [tilespmem:v16+s9+$0x0], $0xffff  }
0x156: {  	v59 =	vld.idx.msk [tilespmem:v13+s9+$0x0], $0xffff  }
0x157: {  	v28 =	vld.idx.msk [tilespmem:v15+s9+$0x0], $0xffff  }
0x158: {  	[tilespmem:v6+s9+$0x0] =	vst.idx.msk $0xffff, v27;
	v60 =	vmul.f32 v23, v24;
	v19 =	vld.idx.msk [tilespmem:v19+s31+$0x0], $0xffff  }
0x159: {  	[tilespmem:v7+s9+$0x0] =	vst.idx.msk $0xffff, v26;
	v61 =	vld.idx.msk [tilespmem:v20+s31+$0x0], $0xffff;
	v62 =	vmul.f32 v21, v11  }
0x15a: {  	[tilespmem:v10+s9+$0x0] =	vst.idx.msk $0xffff, v60;
	v4 =	vmul.f32 v22, v4  }
0x15b: {  	s21 =	sadd.s32 $0x1, s21;
	v63 =	vmul.f32 v17, v12;
	[tilespmem:v9+s9+$0x0] =	vst.idx.msk $0xffff, v62  }
0x15c: {  	p1 =	sne.s32 s21, $0xA;
	[tilespmem:v18+s9+$0x0] =	vst.idx.msk $0xffff, v4;
	v4 =	vmul.f32 v14, v28  }
.Ltmp4:
0x15d: {  	[tilespmem:v8+s9+$0x0] =	vst.idx.msk $0xffff, v63;
	v5 =	vmul.f32 v19, v5;
	(pc) =	sbr.rel @p1 .LBB2_9-.Ltmp4, $4  }
0x15e: {  	[tilespmem:v15+s9+$0x0] =	vst.idx.msk $0xffff, v4;
	v4 =	vmul.f32 v61, v59  }
0x15f: {  	s0 =	sand.u32 $0x3FFFFC00, s18;
	[tilespmem:v16+s9+$0x0] =	vst.idx.msk $0xffff, v5  }
0x160: {  	s10 =	sadd.s32 $0xF00, s22;
	s0 =	sadd.s32 $0x4600, s0;
	[tilespmem:v13+s9+$0x0] =	vst.idx.msk $0xffff, v4  }
0x161: {  	[spmem:s2] =	stream.indirect.scatter.add.f32 [tilespmem:s0], [sflag:$0x4], $0x8, s10, s4, $0xb8;
	[tilespmem:$0x16260] =	vst v63  }
0x162: {  	_ =	swait.ge [sflag:s17], $0x400  }
0x163: {  	[sflag:s17] =	ssyncset.done $0x0  }
0x164: {  	[sflag:s17] =	ssyncadd.s32 $0xFFFFFC00  }
0x165: {  	_ =	swait.ge [sflag:s17], $0x400  }
0x166: {  	[sflag:s17] =	ssyncset.done $0x0  }
0x167: {  	[sflag:s17] =	ssyncadd.s32 $0xFFFFFC00  }
0x168: {  	_ =	swait.ge [sflag:s17], $0x400  }
0x169: {  	[sflag:s17] =	ssyncset.done $0x0  }
0x16a: {  	[sflag:s17] =	ssyncadd.s32 $0xFFFFFC00  }
0x16b: {  	_ =	swait.ge [sflag:s17], $0x400  }
0x16c: {  	[sflag:s17] =	ssyncset.done $0x0  }
0x16d: {  	[sflag:s17] =	ssyncadd.s32 $0xFFFFFC00  }
0x16e: {  	_ =	swait.ge [sflag:s17], $0x400  }
0x16f: {  	[sflag:s17] =	ssyncset.done $0x0  }
0x170: {  	[sflag:s17] =	ssyncadd.s32 $0xFFFFFC00  }
0x171: {  	_ =	swait.ge [sflag:s17], $0x400  }
0x172: {  	[sflag:s17] =	ssyncset.done $0x0  }
0x173: {  	[sflag:s17] =	ssyncadd.s32 $0xFFFFFC00  }
0x174: {  	_ =	swait.ge [sflag:s17], $0x400  }
0x175: {  	[sflag:s17] =	ssyncset.done $0x0  }
0x176: {  	[sflag:s17] =	ssyncadd.s32 $0xFFFFFC00  }
0x177: {  	_ =	swait.ge [sflag:s17], $0x400  }
0x178: {  	[sflag:s17] =	ssyncset.done $0x0  }
0x179: {  	[sflag:s17] =	ssyncadd.s32 $0xFFFFFC00  }
0x17a: {  	_ =	swait.ge [sflag:s17], $0x400  }
0x17b: {  	[sflag:s17] =	ssyncset.done $0x0  }
0x17c: {  	[sflag:s17] =	ssyncadd.s32 $0xFFFFFC00  }
0x17d: {  	_ =	swait.ge [sflag:s17], $0x400  }
0x17e: {  	s0 =	sadd.s32 @!p0 s6, s20;
	[sflag:s17] =	ssyncset.done $0x0  }
0x17f: {  	s10 =	simm.s32 @!p0 $0x0;
	s11 =	simm.s32 @!p0 $0xF00;
	[sflag:s17] =	ssyncadd.s32 $0xFFFFFC00  }
0x180: {  	[tilespmem:s11], [sflag:$0x6] =	stream.linear.gather @!p0 [hbm4b:s0+s10], $0x500, $0x38;
	[tilespmem:$0x16260] =	vst v63  }
0x181: {  	s0 =	sadd.s32 @!p0 s1, s20;
	s11 =	simm.s32 @!p0 $0x1900  }
0x182: {  	[tilespmem:s11], [sflag:$0x6] =	stream.linear.gather @!p0 [hbm4b:s0+s10], $0x500, $0x38;
	[tilespmem:$0x16260] =	vst v63  }
0x183: {  	p0 =	sne.s32 s19, s8  }
.Ltmp5:
0x184: {  	_ = 	snop;
	(pc) =	sbr.rel @p0 .LBB2_4-.Ltmp5, $1  }
0x185: {  	_ =	sdelay $0x3  }
0x186: {  	s0 =	stileid.u32;
	[bflag:$0x0] =	sbarrier.arrive $0xFFFF  }
0x187: {  	s0 =	sshll.u32 s0, $0x6;
	s10 =	rddreg [dreg:$0xa]  }
0x188: {  	s11 =	rddreg [dreg:$0x10];
	s0 =	sor.u32 $0x1C07, s0  }
0x189: {  	[hbm:s10], [sflag:s0] =	dma.local [spmem:s11], $0x1870  }
0x18a: {  	s10 =	simm.s32 $0x7  }
0x18b: {  	_ =	swait.ge [sflag:s10], $0x1870  }
0x18c: {  	s25 =	rddreg [dreg:$0x11]  }
0x18d: {  	s29 =	rddreg [dreg:$0xc];
	s11 =	sadd.s32 $0x1, s25  }
0x18e: {  	p0 =	sne.s32 s11, s29  }
.Ltmp6:
0x18f: {  	_ = 	snop;
	(pc) =	sbr.rel @p0 .LBB2_1-.Ltmp6, $3  }
0x190: {  	_ =	sdelay $0x1  }
0x191: {  	[sflag:s10] =	ssyncset.done $0x0  }
0x192: {  	[sflag:s10] =	ssyncadd.s32 $0xFFFFE790  }
0x193: {  	_ =	sfence.sel $0x180000  }
0x194: {  	[bflag:$0x0] =	sbarrier.arrive $0xFFFF  }
0x195: {  	_ =	strace $0x9000004A  }
0x196: {  	s0 =	stileid.u32;
	[bflag:$0x2] =	sbarrier.arrive $0xFFFF  }
0x197: {  	p0 =	sne.s32 s0, $0x0;
	s0 =	rddreg [dreg:$0x3]  }
0x198: {  	s0 =	sadd.s32 @!p0 $0x100000, s0  }
0x199: {  	[sflag:s0] =	ssyncadd.tile.s32 @!p0 $0x1;
	_ =	shalt  }
.Lfunc_end2:
_tile_overlayer_lowered:
.L_overlay_start_2:
0x19a: {  	(tag) =	ssettag $0x2  }
0x19b: {  	s0 =	rddreg [dreg:$0x0];
	s2 =	stileid.u32  }
0x19c: {  	s1 =	rddreg [dreg:$0x1];
	p0 =	sne.s32 s2, $0x0  }
0x19d: {  	s3 =	rddreg [dreg:$0x2];
	[bflag:$0x3] =	sbarrier.arrive $0xFFFF;
	s2 =	simm.s32 @!p0 $0x1C07  }
0x19e: {  	[timem:s3], [sflag:s2] =	dma.local @!p0 [hbm:s0], s1  }
0x19f: {  	s0 =	simm.s32 @!p0 $0x7  }
0x1a0: {  	_ =	swait.ge @!p0 [sflag:s0], s1  }
0x1a1: {  	s1 =	ssub.s32 @!p0 $0x0, s1;
	[sflag:s0] =	ssyncset.done @!p0 $0x0  }
0x1a2: {  	[sflag:s0] =	ssyncadd.s32 @!p0 s1  }
0x1a3: {  	[bflag:$0x3] =	sbarrier.arrive $0xFFFF  }
0x1a4: {  	_ =	shalt  }

// kernel: kernel.15.cloned.1.call-start
scs
__scs_entry_jumppad:
0x0: {  	(pc) =	sbr.rel $0x88, $3  }
0x1: {  	(tag) =	ssettag $0x0;
	lr =	simm.s32 $0x1  }
0x2: {  	[smem:$0x3F98] =	sst lr;
	_ =	strace $0xD0000000  }
0x3: {  	_ = 	snop  }
0x4: {  	_ = 	snop  }
0x5: {  	_ = 	snop  }
0x6: {  	_ = 	snop  }
0x7: {  	_ = 	snop  }
__scs_overlays_trampoline_lowered:
0x8: {  	[smem:$0x3FA7] =	sst s0  }
0x9: {  	[smem:$0x3FA8] =	sst s1  }
0xa: {  	[smem:$0x3FA9] =	sst s2  }
0xb: {  	[smem:$0x3FAA] =	sst s3  }
0xc: {  	[smem:$0x3FAB] =	sst s4  }
0xd: {  	[smem:$0x3FAC] =	sst s5  }
0xe: {  	[smem:$0x3FAD] =	sst s6  }
0xf: {  	[smem:$0x3FAE] =	sst s7  }
0x10: {  	[smem:$0x3FAF] =	sst s8  }
0x11: {  	[smem:$0x3FB0] =	sst s9;
	s0 =	simm.s32 @!p0 $0x0  }
0x12: {  	s1 =	sld [smem:$0x3F96];
	s0 =	simm.s32 @p0 $0x1  }
0x13: {  	[smem:$0x3FB1] =	sst s0;
	s0 =	simm.s32 @!p1 $0x0  }
0x14: {  	s2 =	sld [smem:$0x3F95];
	s0 =	simm.s32 @p1 $0x1  }
0x15: {  	[smem:$0x3FB2] =	sst s0;
	s0 =	simm.s32 @!p2 $0x0  }
0x16: {  	s3 =	sld [smem:$0x3FDB];
	s0 =	simm.s32 @p2 $0x1  }
0x17: {  	s4 =	simm.s32 $0x1BF5;
	[smem:$0x3FB4] =	sst s0  }
0x18: {  	s0 =	sld [smem:$0x3F97];
	_ =	swait.ge [sflag:s4], $0x0  }
0x19: {  	s7 =	sld [smem:$0x3F98]  }
0x1a: {  	s8 =	sadd.s32 $0xFFFFE003, lr  }
0x1b: {  	s9 =	sadd.s32 $0xFFFFFEF7, lr;
	s5 =	simm.s32 $0xFFFFFFFF;
	p2 =	slt.u32 s8, $0xFFFFF086  }
0x1c: {  	p1 =	slt.u32 s9, $0xF7A;
	s5 =	simm.s32 @!p2 $0x0  }
0x1d: {  	s5 =	simm.s32 @p1 $0x1;
	p0 =	seq.s32 s7, s2  }
0x1e: {  	s7 =	smul.u32 @!p0 $0xF7A, s2;
	p2 =	seq.s32 @!p0 s5, $0x0  }
0x1f: {  	s9 =	smul.u32 $0xF7A, s1;
	s8 =	simm.s32 @!p0 $0x1BF5;
	p2 =	por !p2, p0  }
0x20: {  	[sflag:s8] =	ssyncset.s32 @!p0 $0xFFFFF086;
	s6 =	sadd.s32 @!p0 s3, s7;
	s7 =	simm.s32 @!p0 $0x108  }
0x21: {  	s3 =	sadd.s32 s3, s9;
	s6 =	sadd.s32 @!p0 $0x88, s6;
	s7 =	simm.s32 @p2 $0x1082  }
0x22: {  	[simem:s7], [sflag:s8] =	dma.local @!p0 [hbm:s6], $0xF7A  }
0x23: {  	s9 =	sor.u32 $0xD0000000, s2;
	s6 =	simm.s32 $0x108;
	_ =	swait.ge @!p0 [sflag:s8], $0x0  }
0x24: {  	s3 =	sadd.s32 $0x88, s3;
	s6 =	simm.s32 @!p1 $0x1082;
	[sflag:s4] =	ssyncset.s32 $0xFFFFF086  }
0x25: {  	[simem:s6], [sflag:s4] =	dma.local [hbm:s3], $0xF7A  }
0x26: {  	[smem:$0x3F98] =	sst s1;
	(tag) =	ssettag s2;
	_ =	strace s9  }
0x27: {  	s1 =	sld [smem:$0x3FA8]  }
0x28: {  	s2 =	sld [smem:$0x3FA9]  }
0x29: {  	s4 =	sld [smem:$0x3FAB]  }
0x2a: {  	p0 =	seq.s32 s5, $0x0;
	s5 =	sld [smem:$0x3FAC]  }
0x2b: {  	s6 =	sld [smem:$0x3FAD]  }
0x2c: {  	s7 =	sld [smem:$0x3FAE]  }
0x2d: {  	s3 =	simm.s32 $0x108;
	s8 =	sld [smem:$0x3FAF]  }
0x2e: {  	s3 =	simm.s32 @!p0 $0x1082;
	s9 =	sld [smem:$0x3FB0]  }
0x2f: {  	lr =	sadd.s32 s0, s3;
	s0 =	sld [smem:$0x3FA7]  }
0x30: {  	s3 =	sld [smem:$0x3FAA]  }
0x31: {  	[smem:$0x3FB3] =	sst s10  }
0x32: {  	s10 =	sld [smem:$0x3FB1];
	_ =	sdelay $0x3  }
0x33: {  	p0 =	seq.s32 s10, $0x1;
	s10 =	sld [smem:$0x3FB3];
	_ =	sdelay $0x3  }
0x34: {  	[smem:$0x3FB3] =	sst s10  }
0x35: {  	s10 =	sld [smem:$0x3FB2];
	_ =	sdelay $0x3  }
0x36: {  	p1 =	seq.s32 s10, $0x1;
	s10 =	sld [smem:$0x3FB3];
	_ =	sdelay $0x3  }
0x37: {  	[smem:$0x3FB3] =	sst s10  }
0x38: {  	s10 =	sld [smem:$0x3FB4]  }
0x39: {  	_ = 	snop;
	(pc) =	sbr.ind lr, $3  }
0x3a: {  	_ = 	snop  }
0x3b: {  	_ = 	snop  }
0x3c: {  	p2 =	seq.s32 s10, $0x1;
	s10 =	sld [smem:$0x3FB3]  }
0x3d: {  	_ =	shalt  }
0x3e: {  	_ =	shalt  }
0x3f: {  	_ =	shalt  }
0x40: {  	_ =	shalt  }
0x41: {  	_ =	shalt  }
0x42: {  	_ =	shalt  }
0x43: {  	_ =	shalt  }
0x44: {  	_ =	shalt  }
0x45: {  	_ =	shalt  }
0x46: {  	_ =	shalt  }
0x47: {  	_ =	shalt  }
0x48: {  	_ =	shalt  }
0x49: {  	_ =	shalt  }
0x4a: {  	_ =	shalt  }
0x4b: {  	_ =	shalt  }
0x4c: {  	_ =	shalt  }
0x4d: {  	_ =	shalt  }
0x4e: {  	_ =	shalt  }
0x4f: {  	_ =	shalt  }
0x50: {  	_ =	shalt  }
0x51: {  	_ =	shalt  }
0x52: {  	_ =	shalt  }
0x53: {  	_ =	shalt  }
0x54: {  	_ =	shalt  }
0x55: {  	_ =	shalt  }
0x56: {  	_ =	shalt  }
0x57: {  	_ =	shalt  }
0x58: {  	_ =	shalt  }
0x59: {  	_ =	shalt  }
0x5a: {  	_ =	shalt  }
0x5b: {  	_ =	shalt  }
0x5c: {  	_ =	shalt  }
0x5d: {  	_ =	shalt  }
0x5e: {  	_ =	shalt  }
0x5f: {  	_ =	shalt  }
0x60: {  	_ =	shalt  }
0x61: {  	_ =	shalt  }
0x62: {  	_ =	shalt  }
0x63: {  	_ =	shalt  }
0x64: {  	_ =	shalt  }
0x65: {  	_ =	shalt  }
0x66: {  	_ =	shalt  }
0x67: {  	_ =	shalt  }
0x68: {  	_ =	shalt  }
0x69: {  	_ =	shalt  }
0x6a: {  	_ =	shalt  }
0x6b: {  	_ =	shalt  }
0x6c: {  	_ =	shalt  }
0x6d: {  	_ =	shalt  }
0x6e: {  	_ =	shalt  }
0x6f: {  	_ =	shalt  }
0x70: {  	_ =	shalt  }
0x71: {  	_ =	shalt  }
0x72: {  	_ =	shalt  }
0x73: {  	_ =	shalt  }
0x74: {  	_ =	shalt  }
0x75: {  	_ =	shalt  }
0x76: {  	_ =	shalt  }
0x77: {  	_ =	shalt  }
0x78: {  	_ =	shalt  }
0x79: {  	_ =	shalt  }
0x7a: {  	_ =	shalt  }
0x7b: {  	_ =	shalt  }
0x7c: {  	_ =	shalt  }
0x7d: {  	_ =	shalt  }
0x7e: {  	_ =	shalt  }
0x7f: {  	_ =	shalt  }
0x80: {  	_ =	shalt  }
0x81: {  	_ =	shalt  }
0x82: {  	_ =	shalt  }
0x83: {  	_ =	shalt  }
0x84: {  	_ =	shalt  }
0x85: {  	_ =	shalt  }
0x86: {  	_ =	shalt  }
0x87: {  	_ =	shalt  }
.Lfunc_end0:
.L_simem_size_0:
called_computation.2_lowered:
.L_overlay_start_0:
0x88: {  	s2 =	sld [smem:$0x3FD9]  }
0x89: {  	s3 =	sld [smem:$0x3FFE];
	_ =	sdelay $0x1  }
0x8a: {  	s1 =	srdreg.scid  }
0x8b: {  	s0 =	sand.u32 $0x1, s1  }
0x8c: {  	s17 =	sshll.u32 s0, $0xA;
	s2 =	sadd.s32 s3, s2  }
0x8d: {  	s2 =	sadd.s32 s2, s17  }
0x8e: {  	[smem:$0x3FBF] =	sst s2  }
0x8f: {  	_ = 	snop  }
0x90: {  	s2 =	sld [smem:$0x3FC7];
	(tm) =	ssettm $0x1  }
0x91: {  	s18 =	sld [smem:$0x3FFB];
	_ =	sdelay $0x3  }
0x92: {  	_ =	strace s18  }
0x93: {  	s3 =	sld [smem:$0x3FFC];
	_ =	sdelay $0x3  }
0x94: {  	_ =	strace s3  }
0x95: {  	s3 =	sld [smem:$0x3FFD];
	_ =	sdelay $0x3  }
0x96: {  	_ =	strace s3  }
0x97: {  	_ =	strace $0x8FFFFFFF  }
0x98: {  	s19 =	sld [smem:$0x3FDB];
	_ =	sdelay $0x1  }
0x99: {  	s4 =	simm.s32 $_scs_section_size  }
0x9a: {  	s5 =	simm.s32 $_size__tile_overlayer_lowered;
	s6 =	simm.s32 $_tile_overlayer_lowered  }
0x9b: {  	s22 =	simm.s32 $0x1BFF;
	s21 =	sshll.u32 s6, $0x1;
	s3 =	sadd.s32 s4, s19  }
0x9c: {  	s7 =	simm.s32 $0x0;
	s20 =	sshll.u32 s5, $0x1;
	s5 =	sadd.s32 s21, s3  }
0x9d: {  	[timem:s7], [sflag:s22] =	dma.local [hbm:s5], s20  }
0x9e: {  	_ =	swait.ge [sflag:s22], s20  }
0x9f: {  	s4 =	ssub.s32 $0x0, s20;
	[sflag:s22] =	ssyncset.done $0x0  }
0xa0: {  	[sflag:s22] =	ssyncadd.s32 s4;
	_ =	sdelay $0x1  }
0xa1: {  	s23 =	simm.s32 $0x1B8B  }
0xa2: {  	_ =	swait.ge [sflag:s23], $0x1  }
0xa3: {  	[sflag:s23] =	ssyncset.done $0x0  }
0xa4: {  	s25 =	simm.s32 $0x1B8E;
	s24 =	sld [smem:$0x3FFE];
	[sflag:s23] =	ssyncadd.s32 $0xFFFFFFFF  }
0xa5: {  	s26 =	simm.s32 $execute0_lowered;
	[smem:$0x3FD2] =	sst s25  }
0xa6: {  	s5 =	sshll.u32 s26, $0x1;
	_ =	strace $0x8000004C;
	[dreg:$0x1] =	wrdreg $0xFFFFFFFF  }
0xa7: {  	s28 =	simm.s32 $_size_execute0_lowered;
	s3 =	sadd.s32 s3, s5;
	[dreg:$0x0] =	wrdreg $0x0  }
0xa8: {  	s5 =	sshll.u32 s28, $0x1;
	[dreg:$0x2] =	wrdreg s3  }
0xa9: {  	[dreg:$0x3] =	wrdreg s5  }
0xaa: {  	[dreg:$0x4] =	wrdreg $0xC0  }
0xab: {  	_ =	task [dreg:s7], $0x5FFFF  }
0xac: {  	[dreg:$0x1] =	wrdreg $0xFFFFFFFF  }
0xad: {  	[dreg:$0x0] =	wrdreg $0x60  }
0xae: {  	[dreg:$0x2] =	wrdreg s24  }
0xaf: {  	[dreg:$0x3] =	wrdreg s2  }
0xb0: {  	[dreg:$0x4] =	wrdreg $0x9EE00  }
0xb1: {  	[dreg:$0x5] =	wrdreg $0x9  }
0xb2: {  	_ =	task.clear_ibuf [dreg:s7], $0x6FFFF;
	_ =	strace $0x9000004C  }
0xb3: {  	s29 =	simm.s32 $0x9;
	_ =	strace $0x8000004E  }
0xb4: {  	_ =	swait.ge [sflag:s29], $0x1  }
0xb5: {  	[sflag:s29] =	ssyncadd.s32 $0xFFFFFFFF  }
0xb6: {  	_ =	strace $0x9000004E  }
0xb7: {  	_ =	sfence  }
0xb8: {  	s30 =	sld [smem:$0x0];
	_ =	sdelay $0x2  }
0xb9: {  	s31 =	sshll.u32 s1, $0xD;
	s1 =	sshrl.u32 s1, $0x2  }
0xba: {  	s3 =	sand.u32 $0x4000, s31;
	s1 =	sadd.s32 s1, s30  }
0xbb: {  	s0 =	sor.u32 s3, s0;
	s1 =	sshll.u32 s1, $0x11  }
0xbc: {  	s0 =	sor.u32 s1, s0  }
0xbd: {  	s0 =	sadd.s32 $0x8F2B, s0  }
0xbe: {  	[sflag:s0] =	ssyncadd.remote.s32 $0x1  }
0xbf: {  	_ =	sfence.sel $0xFFFF  }
0xc0: {  	[dreg:$0x0] =	wrdreg $0xFFFFFFFF;
	(pc) =	sbr.abs _section_cstart, $3  }
0xc1: {  	[dreg:$0x1] =	wrdreg $0xFFFFFFFF  }
0xc2: {  	_ =	task.clear_ibuf [dreg:s7], $0x2FFFF;
	_ =	strace $0x9FFFFFFF  }
0xc3: {  	(tm) =	ssettm $0x7FFFFFFF  }
tec
execute0_lowered:
.L_overlay_start_1:
0x0: {  	(tag) =	ssettag $0x1  }
0x1: {  	s0 =	rddreg [dreg:$0x0]  }
0x2: {  	s1 =	rddreg [dreg:$0x1]  }
0x3: {  	s2 =	rddreg [dreg:$0x2]  }
0x4: {  	s3 =	srdreg.scid;
	s5 =	simm.s32 $0x0;
	s4 =	stileid.u32  }
0x5: {  	s23 =	simm.s32 $0x6E00;
	s28 =	simm.s32 $0x1400;
	s9 =	smul.u32 $0xC380, s4  }
0x6: {  	s31 =	simm.s32 $0x1900;
	s30 =	simm.s32 $0x1E00;
	s10 =	smul.u32 $0x138, s4  }
0x7: {  	s3 =	sand.u32 $0x1, s3;
	[smem:$0x7FF] =	sst s5;
	s11 =	smul.u32 $0x13A, s4  }
0x8: {  	s5 =	sadd.s32 $0xC6400, s0;
	s6 =	sadd.s32 $0x2E00, s0;
	s17 =	smul.u32 $0x30E00, s4  }
0x9: {  	s7 =	sadd.s32 $0x496E00, s0;
	p0 =	slt.u32 s4, $0x4;
	s8 =	smul.u32 $0xC3800, s3  }
0xa: {  	_ =	strace $0x8000004D;
	s13 =	ssub.s32 $0x2, s3;
	s3 =	smul.u32 $0x186A0, s3  }
0xb: {  	s10 =	sadd.s32 $0x8, s10;
	s26 =	sshrl.u32 s13, $0x1;
	s21 =	sshrl.u32 s17, $0x2  }
0xc: {  	s22 =	sadd.s32 s9, s2;
	s8 =	sadd.s32 s9, s8;
	s10 =	smov.u32 @p0 s11  }
0xd: {  	s11 =	ssub.s32 s13, s26;
	s24 =	sadd.s32 s21, s2;
	s9 =	simm.s32 $0x0  }
0xe: {  	s12 =	sshrl.u32 s8, $0x3;
	s8 =	simm.s32 $0x9D;
	s14 =	smul.u32 $0xA0, s10  }
0xf: {  	s25 =	smax.u32 s11, $0x1;
	s26 =	sadd.s32 $0x30E0, s24;
	[dreg:$0xb] =	wrdreg s24  }
0x10: {  	s4 =	sadd.s32 $0x92A0, s24;
	s11 =	simm.s32 $0x6;
	[dreg:$0xc] =	wrdreg s25  }
0x11: {  	s0 =	sadd.s32 s12, s0;
	s8 =	simm.s32 @!p0 $0x9C;
	[dreg:$0xd] =	wrdreg s26  }
0x12: {  	[dreg:$0xf] =	wrdreg s4;
	s4 =	simm.s32 $0x7;
	s29 =	sadd.s32 s5, s14  }
0x13: {  	s26 =	simm.s32 $0x80;
	s13 =	sadd.s32 s6, s14;
	[dreg:$0x4] =	wrdreg s29  }
0x14: {  	s12 =	simm.s32 $0x4600;
	s15 =	sadd.s32 s1, s14;
	[dreg:$0x5] =	wrdreg s13  }
0x15: {  	s16 =	sadd.s32 $0xA0, s14;
	s0 =	sadd.s32 $0x4C7C00, s0;
	[dreg:$0x6] =	wrdreg s15  }
0x16: {  	s18 =	sadd.s32 s5, s16;
	s19 =	sadd.s32 s6, s16;
	[dreg:$0xa] =	wrdreg s0  }
0x17: {  	s20 =	sadd.s32 s1, s16;
	s15 =	sadd.s32 $0x2, s10;
	[dreg:$0x7] =	wrdreg s18  }
0x18: {  	s16 =	sadd.s32 $0x3, s10;
	s29 =	sadd.s32 $0x61C0, s24;
	[dreg:$0x8] =	wrdreg s19  }
0x19: {  	v3 =	vlaneseq.u32;
	s0 =	sshrl.u32 s22, $0x3;
	s10 =	simm.s32 $0x1;
	[dreg:$0x9] =	wrdreg s20  }
0x1a: {  	v4 =	vimm.f32 $0.0e+00;
	v1 =	vshrl.u32 v3, $0x3;
	s22 =	simm.s32 $0x3;
	s24 =	simm.s32 $0x2;
	[dreg:$0xe] =	wrdreg s29  }
0x1b: {  	v3 =	vand.u32 $0x7, v3;
	v2 =	vmul.u32 $0x8, v1;
	v0 =	vmov s3;
	[dreg:$0x10] =	wrdreg s0;
	s0 =	simm.s32 $0x5;
	s18 =	simm.s32 $0x4  }
.LBB2_1:
0x1c: {  	s3 =	simm.s32 $0x0  }
0x1d: {  	v5 =	vmov s3  }
0x1e: {  	v5 =	vshll.u32 v5, $0x3  }
0x1f: {  	v5 =	vor.u32 v2, v5  }
0x20: {  	s3 =	simm.s32 $0x2;
	v5 =	vor.u32 v3, v5  }
.LBB2_2:
0x21: {  	p0 =	seq.s32 s3, $0x61A  }
.Ltmp0:
0x22: {  	_ = 	snop;
	(pc) =	sbr.rel @!p0 .LBB2_2-.Ltmp0, $4  }
0x23: {  	v6 =	vmov s3  }
0x24: {  	v6 =	vshll.u32 v6, $0x3  }
0x25: {  	v6 =	vor.u32 v2, v6  }
0x26: {  	s3 =	sadd.s32 $0x2, s3;
	[tilespmem:v5+s23+$0x0] =	vst.idx.msk $0xffff, v4;
	v5 =	vor.u32 v3, v6  }
0x27: {  	_ =	sdelay $0x2  }
0x28: {  	[dreg:$0x11] =	wrdreg s9  }
0x29: {  	[tilespmem:v5+s23+$0x0] =	vst.idx.msk $0xffff, v4;
	s3 =	rddreg [dreg:$0xb]  }
0x2a: {  	[spmem:s3] =	stream.linear.scatter [tilespmem:s23], [sflag:$0x7], $0x30E0, $0x38;
	[tilespmem:$0x16260] =	vst v63  }
0x2b: {  	_ =	swait.ge [sflag:s4], $0x30E0  }
0x2c: {  	[sflag:s4] =	ssyncset.done $0x0  }
0x2d: {  	s21 =	rddreg [dreg:$0xd];
	[sflag:s4] =	ssyncadd.s32 $0xFFFFCF20  }
0x2e: {  	[spmem:s21] =	stream.linear.scatter [tilespmem:s23], [sflag:$0x7], $0x30E0, $0x38;
	[tilespmem:$0x16260] =	vst v63  }
0x2f: {  	_ =	swait.ge [sflag:s4], $0x30E0  }
0x30: {  	[sflag:s4] =	ssyncset.done $0x0  }
0x31: {  	s25 =	rddreg [dreg:$0xe];
	[sflag:s4] =	ssyncadd.s32 $0xFFFFCF20  }
0x32: {  	[spmem:s25] =	stream.linear.scatter [tilespmem:s23], [sflag:$0x7], $0x30E0, $0x38;
	[tilespmem:$0x16260] =	vst v63  }
0x33: {  	_ =	swait.ge [sflag:s4], $0x30E0  }
0x34: {  	[sflag:s4] =	ssyncset.done $0x0  }
0x35: {  	s29 =	rddreg [dreg:$0xf];
	[sflag:s4] =	ssyncadd.s32 $0xFFFFCF20  }
0x36: {  	[spmem:s29] =	stream.linear.scatter [tilespmem:s23], [sflag:$0x7], $0x30E0, $0x38;
	[tilespmem:$0x16260] =	vst v63  }
0x37: {  	_ =	swait.ge [sflag:s4], $0x30E0  }
0x38: {  	[sflag:s4] =	ssyncset.done $0x0  }
0x39: {  	[sflag:s4] =	ssyncadd.s32 $0xFFFFCF20  }
0x3a: {  	[bflag:$0x0] =	sbarrier.arrive $0xFFFF  }
0x3b: {  	s3 =	simm.s32 $0x0;
	s9 =	rddreg [dreg:$0x4]  }
0x3c: {  	[tilespmem:s3], [sflag:$0x5] =	stream.linear.gather [hbm4b:s9+s3], $0x500, $0x38;
	[tilespmem:$0x16260] =	vst v63  }
0x3d: {  	s14 =	simm.s32 $0xA00;
	s13 =	rddreg [dreg:$0x5]  }
0x3e: {  	[tilespmem:s14], [sflag:$0x5] =	stream.linear.gather [hbm4b:s13+s3], $0x500, $0x38;
	[tilespmem:$0x16260] =	vst v63  }
0x3f: {  	s17 =	rddreg [dreg:$0x6]  }
0x40: {  	[tilespmem:s28], [sflag:$0x5] =	stream.linear.gather [hbm4b:s17+s3], $0x500, $0x38;
	[tilespmem:$0x16260] =	vst v63  }
0x41: {  	s20 =	simm.s32 $0x500;
	s19 =	rddreg [dreg:$0x7]  }
0x42: {  	[tilespmem:s20], [sflag:$0x6] =	stream.linear.gather [hbm4b:s19+s3], $0x500, $0x38;
	[tilespmem:$0x16260] =	vst v63  }
0x43: {  	s25 =	simm.s32 $0xF00;
	s21 =	rddreg [dreg:$0x8]  }
0x44: {  	[tilespmem:s25], [sflag:$0x6] =	stream.linear.gather [hbm4b:s21+s3], $0x500, $0x38;
	[tilespmem:$0x16260] =	vst v63  }
0x45: {  	s29 =	rddreg [dreg:$0x9]  }
0x46: {  	[tilespmem:s31], [sflag:$0x6] =	stream.linear.gather [hbm4b:s29+s3], $0x500, $0x38;
	[tilespmem:$0x16260] =	vst v63  }
0x47: {  	_ =	swait.ge [sflag:s0], $0x500  }
0x48: {  	[sflag:s0] =	ssyncset.done $0x0  }
0x49: {  	[sflag:s0] =	ssyncadd.s32 $0xFFFFFB00  }
0x4a: {  	_ =	swait.ge [sflag:s0], $0x500  }
0x4b: {  	[sflag:s0] =	ssyncset.done $0x0  }
0x4c: {  	[sflag:s0] =	ssyncadd.s32 $0xFFFFFB00  }
0x4d: {  	_ =	swait.ge [sflag:s0], $0x500  }
0x4e: {  	[sflag:s0] =	ssyncset.done $0x0  }
0x4f: {  	s9 =	simm.s32 $0x20;
	[sflag:s0] =	ssyncadd.s32 $0xFFFFFB00  }
0x50: {  	v5 =	vld [tilespmem:s9+$0xFFFFFFE0]  }
0x51: {  	v7 =	vld [tilespmem:s9+$0x0]  }
0x52: {  	v6 =	vld [tilespmem:s9+$0x10]  }
0x53: {  	v8 =	vld [tilespmem:s9+$0xFFFFFFF0];
	_ =	sdelay $0x1  }
0x54: {  	s3 =	simm.s32 $0x60;
	v9 =	vadd.s32 v0, v5  }
0x55: {  	v5 =	vld [tilespmem:s3+$0xFFFFFFE0];
	v10 =	vadd.s32 v0, v7;
	[tilespmem:s9+$0xFFFFFFE0] =	vst v9  }
0x56: {  	v7 =	vld [tilespmem:s3+$0x0];
	v9 =	vadd.s32 v0, v6;
	[tilespmem:s9+$0x0] =	vst v10  }
0x57: {  	s13 =	simm.s32 $0x4;
	v8 =	vadd.s32 v0, v8;
	v6 =	vld [tilespmem:s3+$0x10];
	[tilespmem:s9+$0x10] =	vst v9  }
.LBB2_4:
0x58: {  	s13 =	sadd.s32 $0x4, s13  }
0x59: {  	v9 =	vld [tilespmem:s3+$0xFFFFFFF0];
	[tilespmem:s9+$0xFFFFFFF0] =	vst v8;
	s9 =	smov.u32 s3;
	p0 =	slt.u32 s13, $0x4C  }
.Ltmp1:
0x5a: {  	(pc) =	sbr.rel @p0 .LBB2_4-.Ltmp1, $4  }
0x5b: {  	s3 =	sadd.s32 $0x40, s3;
	v8 =	vadd.s32 v0, v5  }
0x5c: {  	v5 =	vld [tilespmem:s3+$0xFFFFFFE0];
	[tilespmem:s9+$0xFFFFFFE0] =	vst v8;
	v8 =	vadd.s32 v0, v6  }
0x5d: {  	v6 =	vld [tilespmem:s3+$0x10];
	v10 =	vadd.s32 v0, v7;
	[tilespmem:s9+$0x10] =	vst v8  }
0x5e: {  	v7 =	vld [tilespmem:s3+$0x0];
	v8 =	vadd.s32 v0, v9;
	[tilespmem:s9+$0x0] =	vst v10  }
0x5f: {  	v9 =	vld [tilespmem:s3+$0xFFFFFFF0];
	_ =	sdelay $0x1  }
0x60: {  	[tilespmem:s9+$0xFFFFFFF0] =	vst v8;
	v5 =	vadd.s32 v0, v5  }
0x61: {  	[tilespmem:s3+$0xFFFFFFE0] =	vst v5;
	v5 =	vadd.s32 v0, v6  }
0x62: {  	v6 =	vadd.s32 v0, v7;
	[tilespmem:s3+$0x10] =	vst v5  }
0x63: {  	v5 =	vadd.s32 v0, v9;
	[tilespmem:s3+$0x0] =	vst v6  }
0x64: {  	s25 =	simm.s32 $0x0;
	[tilespmem:s3+$0xFFFFFFF0] =	vst v5  }
0x65: {  	[tilespmem:s30], [sflag:$0x1] =	stream.indirect.gather [hbm4b:s7+s26], $0x8, s25, s26, $0xb8;
	[tilespmem:$0x16260] =	vst v63  }
0x66: {  	s9 =	simm.s32 $0x2200  }
0x67: {  	[tilespmem:s9], [sflag:$0x1] =	stream.indirect.gather [hbm4b:s7+s26], $0x8, s26, s26, $0xb8;
	[tilespmem:$0x16260] =	vst v63  }
0x68: {  	s13 =	simm.s32 $0x100;
	s4 =	simm.s32 $0x2600  }
0x69: {  	[tilespmem:s4], [sflag:$0x1] =	stream.indirect.gather [hbm4b:s7+s26], $0x8, s13, s26, $0xb8;
	[tilespmem:$0x16260] =	vst v63  }
0x6a: {  	s14 =	simm.s32 $0x180;
	s17 =	simm.s32 $0x2A00  }
0x6b: {  	[tilespmem:s17], [sflag:$0x1] =	stream.indirect.gather [hbm4b:s7+s26], $0x8, s14, s26, $0xb8;
	[tilespmem:$0x16260] =	vst v63  }
0x6c: {  	s19 =	simm.s32 $0x200;
	s20 =	simm.s32 $0x2E00  }
0x6d: {  	[tilespmem:s20], [sflag:$0x1] =	stream.indirect.gather [hbm4b:s7+s26], $0x8, s19, s26, $0xb8;
	[tilespmem:$0x16260] =	vst v63  }
0x6e: {  	s21 =	simm.s32 $0x280;
	s29 =	simm.s32 $0x3200  }
0x6f: {  	[tilespmem:s29], [sflag:$0x1] =	stream.indirect.gather [hbm4b:s7+s26], $0x8, s21, s26, $0xb8;
	[tilespmem:$0x16260] =	vst v63  }
0x70: {  	s9 =	simm.s32 $0x300;
	s13 =	simm.s32 $0x3600  }
0x71: {  	[tilespmem:s13], [sflag:$0x1] =	stream.indirect.gather [hbm4b:s7+s26], $0x8, s9, s26, $0xb8;
	[tilespmem:$0x16260] =	vst v63  }
0x72: {  	s14 =	simm.s32 $0x380;
	s17 =	simm.s32 $0x3A00  }
0x73: {  	[tilespmem:s17], [sflag:$0x1] =	stream.indirect.gather [hbm4b:s7+s26], $0x8, s14, s26, $0xb8;
	[tilespmem:$0x16260] =	vst v63  }
0x74: {  	s19 =	simm.s32 $0x400;
	s20 =	simm.s32 $0x3E00  }
0x75: {  	[tilespmem:s20], [sflag:$0x1] =	stream.indirect.gather [hbm4b:s7+s26], $0x8, s19, s26, $0xb8;
	[tilespmem:$0x16260] =	vst v63  }
0x76: {  	s21 =	simm.s32 $0x480;
	s29 =	simm.s32 $0x4200  }
0x77: {  	[tilespmem:s29], [sflag:$0x1] =	stream.indirect.gather [hbm4b:s7+s26], $0x8, s21, s26, $0xb8;
	[tilespmem:$0x16260] =	vst v63  }
.LBB2_6:
0x78: {  	_ =	swait.ge [sflag:s10], $0x400  }
0x79: {  	[sflag:s10] =	ssyncset.done $0x0  }
0x7a: {  	[sflag:s10] =	ssyncadd.s32 $0xFFFFFC00  }
0x7b: {  	_ =	swait.ge [sflag:s10], $0x400  }
0x7c: {  	[sflag:s10] =	ssyncset.done $0x0  }
0x7d: {  	[sflag:s10] =	ssyncadd.s32 $0xFFFFFC00  }
0x7e: {  	_ =	swait.ge [sflag:s10], $0x400  }
0x7f: {  	[sflag:s10] =	ssyncset.done $0x0  }
0x80: {  	[sflag:s10] =	ssyncadd.s32 $0xFFFFFC00  }
0x81: {  	_ =	swait.ge [sflag:s10], $0x400  }
0x82: {  	[sflag:s10] =	ssyncset.done $0x0  }
0x83: {  	[sflag:s10] =	ssyncadd.s32 $0xFFFFFC00  }
0x84: {  	_ =	swait.ge [sflag:s10], $0x400  }
0x85: {  	[sflag:s10] =	ssyncset.done $0x0  }
0x86: {  	[sflag:s10] =	ssyncadd.s32 $0xFFFFFC00  }
0x87: {  	_ =	swait.ge [sflag:s10], $0x400  }
0x88: {  	[sflag:s10] =	ssyncset.done $0x0  }
0x89: {  	[sflag:s10] =	ssyncadd.s32 $0xFFFFFC00  }
0x8a: {  	_ =	swait.ge [sflag:s10], $0x400  }
0x8b: {  	[sflag:s10] =	ssyncset.done $0x0  }
0x8c: {  	[sflag:s10] =	ssyncadd.s32 $0xFFFFFC00  }
0x8d: {  	_ =	swait.ge [sflag:s10], $0x400  }
0x8e: {  	[sflag:s10] =	ssyncset.done $0x0  }
0x8f: {  	[sflag:s10] =	ssyncadd.s32 $0xFFFFFC00  }
0x90: {  	_ =	swait.ge [sflag:s10], $0x400  }
0x91: {  	[sflag:s10] =	ssyncset.done $0x0  }
0x92: {  	[sflag:s10] =	ssyncadd.s32 $0xFFFFFC00  }
0x93: {  	_ =	swait.ge [sflag:s10], $0x400  }
0x94: {  	[sflag:s10] =	ssyncset.done $0x0  }
0x95: {  	[sflag:s10] =	ssyncadd.s32 $0xFFFFFC00  }
0x96: {  	_ =	swait.ge [sflag:s11], $0x500  }
0x97: {  	[sflag:s11] =	ssyncset.done $0x0  }
0x98: {  	[sflag:s11] =	ssyncadd.s32 $0xFFFFFB00  }
0x99: {  	_ =	swait.ge [sflag:s11], $0x500  }
0x9a: {  	[sflag:s11] =	ssyncset.done $0x0  }
0x9b: {  	[sflag:s11] =	ssyncadd.s32 $0xFFFFFB00  }
0x9c: {  	_ =	swait.ge [sflag:s11], $0x500  }
0x9d: {  	[sflag:s11] =	ssyncset.done $0x0  }
0x9e: {  	s9 =	simm.s32 $0x520;
	[sflag:s11] =	ssyncadd.s32 $0xFFFFFB00  }
0x9f: {  	v5 =	vld [tilespmem:s9+$0xFFFFFFE0]  }
0xa0: {  	v7 =	vld [tilespmem:s9+$0x0]  }
0xa1: {  	v6 =	vld [tilespmem:s9+$0x10]  }
0xa2: {  	v8 =	vld [tilespmem:s9+$0xFFFFFFF0];
	_ =	sdelay $0x1  }
0xa3: {  	s3 =	simm.s32 $0x560;
	v9 =	vadd.s32 v0, v5  }
0xa4: {  	v5 =	vld [tilespmem:s3+$0xFFFFFFE0];
	v10 =	vadd.s32 v0, v7;
	[tilespmem:s9+$0xFFFFFFE0] =	vst v9  }
0xa5: {  	v7 =	vld [tilespmem:s3+$0x0];
	v9 =	vadd.s32 v0, v6;
	[tilespmem:s9+$0x0] =	vst v10  }
0xa6: {  	s13 =	simm.s32 $0x4;
	v8 =	vadd.s32 v0, v8;
	v6 =	vld [tilespmem:s3+$0x10];
	[tilespmem:s9+$0x10] =	vst v9  }
.LBB2_7:
0xa7: {  	s13 =	sadd.s32 $0x4, s13  }
0xa8: {  	v9 =	vld [tilespmem:s3+$0xFFFFFFF0];
	[tilespmem:s9+$0xFFFFFFF0] =	vst v8;
	s9 =	smov.u32 s3;
	p0 =	slt.u32 s13, $0x4C  }
.Ltmp2:
0xa9: {  	(pc) =	sbr.rel @p0 .LBB2_7-.Ltmp2, $4  }
0xaa: {  	s3 =	sadd.s32 $0x40, s3;
	v8 =	vadd.s32 v0, v5  }
0xab: {  	v5 =	vld [tilespmem:s3+$0xFFFFFFE0];
	[tilespmem:s9+$0xFFFFFFE0] =	vst v8;
	v8 =	vadd.s32 v0, v6  }
0xac: {  	v6 =	vld [tilespmem:s3+$0x10];
	v10 =	vadd.s32 v0, v7;
	[tilespmem:s9+$0x10] =	vst v8  }
0xad: {  	v7 =	vld [tilespmem:s3+$0x0];
	v8 =	vadd.s32 v0, v9;
	[tilespmem:s9+$0x0] =	vst v10  }
0xae: {  	v9 =	vld [tilespmem:s3+$0xFFFFFFF0];
	_ =	sdelay $0x1  }
0xaf: {  	[tilespmem:s9+$0xFFFFFFF0] =	vst v8;
	v5 =	vadd.s32 v0, v5  }
0xb0: {  	[tilespmem:s3+$0xFFFFFFE0] =	vst v5;
	v5 =	vadd.s32 v0, v6  }
0xb1: {  	v6 =	vadd.s32 v0, v7;
	[tilespmem:s3+$0x10] =	vst v5  }
0xb2: {  	v5 =	vadd.s32 v0, v9;
	[tilespmem:s3+$0x0] =	vst v6  }
0xb3: {  	s9 =	simm.s32 $0x500;
	[tilespmem:s3+$0xFFFFFFF0] =	vst v5  }
0xb4: {  	[tilespmem:s12], [sflag:$0x2] =	stream.indirect.gather [hbm4b:s7+s26], $0x8, s9, s26, $0xb8;
	[tilespmem:$0x16260] =	vst v63  }
0xb5: {  	s13 =	simm.s32 $0x580;
	s4 =	simm.s32 $0x4A00  }
0xb6: {  	[tilespmem:s4], [sflag:$0x2] =	stream.indirect.gather [hbm4b:s7+s26], $0x8, s13, s26, $0xb8;
	[tilespmem:$0x16260] =	vst v63  }
0xb7: {  	s14 =	simm.s32 $0x600;
	s17 =	simm.s32 $0x4E00  }
0xb8: {  	[tilespmem:s17], [sflag:$0x2] =	stream.indirect.gather [hbm4b:s7+s26], $0x8, s14, s26, $0xb8;
	[tilespmem:$0x16260] =	vst v63  }
0xb9: {  	s19 =	simm.s32 $0x680;
	s20 =	simm.s32 $0x5200  }
0xba: {  	[tilespmem:s20], [sflag:$0x2] =	stream.indirect.gather [hbm4b:s7+s26], $0x8, s19, s26, $0xb8;
	[tilespmem:$0x16260] =	vst v63  }
0xbb: {  	s21 =	simm.s32 $0x700;
	s29 =	simm.s32 $0x5600  }
0xbc: {  	[tilespmem:s29], [sflag:$0x2] =	stream.indirect.gather [hbm4b:s7+s26], $0x8, s21, s26, $0xb8;
	[tilespmem:$0x16260] =	vst v63  }
0xbd: {  	s3 =	sshll.u32 s25, $0x1;
	s9 =	simm.s32 $0x5A00;
	s4 =	simm.s32 $0x780  }
0xbe: {  	[tilespmem:s9], [sflag:$0x2] =	stream.indirect.gather [hbm4b:s7+s26], $0x8, s4, s26, $0xb8;
	[tilespmem:$0x16260] =	vst v63  }
0xbf: {  	s25 =	sadd.s32 $0x1, s25;
	s13 =	simm.s32 $0x800;
	s14 =	simm.s32 $0x5E00  }
0xc0: {  	[tilespmem:s14], [sflag:$0x2] =	stream.indirect.gather [hbm4b:s7+s26], $0x8, s13, s26, $0xb8;
	[tilespmem:$0x16260] =	vst v63  }
0xc1: {  	p0 =	sge.u32 s25, s8;
	s17 =	simm.s32 $0x880;
	s19 =	simm.s32 $0x6200  }
0xc2: {  	[tilespmem:s19], [sflag:$0x2] =	stream.indirect.gather [hbm4b:s7+s26], $0x8, s17, s26, $0xb8;
	[tilespmem:$0x16260] =	vst v63  }
0xc3: {  	s20 =	simm.s32 $0x900;
	s21 =	simm.s32 $0x6600;
	s9 =	sadd.s32 @!p0 s3, s15  }
0xc4: {  	[tilespmem:s21], [sflag:$0x2] =	stream.indirect.gather [hbm4b:s7+s26], $0x8, s20, s26, $0xb8;
	[tilespmem:$0x16260] =	vst v63  }
0xc5: {  	s29 =	simm.s32 $0x980;
	s9 =	smul.u32 @!p0 $0xA0, s9;
	s13 =	simm.s32 $0x6A00  }
0xc6: {  	[tilespmem:s13], [sflag:$0x2] =	stream.indirect.gather [hbm4b:s7+s26], $0x8, s29, s26, $0xb8;
	[tilespmem:$0x16260] =	vst v63  }
0xc7: {  	s14 =	simm.s32 @!p0 $0x0;
	s13 =	sadd.s32 @!p0 s5, s9  }
0xc8: {  	[tilespmem:s14], [sflag:$0x5] =	stream.linear.gather @!p0 [hbm4b:s13+s14], $0x500, $0x38;
	[tilespmem:$0x16260] =	vst v63  }
0xc9: {  	s13 =	simm.s32 $0x0  }
.LBB2_9:
0xca: {  	s17 =	sshll.u32 s13, $0xA  }
0xcb: {  	s14 =	sshll.u32 s13, $0x7;
	s19 =	simm.s32 $0x6;
	s20 =	simm.s32 $0x4;
	v5 =	vor.u32 s17, v3  }
0xcc: {  	s21 =	simm.s32 $0x2;
	s29 =	simm.s32 $0x0;
	v6 =	vor.u32 s14, v1;
	v7 =	vmov s19;
	v8 =	vmov s20  }
0xcd: {  	v10 =	vmov s21;
	v11 =	vmov s29;
	v9 =	vor.u32 s19, v6  }
0xce: {  	v8 =	vshll.u32 v8, $0x3;
	v11 =	vshll.u32 v11, $0x3;
	v12 =	vor.u32 s20, v6  }
0xcf: {  	v10 =	vshll.u32 v10, $0x3;
	v17 =	vor.u32 s21, v6;
	v8 =	vor.u32 v2, v8  }
0xd0: {  	v14 =	vshll.u32 v7, $0x3;
	v11 =	vor.u32 v2, v11;
	v13 =	vadd.s32 v5, v8  }
0xd1: {  	v8 =	vor.u32 v2, v10;
	v7 =	vadd.s32 v5, v11;
	v10 =	vor.u32 v2, v14  }
0xd2: {  	s19 =	simm.s32 $0x8;
	v15 =	vadd.s32 v5, v10;
	v14 =	vld.idx.msk [tilespmem:v9+s28+$0x0], $0xffff  }
0xd3: {  	s4 =	simm.s32 $0xC;
	v18 =	vmov s19;
	v10 =	vor.u32 s29, v6;
	v12 =	vld.idx.msk [tilespmem:v12+s28+$0x0], $0xffff  }
0xd4: {  	v28 =	vor.u32 s19, v6;
	v8 =	vadd.s32 v5, v8;
	v9 =	vmov s4;
	v30 =	vld.idx.msk [tilespmem:v17+s28+$0x0], $0xffff  }
0xd5: {  	v11 =	vor.u32 s4, v6;
	v18 =	vshll.u32 v18, $0x3;
	s29 =	simm.s32 $0xE;
	v9 =	vshll.u32 v9, $0x3;
	v16 =	vld.idx.msk [tilespmem:v13+s30+$0x0], $0xffff  }
0xd6: {  	v18 =	vor.u32 v2, v18;
	v21 =	vor.u32 s29, v6;
	s4 =	simm.s32 $0xA;
	v9 =	vor.u32 v2, v9;
	v19 =	vld.idx.msk [tilespmem:v7+s30+$0x0], $0xffff  }
0xd7: {  	v20 =	vmov s4;
	v29 =	vadd.s32 v5, v9;
	v9 =	vmov s29;
	v22 =	vld.idx.msk [tilespmem:v15+s30+$0x0], $0xffff  }
0xd8: {  	v31 =	vor.u32 s4, v6;
	s4 =	simm.s32 $0x14;
	v27 =	vld.idx.msk [tilespmem:v10+s28+$0x0], $0xffff;
	v10 =	vadd.s32 v5, v18;
	v24 =	vshll.u32 v9, $0x3  }
0xd9: {  	v20 =	vshll.u32 v20, $0x3;
	v17 =	vmov s4;
	v23 =	vld.idx.msk [tilespmem:v8+s30+$0x0], $0xffff;
	v18 =	vor.u32 v2, v24  }
0xda: {  	v34 =	vor.u32 s4, v6;
	s29 =	simm.s32 $0x16;
	v9 =	vor.u32 v2, v20;
	v20 =	vld.idx.msk [tilespmem:v11+s28+$0x0], $0xffff;
	v11 =	vadd.s32 v5, v18  }
0xdb: {  	s20 =	simm.s32 $0x12;
	v9 =	vadd.s32 v5, v9;
	v24 =	vld.idx.msk [tilespmem:v21+s28+$0x0], $0xffff;
	v21 =	vor.u32 s29, v6;
	v16 =	vmul.f32 v12, v16  }
0xdc: {  	v12 =	vmov s29;
	s29 =	simm.s32 $0x10;
	v18 =	vld.idx.msk [tilespmem:v29+s30+$0x0], $0xffff;
	v32 =	vmul.f32 v14, v22;
	v14 =	vmov s20  }
0xdd: {  	v33 =	vshll.u32 v12, $0x3;
	v12 =	vld.idx.msk [tilespmem:v10+s30+$0x0], $0xffff;
	v22 =	vmov s29;
	[tilespmem:v13+s30+$0x0] =	vst.idx.msk $0xffff, v16;
	v16 =	vshll.u32 v17, $0x3  }
0xde: {  	v14 =	vshll.u32 v14, $0x3;
	v17 =	vshll.u32 v22, $0x3;
	v22 =	vld.idx.msk [tilespmem:v28+s28+$0x0], $0xffff;
	v16 =	vor.u32 v2, v16  }
0xdf: {  	v28 =	vmul.f32 v27, v19;
	v17 =	vor.u32 v2, v17;
	v25 =	vld.idx.msk [tilespmem:v11+s30+$0x0], $0xffff;
	v26 =	vadd.s32 v5, v16  }
0xe0: {  	v27 =	vmul.f32 v30, v23;
	v23 =	vld.idx.msk [tilespmem:v34+s28+$0x0], $0xffff;
	v14 =	vor.u32 v2, v14;
	v17 =	vadd.s32 v5, v17  }
0xe1: {  	v13 =	vld.idx.msk [tilespmem:v9+s30+$0x0], $0xffff;
	v14 =	vadd.s32 v5, v14;
	v16 =	vor.u32 v2, v33;
	v35 =	vmul.f32 v20, v18  }
0xe2: {  	[tilespmem:v15+s30+$0x0] =	vst.idx.msk $0xffff, v32;
	v16 =	vadd.s32 v5, v16;
	v18 =	vld.idx.msk [tilespmem:v31+s28+$0x0], $0xffff  }
0xe3: {  	s19 =	simm.s32 $0x8;
	v15 =	vld.idx.msk [tilespmem:v21+s28+$0x0], $0xffff;
	v21 =	vor.u32 s20, v6;
	s20 =	simm.s32 $0x1E;
	v19 =	vmov v26;
	v20 =	vor.u32 s29, v6;
	[tilespmem:v29+s30+$0x0] =	vst.idx.msk $0xffff, v35  }
.LBB2_10:
0xe4: {  	s21 =	sadd.s32 $0xFFFFFFFC, s20;
	s4 =	sadd.s32 $0xFFFFFFFE, s20;
	v29 =	vmov s20;
	v30 =	vor.u32 s20, v6;
	s19 =	sadd.s32 $0x4, s19;
	v31 =	vld.idx.msk [tilespmem:v26+s30+$0x0], $0xffff;
	v24 =	vmul.f32 v24, v25;
	[tilespmem:v7+s30+$0x0] =	vst.idx.msk $0xffff, v28;
	v7 =	vmovc v10  }
0xe5: {  	s29 =	sadd.s32 $0xFFFFFFFA, s20;
	v10 =	vmovc v17;
	v25 =	vmov s21;
	v26 =	vmov s4;
	v28 =	vshll.u32 v29, $0x3;
	p1 =	slt.u32 s19, $0x3C;
	v29 =	vld.idx.msk [tilespmem:v17+s30+$0x0], $0xffff;
	[tilespmem:v8+s30+$0x0] =	vst.idx.msk $0xffff, v27;
	v27 =	vmovc v22  }
0xe6: {  	v17 =	vmov s29;
	v8 =	vmovc v9;
	v9 =	vmovc v14;
	v22 =	vshll.u32 v25, $0x3;
	v25 =	vshll.u32 v26, $0x3;
	v32 =	vld.idx.msk [tilespmem:v14+s30+$0x0], $0xffff;
	[tilespmem:v11+s30+$0x0] =	vst.idx.msk $0xffff, v24  }
0xe7: {  	v33 =	vor.u32 s4, v6;
	v34 =	vmovc v18;
	v14 =	vshll.u32 v17, $0x3;
	v11 =	vmovc v16;
	v17 =	vor.u32 v2, v25;
	v25 =	vld.idx.msk [tilespmem:v16+s30+$0x0], $0xffff  }
.Ltmp3:
0xe8: {  	v14 =	vor.u32 v2, v14;
	v16 =	vor.u32 v2, v22;
	v26 =	vadd.s32 v5, v17;
	v22 =	vld.idx.msk [tilespmem:v20+s28+$0x0], $0xffff;
	(pc) =	sbr.rel @p1 .LBB2_10-.Ltmp3, $4  }
0xe9: {  	v17 =	vadd.s32 v5, v14;
	v14 =	vadd.s32 v5, v16;
	v16 =	vor.u32 v2, v28;
	v18 =	vld.idx.msk [tilespmem:v21+s28+$0x0], $0xffff  }
0xea: {  	v20 =	vor.u32 s29, v6;
	v24 =	vmovc v15;
	v16 =	vadd.s32 v5, v16;
	v31 =	vmul.f32 v23, v31;
	v15 =	vld.idx.msk [tilespmem:v30+s28+$0x0], $0xffff  }
0xeb: {  	v28 =	vmul.f32 v27, v12;
	v27 =	vmul.f32 v34, v13;
	v21 =	vor.u32 s21, v6;
	v12 =	vmovc v29  }
0xec: {  	s20 =	sadd.s32 $0x8, s20;
	v13 =	vmov v32;
	v23 =	vld.idx.msk [tilespmem:v33+s28+$0x0], $0xffff;
	[tilespmem:v19+s30+$0x0] =	vst.idx.msk $0xffff, v31;
	v19 =	vmov v26  }
0xed: {  	_ =	sdelay $0x3  }
0xee: {  	v5 =	vld.idx.msk [tilespmem:v26+s30+$0x0], $0xffff  }
0xef: {  	v6 =	vld.idx.msk [tilespmem:v17+s30+$0x0], $0xffff  }
0xf0: {  	v61 =	vld.idx.msk [tilespmem:v14+s30+$0x0], $0xffff  }
0xf1: {  	v29 =	vld.idx.msk [tilespmem:v16+s30+$0x0], $0xffff  }
0xf2: {  	[tilespmem:v7+s30+$0x0] =	vst.idx.msk $0xffff, v28;
	v7 =	vmul.f32 v24, v25;
	v20 =	vld.idx.msk [tilespmem:v20+s28+$0x0], $0xffff  }
0xf3: {  	[tilespmem:v8+s30+$0x0] =	vst.idx.msk $0xffff, v27;
	v62 =	vld.idx.msk [tilespmem:v21+s28+$0x0], $0xffff;
	v63 =	vmul.f32 v18, v13  }
0xf4: {  	[tilespmem:v11+s30+$0x0] =	vst.idx.msk $0xffff, v7;
	v5 =	vmul.f32 v23, v5  }
0xf5: {  	s13 =	sadd.s32 $0x1, s13;
	v7 =	vmul.f32 v22, v12;
	[tilespmem:v9+s30+$0x0] =	vst.idx.msk $0xffff, v63  }
0xf6: {  	p1 =	sne.s32 s13, $0xA;
	[tilespmem:v19+s30+$0x0] =	vst.idx.msk $0xffff, v5;
	v5 =	vmul.f32 v15, v29  }
.Ltmp4:
0xf7: {  	[tilespmem:v10+s30+$0x0] =	vst.idx.msk $0xffff, v7;
	v6 =	vmul.f32 v20, v6;
	(pc) =	sbr.rel @p1 .LBB2_9-.Ltmp4, $4  }
0xf8: {  	[tilespmem:v16+s30+$0x0] =	vst.idx.msk $0xffff, v5;
	v5 =	vmul.f32 v62, v61  }
0xf9: {  	s4 =	sand.u32 $0x3FFFFC00, s17;
	[tilespmem:v17+s30+$0x0] =	vst.idx.msk $0xffff, v6  }
0xfa: {  	s14 =	sadd.s32 $0xA00, s14;
	s4 =	sadd.s32 $0x1E00, s4;
	[tilespmem:v14+s30+$0x0] =	vst.idx.msk $0xffff, v5  }
0xfb: {  	[spmem:s2] =	stream.indirect.scatter.add.f32 [tilespmem:s4], [sflag:$0x3], $0x8, s14, s26, $0xb8;
	[tilespmem:$0x16260] =	vst v63  }
0xfc: {  	_ =	swait.ge [sflag:s22], $0x400  }
0xfd: {  	[sflag:s22] =	ssyncset.done $0x0  }
0xfe: {  	[sflag:s22] =	ssyncadd.s32 $0xFFFFFC00  }
0xff: {  	_ =	swait.ge [sflag:s22], $0x400  }
0x100: {  	[sflag:s22] =	ssyncset.done $0x0  }
0x101: {  	[sflag:s22] =	ssyncadd.s32 $0xFFFFFC00  }
0x102: {  	_ =	swait.ge [sflag:s22], $0x400  }
0x103: {  	[sflag:s22] =	ssyncset.done $0x0  }
0x104: {  	[sflag:s22] =	ssyncadd.s32 $0xFFFFFC00  }
0x105: {  	_ =	swait.ge [sflag:s22], $0x400  }
0x106: {  	[sflag:s22] =	ssyncset.done $0x0  }
0x107: {  	[sflag:s22] =	ssyncadd.s32 $0xFFFFFC00  }
0x108: {  	_ =	swait.ge [sflag:s22], $0x400  }
0x109: {  	[sflag:s22] =	ssyncset.done $0x0  }
0x10a: {  	[sflag:s22] =	ssyncadd.s32 $0xFFFFFC00  }
0x10b: {  	_ =	swait.ge [sflag:s22], $0x400  }
0x10c: {  	[sflag:s22] =	ssyncset.done $0x0  }
0x10d: {  	[sflag:s22] =	ssyncadd.s32 $0xFFFFFC00  }
0x10e: {  	_ =	swait.ge [sflag:s22], $0x400  }
0x10f: {  	[sflag:s22] =	ssyncset.done $0x0  }
0x110: {  	[sflag:s22] =	ssyncadd.s32 $0xFFFFFC00  }
0x111: {  	_ =	swait.ge [sflag:s22], $0x400  }
0x112: {  	[sflag:s22] =	ssyncset.done $0x0  }
0x113: {  	[sflag:s22] =	ssyncadd.s32 $0xFFFFFC00  }
0x114: {  	_ =	swait.ge [sflag:s22], $0x400  }
0x115: {  	[sflag:s22] =	ssyncset.done $0x0  }
0x116: {  	[sflag:s22] =	ssyncadd.s32 $0xFFFFFC00  }
0x117: {  	_ =	swait.ge [sflag:s22], $0x400  }
0x118: {  	s4 =	sadd.s32 @!p0 s6, s9;
	[sflag:s22] =	ssyncset.done $0x0  }
0x119: {  	s13 =	simm.s32 @!p0 $0x0;
	s14 =	simm.s32 @!p0 $0xA00;
	[sflag:s22] =	ssyncadd.s32 $0xFFFFFC00  }
0x11a: {  	[tilespmem:s14], [sflag:$0x5] =	stream.linear.gather @!p0 [hbm4b:s4+s13], $0x500, $0x38;
	[tilespmem:$0x16260] =	vst v63  }
0x11b: {  	s4 =	sadd.s32 @!p0 s1, s9;
	s9 =	simm.s32 @!p0 $0x1400  }
0x11c: {  	[tilespmem:s9], [sflag:$0x5] =	stream.linear.gather @!p0 [hbm4b:s4+s13], $0x500, $0x38;
	[tilespmem:$0x16260] =	vst v63  }
0x11d: {  	_ =	swait.ge [sflag:s24], $0x400  }
0x11e: {  	[sflag:s24] =	ssyncset.done $0x0  }
0x11f: {  	[sflag:s24] =	ssyncadd.s32 $0xFFFFFC00  }
0x120: {  	_ =	swait.ge [sflag:s24], $0x400  }
0x121: {  	[sflag:s24] =	ssyncset.done $0x0  }
0x122: {  	[sflag:s24] =	ssyncadd.s32 $0xFFFFFC00  }
0x123: {  	_ =	swait.ge [sflag:s24], $0x400  }
0x124: {  	[sflag:s24] =	ssyncset.done $0x0  }
0x125: {  	[sflag:s24] =	ssyncadd.s32 $0xFFFFFC00  }
0x126: {  	_ =	swait.ge [sflag:s24], $0x400  }
0x127: {  	[sflag:s24] =	ssyncset.done $0x0  }
0x128: {  	[sflag:s24] =	ssyncadd.s32 $0xFFFFFC00  }
0x129: {  	_ =	swait.ge [sflag:s24], $0x400  }
0x12a: {  	[sflag:s24] =	ssyncset.done $0x0  }
0x12b: {  	[sflag:s24] =	ssyncadd.s32 $0xFFFFFC00  }
0x12c: {  	_ =	swait.ge [sflag:s24], $0x400  }
0x12d: {  	[sflag:s24] =	ssyncset.done $0x0  }
0x12e: {  	[sflag:s24] =	ssyncadd.s32 $0xFFFFFC00  }
0x12f: {  	_ =	swait.ge [sflag:s24], $0x400  }
0x130: {  	[sflag:s24] =	ssyncset.done $0x0  }
0x131: {  	[sflag:s24] =	ssyncadd.s32 $0xFFFFFC00  }
0x132: {  	_ =	swait.ge [sflag:s24], $0x400  }
0x133: {  	[sflag:s24] =	ssyncset.done $0x0  }
0x134: {  	[sflag:s24] =	ssyncadd.s32 $0xFFFFFC00  }
0x135: {  	_ =	swait.ge [sflag:s24], $0x400  }
.Ltmp5:
0x136: {  	[sflag:s24] =	ssyncset.done $0x0;
	(pc) =	sbr.rel @p0 .LBB2_16-.Ltmp5, $4  }
0x137: {  	[sflag:s24] =	ssyncadd.s32 $0xFFFFFC00  }
0x138: {  	_ =	swait.ge [sflag:s24], $0x400  }
0x139: {  	[sflag:s24] =	ssyncset.done $0x0  }
0x13a: {  	[sflag:s24] =	ssyncadd.s32 $0xFFFFFC00  }
0x13b: {  	_ =	swait.ge [sflag:s0], $0x500  }
0x13c: {  	[sflag:s0] =	ssyncset.done $0x0  }
0x13d: {  	[sflag:s0] =	ssyncadd.s32 $0xFFFFFB00  }
0x13e: {  	_ =	swait.ge [sflag:s0], $0x500  }
0x13f: {  	[sflag:s0] =	ssyncset.done $0x0  }
0x140: {  	[sflag:s0] =	ssyncadd.s32 $0xFFFFFB00  }
0x141: {  	_ =	swait.ge [sflag:s0], $0x500  }
0x142: {  	[sflag:s0] =	ssyncset.done $0x0  }
0x143: {  	s13 =	simm.s32 $0x20;
	[sflag:s0] =	ssyncadd.s32 $0xFFFFFB00  }
0x144: {  	v5 =	vld [tilespmem:s13+$0xFFFFFFE0]  }
0x145: {  	v7 =	vld [tilespmem:s13+$0x0]  }
0x146: {  	v6 =	vld [tilespmem:s13+$0x10]  }
0x147: {  	v8 =	vld [tilespmem:s13+$0xFFFFFFF0];
	_ =	sdelay $0x1  }
0x148: {  	s9 =	simm.s32 $0x60;
	v9 =	vadd.s32 v0, v5  }
0x149: {  	v5 =	vld [tilespmem:s9+$0xFFFFFFE0];
	v10 =	vadd.s32 v0, v7;
	[tilespmem:s13+$0xFFFFFFE0] =	vst v9  }
0x14a: {  	v7 =	vld [tilespmem:s9+$0x0];
	v9 =	vadd.s32 v0, v6;
	[tilespmem:s13+$0x0] =	vst v10  }
0x14b: {  	s14 =	simm.s32 $0x4;
	v8 =	vadd.s32 v0, v8;
	v6 =	vld [tilespmem:s9+$0x10];
	[tilespmem:s13+$0x10] =	vst v9  }
.LBB2_14:
0x14c: {  	s14 =	sadd.s32 $0x4, s14  }
0x14d: {  	v9 =	vld [tilespmem:s9+$0xFFFFFFF0];
	[tilespmem:s13+$0xFFFFFFF0] =	vst v8;
	s13 =	smov.u32 s9;
	p1 =	slt.u32 s14, $0x4C  }
.Ltmp6:
0x14e: {  	(pc) =	sbr.rel @p1 .LBB2_14-.Ltmp6, $4  }
0x14f: {  	s9 =	sadd.s32 $0x40, s9;
	v8 =	vadd.s32 v0, v5  }
0x150: {  	v5 =	vld [tilespmem:s9+$0xFFFFFFE0];
	[tilespmem:s13+$0xFFFFFFE0] =	vst v8;
	v8 =	vadd.s32 v0, v6  }
0x151: {  	v6 =	vld [tilespmem:s9+$0x10];
	v10 =	vadd.s32 v0, v7;
	[tilespmem:s13+$0x10] =	vst v8  }
0x152: {  	v7 =	vld [tilespmem:s9+$0x0];
	v8 =	vadd.s32 v0, v9;
	[tilespmem:s13+$0x0] =	vst v10  }
0x153: {  	v9 =	vld [tilespmem:s9+$0xFFFFFFF0];
	_ =	sdelay $0x1  }
0x154: {  	[tilespmem:s13+$0xFFFFFFF0] =	vst v8;
	v5 =	vadd.s32 v0, v5  }
0x155: {  	[tilespmem:s9+$0xFFFFFFE0] =	vst v5;
	v5 =	vadd.s32 v0, v6  }
0x156: {  	v6 =	vadd.s32 v0, v7;
	[tilespmem:s9+$0x10] =	vst v5  }
0x157: {  	v5 =	vadd.s32 v0, v9;
	[tilespmem:s9+$0x0] =	vst v6  }
0x158: {  	[tilespmem:s9+$0xFFFFFFF0] =	vst v5;
	s9 =	simm.s32 $0x0  }
0x159: {  	[tilespmem:s30], [sflag:$0x1] =	stream.indirect.gather [hbm4b:s7+s26], $0x8, s9, s26, $0xb8;
	[tilespmem:$0x16260] =	vst v63  }
0x15a: {  	s4 =	simm.s32 $0x2200  }
0x15b: {  	[tilespmem:s4], [sflag:$0x1] =	stream.indirect.gather [hbm4b:s7+s26], $0x8, s26, s26, $0xb8;
	[tilespmem:$0x16260] =	vst v63  }
0x15c: {  	s19 =	simm.s32 $0x100;
	s20 =	simm.s32 $0x2600  }
0x15d: {  	[tilespmem:s20], [sflag:$0x1] =	stream.indirect.gather [hbm4b:s7+s26], $0x8, s19, s26, $0xb8;
	[tilespmem:$0x16260] =	vst v63  }
0x15e: {  	s21 =	simm.s32 $0x180;
	s29 =	simm.s32 $0x2A00  }
0x15f: {  	[tilespmem:s29], [sflag:$0x1] =	stream.indirect.gather [hbm4b:s7+s26], $0x8, s21, s26, $0xb8;
	[tilespmem:$0x16260] =	vst v63  }
0x160: {  	s14 =	simm.s32 $0x200;
	s17 =	simm.s32 $0x2E00  }
0x161: {  	[tilespmem:s17], [sflag:$0x1] =	stream.indirect.gather [hbm4b:s7+s26], $0x8, s14, s26, $0xb8;
	[tilespmem:$0x16260] =	vst v63  }
0x162: {  	s19 =	simm.s32 $0x280;
	s20 =	simm.s32 $0x3200  }
0x163: {  	[tilespmem:s20], [sflag:$0x1] =	stream.indirect.gather [hbm4b:s7+s26], $0x8, s19, s26, $0xb8;
	[tilespmem:$0x16260] =	vst v63  }
0x164: {  	s21 =	simm.s32 $0x300;
	s29 =	simm.s32 $0x3600  }
0x165: {  	[tilespmem:s29], [sflag:$0x1] =	stream.indirect.gather [hbm4b:s7+s26], $0x8, s21, s26, $0xb8;
	[tilespmem:$0x16260] =	vst v63  }
0x166: {  	s13 =	simm.s32 $0x380;
	s14 =	simm.s32 $0x3A00  }
0x167: {  	[tilespmem:s14], [sflag:$0x1] =	stream.indirect.gather [hbm4b:s7+s26], $0x8, s13, s26, $0xb8;
	[tilespmem:$0x16260] =	vst v63  }
0x168: {  	s17 =	simm.s32 $0x400;
	s19 =	simm.s32 $0x3E00;
	s20 =	sadd.s32 s3, s16  }
0x169: {  	[tilespmem:s19], [sflag:$0x1] =	stream.indirect.gather [hbm4b:s7+s26], $0x8, s17, s26, $0xb8;
	[tilespmem:$0x16260] =	vst v63  }
0x16a: {  	s4 =	smul.u32 $0xA0, s20;
	s21 =	simm.s32 $0x480;
	s14 =	simm.s32 $0x4200  }
0x16b: {  	[tilespmem:s14], [sflag:$0x1] =	stream.indirect.gather [hbm4b:s7+s26], $0x8, s21, s26, $0xb8;
	[tilespmem:$0x16260] =	vst v63  }
0x16c: {  	s29 =	simm.s32 $0x500;
	s4 =	sadd.s32 s5, s4  }
0x16d: {  	[tilespmem:s29], [sflag:$0x6] =	stream.linear.gather [hbm4b:s4+s9], $0x500, $0x38;
	[tilespmem:$0x16260] =	vst v63  }
.LBB2_16:
0x16e: {  	s9 =	simm.s32 $0x0  }
.LBB2_17:
0x16f: {  	s14 =	sshll.u32 s9, $0xA  }
0x170: {  	s13 =	sshll.u32 s9, $0x7;
	s4 =	simm.s32 $0x6;
	s17 =	simm.s32 $0x4;
	v5 =	vor.u32 s14, v3  }
0x171: {  	s19 =	simm.s32 $0x2;
	s21 =	simm.s32 $0x0;
	v6 =	vor.u32 s13, v1;
	v7 =	vmov s4;
	v8 =	vmov s17  }
0x172: {  	v10 =	vmov s19;
	v11 =	vmov s21;
	v9 =	vor.u32 s4, v6  }
0x173: {  	v8 =	vshll.u32 v8, $0x3;
	v11 =	vshll.u32 v11, $0x3;
	v12 =	vor.u32 s17, v6  }
0x174: {  	v10 =	vshll.u32 v10, $0x3;
	v17 =	vor.u32 s19, v6;
	v8 =	vor.u32 v2, v8  }
0x175: {  	v14 =	vshll.u32 v7, $0x3;
	v11 =	vor.u32 v2, v11;
	v13 =	vadd.s32 v5, v8  }
0x176: {  	v8 =	vor.u32 v2, v10;
	v7 =	vadd.s32 v5, v11;
	v10 =	vor.u32 v2, v14  }
0x177: {  	s20 =	simm.s32 $0x8;
	v15 =	vadd.s32 v5, v10;
	v14 =	vld.idx.msk [tilespmem:v9+s31+$0x0], $0xffff  }
0x178: {  	s29 =	simm.s32 $0xC;
	v18 =	vmov s20;
	v10 =	vor.u32 s21, v6;
	v12 =	vld.idx.msk [tilespmem:v12+s31+$0x0], $0xffff  }
0x179: {  	v18 =	vshll.u32 v18, $0x3;
	v8 =	vadd.s32 v5, v8;
	v9 =	vmov s29;
	v30 =	vld.idx.msk [tilespmem:v17+s31+$0x0], $0xffff  }
0x17a: {  	v28 =	vor.u32 s20, v6;
	v11 =	vor.u32 s29, v6;
	s21 =	simm.s32 $0xE;
	v9 =	vshll.u32 v9, $0x3;
	v16 =	vld.idx.msk [tilespmem:v13+s12+$0x0], $0xffff  }
0x17b: {  	v18 =	vor.u32 v2, v18;
	v21 =	vor.u32 s21, v6;
	s29 =	simm.s32 $0xA;
	v9 =	vor.u32 v2, v9;
	v19 =	vld.idx.msk [tilespmem:v7+s12+$0x0], $0xffff  }
0x17c: {  	v20 =	vmov s29;
	v29 =	vadd.s32 v5, v9;
	v9 =	vmov s21;
	v22 =	vld.idx.msk [tilespmem:v15+s12+$0x0], $0xffff  }
0x17d: {  	v20 =	vshll.u32 v20, $0x3;
	v27 =	vld.idx.msk [tilespmem:v10+s31+$0x0], $0xffff;
	v10 =	vadd.s32 v5, v18;
	v24 =	vshll.u32 v9, $0x3  }
0x17e: {  	v31 =	vor.u32 s29, v6;
	v23 =	vld.idx.msk [tilespmem:v8+s12+$0x0], $0xffff;
	s21 =	simm.s32 $0x14;
	v9 =	vor.u32 v2, v20;
	v18 =	vor.u32 v2, v24  }
0x17f: {  	s17 =	simm.s32 $0x16;
	v20 =	vld.idx.msk [tilespmem:v11+s31+$0x0], $0xffff;
	v17 =	vmov s21;
	v34 =	vor.u32 s21, v6;
	v11 =	vadd.s32 v5, v18  }
0x180: {  	s20 =	simm.s32 $0x12;
	v9 =	vadd.s32 v5, v9;
	v24 =	vld.idx.msk [tilespmem:v21+s31+$0x0], $0xffff;
	v21 =	vor.u32 s17, v6;
	v16 =	vmul.f32 v12, v16  }
0x181: {  	s29 =	simm.s32 $0x10;
	v12 =	vmov s17;
	v18 =	vld.idx.msk [tilespmem:v29+s12+$0x0], $0xffff;
	v32 =	vmul.f32 v14, v22;
	v14 =	vmov s20  }
0x182: {  	v33 =	vshll.u32 v12, $0x3;
	v12 =	vld.idx.msk [tilespmem:v10+s12+$0x0], $0xffff;
	v22 =	vmov s29;
	[tilespmem:v13+s12+$0x0] =	vst.idx.msk $0xffff, v16;
	v16 =	vshll.u32 v17, $0x3  }
0x183: {  	v14 =	vshll.u32 v14, $0x3;
	v17 =	vshll.u32 v22, $0x3;
	v22 =	vld.idx.msk [tilespmem:v28+s31+$0x0], $0xffff;
	v16 =	vor.u32 v2, v16  }
0x184: {  	v28 =	vmul.f32 v27, v19;
	v17 =	vor.u32 v2, v17;
	v25 =	vld.idx.msk [tilespmem:v11+s12+$0x0], $0xffff;
	v26 =	vadd.s32 v5, v16  }
0x185: {  	v27 =	vmul.f32 v30, v23;
	v23 =	vld.idx.msk [tilespmem:v34+s31+$0x0], $0xffff;
	v14 =	vor.u32 v2, v14;
	v17 =	vadd.s32 v5, v17  }
0x186: {  	v13 =	vld.idx.msk [tilespmem:v9+s12+$0x0], $0xffff;
	v14 =	vadd.s32 v5, v14;
	v16 =	vor.u32 v2, v33;
	v35 =	vmul.f32 v20, v18  }
0x187: {  	[tilespmem:v15+s12+$0x0] =	vst.idx.msk $0xffff, v32;
	v16 =	vadd.s32 v5, v16;
	v18 =	vld.idx.msk [tilespmem:v31+s31+$0x0], $0xffff  }
0x188: {  	s19 =	simm.s32 $0x1E;
	s17 =	simm.s32 $0x8;
	v15 =	vld.idx.msk [tilespmem:v21+s31+$0x0], $0xffff;
	v21 =	vor.u32 s20, v6;
	v19 =	vmov v26;
	v20 =	vor.u32 s29, v6;
	[tilespmem:v29+s12+$0x0] =	vst.idx.msk $0xffff, v35  }
.LBB2_18:
0x189: {  	s4 =	sadd.s32 $0xFFFFFFFC, s19;
	s20 =	sadd.s32 $0xFFFFFFFE, s19;
	v29 =	vmov s19;
	v30 =	vor.u32 s19, v6;
	s17 =	sadd.s32 $0x4, s17;
	v31 =	vld.idx.msk [tilespmem:v26+s12+$0x0], $0xffff;
	v24 =	vmul.f32 v24, v25;
	[tilespmem:v7+s12+$0x0] =	vst.idx.msk $0xffff, v28;
	v7 =	vmovc v10  }
0x18a: {  	s21 =	sadd.s32 $0xFFFFFFFA, s19;
	v10 =	vmovc v17;
	v25 =	vmov s4;
	v26 =	vmov s20;
	v28 =	vshll.u32 v29, $0x3;
	p1 =	slt.u32 s17, $0x3C;
	v29 =	vld.idx.msk [tilespmem:v17+s12+$0x0], $0xffff;
	[tilespmem:v8+s12+$0x0] =	vst.idx.msk $0xffff, v27;
	v27 =	vmovc v22  }
0x18b: {  	v17 =	vmov s21;
	v8 =	vmovc v9;
	v9 =	vmovc v14;
	v22 =	vshll.u32 v25, $0x3;
	v25 =	vshll.u32 v26, $0x3;
	v32 =	vld.idx.msk [tilespmem:v14+s12+$0x0], $0xffff;
	[tilespmem:v11+s12+$0x0] =	vst.idx.msk $0xffff, v24  }
0x18c: {  	v33 =	vor.u32 s20, v6;
	v34 =	vmovc v18;
	v14 =	vshll.u32 v17, $0x3;
	v11 =	vmovc v16;
	v17 =	vor.u32 v2, v25;
	v25 =	vld.idx.msk [tilespmem:v16+s12+$0x0], $0xffff  }
.Ltmp7:
0x18d: {  	v14 =	vor.u32 v2, v14;
	v16 =	vor.u32 v2, v22;
	v26 =	vadd.s32 v5, v17;
	v22 =	vld.idx.msk [tilespmem:v20+s31+$0x0], $0xffff;
	(pc) =	sbr.rel @p1 .LBB2_18-.Ltmp7, $4  }
0x18e: {  	v17 =	vadd.s32 v5, v14;
	v14 =	vadd.s32 v5, v16;
	v16 =	vor.u32 v2, v28;
	v18 =	vld.idx.msk [tilespmem:v21+s31+$0x0], $0xffff  }
0x18f: {  	v20 =	vor.u32 s21, v6;
	v24 =	vmovc v15;
	v16 =	vadd.s32 v5, v16;
	v31 =	vmul.f32 v23, v31;
	v15 =	vld.idx.msk [tilespmem:v30+s31+$0x0], $0xffff  }
0x190: {  	v28 =	vmul.f32 v27, v12;
	v27 =	vmul.f32 v34, v13;
	v21 =	vor.u32 s4, v6;
	v12 =	vmovc v29  }
0x191: {  	s19 =	sadd.s32 $0x8, s19;
	v13 =	vmov v32;
	v23 =	vld.idx.msk [tilespmem:v33+s31+$0x0], $0xffff;
	[tilespmem:v19+s12+$0x0] =	vst.idx.msk $0xffff, v31;
	v19 =	vmov v26  }
0x192: {  	_ =	sdelay $0x3  }
0x193: {  	v5 =	vld.idx.msk [tilespmem:v26+s12+$0x0], $0xffff  }
0x194: {  	v6 =	vld.idx.msk [tilespmem:v17+s12+$0x0], $0xffff  }
0x195: {  	v61 =	vld.idx.msk [tilespmem:v14+s12+$0x0], $0xffff  }
0x196: {  	v29 =	vld.idx.msk [tilespmem:v16+s12+$0x0], $0xffff  }
0x197: {  	[tilespmem:v7+s12+$0x0] =	vst.idx.msk $0xffff, v28;
	v7 =	vmul.f32 v24, v25;
	v20 =	vld.idx.msk [tilespmem:v20+s31+$0x0], $0xffff  }
0x198: {  	[tilespmem:v8+s12+$0x0] =	vst.idx.msk $0xffff, v27;
	v62 =	vld.idx.msk [tilespmem:v21+s31+$0x0], $0xffff;
	v63 =	vmul.f32 v18, v13  }
0x199: {  	[tilespmem:v11+s12+$0x0] =	vst.idx.msk $0xffff, v7;
	v5 =	vmul.f32 v23, v5  }
0x19a: {  	s9 =	sadd.s32 $0x1, s9;
	v7 =	vmul.f32 v22, v12;
	[tilespmem:v9+s12+$0x0] =	vst.idx.msk $0xffff, v63  }
0x19b: {  	p1 =	sne.s32 s9, $0xA;
	[tilespmem:v19+s12+$0x0] =	vst.idx.msk $0xffff, v5;
	v5 =	vmul.f32 v15, v29  }
.Ltmp8:
0x19c: {  	[tilespmem:v10+s12+$0x0] =	vst.idx.msk $0xffff, v7;
	v6 =	vmul.f32 v20, v6;
	(pc) =	sbr.rel @p1 .LBB2_17-.Ltmp8, $4  }
0x19d: {  	[tilespmem:v16+s12+$0x0] =	vst.idx.msk $0xffff, v5;
	v5 =	vmul.f32 v62, v61  }
0x19e: {  	s4 =	sand.u32 $0x3FFFFC00, s14;
	[tilespmem:v17+s12+$0x0] =	vst.idx.msk $0xffff, v6  }
0x19f: {  	s13 =	sadd.s32 $0xF00, s13;
	s4 =	sadd.s32 $0x4600, s4;
	[tilespmem:v14+s12+$0x0] =	vst.idx.msk $0xffff, v5  }
0x1a0: {  	[spmem:s2] =	stream.indirect.scatter.add.f32 [tilespmem:s4], [sflag:$0x4], $0x8, s13, s26, $0xb8;
	[tilespmem:$0x16260] =	vst v63  }
0x1a1: {  	_ =	swait.ge [sflag:s18], $0x400  }
0x1a2: {  	[sflag:s18] =	ssyncset.done $0x0  }
0x1a3: {  	[sflag:s18] =	ssyncadd.s32 $0xFFFFFC00  }
0x1a4: {  	_ =	swait.ge [sflag:s18], $0x400  }
0x1a5: {  	[sflag:s18] =	ssyncset.done $0x0  }
0x1a6: {  	[sflag:s18] =	ssyncadd.s32 $0xFFFFFC00  }
0x1a7: {  	_ =	swait.ge [sflag:s18], $0x400  }
0x1a8: {  	[sflag:s18] =	ssyncset.done $0x0  }
0x1a9: {  	[sflag:s18] =	ssyncadd.s32 $0xFFFFFC00  }
0x1aa: {  	_ =	swait.ge [sflag:s18], $0x400  }
0x1ab: {  	[sflag:s18] =	ssyncset.done $0x0  }
0x1ac: {  	[sflag:s18] =	ssyncadd.s32 $0xFFFFFC00  }
0x1ad: {  	_ =	swait.ge [sflag:s18], $0x400  }
0x1ae: {  	[sflag:s18] =	ssyncset.done $0x0  }
0x1af: {  	[sflag:s18] =	ssyncadd.s32 $0xFFFFFC00  }
0x1b0: {  	_ =	swait.ge [sflag:s18], $0x400  }
0x1b1: {  	[sflag:s18] =	ssyncset.done $0x0  }
0x1b2: {  	[sflag:s18] =	ssyncadd.s32 $0xFFFFFC00  }
0x1b3: {  	_ =	swait.ge [sflag:s18], $0x400  }
0x1b4: {  	[sflag:s18] =	ssyncset.done $0x0  }
0x1b5: {  	[sflag:s18] =	ssyncadd.s32 $0xFFFFFC00  }
0x1b6: {  	_ =	swait.ge [sflag:s18], $0x400  }
0x1b7: {  	[sflag:s18] =	ssyncset.done $0x0  }
0x1b8: {  	[sflag:s18] =	ssyncadd.s32 $0xFFFFFC00  }
0x1b9: {  	_ =	swait.ge [sflag:s18], $0x400  }
0x1ba: {  	[sflag:s18] =	ssyncset.done $0x0  }
0x1bb: {  	s3 =	sadd.s32 @!p0 s3, s16;
	[sflag:s18] =	ssyncadd.s32 $0xFFFFFC00  }
0x1bc: {  	s3 =	smul.u32 @!p0 $0xA0, s3;
	_ =	swait.ge [sflag:s18], $0x400  }
0x1bd: {  	s9 =	simm.s32 @!p0 $0x0;
	[sflag:s18] =	ssyncset.done $0x0  }
0x1be: {  	s13 =	simm.s32 @!p0 $0xF00;
	s4 =	sadd.s32 @!p0 s6, s3;
	[sflag:s18] =	ssyncadd.s32 $0xFFFFFC00  }
0x1bf: {  	[tilespmem:s13], [sflag:$0x6] =	stream.linear.gather @!p0 [hbm4b:s4+s9], $0x500, $0x38;
	[tilespmem:$0x16260] =	vst v63  }
0x1c0: {  	s3 =	sadd.s32 @!p0 s1, s3;
	s4 =	simm.s32 @!p0 $0x1900  }
0x1c1: {  	[tilespmem:s4], [sflag:$0x6] =	stream.linear.gather @!p0 [hbm4b:s3+s9], $0x500, $0x38;
	[tilespmem:$0x16260] =	vst v63  }
0x1c2: {  	p0 =	sne.s32 s25, s8  }
.Ltmp9:
0x1c3: {  	_ = 	snop;
	(pc) =	sbr.rel @p0 .LBB2_6-.Ltmp9, $1  }
0x1c4: {  	_ =	sdelay $0x3  }
0x1c5: {  	s3 =	stileid.u32;
	[bflag:$0x0] =	sbarrier.arrive $0xFFFF  }
0x1c6: {  	s3 =	sshll.u32 s3, $0x6;
	s4 =	rddreg [dreg:$0xa]  }
0x1c7: {  	s9 =	rddreg [dreg:$0x10];
	s3 =	sor.u32 $0x1C07, s3  }
0x1c8: {  	[hbm:s4], [sflag:s3] =	dma.local [spmem:s9], $0x1870  }
0x1c9: {  	s4 =	simm.s32 $0x7  }
0x1ca: {  	_ =	swait.ge [sflag:s4], $0x1870  }
0x1cb: {  	s25 =	rddreg [dreg:$0x11]  }
0x1cc: {  	s29 =	rddreg [dreg:$0xc];
	s9 =	sadd.s32 $0x1, s25  }
0x1cd: {  	p0 =	sne.s32 s9, s29  }
.Ltmp10:
0x1ce: {  	_ = 	snop;
	(pc) =	sbr.rel @p0 .LBB2_1-.Ltmp10, $3  }
0x1cf: {  	_ =	sdelay $0x1  }
0x1d0: {  	[sflag:s4] =	ssyncset.done $0x0  }
0x1d1: {  	[sflag:s4] =	ssyncadd.s32 $0xFFFFE790  }
0x1d2: {  	_ =	sfence.sel $0x180000  }
0x1d3: {  	[bflag:$0x0] =	sbarrier.arrive $0xFFFF  }
0x1d4: {  	_ =	strace $0x9000004D  }
0x1d5: {  	s0 =	stileid.u32;
	[bflag:$0x2] =	sbarrier.arrive $0xFFFF  }
0x1d6: {  	p0 =	sne.s32 s0, $0x0;
	s0 =	rddreg [dreg:$0x3]  }
0x1d7: {  	s0 =	sadd.s32 @!p0 $0x100000, s0  }
0x1d8: {  	[sflag:s0] =	ssyncadd.tile.s32 @!p0 $0x1;
	_ =	shalt  }
.Lfunc_end2:
_tile_overlayer_lowered:
.L_overlay_start_2:
0x1d9: {  	(tag) =	ssettag $0x2  }
0x1da: {  	s0 =	rddreg [dreg:$0x0];
	s2 =	stileid.u32  }
0x1db: {  	s1 =	rddreg [dreg:$0x1];
	p0 =	sne.s32 s2, $0x0  }
0x1dc: {  	s3 =	rddreg [dreg:$0x2];
	[bflag:$0x3] =	sbarrier.arrive $0xFFFF;
	s2 =	simm.s32 @!p0 $0x1C07  }
0x1dd: {  	[timem:s3], [sflag:s2] =	dma.local @!p0 [hbm:s0], s1  }
0x1de: {  	s0 =	simm.s32 @!p0 $0x7  }
0x1df: {  	_ =	swait.ge @!p0 [sflag:s0], s1  }
0x1e0: {  	s1 =	ssub.s32 @!p0 $0x0, s1;
	[sflag:s0] =	ssyncset.done @!p0 $0x0  }
0x1e1: {  	[sflag:s0] =	ssyncadd.s32 @!p0 s1  }
0x1e2: {  	[bflag:$0x3] =	sbarrier.arrive $0xFFFF  }
0x1e3: {  	_ =	shalt  }

// kernel: kernel.9.cloned.1.call-start
scs
__scs_entry_jumppad:
0x0: {  	(pc) =	sbr.rel $0x88, $3  }
0x1: {  	(tag) =	ssettag $0x0;
	lr =	simm.s32 $0x1  }
0x2: {  	[smem:$0x3F98] =	sst lr;
	_ =	strace $0xD0000000  }
0x3: {  	_ = 	snop  }
0x4: {  	_ = 	snop  }
0x5: {  	_ = 	snop  }
0x6: {  	_ = 	snop  }
0x7: {  	_ = 	snop  }
__scs_overlays_trampoline_lowered:
0x8: {  	[smem:$0x3FA7] =	sst s0  }
0x9: {  	[smem:$0x3FA8] =	sst s1  }
0xa: {  	[smem:$0x3FA9] =	sst s2  }
0xb: {  	[smem:$0x3FAA] =	sst s3  }
0xc: {  	[smem:$0x3FAB] =	sst s4  }
0xd: {  	[smem:$0x3FAC] =	sst s5  }
0xe: {  	[smem:$0x3FAD] =	sst s6  }
0xf: {  	[smem:$0x3FAE] =	sst s7  }
0x10: {  	[smem:$0x3FAF] =	sst s8  }
0x11: {  	[smem:$0x3FB0] =	sst s9;
	s0 =	simm.s32 @!p0 $0x0  }
0x12: {  	s1 =	sld [smem:$0x3F96];
	s0 =	simm.s32 @p0 $0x1  }
0x13: {  	[smem:$0x3FB1] =	sst s0;
	s0 =	simm.s32 @!p1 $0x0  }
0x14: {  	s2 =	sld [smem:$0x3F95];
	s0 =	simm.s32 @p1 $0x1  }
0x15: {  	[smem:$0x3FB2] =	sst s0;
	s0 =	simm.s32 @!p2 $0x0  }
0x16: {  	s3 =	sld [smem:$0x3FDB];
	s0 =	simm.s32 @p2 $0x1  }
0x17: {  	s4 =	simm.s32 $0x1BF5;
	[smem:$0x3FB4] =	sst s0  }
0x18: {  	s0 =	sld [smem:$0x3F97];
	_ =	swait.ge [sflag:s4], $0x0  }
0x19: {  	s7 =	sld [smem:$0x3F98]  }
0x1a: {  	s8 =	sadd.s32 $0xFFFFE003, lr  }
0x1b: {  	s9 =	sadd.s32 $0xFFFFFEF7, lr;
	s5 =	simm.s32 $0xFFFFFFFF;
	p2 =	slt.u32 s8, $0xFFFFF086  }
0x1c: {  	p1 =	slt.u32 s9, $0xF7A;
	s5 =	simm.s32 @!p2 $0x0  }
0x1d: {  	s5 =	simm.s32 @p1 $0x1;
	p0 =	seq.s32 s7, s2  }
0x1e: {  	s7 =	smul.u32 @!p0 $0xF7A, s2;
	p2 =	seq.s32 @!p0 s5, $0x0  }
0x1f: {  	s9 =	smul.u32 $0xF7A, s1;
	s8 =	simm.s32 @!p0 $0x1BF5;
	p2 =	por !p2, p0  }
0x20: {  	[sflag:s8] =	ssyncset.s32 @!p0 $0xFFFFF086;
	s6 =	sadd.s32 @!p0 s3, s7;
	s7 =	simm.s32 @!p0 $0x108  }
0x21: {  	s3 =	sadd.s32 s3, s9;
	s6 =	sadd.s32 @!p0 $0x88, s6;
	s7 =	simm.s32 @p2 $0x1082  }
0x22: {  	[simem:s7], [sflag:s8] =	dma.local @!p0 [hbm:s6], $0xF7A  }
0x23: {  	s9 =	sor.u32 $0xD0000000, s2;
	s6 =	simm.s32 $0x108;
	_ =	swait.ge @!p0 [sflag:s8], $0x0  }
0x24: {  	s3 =	sadd.s32 $0x88, s3;
	s6 =	simm.s32 @!p1 $0x1082;
	[sflag:s4] =	ssyncset.s32 $0xFFFFF086  }
0x25: {  	[simem:s6], [sflag:s4] =	dma.local [hbm:s3], $0xF7A  }
0x26: {  	[smem:$0x3F98] =	sst s1;
	(tag) =	ssettag s2;
	_ =	strace s9  }
0x27: {  	s1 =	sld [smem:$0x3FA8]  }
0x28: {  	s2 =	sld [smem:$0x3FA9]  }
0x29: {  	s4 =	sld [smem:$0x3FAB]  }
0x2a: {  	p0 =	seq.s32 s5, $0x0;
	s5 =	sld [smem:$0x3FAC]  }
0x2b: {  	s6 =	sld [smem:$0x3FAD]  }
0x2c: {  	s7 =	sld [smem:$0x3FAE]  }
0x2d: {  	s3 =	simm.s32 $0x108;
	s8 =	sld [smem:$0x3FAF]  }
0x2e: {  	s3 =	simm.s32 @!p0 $0x1082;
	s9 =	sld [smem:$0x3FB0]  }
0x2f: {  	lr =	sadd.s32 s0, s3;
	s0 =	sld [smem:$0x3FA7]  }
0x30: {  	s3 =	sld [smem:$0x3FAA]  }
0x31: {  	[smem:$0x3FB3] =	sst s10  }
0x32: {  	s10 =	sld [smem:$0x3FB1];
	_ =	sdelay $0x3  }
0x33: {  	p0 =	seq.s32 s10, $0x1;
	s10 =	sld [smem:$0x3FB3];
	_ =	sdelay $0x3  }
0x34: {  	[smem:$0x3FB3] =	sst s10  }
0x35: {  	s10 =	sld [smem:$0x3FB2];
	_ =	sdelay $0x3  }
0x36: {  	p1 =	seq.s32 s10, $0x1;
	s10 =	sld [smem:$0x3FB3];
	_ =	sdelay $0x3  }
0x37: {  	[smem:$0x3FB3] =	sst s10  }
0x38: {  	s10 =	sld [smem:$0x3FB4]  }
0x39: {  	_ = 	snop;
	(pc) =	sbr.ind lr, $3  }
0x3a: {  	_ = 	snop  }
0x3b: {  	_ = 	snop  }
0x3c: {  	p2 =	seq.s32 s10, $0x1;
	s10 =	sld [smem:$0x3FB3]  }
0x3d: {  	_ =	shalt  }
0x3e: {  	_ =	shalt  }
0x3f: {  	_ =	shalt  }
0x40: {  	_ =	shalt  }
0x41: {  	_ =	shalt  }
0x42: {  	_ =	shalt  }
0x43: {  	_ =	shalt  }
0x44: {  	_ =	shalt  }
0x45: {  	_ =	shalt  }
0x46: {  	_ =	shalt  }
0x47: {  	_ =	shalt  }
0x48: {  	_ =	shalt  }
0x49: {  	_ =	shalt  }
0x4a: {  	_ =	shalt  }
0x4b: {  	_ =	shalt  }
0x4c: {  	_ =	shalt  }
0x4d: {  	_ =	shalt  }
0x4e: {  	_ =	shalt  }
0x4f: {  	_ =	shalt  }
0x50: {  	_ =	shalt  }
0x51: {  	_ =	shalt  }
0x52: {  	_ =	shalt  }
0x53: {  	_ =	shalt  }
0x54: {  	_ =	shalt  }
0x55: {  	_ =	shalt  }
0x56: {  	_ =	shalt  }
0x57: {  	_ =	shalt  }
0x58: {  	_ =	shalt  }
0x59: {  	_ =	shalt  }
0x5a: {  	_ =	shalt  }
0x5b: {  	_ =	shalt  }
0x5c: {  	_ =	shalt  }
0x5d: {  	_ =	shalt  }
0x5e: {  	_ =	shalt  }
0x5f: {  	_ =	shalt  }
0x60: {  	_ =	shalt  }
0x61: {  	_ =	shalt  }
0x62: {  	_ =	shalt  }
0x63: {  	_ =	shalt  }
0x64: {  	_ =	shalt  }
0x65: {  	_ =	shalt  }
0x66: {  	_ =	shalt  }
0x67: {  	_ =	shalt  }
0x68: {  	_ =	shalt  }
0x69: {  	_ =	shalt  }
0x6a: {  	_ =	shalt  }
0x6b: {  	_ =	shalt  }
0x6c: {  	_ =	shalt  }
0x6d: {  	_ =	shalt  }
0x6e: {  	_ =	shalt  }
0x6f: {  	_ =	shalt  }
0x70: {  	_ =	shalt  }
0x71: {  	_ =	shalt  }
0x72: {  	_ =	shalt  }
0x73: {  	_ =	shalt  }
0x74: {  	_ =	shalt  }
0x75: {  	_ =	shalt  }
0x76: {  	_ =	shalt  }
0x77: {  	_ =	shalt  }
0x78: {  	_ =	shalt  }
0x79: {  	_ =	shalt  }
0x7a: {  	_ =	shalt  }
0x7b: {  	_ =	shalt  }
0x7c: {  	_ =	shalt  }
0x7d: {  	_ =	shalt  }
0x7e: {  	_ =	shalt  }
0x7f: {  	_ =	shalt  }
0x80: {  	_ =	shalt  }
0x81: {  	_ =	shalt  }
0x82: {  	_ =	shalt  }
0x83: {  	_ =	shalt  }
0x84: {  	_ =	shalt  }
0x85: {  	_ =	shalt  }
0x86: {  	_ =	shalt  }
0x87: {  	_ =	shalt  }
.Lfunc_end0:
.L_simem_size_0:
called_computation_lowered:
.L_overlay_start_0:
0x88: {  	s2 =	sld [smem:$0x3FD9]  }
0x89: {  	s3 =	sld [smem:$0x3FFE];
	_ =	sdelay $0x1  }
0x8a: {  	s1 =	srdreg.scid  }
0x8b: {  	s0 =	sand.u32 $0x1, s1  }
0x8c: {  	s17 =	sshll.u32 s0, $0xA;
	s2 =	sadd.s32 s3, s2  }
0x8d: {  	s2 =	sadd.s32 s2, s17  }
0x8e: {  	[smem:$0x3FBF] =	sst s2  }
0x8f: {  	_ = 	snop  }
0x90: {  	s2 =	sld [smem:$0x3FC7];
	(tm) =	ssettm $0x1  }
0x91: {  	s18 =	sld [smem:$0x3FFB];
	_ =	sdelay $0x3  }
0x92: {  	_ =	strace s18  }
0x93: {  	s3 =	sld [smem:$0x3FFC];
	_ =	sdelay $0x3  }
0x94: {  	_ =	strace s3  }
0x95: {  	s3 =	sld [smem:$0x3FFD];
	_ =	sdelay $0x3  }
0x96: {  	_ =	strace s3  }
0x97: {  	_ =	strace $0x8FFFFFFF  }
0x98: {  	s19 =	sld [smem:$0x3FDB];
	_ =	sdelay $0x1  }
0x99: {  	s4 =	simm.s32 $_scs_section_size  }
0x9a: {  	s5 =	simm.s32 $_size__tile_overlayer_lowered;
	s6 =	simm.s32 $_tile_overlayer_lowered  }
0x9b: {  	s22 =	simm.s32 $0x1BFF;
	s21 =	sshll.u32 s6, $0x1;
	s3 =	sadd.s32 s4, s19  }
0x9c: {  	s7 =	simm.s32 $0x0;
	s20 =	sshll.u32 s5, $0x1;
	s5 =	sadd.s32 s21, s3  }
0x9d: {  	[timem:s7], [sflag:s22] =	dma.local [hbm:s5], s20  }
0x9e: {  	_ =	swait.ge [sflag:s22], s20  }
0x9f: {  	s4 =	ssub.s32 $0x0, s20;
	[sflag:s22] =	ssyncset.done $0x0  }
0xa0: {  	[sflag:s22] =	ssyncadd.s32 s4;
	_ =	sdelay $0x1  }
0xa1: {  	s23 =	simm.s32 $0x1B8B  }
0xa2: {  	_ =	swait.ge [sflag:s23], $0x1  }
0xa3: {  	[sflag:s23] =	ssyncset.done $0x0  }
0xa4: {  	s25 =	simm.s32 $0x1B8E;
	s24 =	sld [smem:$0x3FFE];
	[sflag:s23] =	ssyncadd.s32 $0xFFFFFFFF  }
0xa5: {  	s26 =	simm.s32 $execute0_lowered;
	[smem:$0x3FD2] =	sst s25  }
0xa6: {  	s5 =	sshll.u32 s26, $0x1;
	_ =	strace $0x80000046;
	[dreg:$0x1] =	wrdreg $0xFFFFFFFF  }
0xa7: {  	s28 =	simm.s32 $_size_execute0_lowered;
	s3 =	sadd.s32 s3, s5;
	[dreg:$0x0] =	wrdreg $0x0  }
0xa8: {  	s5 =	sshll.u32 s28, $0x1;
	[dreg:$0x2] =	wrdreg s3  }
0xa9: {  	[dreg:$0x3] =	wrdreg s5  }
0xaa: {  	[dreg:$0x4] =	wrdreg $0xC0  }
0xab: {  	_ =	task [dreg:s7], $0x5FFFF  }
0xac: {  	[dreg:$0x1] =	wrdreg $0xFFFFFFFF  }
0xad: {  	[dreg:$0x0] =	wrdreg $0x60  }
0xae: {  	[dreg:$0x2] =	wrdreg s24  }
0xaf: {  	[dreg:$0x3] =	wrdreg s2  }
0xb0: {  	[dreg:$0x4] =	wrdreg $0x9  }
0xb1: {  	_ =	task.clear_ibuf [dreg:s7], $0x5FFFF;
	_ =	strace $0x90000046  }
0xb2: {  	s29 =	simm.s32 $0x9;
	_ =	strace $0x80000048  }
0xb3: {  	_ =	swait.ge [sflag:s29], $0x1  }
0xb4: {  	[sflag:s29] =	ssyncadd.s32 $0xFFFFFFFF  }
0xb5: {  	_ =	strace $0x90000048  }
0xb6: {  	_ =	sfence  }
0xb7: {  	s30 =	sld [smem:$0x0];
	_ =	sdelay $0x2  }
0xb8: {  	s31 =	sshll.u32 s1, $0xD;
	s1 =	sshrl.u32 s1, $0x2  }
0xb9: {  	s3 =	sand.u32 $0x4000, s31;
	s1 =	sadd.s32 s1, s30  }
0xba: {  	s0 =	sor.u32 s3, s0;
	s1 =	sshll.u32 s1, $0x11  }
0xbb: {  	s0 =	sor.u32 s1, s0  }
0xbc: {  	s0 =	sadd.s32 $0x8F2B, s0  }
0xbd: {  	[sflag:s0] =	ssyncadd.remote.s32 $0x1  }
0xbe: {  	_ =	sfence.sel $0xFFFF  }
0xbf: {  	[dreg:$0x0] =	wrdreg $0xFFFFFFFF;
	(pc) =	sbr.abs _section_cstart, $3  }
0xc0: {  	[dreg:$0x1] =	wrdreg $0xFFFFFFFF  }
0xc1: {  	_ =	task.clear_ibuf [dreg:s7], $0x2FFFF;
	_ =	strace $0x9FFFFFFF  }
0xc2: {  	(tm) =	ssettm $0x7FFFFFFF  }
0xc3: {  	_ =	shalt  }
tec
execute0_lowered:
.L_overlay_start_1:
0x0: {  	(tag) =	ssettag $0x1  }
0x1: {  	s5 =	rddreg [dreg:$0x0]  }
0x2: {  	s1 =	srdreg.scid;
	s0 =	stileid.u32  }
0x3: {  	s2 =	rddreg [dreg:$0x1];
	s3 =	simm.s32 $0x0;
	s10 =	simm.s32 $0xFA0  }
0x4: {  	s11 =	simm.s32 $0x0;
	s4 =	sand.u32 $0x1, s1;
	s6 =	sshll.u32 s0, $0x1  }
0x5: {  	s1 =	rddreg [dreg:$0x2];
	s6 =	sor.u32 s4, s6;
	s8 =	ssub.s32 $0x2, s4  }
0x6: {  	[smem:$0x7FF] =	sst s3;
	s7 =	smul.u32 $0x30E0, s6;
	s9 =	sshrl.u32 s8, $0x1  }
0x7: {  	_ =	strace $0x80000047;
	s4 =	sadd.s32 $0x2E00, s5;
	s8 =	ssub.s32 s8, s9  }
0x8: {  	s9 =	simm.s32 $0x7D0;
	s7 =	sadd.s32 s7, s5;
	s5 =	smul.u32 $0x30D40, s6  }
0x9: {  	v0 =	vimm.f32 $0.0e+00;
	s6 =	sadd.s32 $0x189A00, s7;
	s7 =	smax.u32 s8, $0x1;
	s8 =	simm.s32 $0x1  }
.LBB2_1:
0xa: {  	s12 =	simm.s32 $0x40;
	s13 =	simm.s32 $0x0  }
.LBB2_2:
0xb: {  	p0 =	sne.s32 s12, $0x61BC0;
	[tilespmem:s13+$0xFA0] =	vst v0;
	s13 =	smov.u32 s12;
	s12 =	sadd.s32 $0x40, s12  }
.Ltmp0:
0xc: {  	(pc) =	sbr.rel @p0 .LBB2_2-.Ltmp0, $2  }
0xd: {  	_ =	sdelay $0x2  }
0xe: {  	s13 =	sshra.s32 s13, $0x2  }
0xf: {  	[tilespmem:s13+$0xFA0] =	vst v0;
	s12 =	simm.s32 $0x0;
	s13 =	simm.s32 $0x0  }
.LBB2_4:
0x10: {  	s14 =	smul.u32 $0x7D0, s13;
	_ =	sdelay $0x1  }
0x11: {  	s14 =	sadd.s32 s5, s14  }
0x12: {  	s14 =	sshrl.u32 s14, $0x3  }
0x13: {  	s15 =	sadd.s32 s4, s14  }
0x14: {  	[tilespmem:s12], [sflag:$0x1] =	stream.linear.gather [hbm4b:s15+s12], $0x7D0, $0x38;
	[tilespmem:$0x196A0] =	vst v63  }
0x15: {  	_ =	swait.ge [sflag:s8], $0x7D0  }
0x16: {  	[sflag:s8] =	ssyncset.done $0x0  }
0x17: {  	s14 =	sadd.s32 s2, s14;
	[sflag:s8] =	ssyncadd.s32 $0xFFFFF830  }
0x18: {  	[tilespmem:s9], [sflag:$0x1] =	stream.linear.gather [hbm4b:s14+s12], $0x7D0, $0x38;
	[tilespmem:$0x196A0] =	vst v63  }
0x19: {  	_ =	swait.ge [sflag:s8], $0x7D0  }
0x1a: {  	[sflag:s8] =	ssyncset.done $0x0  }
0x1b: {  	s15 =	simm.s32 $0x0;
	s14 =	simm.s32 $0x40;
	[sflag:s8] =	ssyncadd.s32 $0xFFFFF830  }
.LBB2_5:
0x1c: {  	p0 =	sne.s32 s14, $0x1F00;
	v1 =	vld [tilespmem:s15+$0x0];
	_ =	sdelay $0x2  }
0x1d: {  	v2 =	vld [tilespmem:s15+$0x7D0]  }
.Ltmp1:
0x1e: {  	(pc) =	sbr.rel @p0 .LBB2_5-.Ltmp1, $2  }
0x1f: {  	_ =	sdelay $0x2  }
0x20: {  	s15 =	sshra.s32 s14, $0x2;
	s14 =	sadd.s32 $0x40, s14;
	[tilespmem:v1+s10+$0x0] =	vst.idx.add.f32.msk $0xffff, v2  }
0x21: {  	v1 =	vld [tilespmem:s15+$0x0];
	_ =	sdelay $0x1  }
0x22: {  	s13 =	sadd.s32 $0x1, s13  }
0x23: {  	v2 =	vld [tilespmem:s15+$0x7D0];
	p0 =	sne.s32 s13, $0x64  }
.Ltmp2:
0x24: {  	_ = 	snop;
	(pc) =	sbr.rel @p0 .LBB2_4-.Ltmp2, $2  }
0x25: {  	_ =	sdelay $0x2  }
0x26: {  	[tilespmem:v1+s10+$0x0] =	vst.idx.add.f32.msk $0xffff, v2  }
0x27: {  	s11 =	sadd.s32 $0x1, s11  }
0x28: {  	p0 =	sne.s32 s11, s7  }
.Ltmp3:
0x29: {  	_ = 	snop;
	(pc) =	sbr.rel @p0 .LBB2_1-.Ltmp3, $4  }
0x2a: {  	[hbm4b:s6+s3] =	stream.linear.scatter [tilespmem:s10], [sflag:$0x1], $0x18700, $0x38;
	[tilespmem:$0x196A0] =	vst v63  }
0x2b: {  	_ =	swait.ge [sflag:s8], $0x18700  }
0x2c: {  	[sflag:s8] =	ssyncset.done $0x0  }
0x2d: {  	[sflag:s8] =	ssyncadd.s32 $0xFFFE7900  }
0x2e: {  	_ =	sfence.sel $0x180000  }
0x2f: {  	[bflag:$0x0] =	sbarrier.arrive $0xFFFF  }
0x30: {  	p0 =	sne.s32 s0, $0x0;
	_ =	strace $0x90000047  }
0x31: {  	s0 =	sadd.s32 @!p0 $0x100000, s1;
	[bflag:$0x2] =	sbarrier.arrive $0xFFFF  }
0x32: {  	[sflag:s0] =	ssyncadd.tile.s32 @!p0 $0x1;
	_ =	shalt  }
.Lfunc_end2:
_tile_overlayer_lowered:
.L_overlay_start_2:
0x33: {  	(tag) =	ssettag $0x2  }
0x34: {  	s0 =	rddreg [dreg:$0x0];
	s2 =	stileid.u32  }
0x35: {  	s1 =	rddreg [dreg:$0x1];
	p0 =	sne.s32 s2, $0x0  }
0x36: {  	s3 =	rddreg [dreg:$0x2];
	[bflag:$0x3] =	sbarrier.arrive $0xFFFF;
	s2 =	simm.s32 @!p0 $0x1C01  }
0x37: {  	[timem:s3], [sflag:s2] =	dma.local @!p0 [hbm:s0], s1  }
0x38: {  	s0 =	simm.s32 @!p0 $0x1  }
0x39: {  	_ =	swait.ge @!p0 [sflag:s0], s1  }
0x3a: {  	s1 =	ssub.s32 @!p0 $0x0, s1;
	[sflag:s0] =	ssyncset.done @!p0 $0x0  }
0x3b: {  	[sflag:s0] =	ssyncadd.s32 @!p0 s1  }
0x3c: {  	[bflag:$0x3] =	sbarrier.arrive $0xFFFF  }
0x3d: {  	_ =	shalt  }

</sc_bundles>
